<compile_context>
chip_gen: v7x
topology: tpu7x:2x2x1
jax: 0.10.2.dev20260603
libtpu: 0.0.44.dev20260713+nightly
codegen_flags: <defaults>
</compile_context>

<pallas_src>
import functools

import jax
import jax.numpy as jnp
from jax import lax
from jax.experimental import pallas as pl
from jax.experimental.pallas import tpu as pltpu
from jax.experimental.pallas import tpu_sc as plsc

N = 10000
D = 128
E = 320000
NUM_LAYERS = 3

NC = 2
NS = 16
NW = NC * NS
CHUNK = 64
NCH = 160
QCH = 40
EP = NW * NCH * CHUNK
NP = 10240
RPT = NP // NS


def _sc_segment_sum(m, src3, dst3, zeros):
    mesh = plsc.VectorSubcoreMesh(core_axis_name="c", subcore_axis_name="s")

    @functools.partial(
        pl.kernel,
        out_type=jax.ShapeDtypeStruct((NC, NP, D), jnp.float32),
        mesh=mesh,
        scratch_types=[
            pltpu.VMEM((NCH * CHUNK,), jnp.int32),
            pltpu.VMEM((QCH, CHUNK), jnp.int32),
            pltpu.VMEM((CHUNK, D), jnp.float32),
            pltpu.VMEM((CHUNK, D), jnp.float32),
            pltpu.VMEM((CHUNK, D), jnp.float32),
            pltpu.VMEM((CHUNK, D), jnp.float32),
            pltpu.VMEM_SHARED((NP, D), jnp.float32),
            pltpu.SemaphoreType.DMA,
            pltpu.SemaphoreType.DMA,
            pltpu.SemaphoreType.DMA,
            pltpu.SemaphoreType.DMA,
        ],
    )
    def seg(m_hbm, src_hbm, dst_hbm, z_hbm, out_hbm, src_v, dst_q, rows_a,
            rows_b, rows_c, rows_d, acc_sh, sem_a, sem_b, sem_c, sem_d):
        cid = lax.axis_index("c")
        sid = lax.axis_index("s")
        wid = sid * NC + cid
        pltpu.sync_copy(src_hbm.at[wid], src_v)

        def sidx(j):
            return src_v.at[pl.ds(j * CHUNK, CHUNK)]

        bufs = ((rows_a, sem_a), (rows_b, sem_b), (rows_c, sem_c),
                (rows_d, sem_d))
        for b in range(3):
            pltpu.async_copy(m_hbm.at[sidx(b)], bufs[b][0], bufs[b][1])

        row0 = sid * RPT
        pltpu.sync_copy(z_hbm.at[pl.ds(row0, RPT)], acc_sh.at[pl.ds(row0, RPT)])
        plsc.subcore_barrier()

        for q in range(NCH // QCH):
            pltpu.sync_copy(dst_hbm.at[wid, pl.ds(q * QCH, QCH)], dst_q)

            def body(u, carry, q=q):
                for b in range(4):
                    j = q * QCH + 4 * u + b
                    nbuf, nsem = bufs[(b + 3) % 4]

                    @pl.when(j + 3 < NCH)
                    def _():
                        pltpu.async_copy(m_hbm.at[sidx(j + 3)], nbuf, nsem)

                    cbuf, csem = bufs[b]
                    pltpu.make_async_copy(m_hbm.at[sidx(j)], cbuf, csem).wait()
                    pltpu.sync_copy(cbuf, acc_sh.at[dst_q.at[4 * u + b]],
                                    add=True)
                return carry

            lax.fori_loop(0, QCH // 4, body, 0)
        plsc.subcore_barrier()
        pltpu.sync_copy(acc_sh.at[pl.ds(row0, RPT)],
                        out_hbm.at[cid, pl.ds(row0, RPT)])

    return seg(m, src3, dst3, zeros)


BLK = 2000


def _gru_core(p0, p1, h, wih, whh, bih, bhh):
    agg = p0[0] + p1[0]
    gi = jnp.dot(agg, wih[...], preferred_element_type=jnp.float32) + bih[...]
    gh = jnp.dot(h[...], whh[...], preferred_element_type=jnp.float32) + bhh[...]
    r = jax.nn.sigmoid(gi[:, :D] + gh[:, :D])
    z = jax.nn.sigmoid(gi[:, D:2 * D] + gh[:, D:2 * D])
    n = jnp.tanh(gi[:, 2 * D:] + r * gh[:, 2 * D:])
    return (1.0 - z) * n + z * h[...]


def _gru_proj_body(p0, p1, h, wih, whh, bih, bhh, wn, h_out, m_out):
    hn = _gru_core(p0, p1, h, wih, whh, bih, bhh)
    h_out[...] = hn
    m_out[...] = jnp.dot(hn, wn[...], preferred_element_type=jnp.float32)


def _gru_last_body(p0, p1, h, wih, whh, bih, bhh, h_out):
    h_out[...] = _gru_core(p0, p1, h, wih, whh, bih, bhh)


def _tc_gru(parts, h, wihT, whhT, bih, bhh, wnext=None):
    row = pl.BlockSpec((BLK, D), lambda i: (i, 0))
    part0 = pl.BlockSpec((1, BLK, D), lambda i: (0, i, 0))
    part1 = pl.BlockSpec((1, BLK, D), lambda i: (1, i, 0))
    full = lambda shape: pl.BlockSpec(shape, lambda i: (0,) * len(shape))
    specs = [part0, part1, row,
             full((D, 3 * D)), full((D, 3 * D)),
             full((1, 3 * D)), full((1, 3 * D))]
    args = [parts, parts, h, wihT, whhT, bih, bhh]
    if wnext is None:
        return pl.pallas_call(
            _gru_last_body,
            grid=(N // BLK,),
            in_specs=specs,
            out_specs=row,
            out_shape=jax.ShapeDtypeStruct((N, D), jnp.float32),
        )(*args)
    return pl.pallas_call(
        _gru_proj_body,
        grid=(N // BLK,),
        in_specs=specs + [full((D, D))],
        out_specs=(row, row),
        out_shape=(jax.ShapeDtypeStruct((N, D), jnp.float32),
                   jax.ShapeDtypeStruct((N, D), jnp.float32)),
    )(*args, wnext)


def _proj_body(h, w, m_out):
    m_out[...] = jnp.dot(h[...], w[...], preferred_element_type=jnp.float32)


def _tc_proj(h, w):
    row = pl.BlockSpec((BLK, D), lambda i: (i, 0))
    return pl.pallas_call(
        _proj_body,
        grid=(N // BLK,),
        in_specs=[row, pl.BlockSpec((D, D), lambda i: (0, 0))],
        out_specs=row,
        out_shape=jax.ShapeDtypeStruct((N, D), jnp.float32),
    )(h, w)


def kernel(x, edge_index, weight, w_ih, w_hh, b_ih, b_hh):
    pad = EP - E
    pad_src = jnp.arange(pad, dtype=jnp.int32) % N
    src3 = jnp.concatenate([edge_index[0], pad_src]).reshape(NW, NCH * CHUNK)
    pad_dst = N + (jnp.arange(pad, dtype=jnp.int32) % (NP - N))
    dst3 = jnp.concatenate([edge_index[1], pad_dst]).reshape(NW, NCH, CHUNK)
    zeros = jnp.zeros((NP, D), jnp.float32)
    wihT = jnp.transpose(w_ih, (0, 2, 1))
    whhT = jnp.transpose(w_hh, (0, 2, 1))
    bih2 = b_ih.reshape(NUM_LAYERS, 1, 3 * D)
    bhh2 = b_hh.reshape(NUM_LAYERS, 1, 3 * D)

    h = x
    m = _tc_proj(h, weight[0])
    for i in range(NUM_LAYERS):
        parts = _sc_segment_sum(m, src3, dst3, zeros)
        if i + 1 < NUM_LAYERS:
            h, m = _tc_gru(parts, h, wihT[i], whhT[i], bih2[i], bhh2[i],
                           weight[i + 1])
        else:
            h = _tc_gru(parts, h, wihT[i], whhT[i], bih2[i], bhh2[i])
    return h

# --- scband reference (transcript-rebuilt; emitter-appended) ---
"""Pipeline reference for scband-net-87436944212512 (READ-ONLY COPY).

The authoritative reference and input builder live on the scoring server;
editing this copy changes nothing except your own understanding.
"""

import jax, jax.numpy as jnp
import numpy as np

N = 10000
D = 128
E = 320000
NUM_LAYERS = 3


def setup_inputs(seed: int = 0) -> dict:
    key = jax.random.key(seed)
    ks = jax.random.split(key, 8)
    x = jax.random.normal(ks[0], (N, D), dtype=jnp.float32)
    edge_index = jax.random.randint(ks[1], (2, E), 0, N, dtype=jnp.int32)
    scale = 1.0 / np.sqrt(D)
    weight = jax.random.uniform(ks[2], (NUM_LAYERS, D, D), minval=-scale, maxval=scale, dtype=jnp.float32)
    w_ih = jax.random.uniform(ks[3], (NUM_LAYERS, 3 * D, D), minval=-scale, maxval=scale, dtype=jnp.float32)
    w_hh = jax.random.uniform(ks[4], (NUM_LAYERS, 3 * D, D), minval=-scale, maxval=scale, dtype=jnp.float32)
    b_ih = jax.random.uniform(ks[5], (NUM_LAYERS, 3 * D), minval=-scale, maxval=scale, dtype=jnp.float32)
    b_hh = jax.random.uniform(ks[6], (NUM_LAYERS, 3 * D), minval=-scale, maxval=scale, dtype=jnp.float32)
    return {"x": x, "edge_index": edge_index, "weight": weight, "w_ih": w_ih, "w_hh": w_hh, "b_ih": b_ih, "b_hh": b_hh}


def _gru_cell(m, h, w_ih, w_hh, b_ih, b_hh):
    gi = m @ w_ih.T + b_ih
    gh = h @ w_hh.T + b_hh
    i_r, i_z, i_n = jnp.split(gi, 3, axis=1)
    h_r, h_z, h_n = jnp.split(gh, 3, axis=1)
    r = jax.nn.sigmoid(i_r + h_r)
    z = jax.nn.sigmoid(i_z + h_z)
    n = jnp.tanh(i_n + r * h_n)
    return (1.0 - z) * n + z * h


def reference(x, edge_index, weight, w_ih, w_hh, b_ih, b_hh):
    # GatedGraphConv: in_channels == out_channels == D, no zero-padding needed.
    src = edge_index[0]
    dst = edge_index[1]
    h = x
    for i in range(NUM_LAYERS):
        m = h @ weight[i]
        # message = m[src], aggregate 'add' at dst nodes
        agg = jax.ops.segment_sum(m[src], dst, num_segments=N)
        h = _gru_cell(agg, h, w_ih[i], w_hh[i], b_ih[i], b_hh[i])
    return h

if __name__ == "__main__":
    import jax
    _d = setup_inputs()
    print(jax.jit(kernel)(*tuple(_d.values())))

</pallas_src>

<mosaic_0001>
#map = affine_map<(d0, d1) -> (0, 0)>
#map1 = affine_map<(d0, d1) -> (0, 0, 0)>
module attributes {stable_mosaic.version = 14 : i64} {
  func.func @seg(%arg0: i32, %arg1: i32, %arg2: memref<10000x128xf32, #tpu.memory_space<hbm>>, %arg3: memref<32x10240xi32, #tpu.memory_space<hbm>>, %arg4: memref<32x160x64xi32, #tpu.memory_space<hbm>>, %arg5: memref<10240x128xf32, #tpu.memory_space<hbm>>, %arg6: memref<2x10240x128xf32, #tpu.memory_space<hbm>>, %arg7: memref<10240xi32, #tpu.memory_space<vmem>>, %arg8: memref<40x64xi32, #tpu.memory_space<vmem>>, %arg9: memref<64x128xf32, #tpu.memory_space<vmem>>, %arg10: memref<64x128xf32, #tpu.memory_space<vmem>>, %arg11: memref<64x128xf32, #tpu.memory_space<vmem>>, %arg12: memref<64x128xf32, #tpu.memory_space<vmem>>, %arg13: memref<10240x128xf32, #tpu.memory_space<vmem_shared>>, %arg14: memref<!tpu.dma_semaphore, #tpu.memory_space<semaphore_mem>>, %arg15: memref<!tpu.dma_semaphore, #tpu.memory_space<semaphore_mem>>, %arg16: memref<!tpu.dma_semaphore, #tpu.memory_space<semaphore_mem>>, %arg17: memref<!tpu.dma_semaphore, #tpu.memory_space<semaphore_mem>>) attributes {dimension_semantics = [#tpu.dimension_semantics<core_parallel>, #tpu.dimension_semantics<subcore_parallel>], iteration_bounds = array<i64: 2, 16>, scalar_prefetch = 0 : i64, scratch_operands = 11 : i64, tpu.core_type = #tpu.core_type<sc_vector_subcore>, window_params = [{transform_indices = #map}, {transform_indices = #map}, {transform_indices = #map1}, {transform_indices = #map}, {transform_indices = #map1}]} {
    %mul3A = arith.constant 2 : i32
    %mul3A_0 = arith.muli %arg1, %mul3A : i32
    %add3A = arith.addi %mul3A_0, %arg0 : i32
    "tpu.region"() ({
      %run_scoped3A = tpu.sem_alloc : memref<!tpu.dma_semaphore, #tpu.memory_space<semaphore_mem>>
      %dma_start3A_41 = arith.constant 0 : i32
      %dma_start3A_42 = tpu.memref_slice %arg3[%add3A, %dma_start3A_41] : memref<32x10240xi32, #tpu.memory_space<hbm>> -> memref<1x10240xi32, #tpu.memory_space<hbm>>
      %dma_start3A_43 = tpu.memref_squeeze %dma_start3A_42 : memref<1x10240xi32, #tpu.memory_space<hbm>> -> memref<10240xi32, #tpu.memory_space<hbm>>
      %dma_start3A_44 = arith.constant 0 : i32
      %dma_start3A_45 = tpu.memref_slice %arg3[%add3A, %dma_start3A_44] : memref<32x10240xi32, #tpu.memory_space<hbm>> -> memref<1x10240xi32, #tpu.memory_space<hbm>>
      %dma_start3A_46 = tpu.memref_squeeze %dma_start3A_45 : memref<1x10240xi32, #tpu.memory_space<hbm>> -> memref<10240xi32, #tpu.memory_space<hbm>>
      tpu.enqueue_dma source(%dma_start3A_46 : memref<10240xi32, #tpu.memory_space<hbm>>) target(%arg7 : memref<10240xi32, #tpu.memory_space<vmem>>) target_semaphore(%run_scoped3A : memref<!tpu.dma_semaphore, #tpu.memory_space<semaphore_mem>>)
      %dma_wait3A = arith.constant 0 : i32
      %dma_wait3A_47 = tpu.memref_slice %arg3[%add3A, %dma_wait3A] : memref<32x10240xi32, #tpu.memory_space<hbm>> -> memref<1x10240xi32, #tpu.memory_space<hbm>>
      %dma_wait3A_48 = tpu.memref_squeeze %dma_wait3A_47 : memref<1x10240xi32, #tpu.memory_space<hbm>> -> memref<10240xi32, #tpu.memory_space<hbm>>
      %dma_wait3A_49 = arith.constant 0 : i32
      %dma_wait3A_50 = tpu.memref_slice %arg3[%add3A, %dma_wait3A_49] : memref<32x10240xi32, #tpu.memory_space<hbm>> -> memref<1x10240xi32, #tpu.memory_space<hbm>>
      %dma_wait3A_51 = tpu.memref_squeeze %dma_wait3A_50 : memref<1x10240xi32, #tpu.memory_space<hbm>> -> memref<10240xi32, #tpu.memory_space<hbm>>
      tpu.wait_dma2 semaphore(%run_scoped3A : memref<!tpu.dma_semaphore, #tpu.memory_space<semaphore_mem>>) src(%dma_wait3A_51 : memref<10240xi32, #tpu.memory_space<hbm>>) dst(%arg7 : memref<10240xi32, #tpu.memory_space<vmem>>)
      tpu.yield
    }) : () -> ()
    %dma_start3A = arith.constant 0 : i32
    %dma_start3A_1 = tpu.memref_slice %arg7[%dma_start3A] : memref<10240xi32, #tpu.memory_space<vmem>> -> memref<64xi32, #tpu.memory_space<vmem>>
    %dma_start3A_2 = arith.constant 0 : i32
    %dma_start3A_3 = arith.constant 0 : i32
    %dma_start3A_4 = tpu.memref_slice %arg2[%dma_start3A_2, %dma_start3A_3] : memref<10000x128xf32, #tpu.memory_space<hbm>> -> memref<10000x128xf32, #tpu.memory_space<hbm>>
    tpu.enqueue_indirect_dma source(%dma_start3A_4 : memref<10000x128xf32, #tpu.memory_space<hbm>>) target(%arg9 : memref<64x128xf32, #tpu.memory_space<vmem>>) offsets(%dma_start3A_1 : memref<64xi32, #tpu.memory_space<vmem>>) semaphore(%arg14 : memref<!tpu.dma_semaphore, #tpu.memory_space<semaphore_mem>>)
    %dma_start3A_5 = arith.constant 64 : i32
    %dma_start3A_6 = tpu.memref_slice %arg7[%dma_start3A_5] : memref<10240xi32, #tpu.memory_space<vmem>> -> memref<64xi32, #tpu.memory_space<vmem>>
    %dma_start3A_7 = arith.constant 0 : i32
    %dma_start3A_8 = arith.constant 0 : i32
    %dma_start3A_9 = tpu.memref_slice %arg2[%dma_start3A_7, %dma_start3A_8] : memref<10000x128xf32, #tpu.memory_space<hbm>> -> memref<10000x128xf32, #tpu.memory_space<hbm>>
    tpu.enqueue_indirect_dma source(%dma_start3A_9 : memref<10000x128xf32, #tpu.memory_space<hbm>>) target(%arg10 : memref<64x128xf32, #tpu.memory_space<vmem>>) offsets(%dma_start3A_6 : memref<64xi32, #tpu.memory_space<vmem>>) semaphore(%arg15 : memref<!tpu.dma_semaphore, #tpu.memory_space<semaphore_mem>>)
    %dma_start3A_10 = arith.constant 128 : i32
    %dma_start3A_11 = tpu.memref_slice %arg7[%dma_start3A_10] : memref<10240xi32, #tpu.memory_space<vmem>> -> memref<64xi32, #tpu.memory_space<vmem>>
    %dma_start3A_12 = arith.constant 0 : i32
    %dma_start3A_13 = arith.constant 0 : i32
    %dma_start3A_14 = tpu.memref_slice %arg2[%dma_start3A_12, %dma_start3A_13] : memref<10000x128xf32, #tpu.memory_space<hbm>> -> memref<10000x128xf32, #tpu.memory_space<hbm>>
    tpu.enqueue_indirect_dma source(%dma_start3A_14 : memref<10000x128xf32, #tpu.memory_space<hbm>>) target(%arg11 : memref<64x128xf32, #tpu.memory_space<vmem>>) offsets(%dma_start3A_11 : memref<64xi32, #tpu.memory_space<vmem>>) semaphore(%arg16 : memref<!tpu.dma_semaphore, #tpu.memory_space<semaphore_mem>>)
    %mul3A_15 = arith.constant 640 : i32
    %mul3A_16 = arith.muli %arg1, %mul3A_15 : i32
    "tpu.region"() ({
      %run_scoped3A = tpu.sem_alloc : memref<!tpu.dma_semaphore, #tpu.memory_space<semaphore_mem>>
      %dma_start3A_41 = arith.constant 0 : i32
      %dma_start3A_42 = tpu.memref_slice %arg13[%mul3A_16, %dma_start3A_41] : memref<10240x128xf32, #tpu.memory_space<vmem_shared>> -> memref<640x128xf32, #tpu.memory_space<vmem_shared>>
      %dma_start3A_43 = arith.constant 0 : i32
      %dma_start3A_44 = tpu.memref_slice %arg5[%mul3A_16, %dma_start3A_43] : memref<10240x128xf32, #tpu.memory_space<hbm>> -> memref<640x128xf32, #tpu.memory_space<hbm>>
      tpu.enqueue_dma source(%dma_start3A_44 : memref<640x128xf32, #tpu.memory_space<hbm>>) target(%dma_start3A_42 : memref<640x128xf32, #tpu.memory_space<vmem_shared>>) target_semaphore(%run_scoped3A : memref<!tpu.dma_semaphore, #tpu.memory_space<semaphore_mem>>)
      %dma_wait3A = arith.constant 0 : i32
      %dma_wait3A_45 = tpu.memref_slice %arg13[%mul3A_16, %dma_wait3A] : memref<10240x128xf32, #tpu.memory_space<vmem_shared>> -> memref<640x128xf32, #tpu.memory_space<vmem_shared>>
      %dma_wait3A_46 = arith.constant 0 : i32
      %dma_wait3A_47 = tpu.memref_slice %arg5[%mul3A_16, %dma_wait3A_46] : memref<10240x128xf32, #tpu.memory_space<hbm>> -> memref<640x128xf32, #tpu.memory_space<hbm>>
      tpu.wait_dma2 semaphore(%run_scoped3A : memref<!tpu.dma_semaphore, #tpu.memory_space<semaphore_mem>>) src(%dma_wait3A_47 : memref<640x128xf32, #tpu.memory_space<hbm>>) dst(%dma_wait3A_45 : memref<640x128xf32, #tpu.memory_space<vmem_shared>>)
      tpu.yield
    }) : () -> ()
    %barrier3A = arith.constant 0 : index
    tpu.barrier barrier_id(%barrier3A)
    "tpu.region"() ({
      %run_scoped3A = tpu.sem_alloc : memref<!tpu.dma_semaphore, #tpu.memory_space<semaphore_mem>>
      %dma_start3A_41 = arith.constant 0 : i32
      %dma_start3A_42 = arith.constant 0 : i32
      %dma_start3A_43 = tpu.memref_slice %arg4[%add3A, %dma_start3A_41, %dma_start3A_42] : memref<32x160x64xi32, #tpu.memory_space<hbm>> -> memref<1x40x64xi32, #tpu.memory_space<hbm>>
      %dma_start3A_44 = tpu.memref_squeeze %dma_start3A_43 : memref<1x40x64xi32, #tpu.memory_space<hbm>> -> memref<40x64xi32, #tpu.memory_space<hbm>>
      %dma_start3A_45 = arith.constant 0 : i32
      %dma_start3A_46 = arith.constant 0 : i32
      %dma_start3A_47 = tpu.memref_slice %arg4[%add3A, %dma_start3A_45, %dma_start3A_46] : memref<32x160x64xi32, #tpu.memory_space<hbm>> -> memref<1x40x64xi32, #tpu.memory_space<hbm>>
      %dma_start3A_48 = tpu.memref_squeeze %dma_start3A_47 : memref<1x40x64xi32, #tpu.memory_space<hbm>> -> memref<40x64xi32, #tpu.memory_space<hbm>>
      tpu.enqueue_dma source(%dma_start3A_48 : memref<40x64xi32, #tpu.memory_space<hbm>>) target(%arg8 : memref<40x64xi32, #tpu.memory_space<vmem>>) target_semaphore(%run_scoped3A : memref<!tpu.dma_semaphore, #tpu.memory_space<semaphore_mem>>)
      %dma_wait3A = arith.constant 0 : i32
      %dma_wait3A_49 = arith.constant 0 : i32
      %dma_wait3A_50 = tpu.memref_slice %arg4[%add3A, %dma_wait3A, %dma_wait3A_49] : memref<32x160x64xi32, #tpu.memory_space<hbm>> -> memref<1x40x64xi32, #tpu.memory_space<hbm>>
      %dma_wait3A_51 = tpu.memref_squeeze %dma_wait3A_50 : memref<1x40x64xi32, #tpu.memory_space<hbm>> -> memref<40x64xi32, #tpu.memory_space<hbm>>
      %dma_wait3A_52 = arith.constant 0 : i32
      %dma_wait3A_53 = arith.constant 0 : i32
      %dma_wait3A_54 = tpu.memref_slice %arg4[%add3A, %dma_wait3A_52, %dma_wait3A_53] : memref<32x160x64xi32, #tpu.memory_space<hbm>> -> memref<1x40x64xi32, #tpu.memory_space<hbm>>
      %dma_wait3A_55 = tpu.memref_squeeze %dma_wait3A_54 : memref<1x40x64xi32, #tpu.memory_space<hbm>> -> memref<40x64xi32, #tpu.memory_space<hbm>>
      tpu.wait_dma2 semaphore(%run_scoped3A : memref<!tpu.dma_semaphore, #tpu.memory_space<semaphore_mem>>) src(%dma_wait3A_55 : memref<40x64xi32, #tpu.memory_space<hbm>>) dst(%arg8 : memref<40x64xi32, #tpu.memory_space<vmem>>)
      tpu.yield
    }) : () -> ()
    %scan3A = arith.constant 0 : i32
    %scan3A_17 = arith.constant 0 : i32
    %scan3A_18 = arith.constant 10 : i32
    %scan3A_19 = arith.addi %scan3A_17, %scan3A_18 : i32
    %scan3A_20 = arith.constant 1 : i32
    scf.for %scan3A_41 = %scan3A_17 to %scan3A_19 step %scan3A_20  : i32 {
      %mul3A_42 = arith.constant 4 : i32
      %mul3A_43 = arith.muli %mul3A_42, %scan3A_41 : i32
      %add3A_44 = arith.constant 0 : i32
      %add3A_45 = arith.addi %add3A_44, %mul3A_43 : i32
      %add3A_46 = arith.constant 0 : i32
      %add3A_47 = arith.addi %add3A_45, %add3A_46 : i32
      %add3A_48 = arith.constant 3 : i32
      %add3A_49 = arith.addi %add3A_47, %add3A_48 : i32
      %lt3A = arith.constant 160 : i32
      %lt3A_50 = arith.cmpi slt, %add3A_49, %lt3A : i32
      %convert_element_type3A = arith.extui %lt3A_50 : i1 to i32
      %cond3A = arith.constant 0 : i32
      %cond3A_51 = arith.cmpi ne, %convert_element_type3A, %cond3A : i32
      scf.if %cond3A_51 {
        %add3A_130 = arith.constant 3 : i32
        %add3A_131 = arith.addi %add3A_47, %add3A_130 : i32
        %mul3A_132 = arith.constant 64 : i32
        %mul3A_133 = arith.muli %add3A_131, %mul3A_132 : i32
        %dma_start3A_134 = tpu.memref_slice %arg7[%mul3A_133] : memref<10240xi32, #tpu.memory_space<vmem>> -> memref<64xi32, #tpu.memory_space<vmem>>
        %dma_start3A_135 = arith.constant 0 : i32
        %dma_start3A_136 = arith.constant 0 : i32
        %dma_start3A_137 = tpu.memref_slice %arg2[%dma_start3A_135, %dma_start3A_136] : memref<10000x128xf32, #tpu.memory_space<hbm>> -> memref<10000x128xf32, #tpu.memory_space<hbm>>
        tpu.enqueue_indirect_dma source(%dma_start3A_137 : memref<10000x128xf32, #tpu.memory_space<hbm>>) target(%arg12 : memref<64x128xf32, #tpu.memory_space<vmem>>) offsets(%dma_start3A_134 : memref<64xi32, #tpu.memory_space<vmem>>) semaphore(%arg17 : memref<!tpu.dma_semaphore, #tpu.memory_space<semaphore_mem>>)
      } else {
      }
      %mul3A_52 = arith.constant 64 : i32
      %mul3A_53 = arith.muli %add3A_47, %mul3A_52 : i32
      %dma_wait3A = tpu.memref_slice %arg7[%mul3A_53] : memref<10240xi32, #tpu.memory_space<vmem>> -> memref<64xi32, #tpu.memory_space<vmem>>
      %dma_wait3A_54 = arith.constant 0 : i32
      %dma_wait3A_55 = arith.constant 0 : i32
      %dma_wait3A_56 = tpu.memref_slice %arg2[%dma_wait3A_54, %dma_wait3A_55] : memref<10000x128xf32, #tpu.memory_space<hbm>> -> memref<10000x128xf32, #tpu.memory_space<hbm>>
      tpu.wait_indirect_dma semaphore(%arg14 : memref<!tpu.dma_semaphore, #tpu.memory_space<semaphore_mem>>) src(%dma_wait3A_56 : memref<10000x128xf32, #tpu.memory_space<hbm>>) dst(%arg9 : memref<64x128xf32, #tpu.memory_space<vmem>>)
      %mul3A_57 = arith.constant 4 : i32
      %mul3A_58 = arith.muli %mul3A_57, %scan3A_41 : i32
      %add3A_59 = arith.constant 0 : i32
      %add3A_60 = arith.addi %mul3A_58, %add3A_59 : i32
      "tpu.region"() ({
        %run_scoped3A = tpu.sem_alloc : memref<!tpu.dma_semaphore, #tpu.memory_space<semaphore_mem>>
        %dma_start3A_130 = arith.constant 0 : i32
        %dma_start3A_131 = tpu.memref_slice %arg8[%add3A_60, %dma_start3A_130] : memref<40x64xi32, #tpu.memory_space<vmem>> -> memref<1x64xi32, #tpu.memory_space<vmem>>
        %dma_start3A_132 = tpu.memref_squeeze %dma_start3A_131 : memref<1x64xi32, #tpu.memory_space<vmem>> -> memref<64xi32, #tpu.memory_space<vmem>>
        %dma_start3A_133 = arith.constant 0 : i32
        %dma_start3A_134 = arith.constant 0 : i32
        %dma_start3A_135 = tpu.memref_slice %arg13[%dma_start3A_133, %dma_start3A_134] : memref<10240x128xf32, #tpu.memory_space<vmem_shared>> -> memref<10240x128xf32, #tpu.memory_space<vmem_shared>>
        tpu.enqueue_indirect_dma source(%arg9 : memref<64x128xf32, #tpu.memory_space<vmem>>) target(%dma_start3A_135 : memref<10240x128xf32, #tpu.memory_space<vmem_shared>>) offsets(%dma_start3A_132 : memref<64xi32, #tpu.memory_space<vmem>>) semaphore(%run_scoped3A : memref<!tpu.dma_semaphore, #tpu.memory_space<semaphore_mem>>) {add = true}
        %dma_wait3A_136 = arith.constant 0 : i32
        %dma_wait3A_137 = tpu.memref_slice %arg8[%add3A_60, %dma_wait3A_136] : memref<40x64xi32, #tpu.memory_space<vmem>> -> memref<1x64xi32, #tpu.memory_space<vmem>>
        %dma_wait3A_138 = tpu.memref_squeeze %dma_wait3A_137 : memref<1x64xi32, #tpu.memory_space<vmem>> -> memref<64xi32, #tpu.memory_space<vmem>>
        %dma_wait3A_139 = arith.constant 0 : i32
        %dma_wait3A_140 = arith.constant 0 : i32
        %dma_wait3A_141 = tpu.memref_slice %arg13[%dma_wait3A_139, %dma_wait3A_140] : memref<10240x128xf32, #tpu.memory_space<vmem_shared>> -> memref<10240x128xf32, #tpu.memory_space<vmem_shared>>
        tpu.wait_indirect_dma semaphore(%run_scoped3A : memref<!tpu.dma_semaphore, #tpu.memory_space<semaphore_mem>>) src(%arg9 : memref<64x128xf32, #tpu.memory_space<vmem>>) dst(%dma_wait3A_141 : memref<10240x128xf32, #tpu.memory_space<vmem_shared>>)
        tpu.yield
      }) : () -> ()
      %mul3A_61 = arith.constant 4 : i32
      %mul3A_62 = arith.muli %mul3A_61, %scan3A_41 : i32
      %add3A_63 = arith.constant 0 : i32
      %add3A_64 = arith.addi %add3A_63, %mul3A_62 : i32
      %add3A_65 = arith.constant 1 : i32
      %add3A_66 = arith.addi %add3A_64, %add3A_65 : i32
      %add3A_67 = arith.constant 3 : i32
      %add3A_68 = arith.addi %add3A_66, %add3A_67 : i32
      %lt3A_69 = arith.constant 160 : i32
      %lt3A_70 = arith.cmpi slt, %add3A_68, %lt3A_69 : i32
      %convert_element_type3A_71 = arith.extui %lt3A_70 : i1 to i32
      %cond3A_72 = arith.constant 0 : i32
      %cond3A_73 = arith.cmpi ne, %convert_element_type3A_71, %cond3A_72 : i32
      scf.if %cond3A_73 {
        %add3A_130 = arith.constant 3 : i32
        %add3A_131 = arith.addi %add3A_66, %add3A_130 : i32
        %mul3A_132 = arith.constant 64 : i32
        %mul3A_133 = arith.muli %add3A_131, %mul3A_132 : i32
        %dma_start3A_134 = tpu.memref_slice %arg7[%mul3A_133] : memref<10240xi32, #tpu.memory_space<vmem>> -> memref<64xi32, #tpu.memory_space<vmem>>
        %dma_start3A_135 = arith.constant 0 : i32
        %dma_start3A_136 = arith.constant 0 : i32
        %dma_start3A_137 = tpu.memref_slice %arg2[%dma_start3A_135, %dma_start3A_136] : memref<10000x128xf32, #tpu.memory_space<hbm>> -> memref<10000x128xf32, #tpu.memory_space<hbm>>
        tpu.enqueue_indirect_dma source(%dma_start3A_137 : memref<10000x128xf32, #tpu.memory_space<hbm>>) target(%arg9 : memref<64x128xf32, #tpu.memory_space<vmem>>) offsets(%dma_start3A_134 : memref<64xi32, #tpu.memory_space<vmem>>) semaphore(%arg14 : memref<!tpu.dma_semaphore, #tpu.memory_space<semaphore_mem>>)
      } else {
      }
      %mul3A_74 = arith.constant 64 : i32
      %mul3A_75 = arith.muli %add3A_66, %mul3A_74 : i32
      %dma_wait3A_76 = tpu.memref_slice %arg7[%mul3A_75] : memref<10240xi32, #tpu.memory_space<vmem>> -> memref<64xi32, #tpu.memory_space<vmem>>
      %dma_wait3A_77 = arith.constant 0 : i32
      %dma_wait3A_78 = arith.constant 0 : i32
      %dma_wait3A_79 = tpu.memref_slice %arg2[%dma_wait3A_77, %dma_wait3A_78] : memref<10000x128xf32, #tpu.memory_space<hbm>> -> memref<10000x128xf32, #tpu.memory_space<hbm>>
      tpu.wait_indirect_dma semaphore(%arg15 : memref<!tpu.dma_semaphore, #tpu.memory_space<semaphore_mem>>) src(%dma_wait3A_79 : memref<10000x128xf32, #tpu.memory_space<hbm>>) dst(%arg10 : memref<64x128xf32, #tpu.memory_space<vmem>>)
      %mul3A_80 = arith.constant 4 : i32
      %mul3A_81 = arith.muli %mul3A_80, %scan3A_41 : i32
      %add3A_82 = arith.constant 1 : i32
      %add3A_83 = arith.addi %mul3A_81, %add3A_82 : i32
      "tpu.region"() ({
        %run_scoped3A = tpu.sem_alloc : memref<!tpu.dma_semaphore, #tpu.memory_space<semaphore_mem>>
        %dma_start3A_130 = arith.constant 0 : i32
        %dma_start3A_131 = tpu.memref_slice %arg8[%add3A_83, %dma_start3A_130] : memref<40x64xi32, #tpu.memory_space<vmem>> -> memref<1x64xi32, #tpu.memory_space<vmem>>
        %dma_start3A_132 = tpu.memref_squeeze %dma_start3A_131 : memref<1x64xi32, #tpu.memory_space<vmem>> -> memref<64xi32, #tpu.memory_space<vmem>>
        %dma_start3A_133 = arith.constant 0 : i32
        %dma_start3A_134 = arith.constant 0 : i32
        %dma_start3A_135 = tpu.memref_slice %arg13[%dma_start3A_133, %dma_start3A_134] : memref<10240x128xf32, #tpu.memory_space<vmem_shared>> -> memref<10240x128xf32, #tpu.memory_space<vmem_shared>>
        tpu.enqueue_indirect_dma source(%arg10 : memref<64x128xf32, #tpu.memory_space<vmem>>) target(%dma_start3A_135 : memref<10240x128xf32, #tpu.memory_space<vmem_shared>>) offsets(%dma_start3A_132 : memref<64xi32, #tpu.memory_space<vmem>>) semaphore(%run_scoped3A : memref<!tpu.dma_semaphore, #tpu.memory_space<semaphore_mem>>) {add = true}
        %dma_wait3A_136 = arith.constant 0 : i32
        %dma_wait3A_137 = tpu.memref_slice %arg8[%add3A_83, %dma_wait3A_136] : memref<40x64xi32, #tpu.memory_space<vmem>> -> memref<1x64xi32, #tpu.memory_space<vmem>>
        %dma_wait3A_138 = tpu.memref_squeeze %dma_wait3A_137 : memref<1x64xi32, #tpu.memory_space<vmem>> -> memref<64xi32, #tpu.memory_space<vmem>>
        %dma_wait3A_139 = arith.constant 0 : i32
        %dma_wait3A_140 = arith.constant 0 : i32
        %dma_wait3A_141 = tpu.memref_slice %arg13[%dma_wait3A_139, %dma_wait3A_140] : memref<10240x128xf32, #tpu.memory_space<vmem_shared>> -> memref<10240x128xf32, #tpu.memory_space<vmem_shared>>
        tpu.wait_indirect_dma semaphore(%run_scoped3A : memref<!tpu.dma_semaphore, #tpu.memory_space<semaphore_mem>>) src(%arg10 : memref<64x128xf32, #tpu.memory_space<vmem>>) dst(%dma_wait3A_141 : memref<10240x128xf32, #tpu.memory_space<vmem_shared>>)
        tpu.yield
      }) : () -> ()
      %mul3A_84 = arith.constant 4 : i32
      %mul3A_85 = arith.muli %mul3A_84, %scan3A_41 : i32
      %add3A_86 = arith.constant 0 : i32
      %add3A_87 = arith.addi %add3A_86, %mul3A_85 : i32
      %add3A_88 = arith.constant 2 : i32
      %add3A_89 = arith.addi %add3A_87, %add3A_88 : i32
      %add3A_90 = arith.constant 3 : i32
      %add3A_91 = arith.addi %add3A_89, %add3A_90 : i32
      %lt3A_92 = arith.constant 160 : i32
      %lt3A_93 = arith.cmpi slt, %add3A_91, %lt3A_92 : i32
      %convert_element_type3A_94 = arith.extui %lt3A_93 : i1 to i32
      %cond3A_95 = arith.constant 0 : i32
      %cond3A_96 = arith.cmpi ne, %convert_element_type3A_94, %cond3A_95 : i32
      scf.if %cond3A_96 {
        %add3A_130 = arith.constant 3 : i32
        %add3A_131 = arith.addi %add3A_89, %add3A_130 : i32
        %mul3A_132 = arith.constant 64 : i32
        %mul3A_133 = arith.muli %add3A_131, %mul3A_132 : i32
        %dma_start3A_134 = tpu.memref_slice %arg7[%mul3A_133] : memref<10240xi32, #tpu.memory_space<vmem>> -> memref<64xi32, #tpu.memory_space<vmem>>
        %dma_start3A_135 = arith.constant 0 : i32
        %dma_start3A_136 = arith.constant 0 : i32
        %dma_start3A_137 = tpu.memref_slice %arg2[%dma_start3A_135, %dma_start3A_136] : memref<10000x128xf32, #tpu.memory_space<hbm>> -> memref<10000x128xf32, #tpu.memory_space<hbm>>
        tpu.enqueue_indirect_dma source(%dma_start3A_137 : memref<10000x128xf32, #tpu.memory_space<hbm>>) target(%arg10 : memref<64x128xf32, #tpu.memory_space<vmem>>) offsets(%dma_start3A_134 : memref<64xi32, #tpu.memory_space<vmem>>) semaphore(%arg15 : memref<!tpu.dma_semaphore, #tpu.memory_space<semaphore_mem>>)
      } else {
      }
      %mul3A_97 = arith.constant 64 : i32
      %mul3A_98 = arith.muli %add3A_89, %mul3A_97 : i32
      %dma_wait3A_99 = tpu.memref_slice %arg7[%mul3A_98] : memref<10240xi32, #tpu.memory_space<vmem>> -> memref<64xi32, #tpu.memory_space<vmem>>
      %dma_wait3A_100 = arith.constant 0 : i32
      %dma_wait3A_101 = arith.constant 0 : i32
      %dma_wait3A_102 = tpu.memref_slice %arg2[%dma_wait3A_100, %dma_wait3A_101] : memref<10000x128xf32, #tpu.memory_space<hbm>> -> memref<10000x128xf32, #tpu.memory_space<hbm>>
      tpu.wait_indirect_dma semaphore(%arg16 : memref<!tpu.dma_semaphore, #tpu.memory_space<semaphore_mem>>) src(%dma_wait3A_102 : memref<10000x128xf32, #tpu.memory_space<hbm>>) dst(%arg11 : memref<64x128xf32, #tpu.memory_space<vmem>>)
      %mul3A_103 = arith.constant 4 : i32
      %mul3A_104 = arith.muli %mul3A_103, %scan3A_41 : i32
      %add3A_105 = arith.constant 2 : i32
      %add3A_106 = arith.addi %mul3A_104, %add3A_105 : i32
      "tpu.region"() ({
        %run_scoped3A = tpu.sem_alloc : memref<!tpu.dma_semaphore, #tpu.memory_space<semaphore_mem>>
        %dma_start3A_130 = arith.constant 0 : i32
        %dma_start3A_131 = tpu.memref_slice %arg8[%add3A_106, %dma_start3A_130] : memref<40x64xi32, #tpu.memory_space<vmem>> -> memref<1x64xi32, #tpu.memory_space<vmem>>
        %dma_start3A_132 = tpu.memref_squeeze %dma_start3A_131 : memref<1x64xi32, #tpu.memory_space<vmem>> -> memref<64xi32, #tpu.memory_space<vmem>>
        %dma_start3A_133 = arith.constant 0 : i32
        %dma_start3A_134 = arith.constant 0 : i32
        %dma_start3A_135 = tpu.memref_slice %arg13[%dma_start3A_133, %dma_start3A_134] : memref<10240x128xf32, #tpu.memory_space<vmem_shared>> -> memref<10240x128xf32, #tpu.memory_space<vmem_shared>>
        tpu.enqueue_indirect_dma source(%arg11 : memref<64x128xf32, #tpu.memory_space<vmem>>) target(%dma_start3A_135 : memref<10240x128xf32, #tpu.memory_space<vmem_shared>>) offsets(%dma_start3A_132 : memref<64xi32, #tpu.memory_space<vmem>>) semaphore(%run_scoped3A : memref<!tpu.dma_semaphore, #tpu.memory_space<semaphore_mem>>) {add = true}
        %dma_wait3A_136 = arith.constant 0 : i32
        %dma_wait3A_137 = tpu.memref_slice %arg8[%add3A_106, %dma_wait3A_136] : memref<40x64xi32, #tpu.memory_space<vmem>> -> memref<1x64xi32, #tpu.memory_space<vmem>>
        %dma_wait3A_138 = tpu.memref_squeeze %dma_wait3A_137 : memref<1x64xi32, #tpu.memory_space<vmem>> -> memref<64xi32, #tpu.memory_space<vmem>>
        %dma_wait3A_139 = arith.constant 0 : i32
        %dma_wait3A_140 = arith.constant 0 : i32
        %dma_wait3A_141 = tpu.memref_slice %arg13[%dma_wait3A_139, %dma_wait3A_140] : memref<10240x128xf32, #tpu.memory_space<vmem_shared>> -> memref<10240x128xf32, #tpu.memory_space<vmem_shared>>
        tpu.wait_indirect_dma semaphore(%run_scoped3A : memref<!tpu.dma_semaphore, #tpu.memory_space<semaphore_mem>>) src(%arg11 : memref<64x128xf32, #tpu.memory_space<vmem>>) dst(%dma_wait3A_141 : memref<10240x128xf32, #tpu.memory_space<vmem_shared>>)
        tpu.yield
      }) : () -> ()
      %mul3A_107 = arith.constant 4 : i32
      %mul3A_108 = arith.muli %mul3A_107, %scan3A_41 : i32
      %add3A_109 = arith.constant 0 : i32
      %add3A_110 = arith.addi %add3A_109, %mul3A_108 : i32
      %add3A_111 = arith.constant 3 : i32
      %add3A_112 = arith.addi %add3A_110, %add3A_111 : i32
      %add3A_113 = arith.constant 3 : i32
      %add3A_114 = arith.addi %add3A_112, %add3A_113 : i32
      %lt3A_115 = arith.constant 160 : i32
      %lt3A_116 = arith.cmpi slt, %add3A_114, %lt3A_115 : i32
      %convert_element_type3A_117 = arith.extui %lt3A_116 : i1 to i32
      %cond3A_118 = arith.constant 0 : i32
      %cond3A_119 = arith.cmpi ne, %convert_element_type3A_117, %cond3A_118 : i32
      scf.if %cond3A_119 {
        %add3A_130 = arith.constant 3 : i32
        %add3A_131 = arith.addi %add3A_112, %add3A_130 : i32
        %mul3A_132 = arith.constant 64 : i32
        %mul3A_133 = arith.muli %add3A_131, %mul3A_132 : i32
        %dma_start3A_134 = tpu.memref_slice %arg7[%mul3A_133] : memref<10240xi32, #tpu.memory_space<vmem>> -> memref<64xi32, #tpu.memory_space<vmem>>
        %dma_start3A_135 = arith.constant 0 : i32
        %dma_start3A_136 = arith.constant 0 : i32
        %dma_start3A_137 = tpu.memref_slice %arg2[%dma_start3A_135, %dma_start3A_136] : memref<10000x128xf32, #tpu.memory_space<hbm>> -> memref<10000x128xf32, #tpu.memory_space<hbm>>
        tpu.enqueue_indirect_dma source(%dma_start3A_137 : memref<10000x128xf32, #tpu.memory_space<hbm>>) target(%arg11 : memref<64x128xf32, #tpu.memory_space<vmem>>) offsets(%dma_start3A_134 : memref<64xi32, #tpu.memory_space<vmem>>) semaphore(%arg16 : memref<!tpu.dma_semaphore, #tpu.memory_space<semaphore_mem>>)
      } else {
      }
      %mul3A_120 = arith.constant 64 : i32
      %mul3A_121 = arith.muli %add3A_112, %mul3A_120 : i32
      %dma_wait3A_122 = tpu.memref_slice %arg7[%mul3A_121] : memref<10240xi32, #tpu.memory_space<vmem>> -> memref<64xi32, #tpu.memory_space<vmem>>
      %dma_wait3A_123 = arith.constant 0 : i32
      %dma_wait3A_124 = arith.constant 0 : i32
      %dma_wait3A_125 = tpu.memref_slice %arg2[%dma_wait3A_123, %dma_wait3A_124] : memref<10000x128xf32, #tpu.memory_space<hbm>> -> memref<10000x128xf32, #tpu.memory_space<hbm>>
      tpu.wait_indirect_dma semaphore(%arg17 : memref<!tpu.dma_semaphore, #tpu.memory_space<semaphore_mem>>) src(%dma_wait3A_125 : memref<10000x128xf32, #tpu.memory_space<hbm>>) dst(%arg12 : memref<64x128xf32, #tpu.memory_space<vmem>>)
      %mul3A_126 = arith.constant 4 : i32
      %mul3A_127 = arith.muli %mul3A_126, %scan3A_41 : i32
      %add3A_128 = arith.constant 3 : i32
      %add3A_129 = arith.addi %mul3A_127, %add3A_128 : i32
      "tpu.region"() ({
        %run_scoped3A = tpu.sem_alloc : memref<!tpu.dma_semaphore, #tpu.memory_space<semaphore_mem>>
        %dma_start3A_130 = arith.constant 0 : i32
        %dma_start3A_131 = tpu.memref_slice %arg8[%add3A_129, %dma_start3A_130] : memref<40x64xi32, #tpu.memory_space<vmem>> -> memref<1x64xi32, #tpu.memory_space<vmem>>
        %dma_start3A_132 = tpu.memref_squeeze %dma_start3A_131 : memref<1x64xi32, #tpu.memory_space<vmem>> -> memref<64xi32, #tpu.memory_space<vmem>>
        %dma_start3A_133 = arith.constant 0 : i32
        %dma_start3A_134 = arith.constant 0 : i32
        %dma_start3A_135 = tpu.memref_slice %arg13[%dma_start3A_133, %dma_start3A_134] : memref<10240x128xf32, #tpu.memory_space<vmem_shared>> -> memref<10240x128xf32, #tpu.memory_space<vmem_shared>>
        tpu.enqueue_indirect_dma source(%arg12 : memref<64x128xf32, #tpu.memory_space<vmem>>) target(%dma_start3A_135 : memref<10240x128xf32, #tpu.memory_space<vmem_shared>>) offsets(%dma_start3A_132 : memref<64xi32, #tpu.memory_space<vmem>>) semaphore(%run_scoped3A : memref<!tpu.dma_semaphore, #tpu.memory_space<semaphore_mem>>) {add = true}
        %dma_wait3A_136 = arith.constant 0 : i32
        %dma_wait3A_137 = tpu.memref_slice %arg8[%add3A_129, %dma_wait3A_136] : memref<40x64xi32, #tpu.memory_space<vmem>> -> memref<1x64xi32, #tpu.memory_space<vmem>>
        %dma_wait3A_138 = tpu.memref_squeeze %dma_wait3A_137 : memref<1x64xi32, #tpu.memory_space<vmem>> -> memref<64xi32, #tpu.memory_space<vmem>>
        %dma_wait3A_139 = arith.constant 0 : i32
        %dma_wait3A_140 = arith.constant 0 : i32
        %dma_wait3A_141 = tpu.memref_slice %arg13[%dma_wait3A_139, %dma_wait3A_140] : memref<10240x128xf32, #tpu.memory_space<vmem_shared>> -> memref<10240x128xf32, #tpu.memory_space<vmem_shared>>
        tpu.wait_indirect_dma semaphore(%run_scoped3A : memref<!tpu.dma_semaphore, #tpu.memory_space<semaphore_mem>>) src(%arg12 : memref<64x128xf32, #tpu.memory_space<vmem>>) dst(%dma_wait3A_141 : memref<10240x128xf32, #tpu.memory_space<vmem_shared>>)
        tpu.yield
      }) : () -> ()
    }
    %scan3A_21 = arith.constant 10 : i32
    "tpu.region"() ({
      %run_scoped3A = tpu.sem_alloc : memref<!tpu.dma_semaphore, #tpu.memory_space<semaphore_mem>>
      %dma_start3A_41 = arith.constant 40 : i32
      %dma_start3A_42 = arith.constant 0 : i32
      %dma_start3A_43 = tpu.memref_slice %arg4[%add3A, %dma_start3A_41, %dma_start3A_42] : memref<32x160x64xi32, #tpu.memory_space<hbm>> -> memref<1x40x64xi32, #tpu.memory_space<hbm>>
      %dma_start3A_44 = tpu.memref_squeeze %dma_start3A_43 : memref<1x40x64xi32, #tpu.memory_space<hbm>> -> memref<40x64xi32, #tpu.memory_space<hbm>>
      %dma_start3A_45 = arith.constant 40 : i32
      %dma_start3A_46 = arith.constant 0 : i32
      %dma_start3A_47 = tpu.memref_slice %arg4[%add3A, %dma_start3A_45, %dma_start3A_46] : memref<32x160x64xi32, #tpu.memory_space<hbm>> -> memref<1x40x64xi32, #tpu.memory_space<hbm>>
      %dma_start3A_48 = tpu.memref_squeeze %dma_start3A_47 : memref<1x40x64xi32, #tpu.memory_space<hbm>> -> memref<40x64xi32, #tpu.memory_space<hbm>>
      tpu.enqueue_dma source(%dma_start3A_48 : memref<40x64xi32, #tpu.memory_space<hbm>>) target(%arg8 : memref<40x64xi32, #tpu.memory_space<vmem>>) target_semaphore(%run_scoped3A : memref<!tpu.dma_semaphore, #tpu.memory_space<semaphore_mem>>)
      %dma_wait3A = arith.constant 40 : i32
      %dma_wait3A_49 = arith.constant 0 : i32
      %dma_wait3A_50 = tpu.memref_slice %arg4[%add3A, %dma_wait3A, %dma_wait3A_49] : memref<32x160x64xi32, #tpu.memory_space<hbm>> -> memref<1x40x64xi32, #tpu.memory_space<hbm>>
      %dma_wait3A_51 = tpu.memref_squeeze %dma_wait3A_50 : memref<1x40x64xi32, #tpu.memory_space<hbm>> -> memref<40x64xi32, #tpu.memory_space<hbm>>
      %dma_wait3A_52 = arith.constant 40 : i32
      %dma_wait3A_53 = arith.constant 0 : i32
      %dma_wait3A_54 = tpu.memref_slice %arg4[%add3A, %dma_wait3A_52, %dma_wait3A_53] : memref<32x160x64xi32, #tpu.memory_space<hbm>> -> memref<1x40x64xi32, #tpu.memory_space<hbm>>
      %dma_wait3A_55 = tpu.memref_squeeze %dma_wait3A_54 : memref<1x40x64xi32, #tpu.memory_space<hbm>> -> memref<40x64xi32, #tpu.memory_space<hbm>>
      tpu.wait_dma2 semaphore(%run_scoped3A : memref<!tpu.dma_semaphore, #tpu.memory_space<semaphore_mem>>) src(%dma_wait3A_55 : memref<40x64xi32, #tpu.memory_space<hbm>>) dst(%arg8 : memref<40x64xi32, #tpu.memory_space<vmem>>)
      tpu.yield
    }) : () -> ()
    %scan3A_22 = arith.constant 0 : i32
    %scan3A_23 = arith.constant 0 : i32
    %scan3A_24 = arith.constant 10 : i32
    %scan3A_25 = arith.addi %scan3A_23, %scan3A_24 : i32
    %scan3A_26 = arith.constant 1 : i32
    scf.for %scan3A_41 = %scan3A_23 to %scan3A_25 step %scan3A_26  : i32 {
      %mul3A_42 = arith.constant 4 : i32
      %mul3A_43 = arith.muli %mul3A_42, %scan3A_41 : i32
      %add3A_44 = arith.constant 40 : i32
      %add3A_45 = arith.addi %add3A_44, %mul3A_43 : i32
      %add3A_46 = arith.constant 0 : i32
      %add3A_47 = arith.addi %add3A_45, %add3A_46 : i32
      %add3A_48 = arith.constant 3 : i32
      %add3A_49 = arith.addi %add3A_47, %add3A_48 : i32
      %lt3A = arith.constant 160 : i32
      %lt3A_50 = arith.cmpi slt, %add3A_49, %lt3A : i32
      %convert_element_type3A = arith.extui %lt3A_50 : i1 to i32
      %cond3A = arith.constant 0 : i32
      %cond3A_51 = arith.cmpi ne, %convert_element_type3A, %cond3A : i32
      scf.if %cond3A_51 {
        %add3A_130 = arith.constant 3 : i32
        %add3A_131 = arith.addi %add3A_47, %add3A_130 : i32
        %mul3A_132 = arith.constant 64 : i32
        %mul3A_133 = arith.muli %add3A_131, %mul3A_132 : i32
        %dma_start3A_134 = tpu.memref_slice %arg7[%mul3A_133] : memref<10240xi32, #tpu.memory_space<vmem>> -> memref<64xi32, #tpu.memory_space<vmem>>
        %dma_start3A_135 = arith.constant 0 : i32
        %dma_start3A_136 = arith.constant 0 : i32
        %dma_start3A_137 = tpu.memref_slice %arg2[%dma_start3A_135, %dma_start3A_136] : memref<10000x128xf32, #tpu.memory_space<hbm>> -> memref<10000x128xf32, #tpu.memory_space<hbm>>
        tpu.enqueue_indirect_dma source(%dma_start3A_137 : memref<10000x128xf32, #tpu.memory_space<hbm>>) target(%arg12 : memref<64x128xf32, #tpu.memory_space<vmem>>) offsets(%dma_start3A_134 : memref<64xi32, #tpu.memory_space<vmem>>) semaphore(%arg17 : memref<!tpu.dma_semaphore, #tpu.memory_space<semaphore_mem>>)
      } else {
      }
      %mul3A_52 = arith.constant 64 : i32
      %mul3A_53 = arith.muli %add3A_47, %mul3A_52 : i32
      %dma_wait3A = tpu.memref_slice %arg7[%mul3A_53] : memref<10240xi32, #tpu.memory_space<vmem>> -> memref<64xi32, #tpu.memory_space<vmem>>
      %dma_wait3A_54 = arith.constant 0 : i32
      %dma_wait3A_55 = arith.constant 0 : i32
      %dma_wait3A_56 = tpu.memref_slice %arg2[%dma_wait3A_54, %dma_wait3A_55] : memref<10000x128xf32, #tpu.memory_space<hbm>> -> memref<10000x128xf32, #tpu.memory_space<hbm>>
      tpu.wait_indirect_dma semaphore(%arg14 : memref<!tpu.dma_semaphore, #tpu.memory_space<semaphore_mem>>) src(%dma_wait3A_56 : memref<10000x128xf32, #tpu.memory_space<hbm>>) dst(%arg9 : memref<64x128xf32, #tpu.memory_space<vmem>>)
      %mul3A_57 = arith.constant 4 : i32
      %mul3A_58 = arith.muli %mul3A_57, %scan3A_41 : i32
      %add3A_59 = arith.constant 0 : i32
      %add3A_60 = arith.addi %mul3A_58, %add3A_59 : i32
      "tpu.region"() ({
        %run_scoped3A = tpu.sem_alloc : memref<!tpu.dma_semaphore, #tpu.memory_space<semaphore_mem>>
        %dma_start3A_130 = arith.constant 0 : i32
        %dma_start3A_131 = tpu.memref_slice %arg8[%add3A_60, %dma_start3A_130] : memref<40x64xi32, #tpu.memory_space<vmem>> -> memref<1x64xi32, #tpu.memory_space<vmem>>
        %dma_start3A_132 = tpu.memref_squeeze %dma_start3A_131 : memref<1x64xi32, #tpu.memory_space<vmem>> -> memref<64xi32, #tpu.memory_space<vmem>>
        %dma_start3A_133 = arith.constant 0 : i32
        %dma_start3A_134 = arith.constant 0 : i32
        %dma_start3A_135 = tpu.memref_slice %arg13[%dma_start3A_133, %dma_start3A_134] : memref<10240x128xf32, #tpu.memory_space<vmem_shared>> -> memref<10240x128xf32, #tpu.memory_space<vmem_shared>>
        tpu.enqueue_indirect_dma source(%arg9 : memref<64x128xf32, #tpu.memory_space<vmem>>) target(%dma_start3A_135 : memref<10240x128xf32, #tpu.memory_space<vmem_shared>>) offsets(%dma_start3A_132 : memref<64xi32, #tpu.memory_space<vmem>>) semaphore(%run_scoped3A : memref<!tpu.dma_semaphore, #tpu.memory_space<semaphore_mem>>) {add = true}
        %dma_wait3A_136 = arith.constant 0 : i32
        %dma_wait3A_137 = tpu.memref_slice %arg8[%add3A_60, %dma_wait3A_136] : memref<40x64xi32, #tpu.memory_space<vmem>> -> memref<1x64xi32, #tpu.memory_space<vmem>>
        %dma_wait3A_138 = tpu.memref_squeeze %dma_wait3A_137 : memref<1x64xi32, #tpu.memory_space<vmem>> -> memref<64xi32, #tpu.memory_space<vmem>>
        %dma_wait3A_139 = arith.constant 0 : i32
        %dma_wait3A_140 = arith.constant 0 : i32
        %dma_wait3A_141 = tpu.memref_slice %arg13[%dma_wait3A_139, %dma_wait3A_140] : memref<10240x128xf32, #tpu.memory_space<vmem_shared>> -> memref<10240x128xf32, #tpu.memory_space<vmem_shared>>
        tpu.wait_indirect_dma semaphore(%run_scoped3A : memref<!tpu.dma_semaphore, #tpu.memory_space<semaphore_mem>>) src(%arg9 : memref<64x128xf32, #tpu.memory_space<vmem>>) dst(%dma_wait3A_141 : memref<10240x128xf32, #tpu.memory_space<vmem_shared>>)
        tpu.yield
      }) : () -> ()
      %mul3A_61 = arith.constant 4 : i32
      %mul3A_62 = arith.muli %mul3A_61, %scan3A_41 : i32
      %add3A_63 = arith.constant 40 : i32
      %add3A_64 = arith.addi %add3A_63, %mul3A_62 : i32
      %add3A_65 = arith.constant 1 : i32
      %add3A_66 = arith.addi %add3A_64, %add3A_65 : i32
      %add3A_67 = arith.constant 3 : i32
      %add3A_68 = arith.addi %add3A_66, %add3A_67 : i32
      %lt3A_69 = arith.constant 160 : i32
      %lt3A_70 = arith.cmpi slt, %add3A_68, %lt3A_69 : i32
      %convert_element_type3A_71 = arith.extui %lt3A_70 : i1 to i32
      %cond3A_72 = arith.constant 0 : i32
      %cond3A_73 = arith.cmpi ne, %convert_element_type3A_71, %cond3A_72 : i32
      scf.if %cond3A_73 {
        %add3A_130 = arith.constant 3 : i32
        %add3A_131 = arith.addi %add3A_66, %add3A_130 : i32
        %mul3A_132 = arith.constant 64 : i32
        %mul3A_133 = arith.muli %add3A_131, %mul3A_132 : i32
        %dma_start3A_134 = tpu.memref_slice %arg7[%mul3A_133] : memref<10240xi32, #tpu.memory_space<vmem>> -> memref<64xi32, #tpu.memory_space<vmem>>
        %dma_start3A_135 = arith.constant 0 : i32
        %dma_start3A_136 = arith.constant 0 : i32
        %dma_start3A_137 = tpu.memref_slice %arg2[%dma_start3A_135, %dma_start3A_136] : memref<10000x128xf32, #tpu.memory_space<hbm>> -> memref<10000x128xf32, #tpu.memory_space<hbm>>
        tpu.enqueue_indirect_dma source(%dma_start3A_137 : memref<10000x128xf32, #tpu.memory_space<hbm>>) target(%arg9 : memref<64x128xf32, #tpu.memory_space<vmem>>) offsets(%dma_start3A_134 : memref<64xi32, #tpu.memory_space<vmem>>) semaphore(%arg14 : memref<!tpu.dma_semaphore, #tpu.memory_space<semaphore_mem>>)
      } else {
      }
      %mul3A_74 = arith.constant 64 : i32
      %mul3A_75 = arith.muli %add3A_66, %mul3A_74 : i32
      %dma_wait3A_76 = tpu.memref_slice %arg7[%mul3A_75] : memref<10240xi32, #tpu.memory_space<vmem>> -> memref<64xi32, #tpu.memory_space<vmem>>
      %dma_wait3A_77 = arith.constant 0 : i32
      %dma_wait3A_78 = arith.constant 0 : i32
      %dma_wait3A_79 = tpu.memref_slice %arg2[%dma_wait3A_77, %dma_wait3A_78] : memref<10000x128xf32, #tpu.memory_space<hbm>> -> memref<10000x128xf32, #tpu.memory_space<hbm>>
      tpu.wait_indirect_dma semaphore(%arg15 : memref<!tpu.dma_semaphore, #tpu.memory_space<semaphore_mem>>) src(%dma_wait3A_79 : memref<10000x128xf32, #tpu.memory_space<hbm>>) dst(%arg10 : memref<64x128xf32, #tpu.memory_space<vmem>>)
      %mul3A_80 = arith.constant 4 : i32
      %mul3A_81 = arith.muli %mul3A_80, %scan3A_41 : i32
      %add3A_82 = arith.constant 1 : i32
      %add3A_83 = arith.addi %mul3A_81, %add3A_82 : i32
      "tpu.region"() ({
        %run_scoped3A = tpu.sem_alloc : memref<!tpu.dma_semaphore, #tpu.memory_space<semaphore_mem>>
        %dma_start3A_130 = arith.constant 0 : i32
        %dma_start3A_131 = tpu.memref_slice %arg8[%add3A_83, %dma_start3A_130] : memref<40x64xi32, #tpu.memory_space<vmem>> -> memref<1x64xi32, #tpu.memory_space<vmem>>
        %dma_start3A_132 = tpu.memref_squeeze %dma_start3A_131 : memref<1x64xi32, #tpu.memory_space<vmem>> -> memref<64xi32, #tpu.memory_space<vmem>>
        %dma_start3A_133 = arith.constant 0 : i32
        %dma_start3A_134 = arith.constant 0 : i32
        %dma_start3A_135 = tpu.memref_slice %arg13[%dma_start3A_133, %dma_start3A_134] : memref<10240x128xf32, #tpu.memory_space<vmem_shared>> -> memref<10240x128xf32, #tpu.memory_space<vmem_shared>>
        tpu.enqueue_indirect_dma source(%arg10 : memref<64x128xf32, #tpu.memory_space<vmem>>) target(%dma_start3A_135 : memref<10240x128xf32, #tpu.memory_space<vmem_shared>>) offsets(%dma_start3A_132 : memref<64xi32, #tpu.memory_space<vmem>>) semaphore(%run_scoped3A : memref<!tpu.dma_semaphore, #tpu.memory_space<semaphore_mem>>) {add = true}
        %dma_wait3A_136 = arith.constant 0 : i32
        %dma_wait3A_137 = tpu.memref_slice %arg8[%add3A_83, %dma_wait3A_136] : memref<40x64xi32, #tpu.memory_space<vmem>> -> memref<1x64xi32, #tpu.memory_space<vmem>>
        %dma_wait3A_138 = tpu.memref_squeeze %dma_wait3A_137 : memref<1x64xi32, #tpu.memory_space<vmem>> -> memref<64xi32, #tpu.memory_space<vmem>>
        %dma_wait3A_139 = arith.constant 0 : i32
        %dma_wait3A_140 = arith.constant 0 : i32
        %dma_wait3A_141 = tpu.memref_slice %arg13[%dma_wait3A_139, %dma_wait3A_140] : memref<10240x128xf32, #tpu.memory_space<vmem_shared>> -> memref<10240x128xf32, #tpu.memory_space<vmem_shared>>
        tpu.wait_indirect_dma semaphore(%run_scoped3A : memref<!tpu.dma_semaphore, #tpu.memory_space<semaphore_mem>>) src(%arg10 : memref<64x128xf32, #tpu.memory_space<vmem>>) dst(%dma_wait3A_141 : memref<10240x128xf32, #tpu.memory_space<vmem_shared>>)
        tpu.yield
      }) : () -> ()
      %mul3A_84 = arith.constant 4 : i32
      %mul3A_85 = arith.muli %mul3A_84, %scan3A_41 : i32
      %add3A_86 = arith.constant 40 : i32
      %add3A_87 = arith.addi %add3A_86, %mul3A_85 : i32
      %add3A_88 = arith.constant 2 : i32
      %add3A_89 = arith.addi %add3A_87, %add3A_88 : i32
      %add3A_90 = arith.constant 3 : i32
      %add3A_91 = arith.addi %add3A_89, %add3A_90 : i32
      %lt3A_92 = arith.constant 160 : i32
      %lt3A_93 = arith.cmpi slt, %add3A_91, %lt3A_92 : i32
      %convert_element_type3A_94 = arith.extui %lt3A_93 : i1 to i32
      %cond3A_95 = arith.constant 0 : i32
      %cond3A_96 = arith.cmpi ne, %convert_element_type3A_94, %cond3A_95 : i32
      scf.if %cond3A_96 {
        %add3A_130 = arith.constant 3 : i32
        %add3A_131 = arith.addi %add3A_89, %add3A_130 : i32
        %mul3A_132 = arith.constant 64 : i32
        %mul3A_133 = arith.muli %add3A_131, %mul3A_132 : i32
        %dma_start3A_134 = tpu.memref_slice %arg7[%mul3A_133] : memref<10240xi32, #tpu.memory_space<vmem>> -> memref<64xi32, #tpu.memory_space<vmem>>
        %dma_start3A_135 = arith.constant 0 : i32
        %dma_start3A_136 = arith.constant 0 : i32
        %dma_start3A_137 = tpu.memref_slice %arg2[%dma_start3A_135, %dma_start3A_136] : memref<10000x128xf32, #tpu.memory_space<hbm>> -> memref<10000x128xf32, #tpu.memory_space<hbm>>
        tpu.enqueue_indirect_dma source(%dma_start3A_137 : memref<10000x128xf32, #tpu.memory_space<hbm>>) target(%arg10 : memref<64x128xf32, #tpu.memory_space<vmem>>) offsets(%dma_start3A_134 : memref<64xi32, #tpu.memory_space<vmem>>) semaphore(%arg15 : memref<!tpu.dma_semaphore, #tpu.memory_space<semaphore_mem>>)
      } else {
      }
      %mul3A_97 = arith.constant 64 : i32
      %mul3A_98 = arith.muli %add3A_89, %mul3A_97 : i32
      %dma_wait3A_99 = tpu.memref_slice %arg7[%mul3A_98] : memref<10240xi32, #tpu.memory_space<vmem>> -> memref<64xi32, #tpu.memory_space<vmem>>
      %dma_wait3A_100 = arith.constant 0 : i32
      %dma_wait3A_101 = arith.constant 0 : i32
      %dma_wait3A_102 = tpu.memref_slice %arg2[%dma_wait3A_100, %dma_wait3A_101] : memref<10000x128xf32, #tpu.memory_space<hbm>> -> memref<10000x128xf32, #tpu.memory_space<hbm>>
      tpu.wait_indirect_dma semaphore(%arg16 : memref<!tpu.dma_semaphore, #tpu.memory_space<semaphore_mem>>) src(%dma_wait3A_102 : memref<10000x128xf32, #tpu.memory_space<hbm>>) dst(%arg11 : memref<64x128xf32, #tpu.memory_space<vmem>>)
      %mul3A_103 = arith.constant 4 : i32
      %mul3A_104 = arith.muli %mul3A_103, %scan3A_41 : i32
      %add3A_105 = arith.constant 2 : i32
      %add3A_106 = arith.addi %mul3A_104, %add3A_105 : i32
      "tpu.region"() ({
        %run_scoped3A = tpu.sem_alloc : memref<!tpu.dma_semaphore, #tpu.memory_space<semaphore_mem>>
        %dma_start3A_130 = arith.constant 0 : i32
        %dma_start3A_131 = tpu.memref_slice %arg8[%add3A_106, %dma_start3A_130] : memref<40x64xi32, #tpu.memory_space<vmem>> -> memref<1x64xi32, #tpu.memory_space<vmem>>
        %dma_start3A_132 = tpu.memref_squeeze %dma_start3A_131 : memref<1x64xi32, #tpu.memory_space<vmem>> -> memref<64xi32, #tpu.memory_space<vmem>>
        %dma_start3A_133 = arith.constant 0 : i32
        %dma_start3A_134 = arith.constant 0 : i32
        %dma_start3A_135 = tpu.memref_slice %arg13[%dma_start3A_133, %dma_start3A_134] : memref<10240x128xf32, #tpu.memory_space<vmem_shared>> -> memref<10240x128xf32, #tpu.memory_space<vmem_shared>>
        tpu.enqueue_indirect_dma source(%arg11 : memref<64x128xf32, #tpu.memory_space<vmem>>) target(%dma_start3A_135 : memref<10240x128xf32, #tpu.memory_space<vmem_shared>>) offsets(%dma_start3A_132 : memref<64xi32, #tpu.memory_space<vmem>>) semaphore(%run_scoped3A : memref<!tpu.dma_semaphore, #tpu.memory_space<semaphore_mem>>) {add = true}
        %dma_wait3A_136 = arith.constant 0 : i32
        %dma_wait3A_137 = tpu.memref_slice %arg8[%add3A_106, %dma_wait3A_136] : memref<40x64xi32, #tpu.memory_space<vmem>> -> memref<1x64xi32, #tpu.memory_space<vmem>>
        %dma_wait3A_138 = tpu.memref_squeeze %dma_wait3A_137 : memref<1x64xi32, #tpu.memory_space<vmem>> -> memref<64xi32, #tpu.memory_space<vmem>>
        %dma_wait3A_139 = arith.constant 0 : i32
        %dma_wait3A_140 = arith.constant 0 : i32
        %dma_wait3A_141 = tpu.memref_slice %arg13[%dma_wait3A_139, %dma_wait3A_140] : memref<10240x128xf32, #tpu.memory_space<vmem_shared>> -> memref<10240x128xf32, #tpu.memory_space<vmem_shared>>
        tpu.wait_indirect_dma semaphore(%run_scoped3A : memref<!tpu.dma_semaphore, #tpu.memory_space<semaphore_mem>>) src(%arg11 : memref<64x128xf32, #tpu.memory_space<vmem>>) dst(%dma_wait3A_141 : memref<10240x128xf32, #tpu.memory_space<vmem_shared>>)
        tpu.yield
      }) : () -> ()
      %mul3A_107 = arith.constant 4 : i32
      %mul3A_108 = arith.muli %mul3A_107, %scan3A_41 : i32
      %add3A_109 = arith.constant 40 : i32
      %add3A_110 = arith.addi %add3A_109, %mul3A_108 : i32
      %add3A_111 = arith.constant 3 : i32
      %add3A_112 = arith.addi %add3A_110, %add3A_111 : i32
      %add3A_113 = arith.constant 3 : i32
      %add3A_114 = arith.addi %add3A_112, %add3A_113 : i32
      %lt3A_115 = arith.constant 160 : i32
      %lt3A_116 = arith.cmpi slt, %add3A_114, %lt3A_115 : i32
      %convert_element_type3A_117 = arith.extui %lt3A_116 : i1 to i32
      %cond3A_118 = arith.constant 0 : i32
      %cond3A_119 = arith.cmpi ne, %convert_element_type3A_117, %cond3A_118 : i32
      scf.if %cond3A_119 {
        %add3A_130 = arith.constant 3 : i32
        %add3A_131 = arith.addi %add3A_112, %add3A_130 : i32
        %mul3A_132 = arith.constant 64 : i32
        %mul3A_133 = arith.muli %add3A_131, %mul3A_132 : i32
        %dma_start3A_134 = tpu.memref_slice %arg7[%mul3A_133] : memref<10240xi32, #tpu.memory_space<vmem>> -> memref<64xi32, #tpu.memory_space<vmem>>
        %dma_start3A_135 = arith.constant 0 : i32
        %dma_start3A_136 = arith.constant 0 : i32
        %dma_start3A_137 = tpu.memref_slice %arg2[%dma_start3A_135, %dma_start3A_136] : memref<10000x128xf32, #tpu.memory_space<hbm>> -> memref<10000x128xf32, #tpu.memory_space<hbm>>
        tpu.enqueue_indirect_dma source(%dma_start3A_137 : memref<10000x128xf32, #tpu.memory_space<hbm>>) target(%arg11 : memref<64x128xf32, #tpu.memory_space<vmem>>) offsets(%dma_start3A_134 : memref<64xi32, #tpu.memory_space<vmem>>) semaphore(%arg16 : memref<!tpu.dma_semaphore, #tpu.memory_space<semaphore_mem>>)
      } else {
      }
      %mul3A_120 = arith.constant 64 : i32
      %mul3A_121 = arith.muli %add3A_112, %mul3A_120 : i32
      %dma_wait3A_122 = tpu.memref_slice %arg7[%mul3A_121] : memref<10240xi32, #tpu.memory_space<vmem>> -> memref<64xi32, #tpu.memory_space<vmem>>
      %dma_wait3A_123 = arith.constant 0 : i32
      %dma_wait3A_124 = arith.constant 0 : i32
      %dma_wait3A_125 = tpu.memref_slice %arg2[%dma_wait3A_123, %dma_wait3A_124] : memref<10000x128xf32, #tpu.memory_space<hbm>> -> memref<10000x128xf32, #tpu.memory_space<hbm>>
      tpu.wait_indirect_dma semaphore(%arg17 : memref<!tpu.dma_semaphore, #tpu.memory_space<semaphore_mem>>) src(%dma_wait3A_125 : memref<10000x128xf32, #tpu.memory_space<hbm>>) dst(%arg12 : memref<64x128xf32, #tpu.memory_space<vmem>>)
      %mul3A_126 = arith.constant 4 : i32
      %mul3A_127 = arith.muli %mul3A_126, %scan3A_41 : i32
      %add3A_128 = arith.constant 3 : i32
      %add3A_129 = arith.addi %mul3A_127, %add3A_128 : i32
      "tpu.region"() ({
        %run_scoped3A = tpu.sem_alloc : memref<!tpu.dma_semaphore, #tpu.memory_space<semaphore_mem>>
        %dma_start3A_130 = arith.constant 0 : i32
        %dma_start3A_131 = tpu.memref_slice %arg8[%add3A_129, %dma_start3A_130] : memref<40x64xi32, #tpu.memory_space<vmem>> -> memref<1x64xi32, #tpu.memory_space<vmem>>
        %dma_start3A_132 = tpu.memref_squeeze %dma_start3A_131 : memref<1x64xi32, #tpu.memory_space<vmem>> -> memref<64xi32, #tpu.memory_space<vmem>>
        %dma_start3A_133 = arith.constant 0 : i32
        %dma_start3A_134 = arith.constant 0 : i32
        %dma_start3A_135 = tpu.memref_slice %arg13[%dma_start3A_133, %dma_start3A_134] : memref<10240x128xf32, #tpu.memory_space<vmem_shared>> -> memref<10240x128xf32, #tpu.memory_space<vmem_shared>>
        tpu.enqueue_indirect_dma source(%arg12 : memref<64x128xf32, #tpu.memory_space<vmem>>) target(%dma_start3A_135 : memref<10240x128xf32, #tpu.memory_space<vmem_shared>>) offsets(%dma_start3A_132 : memref<64xi32, #tpu.memory_space<vmem>>) semaphore(%run_scoped3A : memref<!tpu.dma_semaphore, #tpu.memory_space<semaphore_mem>>) {add = true}
        %dma_wait3A_136 = arith.constant 0 : i32
        %dma_wait3A_137 = tpu.memref_slice %arg8[%add3A_129, %dma_wait3A_136] : memref<40x64xi32, #tpu.memory_space<vmem>> -> memref<1x64xi32, #tpu.memory_space<vmem>>
        %dma_wait3A_138 = tpu.memref_squeeze %dma_wait3A_137 : memref<1x64xi32, #tpu.memory_space<vmem>> -> memref<64xi32, #tpu.memory_space<vmem>>
        %dma_wait3A_139 = arith.constant 0 : i32
        %dma_wait3A_140 = arith.constant 0 : i32
        %dma_wait3A_141 = tpu.memref_slice %arg13[%dma_wait3A_139, %dma_wait3A_140] : memref<10240x128xf32, #tpu.memory_space<vmem_shared>> -> memref<10240x128xf32, #tpu.memory_space<vmem_shared>>
        tpu.wait_indirect_dma semaphore(%run_scoped3A : memref<!tpu.dma_semaphore, #tpu.memory_space<semaphore_mem>>) src(%arg12 : memref<64x128xf32, #tpu.memory_space<vmem>>) dst(%dma_wait3A_141 : memref<10240x128xf32, #tpu.memory_space<vmem_shared>>)
        tpu.yield
      }) : () -> ()
    }
    %scan3A_27 = arith.constant 10 : i32
    "tpu.region"() ({
      %run_scoped3A = tpu.sem_alloc : memref<!tpu.dma_semaphore, #tpu.memory_space<semaphore_mem>>
      %dma_start3A_41 = arith.constant 80 : i32
      %dma_start3A_42 = arith.constant 0 : i32
      %dma_start3A_43 = tpu.memref_slice %arg4[%add3A, %dma_start3A_41, %dma_start3A_42] : memref<32x160x64xi32, #tpu.memory_space<hbm>> -> memref<1x40x64xi32, #tpu.memory_space<hbm>>
      %dma_start3A_44 = tpu.memref_squeeze %dma_start3A_43 : memref<1x40x64xi32, #tpu.memory_space<hbm>> -> memref<40x64xi32, #tpu.memory_space<hbm>>
      %dma_start3A_45 = arith.constant 80 : i32
      %dma_start3A_46 = arith.constant 0 : i32
      %dma_start3A_47 = tpu.memref_slice %arg4[%add3A, %dma_start3A_45, %dma_start3A_46] : memref<32x160x64xi32, #tpu.memory_space<hbm>> -> memref<1x40x64xi32, #tpu.memory_space<hbm>>
      %dma_start3A_48 = tpu.memref_squeeze %dma_start3A_47 : memref<1x40x64xi32, #tpu.memory_space<hbm>> -> memref<40x64xi32, #tpu.memory_space<hbm>>
      tpu.enqueue_dma source(%dma_start3A_48 : memref<40x64xi32, #tpu.memory_space<hbm>>) target(%arg8 : memref<40x64xi32, #tpu.memory_space<vmem>>) target_semaphore(%run_scoped3A : memref<!tpu.dma_semaphore, #tpu.memory_space<semaphore_mem>>)
      %dma_wait3A = arith.constant 80 : i32
      %dma_wait3A_49 = arith.constant 0 : i32
      %dma_wait3A_50 = tpu.memref_slice %arg4[%add3A, %dma_wait3A, %dma_wait3A_49] : memref<32x160x64xi32, #tpu.memory_space<hbm>> -> memref<1x40x64xi32, #tpu.memory_space<hbm>>
      %dma_wait3A_51 = tpu.memref_squeeze %dma_wait3A_50 : memref<1x40x64xi32, #tpu.memory_space<hbm>> -> memref<40x64xi32, #tpu.memory_space<hbm>>
      %dma_wait3A_52 = arith.constant 80 : i32
      %dma_wait3A_53 = arith.constant 0 : i32
      %dma_wait3A_54 = tpu.memref_slice %arg4[%add3A, %dma_wait3A_52, %dma_wait3A_53] : memref<32x160x64xi32, #tpu.memory_space<hbm>> -> memref<1x40x64xi32, #tpu.memory_space<hbm>>
      %dma_wait3A_55 = tpu.memref_squeeze %dma_wait3A_54 : memref<1x40x64xi32, #tpu.memory_space<hbm>> -> memref<40x64xi32, #tpu.memory_space<hbm>>
      tpu.wait_dma2 semaphore(%run_scoped3A : memref<!tpu.dma_semaphore, #tpu.memory_space<semaphore_mem>>) src(%dma_wait3A_55 : memref<40x64xi32, #tpu.memory_space<hbm>>) dst(%arg8 : memref<40x64xi32, #tpu.memory_space<vmem>>)
      tpu.yield
    }) : () -> ()
    %scan3A_28 = arith.constant 0 : i32
    %scan3A_29 = arith.constant 0 : i32
    %scan3A_30 = arith.constant 10 : i32
    %scan3A_31 = arith.addi %scan3A_29, %scan3A_30 : i32
    %scan3A_32 = arith.constant 1 : i32
    scf.for %scan3A_41 = %scan3A_29 to %scan3A_31 step %scan3A_32  : i32 {
      %mul3A_42 = arith.constant 4 : i32
      %mul3A_43 = arith.muli %mul3A_42, %scan3A_41 : i32
      %add3A_44 = arith.constant 80 : i32
      %add3A_45 = arith.addi %add3A_44, %mul3A_43 : i32
      %add3A_46 = arith.constant 0 : i32
      %add3A_47 = arith.addi %add3A_45, %add3A_46 : i32
      %add3A_48 = arith.constant 3 : i32
      %add3A_49 = arith.addi %add3A_47, %add3A_48 : i32
      %lt3A = arith.constant 160 : i32
      %lt3A_50 = arith.cmpi slt, %add3A_49, %lt3A : i32
      %convert_element_type3A = arith.extui %lt3A_50 : i1 to i32
      %cond3A = arith.constant 0 : i32
      %cond3A_51 = arith.cmpi ne, %convert_element_type3A, %cond3A : i32
      scf.if %cond3A_51 {
        %add3A_130 = arith.constant 3 : i32
        %add3A_131 = arith.addi %add3A_47, %add3A_130 : i32
        %mul3A_132 = arith.constant 64 : i32
        %mul3A_133 = arith.muli %add3A_131, %mul3A_132 : i32
        %dma_start3A_134 = tpu.memref_slice %arg7[%mul3A_133] : memref<10240xi32, #tpu.memory_space<vmem>> -> memref<64xi32, #tpu.memory_space<vmem>>
        %dma_start3A_135 = arith.constant 0 : i32
        %dma_start3A_136 = arith.constant 0 : i32
        %dma_start3A_137 = tpu.memref_slice %arg2[%dma_start3A_135, %dma_start3A_136] : memref<10000x128xf32, #tpu.memory_space<hbm>> -> memref<10000x128xf32, #tpu.memory_space<hbm>>
        tpu.enqueue_indirect_dma source(%dma_start3A_137 : memref<10000x128xf32, #tpu.memory_space<hbm>>) target(%arg12 : memref<64x128xf32, #tpu.memory_space<vmem>>) offsets(%dma_start3A_134 : memref<64xi32, #tpu.memory_space<vmem>>) semaphore(%arg17 : memref<!tpu.dma_semaphore, #tpu.memory_space<semaphore_mem>>)
      } else {
      }
      %mul3A_52 = arith.constant 64 : i32
      %mul3A_53 = arith.muli %add3A_47, %mul3A_52 : i32
      %dma_wait3A = tpu.memref_slice %arg7[%mul3A_53] : memref<10240xi32, #tpu.memory_space<vmem>> -> memref<64xi32, #tpu.memory_space<vmem>>
      %dma_wait3A_54 = arith.constant 0 : i32
      %dma_wait3A_55 = arith.constant 0 : i32
      %dma_wait3A_56 = tpu.memref_slice %arg2[%dma_wait3A_54, %dma_wait3A_55] : memref<10000x128xf32, #tpu.memory_space<hbm>> -> memref<10000x128xf32, #tpu.memory_space<hbm>>
      tpu.wait_indirect_dma semaphore(%arg14 : memref<!tpu.dma_semaphore, #tpu.memory_space<semaphore_mem>>) src(%dma_wait3A_56 : memref<10000x128xf32, #tpu.memory_space<hbm>>) dst(%arg9 : memref<64x128xf32, #tpu.memory_space<vmem>>)
      %mul3A_57 = arith.constant 4 : i32
      %mul3A_58 = arith.muli %mul3A_57, %scan3A_41 : i32
      %add3A_59 = arith.constant 0 : i32
      %add3A_60 = arith.addi %mul3A_58, %add3A_59 : i32
      "tpu.region"() ({
        %run_scoped3A = tpu.sem_alloc : memref<!tpu.dma_semaphore, #tpu.memory_space<semaphore_mem>>
        %dma_start3A_130 = arith.constant 0 : i32
        %dma_start3A_131 = tpu.memref_slice %arg8[%add3A_60, %dma_start3A_130] : memref<40x64xi32, #tpu.memory_space<vmem>> -> memref<1x64xi32, #tpu.memory_space<vmem>>
        %dma_start3A_132 = tpu.memref_squeeze %dma_start3A_131 : memref<1x64xi32, #tpu.memory_space<vmem>> -> memref<64xi32, #tpu.memory_space<vmem>>
        %dma_start3A_133 = arith.constant 0 : i32
        %dma_start3A_134 = arith.constant 0 : i32
        %dma_start3A_135 = tpu.memref_slice %arg13[%dma_start3A_133, %dma_start3A_134] : memref<10240x128xf32, #tpu.memory_space<vmem_shared>> -> memref<10240x128xf32, #tpu.memory_space<vmem_shared>>
        tpu.enqueue_indirect_dma source(%arg9 : memref<64x128xf32, #tpu.memory_space<vmem>>) target(%dma_start3A_135 : memref<10240x128xf32, #tpu.memory_space<vmem_shared>>) offsets(%dma_start3A_132 : memref<64xi32, #tpu.memory_space<vmem>>) semaphore(%run_scoped3A : memref<!tpu.dma_semaphore, #tpu.memory_space<semaphore_mem>>) {add = true}
        %dma_wait3A_136 = arith.constant 0 : i32
        %dma_wait3A_137 = tpu.memref_slice %arg8[%add3A_60, %dma_wait3A_136] : memref<40x64xi32, #tpu.memory_space<vmem>> -> memref<1x64xi32, #tpu.memory_space<vmem>>
        %dma_wait3A_138 = tpu.memref_squeeze %dma_wait3A_137 : memref<1x64xi32, #tpu.memory_space<vmem>> -> memref<64xi32, #tpu.memory_space<vmem>>
        %dma_wait3A_139 = arith.constant 0 : i32
        %dma_wait3A_140 = arith.constant 0 : i32
        %dma_wait3A_141 = tpu.memref_slice %arg13[%dma_wait3A_139, %dma_wait3A_140] : memref<10240x128xf32, #tpu.memory_space<vmem_shared>> -> memref<10240x128xf32, #tpu.memory_space<vmem_shared>>
        tpu.wait_indirect_dma semaphore(%run_scoped3A : memref<!tpu.dma_semaphore, #tpu.memory_space<semaphore_mem>>) src(%arg9 : memref<64x128xf32, #tpu.memory_space<vmem>>) dst(%dma_wait3A_141 : memref<10240x128xf32, #tpu.memory_space<vmem_shared>>)
        tpu.yield
      }) : () -> ()
      %mul3A_61 = arith.constant 4 : i32
      %mul3A_62 = arith.muli %mul3A_61, %scan3A_41 : i32
      %add3A_63 = arith.constant 80 : i32
      %add3A_64 = arith.addi %add3A_63, %mul3A_62 : i32
      %add3A_65 = arith.constant 1 : i32
      %add3A_66 = arith.addi %add3A_64, %add3A_65 : i32
      %add3A_67 = arith.constant 3 : i32
      %add3A_68 = arith.addi %add3A_66, %add3A_67 : i32
      %lt3A_69 = arith.constant 160 : i32
      %lt3A_70 = arith.cmpi slt, %add3A_68, %lt3A_69 : i32
      %convert_element_type3A_71 = arith.extui %lt3A_70 : i1 to i32
      %cond3A_72 = arith.constant 0 : i32
      %cond3A_73 = arith.cmpi ne, %convert_element_type3A_71, %cond3A_72 : i32
      scf.if %cond3A_73 {
        %add3A_130 = arith.constant 3 : i32
        %add3A_131 = arith.addi %add3A_66, %add3A_130 : i32
        %mul3A_132 = arith.constant 64 : i32
        %mul3A_133 = arith.muli %add3A_131, %mul3A_132 : i32
        %dma_start3A_134 = tpu.memref_slice %arg7[%mul3A_133] : memref<10240xi32, #tpu.memory_space<vmem>> -> memref<64xi32, #tpu.memory_space<vmem>>
        %dma_start3A_135 = arith.constant 0 : i32
        %dma_start3A_136 = arith.constant 0 : i32
        %dma_start3A_137 = tpu.memref_slice %arg2[%dma_start3A_135, %dma_start3A_136] : memref<10000x128xf32, #tpu.memory_space<hbm>> -> memref<10000x128xf32, #tpu.memory_space<hbm>>
        tpu.enqueue_indirect_dma source(%dma_start3A_137 : memref<10000x128xf32, #tpu.memory_space<hbm>>) target(%arg9 : memref<64x128xf32, #tpu.memory_space<vmem>>) offsets(%dma_start3A_134 : memref<64xi32, #tpu.memory_space<vmem>>) semaphore(%arg14 : memref<!tpu.dma_semaphore, #tpu.memory_space<semaphore_mem>>)
      } else {
      }
      %mul3A_74 = arith.constant 64 : i32
      %mul3A_75 = arith.muli %add3A_66, %mul3A_74 : i32
      %dma_wait3A_76 = tpu.memref_slice %arg7[%mul3A_75] : memref<10240xi32, #tpu.memory_space<vmem>> -> memref<64xi32, #tpu.memory_space<vmem>>
      %dma_wait3A_77 = arith.constant 0 : i32
      %dma_wait3A_78 = arith.constant 0 : i32
      %dma_wait3A_79 = tpu.memref_slice %arg2[%dma_wait3A_77, %dma_wait3A_78] : memref<10000x128xf32, #tpu.memory_space<hbm>> -> memref<10000x128xf32, #tpu.memory_space<hbm>>
      tpu.wait_indirect_dma semaphore(%arg15 : memref<!tpu.dma_semaphore, #tpu.memory_space<semaphore_mem>>) src(%dma_wait3A_79 : memref<10000x128xf32, #tpu.memory_space<hbm>>) dst(%arg10 : memref<64x128xf32, #tpu.memory_space<vmem>>)
      %mul3A_80 = arith.constant 4 : i32
      %mul3A_81 = arith.muli %mul3A_80, %scan3A_41 : i32
      %add3A_82 = arith.constant 1 : i32
      %add3A_83 = arith.addi %mul3A_81, %add3A_82 : i32
      "tpu.region"() ({
        %run_scoped3A = tpu.sem_alloc : memref<!tpu.dma_semaphore, #tpu.memory_space<semaphore_mem>>
        %dma_start3A_130 = arith.constant 0 : i32
        %dma_start3A_131 = tpu.memref_slice %arg8[%add3A_83, %dma_start3A_130] : memref<40x64xi32, #tpu.memory_space<vmem>> -> memref<1x64xi32, #tpu.memory_space<vmem>>
        %dma_start3A_132 = tpu.memref_squeeze %dma_start3A_131 : memref<1x64xi32, #tpu.memory_space<vmem>> -> memref<64xi32, #tpu.memory_space<vmem>>
        %dma_start3A_133 = arith.constant 0 : i32
        %dma_start3A_134 = arith.constant 0 : i32
        %dma_start3A_135 = tpu.memref_slice %arg13[%dma_start3A_133, %dma_start3A_134] : memref<10240x128xf32, #tpu.memory_space<vmem_shared>> -> memref<10240x128xf32, #tpu.memory_space<vmem_shared>>
        tpu.enqueue_indirect_dma source(%arg10 : memref<64x128xf32, #tpu.memory_space<vmem>>) target(%dma_start3A_135 : memref<10240x128xf32, #tpu.memory_space<vmem_shared>>) offsets(%dma_start3A_132 : memref<64xi32, #tpu.memory_space<vmem>>) semaphore(%run_scoped3A : memref<!tpu.dma_semaphore, #tpu.memory_space<semaphore_mem>>) {add = true}
        %dma_wait3A_136 = arith.constant 0 : i32
        %dma_wait3A_137 = tpu.memref_slice %arg8[%add3A_83, %dma_wait3A_136] : memref<40x64xi32, #tpu.memory_space<vmem>> -> memref<1x64xi32, #tpu.memory_space<vmem>>
        %dma_wait3A_138 = tpu.memref_squeeze %dma_wait3A_137 : memref<1x64xi32, #tpu.memory_space<vmem>> -> memref<64xi32, #tpu.memory_space<vmem>>
        %dma_wait3A_139 = arith.constant 0 : i32
        %dma_wait3A_140 = arith.constant 0 : i32
        %dma_wait3A_141 = tpu.memref_slice %arg13[%dma_wait3A_139, %dma_wait3A_140] : memref<10240x128xf32, #tpu.memory_space<vmem_shared>> -> memref<10240x128xf32, #tpu.memory_space<vmem_shared>>
        tpu.wait_indirect_dma semaphore(%run_scoped3A : memref<!tpu.dma_semaphore, #tpu.memory_space<semaphore_mem>>) src(%arg10 : memref<64x128xf32, #tpu.memory_space<vmem>>) dst(%dma_wait3A_141 : memref<10240x128xf32, #tpu.memory_space<vmem_shared>>)
        tpu.yield
      }) : () -> ()
      %mul3A_84 = arith.constant 4 : i32
      %mul3A_85 = arith.muli %mul3A_84, %scan3A_41 : i32
      %add3A_86 = arith.constant 80 : i32
      %add3A_87 = arith.addi %add3A_86, %mul3A_85 : i32
      %add3A_88 = arith.constant 2 : i32
      %add3A_89 = arith.addi %add3A_87, %add3A_88 : i32
      %add3A_90 = arith.constant 3 : i32
      %add3A_91 = arith.addi %add3A_89, %add3A_90 : i32
      %lt3A_92 = arith.constant 160 : i32
      %lt3A_93 = arith.cmpi slt, %add3A_91, %lt3A_92 : i32
      %convert_element_type3A_94 = arith.extui %lt3A_93 : i1 to i32
      %cond3A_95 = arith.constant 0 : i32
      %cond3A_96 = arith.cmpi ne, %convert_element_type3A_94, %cond3A_95 : i32
      scf.if %cond3A_96 {
        %add3A_130 = arith.constant 3 : i32
        %add3A_131 = arith.addi %add3A_89, %add3A_130 : i32
        %mul3A_132 = arith.constant 64 : i32
        %mul3A_133 = arith.muli %add3A_131, %mul3A_132 : i32
        %dma_start3A_134 = tpu.memref_slice %arg7[%mul3A_133] : memref<10240xi32, #tpu.memory_space<vmem>> -> memref<64xi32, #tpu.memory_space<vmem>>
        %dma_start3A_135 = arith.constant 0 : i32
        %dma_start3A_136 = arith.constant 0 : i32
        %dma_start3A_137 = tpu.memref_slice %arg2[%dma_start3A_135, %dma_start3A_136] : memref<10000x128xf32, #tpu.memory_space<hbm>> -> memref<10000x128xf32, #tpu.memory_space<hbm>>
        tpu.enqueue_indirect_dma source(%dma_start3A_137 : memref<10000x128xf32, #tpu.memory_space<hbm>>) target(%arg10 : memref<64x128xf32, #tpu.memory_space<vmem>>) offsets(%dma_start3A_134 : memref<64xi32, #tpu.memory_space<vmem>>) semaphore(%arg15 : memref<!tpu.dma_semaphore, #tpu.memory_space<semaphore_mem>>)
      } else {
      }
      %mul3A_97 = arith.constant 64 : i32
      %mul3A_98 = arith.muli %add3A_89, %mul3A_97 : i32
      %dma_wait3A_99 = tpu.memref_slice %arg7[%mul3A_98] : memref<10240xi32, #tpu.memory_space<vmem>> -> memref<64xi32, #tpu.memory_space<vmem>>
      %dma_wait3A_100 = arith.constant 0 : i32
      %dma_wait3A_101 = arith.constant 0 : i32
      %dma_wait3A_102 = tpu.memref_slice %arg2[%dma_wait3A_100, %dma_wait3A_101] : memref<10000x128xf32, #tpu.memory_space<hbm>> -> memref<10000x128xf32, #tpu.memory_space<hbm>>
      tpu.wait_indirect_dma semaphore(%arg16 : memref<!tpu.dma_semaphore, #tpu.memory_space<semaphore_mem>>) src(%dma_wait3A_102 : memref<10000x128xf32, #tpu.memory_space<hbm>>) dst(%arg11 : memref<64x128xf32, #tpu.memory_space<vmem>>)
      %mul3A_103 = arith.constant 4 : i32
      %mul3A_104 = arith.muli %mul3A_103, %scan3A_41 : i32
      %add3A_105 = arith.constant 2 : i32
      %add3A_106 = arith.addi %mul3A_104, %add3A_105 : i32
      "tpu.region"() ({
        %run_scoped3A = tpu.sem_alloc : memref<!tpu.dma_semaphore, #tpu.memory_space<semaphore_mem>>
        %dma_start3A_130 = arith.constant 0 : i32
        %dma_start3A_131 = tpu.memref_slice %arg8[%add3A_106, %dma_start3A_130] : memref<40x64xi32, #tpu.memory_space<vmem>> -> memref<1x64xi32, #tpu.memory_space<vmem>>
        %dma_start3A_132 = tpu.memref_squeeze %dma_start3A_131 : memref<1x64xi32, #tpu.memory_space<vmem>> -> memref<64xi32, #tpu.memory_space<vmem>>
        %dma_start3A_133 = arith.constant 0 : i32
        %dma_start3A_134 = arith.constant 0 : i32
        %dma_start3A_135 = tpu.memref_slice %arg13[%dma_start3A_133, %dma_start3A_134] : memref<10240x128xf32, #tpu.memory_space<vmem_shared>> -> memref<10240x128xf32, #tpu.memory_space<vmem_shared>>
        tpu.enqueue_indirect_dma source(%arg11 : memref<64x128xf32, #tpu.memory_space<vmem>>) target(%dma_start3A_135 : memref<10240x128xf32, #tpu.memory_space<vmem_shared>>) offsets(%dma_start3A_132 : memref<64xi32, #tpu.memory_space<vmem>>) semaphore(%run_scoped3A : memref<!tpu.dma_semaphore, #tpu.memory_space<semaphore_mem>>) {add = true}
        %dma_wait3A_136 = arith.constant 0 : i32
        %dma_wait3A_137 = tpu.memref_slice %arg8[%add3A_106, %dma_wait3A_136] : memref<40x64xi32, #tpu.memory_space<vmem>> -> memref<1x64xi32, #tpu.memory_space<vmem>>
        %dma_wait3A_138 = tpu.memref_squeeze %dma_wait3A_137 : memref<1x64xi32, #tpu.memory_space<vmem>> -> memref<64xi32, #tpu.memory_space<vmem>>
        %dma_wait3A_139 = arith.constant 0 : i32
        %dma_wait3A_140 = arith.constant 0 : i32
        %dma_wait3A_141 = tpu.memref_slice %arg13[%dma_wait3A_139, %dma_wait3A_140] : memref<10240x128xf32, #tpu.memory_space<vmem_shared>> -> memref<10240x128xf32, #tpu.memory_space<vmem_shared>>
        tpu.wait_indirect_dma semaphore(%run_scoped3A : memref<!tpu.dma_semaphore, #tpu.memory_space<semaphore_mem>>) src(%arg11 : memref<64x128xf32, #tpu.memory_space<vmem>>) dst(%dma_wait3A_141 : memref<10240x128xf32, #tpu.memory_space<vmem_shared>>)
        tpu.yield
      }) : () -> ()
      %mul3A_107 = arith.constant 4 : i32
      %mul3A_108 = arith.muli %mul3A_107, %scan3A_41 : i32
      %add3A_109 = arith.constant 80 : i32
      %add3A_110 = arith.addi %add3A_109, %mul3A_108 : i32
      %add3A_111 = arith.constant 3 : i32
      %add3A_112 = arith.addi %add3A_110, %add3A_111 : i32
      %add3A_113 = arith.constant 3 : i32
      %add3A_114 = arith.addi %add3A_112, %add3A_113 : i32
      %lt3A_115 = arith.constant 160 : i32
      %lt3A_116 = arith.cmpi slt, %add3A_114, %lt3A_115 : i32
      %convert_element_type3A_117 = arith.extui %lt3A_116 : i1 to i32
      %cond3A_118 = arith.constant 0 : i32
      %cond3A_119 = arith.cmpi ne, %convert_element_type3A_117, %cond3A_118 : i32
      scf.if %cond3A_119 {
        %add3A_130 = arith.constant 3 : i32
        %add3A_131 = arith.addi %add3A_112, %add3A_130 : i32
        %mul3A_132 = arith.constant 64 : i32
        %mul3A_133 = arith.muli %add3A_131, %mul3A_132 : i32
        %dma_start3A_134 = tpu.memref_slice %arg7[%mul3A_133] : memref<10240xi32, #tpu.memory_space<vmem>> -> memref<64xi32, #tpu.memory_space<vmem>>
        %dma_start3A_135 = arith.constant 0 : i32
        %dma_start3A_136 = arith.constant 0 : i32
        %dma_start3A_137 = tpu.memref_slice %arg2[%dma_start3A_135, %dma_start3A_136] : memref<10000x128xf32, #tpu.memory_space<hbm>> -> memref<10000x128xf32, #tpu.memory_space<hbm>>
        tpu.enqueue_indirect_dma source(%dma_start3A_137 : memref<10000x128xf32, #tpu.memory_space<hbm>>) target(%arg11 : memref<64x128xf32, #tpu.memory_space<vmem>>) offsets(%dma_start3A_134 : memref<64xi32, #tpu.memory_space<vmem>>) semaphore(%arg16 : memref<!tpu.dma_semaphore, #tpu.memory_space<semaphore_mem>>)
      } else {
      }
      %mul3A_120 = arith.constant 64 : i32
      %mul3A_121 = arith.muli %add3A_112, %mul3A_120 : i32
      %dma_wait3A_122 = tpu.memref_slice %arg7[%mul3A_121] : memref<10240xi32, #tpu.memory_space<vmem>> -> memref<64xi32, #tpu.memory_space<vmem>>
      %dma_wait3A_123 = arith.constant 0 : i32
      %dma_wait3A_124 = arith.constant 0 : i32
      %dma_wait3A_125 = tpu.memref_slice %arg2[%dma_wait3A_123, %dma_wait3A_124] : memref<10000x128xf32, #tpu.memory_space<hbm>> -> memref<10000x128xf32, #tpu.memory_space<hbm>>
      tpu.wait_indirect_dma semaphore(%arg17 : memref<!tpu.dma_semaphore, #tpu.memory_space<semaphore_mem>>) src(%dma_wait3A_125 : memref<10000x128xf32, #tpu.memory_space<hbm>>) dst(%arg12 : memref<64x128xf32, #tpu.memory_space<vmem>>)
      %mul3A_126 = arith.constant 4 : i32
      %mul3A_127 = arith.muli %mul3A_126, %scan3A_41 : i32
      %add3A_128 = arith.constant 3 : i32
      %add3A_129 = arith.addi %mul3A_127, %add3A_128 : i32
      "tpu.region"() ({
        %run_scoped3A = tpu.sem_alloc : memref<!tpu.dma_semaphore, #tpu.memory_space<semaphore_mem>>
        %dma_start3A_130 = arith.constant 0 : i32
        %dma_start3A_131 = tpu.memref_slice %arg8[%add3A_129, %dma_start3A_130] : memref<40x64xi32, #tpu.memory_space<vmem>> -> memref<1x64xi32, #tpu.memory_space<vmem>>
        %dma_start3A_132 = tpu.memref_squeeze %dma_start3A_131 : memref<1x64xi32, #tpu.memory_space<vmem>> -> memref<64xi32, #tpu.memory_space<vmem>>
        %dma_start3A_133 = arith.constant 0 : i32
        %dma_start3A_134 = arith.constant 0 : i32
        %dma_start3A_135 = tpu.memref_slice %arg13[%dma_start3A_133, %dma_start3A_134] : memref<10240x128xf32, #tpu.memory_space<vmem_shared>> -> memref<10240x128xf32, #tpu.memory_space<vmem_shared>>
        tpu.enqueue_indirect_dma source(%arg12 : memref<64x128xf32, #tpu.memory_space<vmem>>) target(%dma_start3A_135 : memref<10240x128xf32, #tpu.memory_space<vmem_shared>>) offsets(%dma_start3A_132 : memref<64xi32, #tpu.memory_space<vmem>>) semaphore(%run_scoped3A : memref<!tpu.dma_semaphore, #tpu.memory_space<semaphore_mem>>) {add = true}
        %dma_wait3A_136 = arith.constant 0 : i32
        %dma_wait3A_137 = tpu.memref_slice %arg8[%add3A_129, %dma_wait3A_136] : memref<40x64xi32, #tpu.memory_space<vmem>> -> memref<1x64xi32, #tpu.memory_space<vmem>>
        %dma_wait3A_138 = tpu.memref_squeeze %dma_wait3A_137 : memref<1x64xi32, #tpu.memory_space<vmem>> -> memref<64xi32, #tpu.memory_space<vmem>>
        %dma_wait3A_139 = arith.constant 0 : i32
        %dma_wait3A_140 = arith.constant 0 : i32
        %dma_wait3A_141 = tpu.memref_slice %arg13[%dma_wait3A_139, %dma_wait3A_140] : memref<10240x128xf32, #tpu.memory_space<vmem_shared>> -> memref<10240x128xf32, #tpu.memory_space<vmem_shared>>
        tpu.wait_indirect_dma semaphore(%run_scoped3A : memref<!tpu.dma_semaphore, #tpu.memory_space<semaphore_mem>>) src(%arg12 : memref<64x128xf32, #tpu.memory_space<vmem>>) dst(%dma_wait3A_141 : memref<10240x128xf32, #tpu.memory_space<vmem_shared>>)
        tpu.yield
      }) : () -> ()
    }
    %scan3A_33 = arith.constant 10 : i32
    "tpu.region"() ({
      %run_scoped3A = tpu.sem_alloc : memref<!tpu.dma_semaphore, #tpu.memory_space<semaphore_mem>>
      %dma_start3A_41 = arith.constant 120 : i32
      %dma_start3A_42 = arith.constant 0 : i32
      %dma_start3A_43 = tpu.memref_slice %arg4[%add3A, %dma_start3A_41, %dma_start3A_42] : memref<32x160x64xi32, #tpu.memory_space<hbm>> -> memref<1x40x64xi32, #tpu.memory_space<hbm>>
      %dma_start3A_44 = tpu.memref_squeeze %dma_start3A_43 : memref<1x40x64xi32, #tpu.memory_space<hbm>> -> memref<40x64xi32, #tpu.memory_space<hbm>>
      %dma_start3A_45 = arith.constant 120 : i32
      %dma_start3A_46 = arith.constant 0 : i32
      %dma_start3A_47 = tpu.memref_slice %arg4[%add3A, %dma_start3A_45, %dma_start3A_46] : memref<32x160x64xi32, #tpu.memory_space<hbm>> -> memref<1x40x64xi32, #tpu.memory_space<hbm>>
      %dma_start3A_48 = tpu.memref_squeeze %dma_start3A_47 : memref<1x40x64xi32, #tpu.memory_space<hbm>> -> memref<40x64xi32, #tpu.memory_space<hbm>>
      tpu.enqueue_dma source(%dma_start3A_48 : memref<40x64xi32, #tpu.memory_space<hbm>>) target(%arg8 : memref<40x64xi32, #tpu.memory_space<vmem>>) target_semaphore(%run_scoped3A : memref<!tpu.dma_semaphore, #tpu.memory_space<semaphore_mem>>)
      %dma_wait3A = arith.constant 120 : i32
      %dma_wait3A_49 = arith.constant 0 : i32
      %dma_wait3A_50 = tpu.memref_slice %arg4[%add3A, %dma_wait3A, %dma_wait3A_49] : memref<32x160x64xi32, #tpu.memory_space<hbm>> -> memref<1x40x64xi32, #tpu.memory_space<hbm>>
      %dma_wait3A_51 = tpu.memref_squeeze %dma_wait3A_50 : memref<1x40x64xi32, #tpu.memory_space<hbm>> -> memref<40x64xi32, #tpu.memory_space<hbm>>
      %dma_wait3A_52 = arith.constant 120 : i32
      %dma_wait3A_53 = arith.constant 0 : i32
      %dma_wait3A_54 = tpu.memref_slice %arg4[%add3A, %dma_wait3A_52, %dma_wait3A_53] : memref<32x160x64xi32, #tpu.memory_space<hbm>> -> memref<1x40x64xi32, #tpu.memory_space<hbm>>
      %dma_wait3A_55 = tpu.memref_squeeze %dma_wait3A_54 : memref<1x40x64xi32, #tpu.memory_space<hbm>> -> memref<40x64xi32, #tpu.memory_space<hbm>>
      tpu.wait_dma2 semaphore(%run_scoped3A : memref<!tpu.dma_semaphore, #tpu.memory_space<semaphore_mem>>) src(%dma_wait3A_55 : memref<40x64xi32, #tpu.memory_space<hbm>>) dst(%arg8 : memref<40x64xi32, #tpu.memory_space<vmem>>)
      tpu.yield
    }) : () -> ()
    %scan3A_34 = arith.constant 0 : i32
    %scan3A_35 = arith.constant 0 : i32
    %scan3A_36 = arith.constant 10 : i32
    %scan3A_37 = arith.addi %scan3A_35, %scan3A_36 : i32
    %scan3A_38 = arith.constant 1 : i32
    scf.for %scan3A_41 = %scan3A_35 to %scan3A_37 step %scan3A_38  : i32 {
      %mul3A_42 = arith.constant 4 : i32
      %mul3A_43 = arith.muli %mul3A_42, %scan3A_41 : i32
      %add3A_44 = arith.constant 120 : i32
      %add3A_45 = arith.addi %add3A_44, %mul3A_43 : i32
      %add3A_46 = arith.constant 0 : i32
      %add3A_47 = arith.addi %add3A_45, %add3A_46 : i32
      %add3A_48 = arith.constant 3 : i32
      %add3A_49 = arith.addi %add3A_47, %add3A_48 : i32
      %lt3A = arith.constant 160 : i32
      %lt3A_50 = arith.cmpi slt, %add3A_49, %lt3A : i32
      %convert_element_type3A = arith.extui %lt3A_50 : i1 to i32
      %cond3A = arith.constant 0 : i32
      %cond3A_51 = arith.cmpi ne, %convert_element_type3A, %cond3A : i32
      scf.if %cond3A_51 {
        %add3A_130 = arith.constant 3 : i32
        %add3A_131 = arith.addi %add3A_47, %add3A_130 : i32
        %mul3A_132 = arith.constant 64 : i32
        %mul3A_133 = arith.muli %add3A_131, %mul3A_132 : i32
        %dma_start3A_134 = tpu.memref_slice %arg7[%mul3A_133] : memref<10240xi32, #tpu.memory_space<vmem>> -> memref<64xi32, #tpu.memory_space<vmem>>
        %dma_start3A_135 = arith.constant 0 : i32
        %dma_start3A_136 = arith.constant 0 : i32
        %dma_start3A_137 = tpu.memref_slice %arg2[%dma_start3A_135, %dma_start3A_136] : memref<10000x128xf32, #tpu.memory_space<hbm>> -> memref<10000x128xf32, #tpu.memory_space<hbm>>
        tpu.enqueue_indirect_dma source(%dma_start3A_137 : memref<10000x128xf32, #tpu.memory_space<hbm>>) target(%arg12 : memref<64x128xf32, #tpu.memory_space<vmem>>) offsets(%dma_start3A_134 : memref<64xi32, #tpu.memory_space<vmem>>) semaphore(%arg17 : memref<!tpu.dma_semaphore, #tpu.memory_space<semaphore_mem>>)
      } else {
      }
      %mul3A_52 = arith.constant 64 : i32
      %mul3A_53 = arith.muli %add3A_47, %mul3A_52 : i32
      %dma_wait3A = tpu.memref_slice %arg7[%mul3A_53] : memref<10240xi32, #tpu.memory_space<vmem>> -> memref<64xi32, #tpu.memory_space<vmem>>
      %dma_wait3A_54 = arith.constant 0 : i32
      %dma_wait3A_55 = arith.constant 0 : i32
      %dma_wait3A_56 = tpu.memref_slice %arg2[%dma_wait3A_54, %dma_wait3A_55] : memref<10000x128xf32, #tpu.memory_space<hbm>> -> memref<10000x128xf32, #tpu.memory_space<hbm>>
      tpu.wait_indirect_dma semaphore(%arg14 : memref<!tpu.dma_semaphore, #tpu.memory_space<semaphore_mem>>) src(%dma_wait3A_56 : memref<10000x128xf32, #tpu.memory_space<hbm>>) dst(%arg9 : memref<64x128xf32, #tpu.memory_space<vmem>>)
      %mul3A_57 = arith.constant 4 : i32
      %mul3A_58 = arith.muli %mul3A_57, %scan3A_41 : i32
      %add3A_59 = arith.constant 0 : i32
      %add3A_60 = arith.addi %mul3A_58, %add3A_59 : i32
      "tpu.region"() ({
        %run_scoped3A = tpu.sem_alloc : memref<!tpu.dma_semaphore, #tpu.memory_space<semaphore_mem>>
        %dma_start3A_130 = arith.constant 0 : i32
        %dma_start3A_131 = tpu.memref_slice %arg8[%add3A_60, %dma_start3A_130] : memref<40x64xi32, #tpu.memory_space<vmem>> -> memref<1x64xi32, #tpu.memory_space<vmem>>
        %dma_start3A_132 = tpu.memref_squeeze %dma_start3A_131 : memref<1x64xi32, #tpu.memory_space<vmem>> -> memref<64xi32, #tpu.memory_space<vmem>>
        %dma_start3A_133 = arith.constant 0 : i32
        %dma_start3A_134 = arith.constant 0 : i32
        %dma_start3A_135 = tpu.memref_slice %arg13[%dma_start3A_133, %dma_start3A_134] : memref<10240x128xf32, #tpu.memory_space<vmem_shared>> -> memref<10240x128xf32, #tpu.memory_space<vmem_shared>>
        tpu.enqueue_indirect_dma source(%arg9 : memref<64x128xf32, #tpu.memory_space<vmem>>) target(%dma_start3A_135 : memref<10240x128xf32, #tpu.memory_space<vmem_shared>>) offsets(%dma_start3A_132 : memref<64xi32, #tpu.memory_space<vmem>>) semaphore(%run_scoped3A : memref<!tpu.dma_semaphore, #tpu.memory_space<semaphore_mem>>) {add = true}
        %dma_wait3A_136 = arith.constant 0 : i32
        %dma_wait3A_137 = tpu.memref_slice %arg8[%add3A_60, %dma_wait3A_136] : memref<40x64xi32, #tpu.memory_space<vmem>> -> memref<1x64xi32, #tpu.memory_space<vmem>>
        %dma_wait3A_138 = tpu.memref_squeeze %dma_wait3A_137 : memref<1x64xi32, #tpu.memory_space<vmem>> -> memref<64xi32, #tpu.memory_space<vmem>>
        %dma_wait3A_139 = arith.constant 0 : i32
        %dma_wait3A_140 = arith.constant 0 : i32
        %dma_wait3A_141 = tpu.memref_slice %arg13[%dma_wait3A_139, %dma_wait3A_140] : memref<10240x128xf32, #tpu.memory_space<vmem_shared>> -> memref<10240x128xf32, #tpu.memory_space<vmem_shared>>
        tpu.wait_indirect_dma semaphore(%run_scoped3A : memref<!tpu.dma_semaphore, #tpu.memory_space<semaphore_mem>>) src(%arg9 : memref<64x128xf32, #tpu.memory_space<vmem>>) dst(%dma_wait3A_141 : memref<10240x128xf32, #tpu.memory_space<vmem_shared>>)
        tpu.yield
      }) : () -> ()
      %mul3A_61 = arith.constant 4 : i32
      %mul3A_62 = arith.muli %mul3A_61, %scan3A_41 : i32
      %add3A_63 = arith.constant 120 : i32
      %add3A_64 = arith.addi %add3A_63, %mul3A_62 : i32
      %add3A_65 = arith.constant 1 : i32
      %add3A_66 = arith.addi %add3A_64, %add3A_65 : i32
      %add3A_67 = arith.constant 3 : i32
      %add3A_68 = arith.addi %add3A_66, %add3A_67 : i32
      %lt3A_69 = arith.constant 160 : i32
      %lt3A_70 = arith.cmpi slt, %add3A_68, %lt3A_69 : i32
      %convert_element_type3A_71 = arith.extui %lt3A_70 : i1 to i32
      %cond3A_72 = arith.constant 0 : i32
      %cond3A_73 = arith.cmpi ne, %convert_element_type3A_71, %cond3A_72 : i32
      scf.if %cond3A_73 {
        %add3A_130 = arith.constant 3 : i32
        %add3A_131 = arith.addi %add3A_66, %add3A_130 : i32
        %mul3A_132 = arith.constant 64 : i32
        %mul3A_133 = arith.muli %add3A_131, %mul3A_132 : i32
        %dma_start3A_134 = tpu.memref_slice %arg7[%mul3A_133] : memref<10240xi32, #tpu.memory_space<vmem>> -> memref<64xi32, #tpu.memory_space<vmem>>
        %dma_start3A_135 = arith.constant 0 : i32
        %dma_start3A_136 = arith.constant 0 : i32
        %dma_start3A_137 = tpu.memref_slice %arg2[%dma_start3A_135, %dma_start3A_136] : memref<10000x128xf32, #tpu.memory_space<hbm>> -> memref<10000x128xf32, #tpu.memory_space<hbm>>
        tpu.enqueue_indirect_dma source(%dma_start3A_137 : memref<10000x128xf32, #tpu.memory_space<hbm>>) target(%arg9 : memref<64x128xf32, #tpu.memory_space<vmem>>) offsets(%dma_start3A_134 : memref<64xi32, #tpu.memory_space<vmem>>) semaphore(%arg14 : memref<!tpu.dma_semaphore, #tpu.memory_space<semaphore_mem>>)
      } else {
      }
      %mul3A_74 = arith.constant 64 : i32
      %mul3A_75 = arith.muli %add3A_66, %mul3A_74 : i32
      %dma_wait3A_76 = tpu.memref_slice %arg7[%mul3A_75] : memref<10240xi32, #tpu.memory_space<vmem>> -> memref<64xi32, #tpu.memory_space<vmem>>
      %dma_wait3A_77 = arith.constant 0 : i32
      %dma_wait3A_78 = arith.constant 0 : i32
      %dma_wait3A_79 = tpu.memref_slice %arg2[%dma_wait3A_77, %dma_wait3A_78] : memref<10000x128xf32, #tpu.memory_space<hbm>> -> memref<10000x128xf32, #tpu.memory_space<hbm>>
      tpu.wait_indirect_dma semaphore(%arg15 : memref<!tpu.dma_semaphore, #tpu.memory_space<semaphore_mem>>) src(%dma_wait3A_79 : memref<10000x128xf32, #tpu.memory_space<hbm>>) dst(%arg10 : memref<64x128xf32, #tpu.memory_space<vmem>>)
      %mul3A_80 = arith.constant 4 : i32
      %mul3A_81 = arith.muli %mul3A_80, %scan3A_41 : i32
      %add3A_82 = arith.constant 1 : i32
      %add3A_83 = arith.addi %mul3A_81, %add3A_82 : i32
      "tpu.region"() ({
        %run_scoped3A = tpu.sem_alloc : memref<!tpu.dma_semaphore, #tpu.memory_space<semaphore_mem>>
        %dma_start3A_130 = arith.constant 0 : i32
        %dma_start3A_131 = tpu.memref_slice %arg8[%add3A_83, %dma_start3A_130] : memref<40x64xi32, #tpu.memory_space<vmem>> -> memref<1x64xi32, #tpu.memory_space<vmem>>
        %dma_start3A_132 = tpu.memref_squeeze %dma_start3A_131 : memref<1x64xi32, #tpu.memory_space<vmem>> -> memref<64xi32, #tpu.memory_space<vmem>>
        %dma_start3A_133 = arith.constant 0 : i32
        %dma_start3A_134 = arith.constant 0 : i32
        %dma_start3A_135 = tpu.memref_slice %arg13[%dma_start3A_133, %dma_start3A_134] : memref<10240x128xf32, #tpu.memory_space<vmem_shared>> -> memref<10240x128xf32, #tpu.memory_space<vmem_shared>>
        tpu.enqueue_indirect_dma source(%arg10 : memref<64x128xf32, #tpu.memory_space<vmem>>) target(%dma_start3A_135 : memref<10240x128xf32, #tpu.memory_space<vmem_shared>>) offsets(%dma_start3A_132 : memref<64xi32, #tpu.memory_space<vmem>>) semaphore(%run_scoped3A : memref<!tpu.dma_semaphore, #tpu.memory_space<semaphore_mem>>) {add = true}
        %dma_wait3A_136 = arith.constant 0 : i32
        %dma_wait3A_137 = tpu.memref_slice %arg8[%add3A_83, %dma_wait3A_136] : memref<40x64xi32, #tpu.memory_space<vmem>> -> memref<1x64xi32, #tpu.memory_space<vmem>>
        %dma_wait3A_138 = tpu.memref_squeeze %dma_wait3A_137 : memref<1x64xi32, #tpu.memory_space<vmem>> -> memref<64xi32, #tpu.memory_space<vmem>>
        %dma_wait3A_139 = arith.constant 0 : i32
        %dma_wait3A_140 = arith.constant 0 : i32
        %dma_wait3A_141 = tpu.memref_slice %arg13[%dma_wait3A_139, %dma_wait3A_140] : memref<10240x128xf32, #tpu.memory_space<vmem_shared>> -> memref<10240x128xf32, #tpu.memory_space<vmem_shared>>
        tpu.wait_indirect_dma semaphore(%run_scoped3A : memref<!tpu.dma_semaphore, #tpu.memory_space<semaphore_mem>>) src(%arg10 : memref<64x128xf32, #tpu.memory_space<vmem>>) dst(%dma_wait3A_141 : memref<10240x128xf32, #tpu.memory_space<vmem_shared>>)
        tpu.yield
      }) : () -> ()
      %mul3A_84 = arith.constant 4 : i32
      %mul3A_85 = arith.muli %mul3A_84, %scan3A_41 : i32
      %add3A_86 = arith.constant 120 : i32
      %add3A_87 = arith.addi %add3A_86, %mul3A_85 : i32
      %add3A_88 = arith.constant 2 : i32
      %add3A_89 = arith.addi %add3A_87, %add3A_88 : i32
      %add3A_90 = arith.constant 3 : i32
      %add3A_91 = arith.addi %add3A_89, %add3A_90 : i32
      %lt3A_92 = arith.constant 160 : i32
      %lt3A_93 = arith.cmpi slt, %add3A_91, %lt3A_92 : i32
      %convert_element_type3A_94 = arith.extui %lt3A_93 : i1 to i32
      %cond3A_95 = arith.constant 0 : i32
      %cond3A_96 = arith.cmpi ne, %convert_element_type3A_94, %cond3A_95 : i32
      scf.if %cond3A_96 {
        %add3A_130 = arith.constant 3 : i32
        %add3A_131 = arith.addi %add3A_89, %add3A_130 : i32
        %mul3A_132 = arith.constant 64 : i32
        %mul3A_133 = arith.muli %add3A_131, %mul3A_132 : i32
        %dma_start3A_134 = tpu.memref_slice %arg7[%mul3A_133] : memref<10240xi32, #tpu.memory_space<vmem>> -> memref<64xi32, #tpu.memory_space<vmem>>
        %dma_start3A_135 = arith.constant 0 : i32
        %dma_start3A_136 = arith.constant 0 : i32
        %dma_start3A_137 = tpu.memref_slice %arg2[%dma_start3A_135, %dma_start3A_136] : memref<10000x128xf32, #tpu.memory_space<hbm>> -> memref<10000x128xf32, #tpu.memory_space<hbm>>
        tpu.enqueue_indirect_dma source(%dma_start3A_137 : memref<10000x128xf32, #tpu.memory_space<hbm>>) target(%arg10 : memref<64x128xf32, #tpu.memory_space<vmem>>) offsets(%dma_start3A_134 : memref<64xi32, #tpu.memory_space<vmem>>) semaphore(%arg15 : memref<!tpu.dma_semaphore, #tpu.memory_space<semaphore_mem>>)
      } else {
      }
      %mul3A_97 = arith.constant 64 : i32
      %mul3A_98 = arith.muli %add3A_89, %mul3A_97 : i32
      %dma_wait3A_99 = tpu.memref_slice %arg7[%mul3A_98] : memref<10240xi32, #tpu.memory_space<vmem>> -> memref<64xi32, #tpu.memory_space<vmem>>
      %dma_wait3A_100 = arith.constant 0 : i32
      %dma_wait3A_101 = arith.constant 0 : i32
      %dma_wait3A_102 = tpu.memref_slice %arg2[%dma_wait3A_100, %dma_wait3A_101] : memref<10000x128xf32, #tpu.memory_space<hbm>> -> memref<10000x128xf32, #tpu.memory_space<hbm>>
      tpu.wait_indirect_dma semaphore(%arg16 : memref<!tpu.dma_semaphore, #tpu.memory_space<semaphore_mem>>) src(%dma_wait3A_102 : memref<10000x128xf32, #tpu.memory_space<hbm>>) dst(%arg11 : memref<64x128xf32, #tpu.memory_space<vmem>>)
      %mul3A_103 = arith.constant 4 : i32
      %mul3A_104 = arith.muli %mul3A_103, %scan3A_41 : i32
      %add3A_105 = arith.constant 2 : i32
      %add3A_106 = arith.addi %mul3A_104, %add3A_105 : i32
      "tpu.region"() ({
        %run_scoped3A = tpu.sem_alloc : memref<!tpu.dma_semaphore, #tpu.memory_space<semaphore_mem>>
        %dma_start3A_130 = arith.constant 0 : i32
        %dma_start3A_131 = tpu.memref_slice %arg8[%add3A_106, %dma_start3A_130] : memref<40x64xi32, #tpu.memory_space<vmem>> -> memref<1x64xi32, #tpu.memory_space<vmem>>
        %dma_start3A_132 = tpu.memref_squeeze %dma_start3A_131 : memref<1x64xi32, #tpu.memory_space<vmem>> -> memref<64xi32, #tpu.memory_space<vmem>>
        %dma_start3A_133 = arith.constant 0 : i32
        %dma_start3A_134 = arith.constant 0 : i32
        %dma_start3A_135 = tpu.memref_slice %arg13[%dma_start3A_133, %dma_start3A_134] : memref<10240x128xf32, #tpu.memory_space<vmem_shared>> -> memref<10240x128xf32, #tpu.memory_space<vmem_shared>>
        tpu.enqueue_indirect_dma source(%arg11 : memref<64x128xf32, #tpu.memory_space<vmem>>) target(%dma_start3A_135 : memref<10240x128xf32, #tpu.memory_space<vmem_shared>>) offsets(%dma_start3A_132 : memref<64xi32, #tpu.memory_space<vmem>>) semaphore(%run_scoped3A : memref<!tpu.dma_semaphore, #tpu.memory_space<semaphore_mem>>) {add = true}
        %dma_wait3A_136 = arith.constant 0 : i32
        %dma_wait3A_137 = tpu.memref_slice %arg8[%add3A_106, %dma_wait3A_136] : memref<40x64xi32, #tpu.memory_space<vmem>> -> memref<1x64xi32, #tpu.memory_space<vmem>>
        %dma_wait3A_138 = tpu.memref_squeeze %dma_wait3A_137 : memref<1x64xi32, #tpu.memory_space<vmem>> -> memref<64xi32, #tpu.memory_space<vmem>>
        %dma_wait3A_139 = arith.constant 0 : i32
        %dma_wait3A_140 = arith.constant 0 : i32
        %dma_wait3A_141 = tpu.memref_slice %arg13[%dma_wait3A_139, %dma_wait3A_140] : memref<10240x128xf32, #tpu.memory_space<vmem_shared>> -> memref<10240x128xf32, #tpu.memory_space<vmem_shared>>
        tpu.wait_indirect_dma semaphore(%run_scoped3A : memref<!tpu.dma_semaphore, #tpu.memory_space<semaphore_mem>>) src(%arg11 : memref<64x128xf32, #tpu.memory_space<vmem>>) dst(%dma_wait3A_141 : memref<10240x128xf32, #tpu.memory_space<vmem_shared>>)
        tpu.yield
      }) : () -> ()
      %mul3A_107 = arith.constant 4 : i32
      %mul3A_108 = arith.muli %mul3A_107, %scan3A_41 : i32
      %add3A_109 = arith.constant 120 : i32
      %add3A_110 = arith.addi %add3A_109, %mul3A_108 : i32
      %add3A_111 = arith.constant 3 : i32
      %add3A_112 = arith.addi %add3A_110, %add3A_111 : i32
      %add3A_113 = arith.constant 3 : i32
      %add3A_114 = arith.addi %add3A_112, %add3A_113 : i32
      %lt3A_115 = arith.constant 160 : i32
      %lt3A_116 = arith.cmpi slt, %add3A_114, %lt3A_115 : i32
      %convert_element_type3A_117 = arith.extui %lt3A_116 : i1 to i32
      %cond3A_118 = arith.constant 0 : i32
      %cond3A_119 = arith.cmpi ne, %convert_element_type3A_117, %cond3A_118 : i32
      scf.if %cond3A_119 {
        %add3A_130 = arith.constant 3 : i32
        %add3A_131 = arith.addi %add3A_112, %add3A_130 : i32
        %mul3A_132 = arith.constant 64 : i32
        %mul3A_133 = arith.muli %add3A_131, %mul3A_132 : i32
        %dma_start3A_134 = tpu.memref_slice %arg7[%mul3A_133] : memref<10240xi32, #tpu.memory_space<vmem>> -> memref<64xi32, #tpu.memory_space<vmem>>
        %dma_start3A_135 = arith.constant 0 : i32
        %dma_start3A_136 = arith.constant 0 : i32
        %dma_start3A_137 = tpu.memref_slice %arg2[%dma_start3A_135, %dma_start3A_136] : memref<10000x128xf32, #tpu.memory_space<hbm>> -> memref<10000x128xf32, #tpu.memory_space<hbm>>
        tpu.enqueue_indirect_dma source(%dma_start3A_137 : memref<10000x128xf32, #tpu.memory_space<hbm>>) target(%arg11 : memref<64x128xf32, #tpu.memory_space<vmem>>) offsets(%dma_start3A_134 : memref<64xi32, #tpu.memory_space<vmem>>) semaphore(%arg16 : memref<!tpu.dma_semaphore, #tpu.memory_space<semaphore_mem>>)
      } else {
      }
      %mul3A_120 = arith.constant 64 : i32
      %mul3A_121 = arith.muli %add3A_112, %mul3A_120 : i32
      %dma_wait3A_122 = tpu.memref_slice %arg7[%mul3A_121] : memref<10240xi32, #tpu.memory_space<vmem>> -> memref<64xi32, #tpu.memory_space<vmem>>
      %dma_wait3A_123 = arith.constant 0 : i32
      %dma_wait3A_124 = arith.constant 0 : i32
      %dma_wait3A_125 = tpu.memref_slice %arg2[%dma_wait3A_123, %dma_wait3A_124] : memref<10000x128xf32, #tpu.memory_space<hbm>> -> memref<10000x128xf32, #tpu.memory_space<hbm>>
      tpu.wait_indirect_dma semaphore(%arg17 : memref<!tpu.dma_semaphore, #tpu.memory_space<semaphore_mem>>) src(%dma_wait3A_125 : memref<10000x128xf32, #tpu.memory_space<hbm>>) dst(%arg12 : memref<64x128xf32, #tpu.memory_space<vmem>>)
      %mul3A_126 = arith.constant 4 : i32
      %mul3A_127 = arith.muli %mul3A_126, %scan3A_41 : i32
      %add3A_128 = arith.constant 3 : i32
      %add3A_129 = arith.addi %mul3A_127, %add3A_128 : i32
      "tpu.region"() ({
        %run_scoped3A = tpu.sem_alloc : memref<!tpu.dma_semaphore, #tpu.memory_space<semaphore_mem>>
        %dma_start3A_130 = arith.constant 0 : i32
        %dma_start3A_131 = tpu.memref_slice %arg8[%add3A_129, %dma_start3A_130] : memref<40x64xi32, #tpu.memory_space<vmem>> -> memref<1x64xi32, #tpu.memory_space<vmem>>
        %dma_start3A_132 = tpu.memref_squeeze %dma_start3A_131 : memref<1x64xi32, #tpu.memory_space<vmem>> -> memref<64xi32, #tpu.memory_space<vmem>>
        %dma_start3A_133 = arith.constant 0 : i32
        %dma_start3A_134 = arith.constant 0 : i32
        %dma_start3A_135 = tpu.memref_slice %arg13[%dma_start3A_133, %dma_start3A_134] : memref<10240x128xf32, #tpu.memory_space<vmem_shared>> -> memref<10240x128xf32, #tpu.memory_space<vmem_shared>>
        tpu.enqueue_indirect_dma source(%arg12 : memref<64x128xf32, #tpu.memory_space<vmem>>) target(%dma_start3A_135 : memref<10240x128xf32, #tpu.memory_space<vmem_shared>>) offsets(%dma_start3A_132 : memref<64xi32, #tpu.memory_space<vmem>>) semaphore(%run_scoped3A : memref<!tpu.dma_semaphore, #tpu.memory_space<semaphore_mem>>) {add = true}
        %dma_wait3A_136 = arith.constant 0 : i32
        %dma_wait3A_137 = tpu.memref_slice %arg8[%add3A_129, %dma_wait3A_136] : memref<40x64xi32, #tpu.memory_space<vmem>> -> memref<1x64xi32, #tpu.memory_space<vmem>>
        %dma_wait3A_138 = tpu.memref_squeeze %dma_wait3A_137 : memref<1x64xi32, #tpu.memory_space<vmem>> -> memref<64xi32, #tpu.memory_space<vmem>>
        %dma_wait3A_139 = arith.constant 0 : i32
        %dma_wait3A_140 = arith.constant 0 : i32
        %dma_wait3A_141 = tpu.memref_slice %arg13[%dma_wait3A_139, %dma_wait3A_140] : memref<10240x128xf32, #tpu.memory_space<vmem_shared>> -> memref<10240x128xf32, #tpu.memory_space<vmem_shared>>
        tpu.wait_indirect_dma semaphore(%run_scoped3A : memref<!tpu.dma_semaphore, #tpu.memory_space<semaphore_mem>>) src(%arg12 : memref<64x128xf32, #tpu.memory_space<vmem>>) dst(%dma_wait3A_141 : memref<10240x128xf32, #tpu.memory_space<vmem_shared>>)
        tpu.yield
      }) : () -> ()
    }
    %scan3A_39 = arith.constant 10 : i32
    %barrier3A_40 = arith.constant 0 : index
    tpu.barrier barrier_id(%barrier3A_40)
    "tpu.region"() ({
      %run_scoped3A = tpu.sem_alloc : memref<!tpu.dma_semaphore, #tpu.memory_space<semaphore_mem>>
      %dma_start3A_41 = arith.constant 0 : i32
      %dma_start3A_42 = tpu.memref_slice %arg6[%arg0, %mul3A_16, %dma_start3A_41] : memref<2x10240x128xf32, #tpu.memory_space<hbm>> -> memref<1x640x128xf32, #tpu.memory_space<hbm>>
      %dma_start3A_43 = tpu.memref_squeeze %dma_start3A_42 : memref<1x640x128xf32, #tpu.memory_space<hbm>> -> memref<640x128xf32, #tpu.memory_space<hbm>>
      %dma_start3A_44 = arith.constant 0 : i32
      %dma_start3A_45 = tpu.memref_slice %arg13[%mul3A_16, %dma_start3A_44] : memref<10240x128xf32, #tpu.memory_space<vmem_shared>> -> memref<640x128xf32, #tpu.memory_space<vmem_shared>>
      tpu.enqueue_dma source(%dma_start3A_45 : memref<640x128xf32, #tpu.memory_space<vmem_shared>>) target(%dma_start3A_43 : memref<640x128xf32, #tpu.memory_space<hbm>>) target_semaphore(%run_scoped3A : memref<!tpu.dma_semaphore, #tpu.memory_space<semaphore_mem>>)
      %dma_wait3A = arith.constant 0 : i32
      %dma_wait3A_46 = tpu.memref_slice %arg6[%arg0, %mul3A_16, %dma_wait3A] : memref<2x10240x128xf32, #tpu.memory_space<hbm>> -> memref<1x640x128xf32, #tpu.memory_space<hbm>>
      %dma_wait3A_47 = tpu.memref_squeeze %dma_wait3A_46 : memref<1x640x128xf32, #tpu.memory_space<hbm>> -> memref<640x128xf32, #tpu.memory_space<hbm>>
      %dma_wait3A_48 = arith.constant 0 : i32
      %dma_wait3A_49 = tpu.memref_slice %arg13[%mul3A_16, %dma_wait3A_48] : memref<10240x128xf32, #tpu.memory_space<vmem_shared>> -> memref<640x128xf32, #tpu.memory_space<vmem_shared>>
      tpu.wait_dma2 semaphore(%run_scoped3A : memref<!tpu.dma_semaphore, #tpu.memory_space<semaphore_mem>>) src(%dma_wait3A_49 : memref<640x128xf32, #tpu.memory_space<vmem_shared>>) dst(%dma_wait3A_47 : memref<640x128xf32, #tpu.memory_space<hbm>>)
      tpu.yield
    }) : () -> ()
    return
  }
}

#map = affine_map<(d0, d1) -> (0, 0)>
#map1 = affine_map<(d0, d1) -> (0, 0, 0)>
module attributes {stable_mosaic.version = 14 : i64} {
  func.func @seg(%arg0: i32, %arg1: i32, %arg2: memref<10000x128xf32, #tpu.memory_space<hbm>>, %arg3: memref<32x10240xi32, #tpu.memory_space<hbm>>, %arg4: memref<32x160x64xi32, #tpu.memory_space<hbm>>, %arg5: memref<10240x128xf32, #tpu.memory_space<hbm>>, %arg6: memref<2x10240x128xf32, #tpu.memory_space<hbm>>, %arg7: memref<10240xi32, #tpu.memory_space<vmem>>, %arg8: memref<40x64xi32, #tpu.memory_space<vmem>>, %arg9: memref<64x128xf32, #tpu.memory_space<vmem>>, %arg10: memref<64x128xf32, #tpu.memory_space<vmem>>, %arg11: memref<64x128xf32, #tpu.memory_space<vmem>>, %arg12: memref<64x128xf32, #tpu.memory_space<vmem>>, %arg13: memref<10240x128xf32, #tpu.memory_space<vmem_shared>>, %arg14: memref<!tpu.dma_semaphore, #tpu.memory_space<semaphore_mem>>, %arg15: memref<!tpu.dma_semaphore, #tpu.memory_space<semaphore_mem>>, %arg16: memref<!tpu.dma_semaphore, #tpu.memory_space<semaphore_mem>>, %arg17: memref<!tpu.dma_semaphore, #tpu.memory_space<semaphore_mem>>) attributes {dimension_semantics = [#tpu.dimension_semantics<core_parallel>, #tpu.dimension_semantics<subcore_parallel>], iteration_bounds = array<i64: 2, 16>, scalar_prefetch = 0 : i64, scratch_operands = 11 : i64, tpu.core_type = #tpu.core_type<sc_vector_subcore>, window_params = [{transform_indices = #map}, {transform_indices = #map}, {transform_indices = #map1}, {transform_indices = #map}, {transform_indices = #map1}]} {
    %mul3A = arith.constant 2 : i32
    %mul3A_0 = arith.muli %arg1, %mul3A : i32
    %add3A = arith.addi %mul3A_0, %arg0 : i32
    "tpu.region"() ({
      %run_scoped3A = tpu.sem_alloc : memref<!tpu.dma_semaphore, #tpu.memory_space<semaphore_mem>>
      %dma_start3A_41 = arith.constant 0 : i32
      %dma_start3A_42 = tpu.memref_slice %arg3[%add3A, %dma_start3A_41] : memref<32x10240xi32, #tpu.memory_space<hbm>> -> memref<1x10240xi32, #tpu.memory_space<hbm>>
      %dma_start3A_43 = tpu.memref_squeeze %dma_start3A_42 : memref<1x10240xi32, #tpu.memory_space<hbm>> -> memref<10240xi32, #tpu.memory_space<hbm>>
      %dma_start3A_44 = arith.constant 0 : i32
      %dma_start3A_45 = tpu.memref_slice %arg3[%add3A, %dma_start3A_44] : memref<32x10240xi32, #tpu.memory_space<hbm>> -> memref<1x10240xi32, #tpu.memory_space<hbm>>
      %dma_start3A_46 = tpu.memref_squeeze %dma_start3A_45 : memref<1x10240xi32, #tpu.memory_space<hbm>> -> memref<10240xi32, #tpu.memory_space<hbm>>
      tpu.enqueue_dma source(%dma_start3A_46 : memref<10240xi32, #tpu.memory_space<hbm>>) target(%arg7 : memref<10240xi32, #tpu.memory_space<vmem>>) target_semaphore(%run_scoped3A : memref<!tpu.dma_semaphore, #tpu.memory_space<semaphore_mem>>)
      %dma_wait3A = arith.constant 0 : i32
      %dma_wait3A_47 = tpu.memref_slice %arg3[%add3A, %dma_wait3A] : memref<32x10240xi32, #tpu.memory_space<hbm>> -> memref<1x10240xi32, #tpu.memory_space<hbm>>
      %dma_wait3A_48 = tpu.memref_squeeze %dma_wait3A_47 : memref<1x10240xi32, #tpu.memory_space<hbm>> -> memref<10240xi32, #tpu.memory_space<hbm>>
      %dma_wait3A_49 = arith.constant 0 : i32
      %dma_wait3A_50 = tpu.memref_slice %arg3[%add3A, %dma_wait3A_49] : memref<32x10240xi32, #tpu.memory_space<hbm>> -> memref<1x10240xi32, #tpu.memory_space<hbm>>
      %dma_wait3A_51 = tpu.memref_squeeze %dma_wait3A_50 : memref<1x10240xi32, #tpu.memory_space<hbm>> -> memref<10240xi32, #tpu.memory_space<hbm>>
      tpu.wait_dma2 semaphore(%run_scoped3A : memref<!tpu.dma_semaphore, #tpu.memory_space<semaphore_mem>>) src(%dma_wait3A_51 : memref<10240xi32, #tpu.memory_space<hbm>>) dst(%arg7 : memref<10240xi32, #tpu.memory_space<vmem>>)
      tpu.yield
    }) : () -> ()
    %dma_start3A = arith.constant 0 : i32
    %dma_start3A_1 = tpu.memref_slice %arg7[%dma_start3A] : memref<10240xi32, #tpu.memory_space<vmem>> -> memref<64xi32, #tpu.memory_space<vmem>>
    %dma_start3A_2 = arith.constant 0 : i32
    %dma_start3A_3 = arith.constant 0 : i32
    %dma_start3A_4 = tpu.memref_slice %arg2[%dma_start3A_2, %dma_start3A_3] : memref<10000x128xf32, #tpu.memory_space<hbm>> -> memref<10000x128xf32, #tpu.memory_space<hbm>>
    tpu.enqueue_indirect_dma source(%dma_start3A_4 : memref<10000x128xf32, #tpu.memory_space<hbm>>) target(%arg9 : memref<64x128xf32, #tpu.memory_space<vmem>>) offsets(%dma_start3A_1 : memref<64xi32, #tpu.memory_space<vmem>>) semaphore(%arg14 : memref<!tpu.dma_semaphore, #tpu.memory_space<semaphore_mem>>)
    %dma_start3A_5 = arith.constant 64 : i32
    %dma_start3A_6 = tpu.memref_slice %arg7[%dma_start3A_5] : memref<10240xi32, #tpu.memory_space<vmem>> -> memref<64xi32, #tpu.memory_space<vmem>>
    %dma_start3A_7 = arith.constant 0 : i32
    %dma_start3A_8 = arith.constant 0 : i32
    %dma_start3A_9 = tpu.memref_slice %arg2[%dma_start3A_7, %dma_start3A_8] : memref<10000x128xf32, #tpu.memory_space<hbm>> -> memref<10000x128xf32, #tpu.memory_space<hbm>>
    tpu.enqueue_indirect_dma source(%dma_start3A_9 : memref<10000x128xf32, #tpu.memory_space<hbm>>) target(%arg10 : memref<64x128xf32, #tpu.memory_space<vmem>>) offsets(%dma_start3A_6 : memref<64xi32, #tpu.memory_space<vmem>>) semaphore(%arg15 : memref<!tpu.dma_semaphore, #tpu.memory_space<semaphore_mem>>)
    %dma_start3A_10 = arith.constant 128 : i32
    %dma_start3A_11 = tpu.memref_slice %arg7[%dma_start3A_10] : memref<10240xi32, #tpu.memory_space<vmem>> -> memref<64xi32, #tpu.memory_space<vmem>>
    %dma_start3A_12 = arith.constant 0 : i32
    %dma_start3A_13 = arith.constant 0 : i32
    %dma_start3A_14 = tpu.memref_slice %arg2[%dma_start3A_12, %dma_start3A_13] : memref<10000x128xf32, #tpu.memory_space<hbm>> -> memref<10000x128xf32, #tpu.memory_space<hbm>>
    tpu.enqueue_indirect_dma source(%dma_start3A_14 : memref<10000x128xf32, #tpu.memory_space<hbm>>) target(%arg11 : memref<64x128xf32, #tpu.memory_space<vmem>>) offsets(%dma_start3A_11 : memref<64xi32, #tpu.memory_space<vmem>>) semaphore(%arg16 : memref<!tpu.dma_semaphore, #tpu.memory_space<semaphore_mem>>)
    %mul3A_15 = arith.constant 640 : i32
    %mul3A_16 = arith.muli %arg1, %mul3A_15 : i32
    "tpu.region"() ({
      %run_scoped3A = tpu.sem_alloc : memref<!tpu.dma_semaphore, #tpu.memory_space<semaphore_mem>>
      %dma_start3A_41 = arith.constant 0 : i32
      %dma_start3A_42 = tpu.memref_slice %arg13[%mul3A_16, %dma_start3A_41] : memref<10240x128xf32, #tpu.memory_space<vmem_shared>> -> memref<640x128xf32, #tpu.memory_space<vmem_shared>>
      %dma_start3A_43 = arith.constant 0 : i32
      %dma_start3A_44 = tpu.memref_slice %arg5[%mul3A_16, %dma_start3A_43] : memref<10240x128xf32, #tpu.memory_space<hbm>> -> memref<640x128xf32, #tpu.memory_space<hbm>>
      tpu.enqueue_dma source(%dma_start3A_44 : memref<640x128xf32, #tpu.memory_space<hbm>>) target(%dma_start3A_42 : memref<640x128xf32, #tpu.memory_space<vmem_shared>>) target_semaphore(%run_scoped3A : memref<!tpu.dma_semaphore, #tpu.memory_space<semaphore_mem>>)
      %dma_wait3A = arith.constant 0 : i32
      %dma_wait3A_45 = tpu.memref_slice %arg13[%mul3A_16, %dma_wait3A] : memref<10240x128xf32, #tpu.memory_space<vmem_shared>> -> memref<640x128xf32, #tpu.memory_space<vmem_shared>>
      %dma_wait3A_46 = arith.constant 0 : i32
      %dma_wait3A_47 = tpu.memref_slice %arg5[%mul3A_16, %dma_wait3A_46] : memref<10240x128xf32, #tpu.memory_space<hbm>> -> memref<640x128xf32, #tpu.memory_space<hbm>>
      tpu.wait_dma2 semaphore(%run_scoped3A : memref<!tpu.dma_semaphore, #tpu.memory_space<semaphore_mem>>) src(%dma_wait3A_47 : memref<640x128xf32, #tpu.memory_space<hbm>>) dst(%dma_wait3A_45 : memref<640x128xf32, #tpu.memory_space<vmem_shared>>)
      tpu.yield
    }) : () -> ()
    %barrier3A = arith.constant 0 : index
    tpu.barrier barrier_id(%barrier3A)
    "tpu.region"() ({
      %run_scoped3A = tpu.sem_alloc : memref<!tpu.dma_semaphore, #tpu.memory_space<semaphore_mem>>
      %dma_start3A_41 = arith.constant 0 : i32
      %dma_start3A_42 = arith.constant 0 : i32
      %dma_start3A_43 = tpu.memref_slice %arg4[%add3A, %dma_start3A_41, %dma_start3A_42] : memref<32x160x64xi32, #tpu.memory_space<hbm>> -> memref<1x40x64xi32, #tpu.memory_space<hbm>>
      %dma_start3A_44 = tpu.memref_squeeze %dma_start3A_43 : memref<1x40x64xi32, #tpu.memory_space<hbm>> -> memref<40x64xi32, #tpu.memory_space<hbm>>
      %dma_start3A_45 = arith.constant 0 : i32
      %dma_start3A_46 = arith.constant 0 : i32
      %dma_start3A_47 = tpu.memref_slice %arg4[%add3A, %dma_start3A_45, %dma_start3A_46] : memref<32x160x64xi32, #tpu.memory_space<hbm>> -> memref<1x40x64xi32, #tpu.memory_space<hbm>>
      %dma_start3A_48 = tpu.memref_squeeze %dma_start3A_47 : memref<1x40x64xi32, #tpu.memory_space<hbm>> -> memref<40x64xi32, #tpu.memory_space<hbm>>
      tpu.enqueue_dma source(%dma_start3A_48 : memref<40x64xi32, #tpu.memory_space<hbm>>) target(%arg8 : memref<40x64xi32, #tpu.memory_space<vmem>>) target_semaphore(%run_scoped3A : memref<!tpu.dma_semaphore, #tpu.memory_space<semaphore_mem>>)
      %dma_wait3A = arith.constant 0 : i32
      %dma_wait3A_49 = arith.constant 0 : i32
      %dma_wait3A_50 = tpu.memref_slice %arg4[%add3A, %dma_wait3A, %dma_wait3A_49] : memref<32x160x64xi32, #tpu.memory_space<hbm>> -> memref<1x40x64xi32, #tpu.memory_space<hbm>>
      %dma_wait3A_51 = tpu.memref_squeeze %dma_wait3A_50 : memref<1x40x64xi32, #tpu.memory_space<hbm>> -> memref<40x64xi32, #tpu.memory_space<hbm>>
      %dma_wait3A_52 = arith.constant 0 : i32
      %dma_wait3A_53 = arith.constant 0 : i32
      %dma_wait3A_54 = tpu.memref_slice %arg4[%add3A, %dma_wait3A_52, %dma_wait3A_53] : memref<32x160x64xi32, #tpu.memory_space<hbm>> -> memref<1x40x64xi32, #tpu.memory_space<hbm>>
      %dma_wait3A_55 = tpu.memref_squeeze %dma_wait3A_54 : memref<1x40x64xi32, #tpu.memory_space<hbm>> -> memref<40x64xi32, #tpu.memory_space<hbm>>
      tpu.wait_dma2 semaphore(%run_scoped3A : memref<!tpu.dma_semaphore, #tpu.memory_space<semaphore_mem>>) src(%dma_wait3A_55 : memref<40x64xi32, #tpu.memory_space<hbm>>) dst(%arg8 : memref<40x64xi32, #tpu.memory_space<vmem>>)
      tpu.yield
    }) : () -> ()
    %scan3A = arith.constant 0 : i32
    %scan3A_17 = arith.constant 0 : i32
    %scan3A_18 = arith.constant 10 : i32
    %scan3A_19 = arith.addi %scan3A_17, %scan3A_18 : i32
    %scan3A_20 = arith.constant 1 : i32
    scf.for %scan3A_41 = %scan3A_17 to %scan3A_19 step %scan3A_20  : i32 {
      %mul3A_42 = arith.constant 4 : i32
      %mul3A_43 = arith.muli %mul3A_42, %scan3A_41 : i32
      %add3A_44 = arith.constant 0 : i32
      %add3A_45 = arith.addi %add3A_44, %mul3A_43 : i32
      %add3A_46 = arith.constant 0 : i32
      %add3A_47 = arith.addi %add3A_45, %add3A_46 : i32
      %add3A_48 = arith.constant 3 : i32
      %add3A_49 = arith.addi %add3A_47, %add3A_48 : i32
      %lt3A = arith.constant 160 : i32
      %lt3A_50 = arith.cmpi slt, %add3A_49, %lt3A : i32
      %convert_element_type3A = arith.extui %lt3A_50 : i1 to i32
      %cond3A = arith.constant 0 : i32
      %cond3A_51 = arith.cmpi ne, %convert_element_type3A, %cond3A : i32
      scf.if %cond3A_51 {
        %add3A_130 = arith.constant 3 : i32
        %add3A_131 = arith.addi %add3A_47, %add3A_130 : i32
        %mul3A_132 = arith.constant 64 : i32
        %mul3A_133 = arith.muli %add3A_131, %mul3A_132 : i32
        %dma_start3A_134 = tpu.memref_slice %arg7[%mul3A_133] : memref<10240xi32, #tpu.memory_space<vmem>> -> memref<64xi32, #tpu.memory_space<vmem>>
        %dma_start3A_135 = arith.constant 0 : i32
        %dma_start3A_136 = arith.constant 0 : i32
        %dma_start3A_137 = tpu.memref_slice %arg2[%dma_start3A_135, %dma_start3A_136] : memref<10000x128xf32, #tpu.memory_space<hbm>> -> memref<10000x128xf32, #tpu.memory_space<hbm>>
        tpu.enqueue_indirect_dma source(%dma_start3A_137 : memref<10000x128xf32, #tpu.memory_space<hbm>>) target(%arg12 : memref<64x128xf32, #tpu.memory_space<vmem>>) offsets(%dma_start3A_134 : memref<64xi32, #tpu.memory_space<vmem>>) semaphore(%arg17 : memref<!tpu.dma_semaphore, #tpu.memory_space<semaphore_mem>>)
      } else {
      }
      %mul3A_52 = arith.constant 64 : i32
      %mul3A_53 = arith.muli %add3A_47, %mul3A_52 : i32
      %dma_wait3A = tpu.memref_slice %arg7[%mul3A_53] : memref<10240xi32, #tpu.memory_space<vmem>> -> memref<64xi32, #tpu.memory_space<vmem>>
      %dma_wait3A_54 = arith.constant 0 : i32
      %dma_wait3A_55 = arith.constant 0 : i32
      %dma_wait3A_56 = tpu.memref_slice %arg2[%dma_wait3A_54, %dma_wait3A_55] : memref<10000x128xf32, #tpu.memory_space<hbm>> -> memref<10000x128xf32, #tpu.memory_space<hbm>>
      tpu.wait_indirect_dma semaphore(%arg14 : memref<!tpu.dma_semaphore, #tpu.memory_space<semaphore_mem>>) src(%dma_wait3A_56 : memref<10000x128xf32, #tpu.memory_space<hbm>>) dst(%arg9 : memref<64x128xf32, #tpu.memory_space<vmem>>)
      %mul3A_57 = arith.constant 4 : i32
      %mul3A_58 = arith.muli %mul3A_57, %scan3A_41 : i32
      %add3A_59 = arith.constant 0 : i32
      %add3A_60 = arith.addi %mul3A_58, %add3A_59 : i32
      "tpu.region"() ({
        %run_scoped3A = tpu.sem_alloc : memref<!tpu.dma_semaphore, #tpu.memory_space<semaphore_mem>>
        %dma_start3A_130 = arith.constant 0 : i32
        %dma_start3A_131 = tpu.memref_slice %arg8[%add3A_60, %dma_start3A_130] : memref<40x64xi32, #tpu.memory_space<vmem>> -> memref<1x64xi32, #tpu.memory_space<vmem>>
        %dma_start3A_132 = tpu.memref_squeeze %dma_start3A_131 : memref<1x64xi32, #tpu.memory_space<vmem>> -> memref<64xi32, #tpu.memory_space<vmem>>
        %dma_start3A_133 = arith.constant 0 : i32
        %dma_start3A_134 = arith.constant 0 : i32
        %dma_start3A_135 = tpu.memref_slice %arg13[%dma_start3A_133, %dma_start3A_134] : memref<10240x128xf32, #tpu.memory_space<vmem_shared>> -> memref<10240x128xf32, #tpu.memory_space<vmem_shared>>
        tpu.enqueue_indirect_dma source(%arg9 : memref<64x128xf32, #tpu.memory_space<vmem>>) target(%dma_start3A_135 : memref<10240x128xf32, #tpu.memory_space<vmem_shared>>) offsets(%dma_start3A_132 : memref<64xi32, #tpu.memory_space<vmem>>) semaphore(%run_scoped3A : memref<!tpu.dma_semaphore, #tpu.memory_space<semaphore_mem>>) {add = true}
        %dma_wait3A_136 = arith.constant 0 : i32
        %dma_wait3A_137 = tpu.memref_slice %arg8[%add3A_60, %dma_wait3A_136] : memref<40x64xi32, #tpu.memory_space<vmem>> -> memref<1x64xi32, #tpu.memory_space<vmem>>
        %dma_wait3A_138 = tpu.memref_squeeze %dma_wait3A_137 : memref<1x64xi32, #tpu.memory_space<vmem>> -> memref<64xi32, #tpu.memory_space<vmem>>
        %dma_wait3A_139 = arith.constant 0 : i32
        %dma_wait3A_140 = arith.constant 0 : i32
        %dma_wait3A_141 = tpu.memref_slice %arg13[%dma_wait3A_139, %dma_wait3A_140] : memref<10240x128xf32, #tpu.memory_space<vmem_shared>> -> memref<10240x128xf32, #tpu.memory_space<vmem_shared>>
        tpu.wait_indirect_dma semaphore(%run_scoped3A : memref<!tpu.dma_semaphore, #tpu.memory_space<semaphore_mem>>) src(%arg9 : memref<64x128xf32, #tpu.memory_space<vmem>>) dst(%dma_wait3A_141 : memref<10240x128xf32, #tpu.memory_space<vmem_shared>>)
        tpu.yield
      }) : () -> ()
      %mul3A_61 = arith.constant 4 : i32
      %mul3A_62 = arith.muli %mul3A_61, %scan3A_41 : i32
      %add3A_63 = arith.constant 0 : i32
      %add3A_64 = arith.addi %add3A_63, %mul3A_62 : i32
      %add3A_65 = arith.constant 1 : i32
      %add3A_66 = arith.addi %add3A_64, %add3A_65 : i32
      %add3A_67 = arith.constant 3 : i32
      %add3A_68 = arith.addi %add3A_66, %add3A_67 : i32
      %lt3A_69 = arith.constant 160 : i32
      %lt3A_70 = arith.cmpi slt, %add3A_68, %lt3A_69 : i32
      %convert_element_type3A_71 = arith.extui %lt3A_70 : i1 to i32
      %cond3A_72 = arith.constant 0 : i32
      %cond3A_73 = arith.cmpi ne, %convert_element_type3A_71, %cond3A_72 : i32
      scf.if %cond3A_73 {
        %add3A_130 = arith.constant 3 : i32
        %add3A_131 = arith.addi %add3A_66, %add3A_130 : i32
        %mul3A_132 = arith.constant 64 : i32
        %mul3A_133 = arith.muli %add3A_131, %mul3A_132 : i32
        %dma_start3A_134 = tpu.memref_slice %arg7[%mul3A_133] : memref<10240xi32, #tpu.memory_space<vmem>> -> memref<64xi32, #tpu.memory_space<vmem>>
        %dma_start3A_135 = arith.constant 0 : i32
        %dma_start3A_136 = arith.constant 0 : i32
        %dma_start3A_137 = tpu.memref_slice %arg2[%dma_start3A_135, %dma_start3A_136] : memref<10000x128xf32, #tpu.memory_space<hbm>> -> memref<10000x128xf32, #tpu.memory_space<hbm>>
        tpu.enqueue_indirect_dma source(%dma_start3A_137 : memref<10000x128xf32, #tpu.memory_space<hbm>>) target(%arg9 : memref<64x128xf32, #tpu.memory_space<vmem>>) offsets(%dma_start3A_134 : memref<64xi32, #tpu.memory_space<vmem>>) semaphore(%arg14 : memref<!tpu.dma_semaphore, #tpu.memory_space<semaphore_mem>>)
      } else {
      }
      %mul3A_74 = arith.constant 64 : i32
      %mul3A_75 = arith.muli %add3A_66, %mul3A_74 : i32
      %dma_wait3A_76 = tpu.memref_slice %arg7[%mul3A_75] : memref<10240xi32, #tpu.memory_space<vmem>> -> memref<64xi32, #tpu.memory_space<vmem>>
      %dma_wait3A_77 = arith.constant 0 : i32
      %dma_wait3A_78 = arith.constant 0 : i32
      %dma_wait3A_79 = tpu.memref_slice %arg2[%dma_wait3A_77, %dma_wait3A_78] : memref<10000x128xf32, #tpu.memory_space<hbm>> -> memref<10000x128xf32, #tpu.memory_space<hbm>>
      tpu.wait_indirect_dma semaphore(%arg15 : memref<!tpu.dma_semaphore, #tpu.memory_space<semaphore_mem>>) src(%dma_wait3A_79 : memref<10000x128xf32, #tpu.memory_space<hbm>>) dst(%arg10 : memref<64x128xf32, #tpu.memory_space<vmem>>)
      %mul3A_80 = arith.constant 4 : i32
      %mul3A_81 = arith.muli %mul3A_80, %scan3A_41 : i32
      %add3A_82 = arith.constant 1 : i32
      %add3A_83 = arith.addi %mul3A_81, %add3A_82 : i32
      "tpu.region"() ({
        %run_scoped3A = tpu.sem_alloc : memref<!tpu.dma_semaphore, #tpu.memory_space<semaphore_mem>>
        %dma_start3A_130 = arith.constant 0 : i32
        %dma_start3A_131 = tpu.memref_slice %arg8[%add3A_83, %dma_start3A_130] : memref<40x64xi32, #tpu.memory_space<vmem>> -> memref<1x64xi32, #tpu.memory_space<vmem>>
        %dma_start3A_132 = tpu.memref_squeeze %dma_start3A_131 : memref<1x64xi32, #tpu.memory_space<vmem>> -> memref<64xi32, #tpu.memory_space<vmem>>
        %dma_start3A_133 = arith.constant 0 : i32
        %dma_start3A_134 = arith.constant 0 : i32
        %dma_start3A_135 = tpu.memref_slice %arg13[%dma_start3A_133, %dma_start3A_134] : memref<10240x128xf32, #tpu.memory_space<vmem_shared>> -> memref<10240x128xf32, #tpu.memory_space<vmem_shared>>
        tpu.enqueue_indirect_dma source(%arg10 : memref<64x128xf32, #tpu.memory_space<vmem>>) target(%dma_start3A_135 : memref<10240x128xf32, #tpu.memory_space<vmem_shared>>) offsets(%dma_start3A_132 : memref<64xi32, #tpu.memory_space<vmem>>) semaphore(%run_scoped3A : memref<!tpu.dma_semaphore, #tpu.memory_space<semaphore_mem>>) {add = true}
        %dma_wait3A_136 = arith.constant 0 : i32
        %dma_wait3A_137 = tpu.memref_slice %arg8[%add3A_83, %dma_wait3A_136] : memref<40x64xi32, #tpu.memory_space<vmem>> -> memref<1x64xi32, #tpu.memory_space<vmem>>
        %dma_wait3A_138 = tpu.memref_squeeze %dma_wait3A_137 : memref<1x64xi32, #tpu.memory_space<vmem>> -> memref<64xi32, #tpu.memory_space<vmem>>
        %dma_wait3A_139 = arith.constant 0 : i32
        %dma_wait3A_140 = arith.constant 0 : i32
        %dma_wait3A_141 = tpu.memref_slice %arg13[%dma_wait3A_139, %dma_wait3A_140] : memref<10240x128xf32, #tpu.memory_space<vmem_shared>> -> memref<10240x128xf32, #tpu.memory_space<vmem_shared>>
        tpu.wait_indirect_dma semaphore(%run_scoped3A : memref<!tpu.dma_semaphore, #tpu.memory_space<semaphore_mem>>) src(%arg10 : memref<64x128xf32, #tpu.memory_space<vmem>>) dst(%dma_wait3A_141 : memref<10240x128xf32, #tpu.memory_space<vmem_shared>>)
        tpu.yield
      }) : () -> ()
      %mul3A_84 = arith.constant 4 : i32
      %mul3A_85 = arith.muli %mul3A_84, %scan3A_41 : i32
      %add3A_86 = arith.constant 0 : i32
      %add3A_87 = arith.addi %add3A_86, %mul3A_85 : i32
      %add3A_88 = arith.constant 2 : i32
      %add3A_89 = arith.addi %add3A_87, %add3A_88 : i32
      %add3A_90 = arith.constant 3 : i32
      %add3A_91 = arith.addi %add3A_89, %add3A_90 : i32
      %lt3A_92 = arith.constant 160 : i32
      %lt3A_93 = arith.cmpi slt, %add3A_91, %lt3A_92 : i32
      %convert_element_type3A_94 = arith.extui %lt3A_93 : i1 to i32
      %cond3A_95 = arith.constant 0 : i32
      %cond3A_96 = arith.cmpi ne, %convert_element_type3A_94, %cond3A_95 : i32
      scf.if %cond3A_96 {
        %add3A_130 = arith.constant 3 : i32
        %add3A_131 = arith.addi %add3A_89, %add3A_130 : i32
        %mul3A_132 = arith.constant 64 : i32
        %mul3A_133 = arith.muli %add3A_131, %mul3A_132 : i32
        %dma_start3A_134 = tpu.memref_slice %arg7[%mul3A_133] : memref<10240xi32, #tpu.memory_space<vmem>> -> memref<64xi32, #tpu.memory_space<vmem>>
        %dma_start3A_135 = arith.constant 0 : i32
        %dma_start3A_136 = arith.constant 0 : i32
        %dma_start3A_137 = tpu.memref_slice %arg2[%dma_start3A_135, %dma_start3A_136] : memref<10000x128xf32, #tpu.memory_space<hbm>> -> memref<10000x128xf32, #tpu.memory_space<hbm>>
        tpu.enqueue_indirect_dma source(%dma_start3A_137 : memref<10000x128xf32, #tpu.memory_space<hbm>>) target(%arg10 : memref<64x128xf32, #tpu.memory_space<vmem>>) offsets(%dma_start3A_134 : memref<64xi32, #tpu.memory_space<vmem>>) semaphore(%arg15 : memref<!tpu.dma_semaphore, #tpu.memory_space<semaphore_mem>>)
      } else {
      }
      %mul3A_97 = arith.constant 64 : i32
      %mul3A_98 = arith.muli %add3A_89, %mul3A_97 : i32
      %dma_wait3A_99 = tpu.memref_slice %arg7[%mul3A_98] : memref<10240xi32, #tpu.memory_space<vmem>> -> memref<64xi32, #tpu.memory_space<vmem>>
      %dma_wait3A_100 = arith.constant 0 : i32
      %dma_wait3A_101 = arith.constant 0 : i32
      %dma_wait3A_102 = tpu.memref_slice %arg2[%dma_wait3A_100, %dma_wait3A_101] : memref<10000x128xf32, #tpu.memory_space<hbm>> -> memref<10000x128xf32, #tpu.memory_space<hbm>>
      tpu.wait_indirect_dma semaphore(%arg16 : memref<!tpu.dma_semaphore, #tpu.memory_space<semaphore_mem>>) src(%dma_wait3A_102 : memref<10000x128xf32, #tpu.memory_space<hbm>>) dst(%arg11 : memref<64x128xf32, #tpu.memory_space<vmem>>)
      %mul3A_103 = arith.constant 4 : i32
      %mul3A_104 = arith.muli %mul3A_103, %scan3A_41 : i32
      %add3A_105 = arith.constant 2 : i32
      %add3A_106 = arith.addi %mul3A_104, %add3A_105 : i32
      "tpu.region"() ({
        %run_scoped3A = tpu.sem_alloc : memref<!tpu.dma_semaphore, #tpu.memory_space<semaphore_mem>>
        %dma_start3A_130 = arith.constant 0 : i32
        %dma_start3A_131 = tpu.memref_slice %arg8[%add3A_106, %dma_start3A_130] : memref<40x64xi32, #tpu.memory_space<vmem>> -> memref<1x64xi32, #tpu.memory_space<vmem>>
        %dma_start3A_132 = tpu.memref_squeeze %dma_start3A_131 : memref<1x64xi32, #tpu.memory_space<vmem>> -> memref<64xi32, #tpu.memory_space<vmem>>
        %dma_start3A_133 = arith.constant 0 : i32
        %dma_start3A_134 = arith.constant 0 : i32
        %dma_start3A_135 = tpu.memref_slice %arg13[%dma_start3A_133, %dma_start3A_134] : memref<10240x128xf32, #tpu.memory_space<vmem_shared>> -> memref<10240x128xf32, #tpu.memory_space<vmem_shared>>
        tpu.enqueue_indirect_dma source(%arg11 : memref<64x128xf32, #tpu.memory_space<vmem>>) target(%dma_start3A_135 : memref<10240x128xf32, #tpu.memory_space<vmem_shared>>) offsets(%dma_start3A_132 : memref<64xi32, #tpu.memory_space<vmem>>) semaphore(%run_scoped3A : memref<!tpu.dma_semaphore, #tpu.memory_space<semaphore_mem>>) {add = true}
        %dma_wait3A_136 = arith.constant 0 : i32
        %dma_wait3A_137 = tpu.memref_slice %arg8[%add3A_106, %dma_wait3A_136] : memref<40x64xi32, #tpu.memory_space<vmem>> -> memref<1x64xi32, #tpu.memory_space<vmem>>
        %dma_wait3A_138 = tpu.memref_squeeze %dma_wait3A_137 : memref<1x64xi32, #tpu.memory_space<vmem>> -> memref<64xi32, #tpu.memory_space<vmem>>
        %dma_wait3A_139 = arith.constant 0 : i32
        %dma_wait3A_140 = arith.constant 0 : i32
        %dma_wait3A_141 = tpu.memref_slice %arg13[%dma_wait3A_139, %dma_wait3A_140] : memref<10240x128xf32, #tpu.memory_space<vmem_shared>> -> memref<10240x128xf32, #tpu.memory_space<vmem_shared>>
        tpu.wait_indirect_dma semaphore(%run_scoped3A : memref<!tpu.dma_semaphore, #tpu.memory_space<semaphore_mem>>) src(%arg11 : memref<64x128xf32, #tpu.memory_space<vmem>>) dst(%dma_wait3A_141 : memref<10240x128xf32, #tpu.memory_space<vmem_shared>>)
        tpu.yield
      }) : () -> ()
      %mul3A_107 = arith.constant 4 : i32
      %mul3A_108 = arith.muli %mul3A_107, %scan3A_41 : i32
      %add3A_109 = arith.constant 0 : i32
      %add3A_110 = arith.addi %add3A_109, %mul3A_108 : i32
      %add3A_111 = arith.constant 3 : i32
      %add3A_112 = arith.addi %add3A_110, %add3A_111 : i32
      %add3A_113 = arith.constant 3 : i32
      %add3A_114 = arith.addi %add3A_112, %add3A_113 : i32
      %lt3A_115 = arith.constant 160 : i32
      %lt3A_116 = arith.cmpi slt, %add3A_114, %lt3A_115 : i32
      %convert_element_type3A_117 = arith.extui %lt3A_116 : i1 to i32
      %cond3A_118 = arith.constant 0 : i32
      %cond3A_119 = arith.cmpi ne, %convert_element_type3A_117, %cond3A_118 : i32
      scf.if %cond3A_119 {
        %add3A_130 = arith.constant 3 : i32
        %add3A_131 = arith.addi %add3A_112, %add3A_130 : i32
        %mul3A_132 = arith.constant 64 : i32
        %mul3A_133 = arith.muli %add3A_131, %mul3A_132 : i32
        %dma_start3A_134 = tpu.memref_slice %arg7[%mul3A_133] : memref<10240xi32, #tpu.memory_space<vmem>> -> memref<64xi32, #tpu.memory_space<vmem>>
        %dma_start3A_135 = arith.constant 0 : i32
        %dma_start3A_136 = arith.constant 0 : i32
        %dma_start3A_137 = tpu.memref_slice %arg2[%dma_start3A_135, %dma_start3A_136] : memref<10000x128xf32, #tpu.memory_space<hbm>> -> memref<10000x128xf32, #tpu.memory_space<hbm>>
        tpu.enqueue_indirect_dma source(%dma_start3A_137 : memref<10000x128xf32, #tpu.memory_space<hbm>>) target(%arg11 : memref<64x128xf32, #tpu.memory_space<vmem>>) offsets(%dma_start3A_134 : memref<64xi32, #tpu.memory_space<vmem>>) semaphore(%arg16 : memref<!tpu.dma_semaphore, #tpu.memory_space<semaphore_mem>>)
      } else {
      }
      %mul3A_120 = arith.constant 64 : i32
      %mul3A_121 = arith.muli %add3A_112, %mul3A_120 : i32
      %dma_wait3A_122 = tpu.memref_slice %arg7[%mul3A_121] : memref<10240xi32, #tpu.memory_space<vmem>> -> memref<64xi32, #tpu.memory_space<vmem>>
      %dma_wait3A_123 = arith.constant 0 : i32
      %dma_wait3A_124 = arith.constant 0 : i32
      %dma_wait3A_125 = tpu.memref_slice %arg2[%dma_wait3A_123, %dma_wait3A_124] : memref<10000x128xf32, #tpu.memory_space<hbm>> -> memref<10000x128xf32, #tpu.memory_space<hbm>>
      tpu.wait_indirect_dma semaphore(%arg17 : memref<!tpu.dma_semaphore, #tpu.memory_space<semaphore_mem>>) src(%dma_wait3A_125 : memref<10000x128xf32, #tpu.memory_space<hbm>>) dst(%arg12 : memref<64x128xf32, #tpu.memory_space<vmem>>)
      %mul3A_126 = arith.constant 4 : i32
      %mul3A_127 = arith.muli %mul3A_126, %scan3A_41 : i32
      %add3A_128 = arith.constant 3 : i32
      %add3A_129 = arith.addi %mul3A_127, %add3A_128 : i32
      "tpu.region"() ({
        %run_scoped3A = tpu.sem_alloc : memref<!tpu.dma_semaphore, #tpu.memory_space<semaphore_mem>>
        %dma_start3A_130 = arith.constant 0 : i32
        %dma_start3A_131 = tpu.memref_slice %arg8[%add3A_129, %dma_start3A_130] : memref<40x64xi32, #tpu.memory_space<vmem>> -> memref<1x64xi32, #tpu.memory_space<vmem>>
        %dma_start3A_132 = tpu.memref_squeeze %dma_start3A_131 : memref<1x64xi32, #tpu.memory_space<vmem>> -> memref<64xi32, #tpu.memory_space<vmem>>
        %dma_start3A_133 = arith.constant 0 : i32
        %dma_start3A_134 = arith.constant 0 : i32
        %dma_start3A_135 = tpu.memref_slice %arg13[%dma_start3A_133, %dma_start3A_134] : memref<10240x128xf32, #tpu.memory_space<vmem_shared>> -> memref<10240x128xf32, #tpu.memory_space<vmem_shared>>
        tpu.enqueue_indirect_dma source(%arg12 : memref<64x128xf32, #tpu.memory_space<vmem>>) target(%dma_start3A_135 : memref<10240x128xf32, #tpu.memory_space<vmem_shared>>) offsets(%dma_start3A_132 : memref<64xi32, #tpu.memory_space<vmem>>) semaphore(%run_scoped3A : memref<!tpu.dma_semaphore, #tpu.memory_space<semaphore_mem>>) {add = true}
        %dma_wait3A_136 = arith.constant 0 : i32
        %dma_wait3A_137 = tpu.memref_slice %arg8[%add3A_129, %dma_wait3A_136] : memref<40x64xi32, #tpu.memory_space<vmem>> -> memref<1x64xi32, #tpu.memory_space<vmem>>
        %dma_wait3A_138 = tpu.memref_squeeze %dma_wait3A_137 : memref<1x64xi32, #tpu.memory_space<vmem>> -> memref<64xi32, #tpu.memory_space<vmem>>
        %dma_wait3A_139 = arith.constant 0 : i32
        %dma_wait3A_140 = arith.constant 0 : i32
        %dma_wait3A_141 = tpu.memref_slice %arg13[%dma_wait3A_139, %dma_wait3A_140] : memref<10240x128xf32, #tpu.memory_space<vmem_shared>> -> memref<10240x128xf32, #tpu.memory_space<vmem_shared>>
        tpu.wait_indirect_dma semaphore(%run_scoped3A : memref<!tpu.dma_semaphore, #tpu.memory_space<semaphore_mem>>) src(%arg12 : memref<64x128xf32, #tpu.memory_space<vmem>>) dst(%dma_wait3A_141 : memref<10240x128xf32, #tpu.memory_space<vmem_shared>>)
        tpu.yield
      }) : () -> ()
    }
    %scan3A_21 = arith.constant 10 : i32
    "tpu.region"() ({
      %run_scoped3A = tpu.sem_alloc : memref<!tpu.dma_semaphore, #tpu.memory_space<semaphore_mem>>
      %dma_start3A_41 = arith.constant 40 : i32
      %dma_start3A_42 = arith.constant 0 : i32
      %dma_start3A_43 = tpu.memref_slice %arg4[%add3A, %dma_start3A_41, %dma_start3A_42] : memref<32x160x64xi32, #tpu.memory_space<hbm>> -> memref<1x40x64xi32, #tpu.memory_space<hbm>>
      %dma_start3A_44 = tpu.memref_squeeze %dma_start3A_43 : memref<1x40x64xi32, #tpu.memory_space<hbm>> -> memref<40x64xi32, #tpu.memory_space<hbm>>
      %dma_start3A_45 = arith.constant 40 : i32
      %dma_start3A_46 = arith.constant 0 : i32
      %dma_start3A_47 = tpu.memref_slice %arg4[%add3A, %dma_start3A_45, %dma_start3A_46] : memref<32x160x64xi32, #tpu.memory_space<hbm>> -> memref<1x40x64xi32, #tpu.memory_space<hbm>>
      %dma_start3A_48 = tpu.memref_squeeze %dma_start3A_47 : memref<1x40x64xi32, #tpu.memory_space<hbm>> -> memref<40x64xi32, #tpu.memory_space<hbm>>
      tpu.enqueue_dma source(%dma_start3A_48 : memref<40x64xi32, #tpu.memory_space<hbm>>) target(%arg8 : memref<40x64xi32, #tpu.memory_space<vmem>>) target_semaphore(%run_scoped3A : memref<!tpu.dma_semaphore, #tpu.memory_space<semaphore_mem>>)
      %dma_wait3A = arith.constant 40 : i32
      %dma_wait3A_49 = arith.constant 0 : i32
      %dma_wait3A_50 = tpu.memref_slice %arg4[%add3A, %dma_wait3A, %dma_wait3A_49] : memref<32x160x64xi32, #tpu.memory_space<hbm>> -> memref<1x40x64xi32, #tpu.memory_space<hbm>>
      %dma_wait3A_51 = tpu.memref_squeeze %dma_wait3A_50 : memref<1x40x64xi32, #tpu.memory_space<hbm>> -> memref<40x64xi32, #tpu.memory_space<hbm>>
      %dma_wait3A_52 = arith.constant 40 : i32
      %dma_wait3A_53 = arith.constant 0 : i32
      %dma_wait3A_54 = tpu.memref_slice %arg4[%add3A, %dma_wait3A_52, %dma_wait3A_53] : memref<32x160x64xi32, #tpu.memory_space<hbm>> -> memref<1x40x64xi32, #tpu.memory_space<hbm>>
      %dma_wait3A_55 = tpu.memref_squeeze %dma_wait3A_54 : memref<1x40x64xi32, #tpu.memory_space<hbm>> -> memref<40x64xi32, #tpu.memory_space<hbm>>
      tpu.wait_dma2 semaphore(%run_scoped3A : memref<!tpu.dma_semaphore, #tpu.memory_space<semaphore_mem>>) src(%dma_wait3A_55 : memref<40x64xi32, #tpu.memory_space<hbm>>) dst(%arg8 : memref<40x64xi32, #tpu.memory_space<vmem>>)
      tpu.yield
    }) : () -> ()
    %scan3A_22 = arith.constant 0 : i32
    %scan3A_23 = arith.constant 0 : i32
    %scan3A_24 = arith.constant 10 : i32
    %scan3A_25 = arith.addi %scan3A_23, %scan3A_24 : i32
    %scan3A_26 = arith.constant 1 : i32
    scf.for %scan3A_41 = %scan3A_23 to %scan3A_25 step %scan3A_26  : i32 {
      %mul3A_42 = arith.constant 4 : i32
      %mul3A_43 = arith.muli %mul3A_42, %scan3A_41 : i32
      %add3A_44 = arith.constant 40 : i32
      %add3A_45 = arith.addi %add3A_44, %mul3A_43 : i32
      %add3A_46 = arith.constant 0 : i32
      %add3A_47 = arith.addi %add3A_45, %add3A_46 : i32
      %add3A_48 = arith.constant 3 : i32
      %add3A_49 = arith.addi %add3A_47, %add3A_48 : i32
      %lt3A = arith.constant 160 : i32
      %lt3A_50 = arith.cmpi slt, %add3A_49, %lt3A : i32
      %convert_element_type3A = arith.extui %lt3A_50 : i1 to i32
      %cond3A = arith.constant 0 : i32
      %cond3A_51 = arith.cmpi ne, %convert_element_type3A, %cond3A : i32
      scf.if %cond3A_51 {
        %add3A_130 = arith.constant 3 : i32
        %add3A_131 = arith.addi %add3A_47, %add3A_130 : i32
        %mul3A_132 = arith.constant 64 : i32
        %mul3A_133 = arith.muli %add3A_131, %mul3A_132 : i32
        %dma_start3A_134 = tpu.memref_slice %arg7[%mul3A_133] : memref<10240xi32, #tpu.memory_space<vmem>> -> memref<64xi32, #tpu.memory_space<vmem>>
        %dma_start3A_135 = arith.constant 0 : i32
        %dma_start3A_136 = arith.constant 0 : i32
        %dma_start3A_137 = tpu.memref_slice %arg2[%dma_start3A_135, %dma_start3A_136] : memref<10000x128xf32, #tpu.memory_space<hbm>> -> memref<10000x128xf32, #tpu.memory_space<hbm>>
        tpu.enqueue_indirect_dma source(%dma_start3A_137 : memref<10000x128xf32, #tpu.memory_space<hbm>>) target(%arg12 : memref<64x128xf32, #tpu.memory_space<vmem>>) offsets(%dma_start3A_134 : memref<64xi32, #tpu.memory_space<vmem>>) semaphore(%arg17 : memref<!tpu.dma_semaphore, #tpu.memory_space<semaphore_mem>>)
      } else {
      }
      %mul3A_52 = arith.constant 64 : i32
      %mul3A_53 = arith.muli %add3A_47, %mul3A_52 : i32
      %dma_wait3A = tpu.memref_slice %arg7[%mul3A_53] : memref<10240xi32, #tpu.memory_space<vmem>> -> memref<64xi32, #tpu.memory_space<vmem>>
      %dma_wait3A_54 = arith.constant 0 : i32
      %dma_wait3A_55 = arith.constant 0 : i32
      %dma_wait3A_56 = tpu.memref_slice %arg2[%dma_wait3A_54, %dma_wait3A_55] : memref<10000x128xf32, #tpu.memory_space<hbm>> -> memref<10000x128xf32, #tpu.memory_space<hbm>>
      tpu.wait_indirect_dma semaphore(%arg14 : memref<!tpu.dma_semaphore, #tpu.memory_space<semaphore_mem>>) src(%dma_wait3A_56 : memref<10000x128xf32, #tpu.memory_space<hbm>>) dst(%arg9 : memref<64x128xf32, #tpu.memory_space<vmem>>)
      %mul3A_57 = arith.constant 4 : i32
      %mul3A_58 = arith.muli %mul3A_57, %scan3A_41 : i32
      %add3A_59 = arith.constant 0 : i32
      %add3A_60 = arith.addi %mul3A_58, %add3A_59 : i32
      "tpu.region"() ({
        %run_scoped3A = tpu.sem_alloc : memref<!tpu.dma_semaphore, #tpu.memory_space<semaphore_mem>>
        %dma_start3A_130 = arith.constant 0 : i32
        %dma_start3A_131 = tpu.memref_slice %arg8[%add3A_60, %dma_start3A_130] : memref<40x64xi32, #tpu.memory_space<vmem>> -> memref<1x64xi32, #tpu.memory_space<vmem>>
        %dma_start3A_132 = tpu.memref_squeeze %dma_start3A_131 : memref<1x64xi32, #tpu.memory_space<vmem>> -> memref<64xi32, #tpu.memory_space<vmem>>
        %dma_start3A_133 = arith.constant 0 : i32
        %dma_start3A_134 = arith.constant 0 : i32
        %dma_start3A_135 = tpu.memref_slice %arg13[%dma_start3A_133, %dma_start3A_134] : memref<10240x128xf32, #tpu.memory_space<vmem_shared>> -> memref<10240x128xf32, #tpu.memory_space<vmem_shared>>
        tpu.enqueue_indirect_dma source(%arg9 : memref<64x128xf32, #tpu.memory_space<vmem>>) target(%dma_start3A_135 : memref<10240x128xf32, #tpu.memory_space<vmem_shared>>) offsets(%dma_start3A_132 : memref<64xi32, #tpu.memory_space<vmem>>) semaphore(%run_scoped3A : memref<!tpu.dma_semaphore, #tpu.memory_space<semaphore_mem>>) {add = true}
        %dma_wait3A_136 = arith.constant 0 : i32
        %dma_wait3A_137 = tpu.memref_slice %arg8[%add3A_60, %dma_wait3A_136] : memref<40x64xi32, #tpu.memory_space<vmem>> -> memref<1x64xi32, #tpu.memory_space<vmem>>
        %dma_wait3A_138 = tpu.memref_squeeze %dma_wait3A_137 : memref<1x64xi32, #tpu.memory_space<vmem>> -> memref<64xi32, #tpu.memory_space<vmem>>
        %dma_wait3A_139 = arith.constant 0 : i32
        %dma_wait3A_140 = arith.constant 0 : i32
        %dma_wait3A_141 = tpu.memref_slice %arg13[%dma_wait3A_139, %dma_wait3A_140] : memref<10240x128xf32, #tpu.memory_space<vmem_shared>> -> memref<10240x128xf32, #tpu.memory_space<vmem_shared>>
        tpu.wait_indirect_dma semaphore(%run_scoped3A : memref<!tpu.dma_semaphore, #tpu.memory_space<semaphore_mem>>) src(%arg9 : memref<64x128xf32, #tpu.memory_space<vmem>>) dst(%dma_wait3A_141 : memref<10240x128xf32, #tpu.memory_space<vmem_shared>>)
        tpu.yield
      }) : () -> ()
      %mul3A_61 = arith.constant 4 : i32
      %mul3A_62 = arith.muli %mul3A_61, %scan3A_41 : i32
      %add3A_63 = arith.constant 40 : i32
      %add3A_64 = arith.addi %add3A_63, %mul3A_62 : i32
      %add3A_65 = arith.constant 1 : i32
      %add3A_66 = arith.addi %add3A_64, %add3A_65 : i32
      %add3A_67 = arith.constant 3 : i32
      %add3A_68 = arith.addi %add3A_66, %add3A_67 : i32
      %lt3A_69 = arith.constant 160 : i32
      %lt3A_70 = arith.cmpi slt, %add3A_68, %lt3A_69 : i32
      %convert_element_type3A_71 = arith.extui %lt3A_70 : i1 to i32
      %cond3A_72 = arith.constant 0 : i32
      %cond3A_73 = arith.cmpi ne, %convert_element_type3A_71, %cond3A_72 : i32
      scf.if %cond3A_73 {
        %add3A_130 = arith.constant 3 : i32
        %add3A_131 = arith.addi %add3A_66, %add3A_130 : i32
        %mul3A_132 = arith.constant 64 : i32
        %mul3A_133 = arith.muli %add3A_131, %mul3A_132 : i32
        %dma_start3A_134 = tpu.memref_slice %arg7[%mul3A_133] : memref<10240xi32, #tpu.memory_space<vmem>> -> memref<64xi32, #tpu.memory_space<vmem>>
        %dma_start3A_135 = arith.constant 0 : i32
        %dma_start3A_136 = arith.constant 0 : i32
        %dma_start3A_137 = tpu.memref_slice %arg2[%dma_start3A_135, %dma_start3A_136] : memref<10000x128xf32, #tpu.memory_space<hbm>> -> memref<10000x128xf32, #tpu.memory_space<hbm>>
        tpu.enqueue_indirect_dma source(%dma_start3A_137 : memref<10000x128xf32, #tpu.memory_space<hbm>>) target(%arg9 : memref<64x128xf32, #tpu.memory_space<vmem>>) offsets(%dma_start3A_134 : memref<64xi32, #tpu.memory_space<vmem>>) semaphore(%arg14 : memref<!tpu.dma_semaphore, #tpu.memory_space<semaphore_mem>>)
      } else {
      }
      %mul3A_74 = arith.constant 64 : i32
      %mul3A_75 = arith.muli %add3A_66, %mul3A_74 : i32
      %dma_wait3A_76 = tpu.memref_slice %arg7[%mul3A_75] : memref<10240xi32, #tpu.memory_space<vmem>> -> memref<64xi32, #tpu.memory_space<vmem>>
      %dma_wait3A_77 = arith.constant 0 : i32
      %dma_wait3A_78 = arith.constant 0 : i32
      %dma_wait3A_79 = tpu.memref_slice %arg2[%dma_wait3A_77, %dma_wait3A_78] : memref<10000x128xf32, #tpu.memory_space<hbm>> -> memref<10000x128xf32, #tpu.memory_space<hbm>>
      tpu.wait_indirect_dma semaphore(%arg15 : memref<!tpu.dma_semaphore, #tpu.memory_space<semaphore_mem>>) src(%dma_wait3A_79 : memref<10000x128xf32, #tpu.memory_space<hbm>>) dst(%arg10 : memref<64x128xf32, #tpu.memory_space<vmem>>)
      %mul3A_80 = arith.constant 4 : i32
      %mul3A_81 = arith.muli %mul3A_80, %scan3A_41 : i32
      %add3A_82 = arith.constant 1 : i32
      %add3A_83 = arith.addi %mul3A_81, %add3A_82 : i32
      "tpu.region"() ({
        %run_scoped3A = tpu.sem_alloc : memref<!tpu.dma_semaphore, #tpu.memory_space<semaphore_mem>>
        %dma_start3A_130 = arith.constant 0 : i32
        %dma_start3A_131 = tpu.memref_slice %arg8[%add3A_83, %dma_start3A_130] : memref<40x64xi32, #tpu.memory_space<vmem>> -> memref<1x64xi32, #tpu.memory_space<vmem>>
        %dma_start3A_132 = tpu.memref_squeeze %dma_start3A_131 : memref<1x64xi32, #tpu.memory_space<vmem>> -> memref<64xi32, #tpu.memory_space<vmem>>
        %dma_start3A_133 = arith.constant 0 : i32
        %dma_start3A_134 = arith.constant 0 : i32
        %dma_start3A_135 = tpu.memref_slice %arg13[%dma_start3A_133, %dma_start3A_134] : memref<10240x128xf32, #tpu.memory_space<vmem_shared>> -> memref<10240x128xf32, #tpu.memory_space<vmem_shared>>
        tpu.enqueue_indirect_dma source(%arg10 : memref<64x128xf32, #tpu.memory_space<vmem>>) target(%dma_start3A_135 : memref<10240x128xf32, #tpu.memory_space<vmem_shared>>) offsets(%dma_start3A_132 : memref<64xi32, #tpu.memory_space<vmem>>) semaphore(%run_scoped3A : memref<!tpu.dma_semaphore, #tpu.memory_space<semaphore_mem>>) {add = true}
        %dma_wait3A_136 = arith.constant 0 : i32
        %dma_wait3A_137 = tpu.memref_slice %arg8[%add3A_83, %dma_wait3A_136] : memref<40x64xi32, #tpu.memory_space<vmem>> -> memref<1x64xi32, #tpu.memory_space<vmem>>
        %dma_wait3A_138 = tpu.memref_squeeze %dma_wait3A_137 : memref<1x64xi32, #tpu.memory_space<vmem>> -> memref<64xi32, #tpu.memory_space<vmem>>
        %dma_wait3A_139 = arith.constant 0 : i32
        %dma_wait3A_140 = arith.constant 0 : i32
        %dma_wait3A_141 = tpu.memref_slice %arg13[%dma_wait3A_139, %dma_wait3A_140] : memref<10240x128xf32, #tpu.memory_space<vmem_shared>> -> memref<10240x128xf32, #tpu.memory_space<vmem_shared>>
        tpu.wait_indirect_dma semaphore(%run_scoped3A : memref<!tpu.dma_semaphore, #tpu.memory_space<semaphore_mem>>) src(%arg10 : memref<64x128xf32, #tpu.memory_space<vmem>>) dst(%dma_wait3A_141 : memref<10240x128xf32, #tpu.memory_space<vmem_shared>>)
        tpu.yield
      }) : () -> ()
      %mul3A_84 = arith.constant 4 : i32
      %mul3A_85 = arith.muli %mul3A_84, %scan3A_41 : i32
      %add3A_86 = arith.constant 40 : i32
      %add3A_87 = arith.addi %add3A_86, %mul3A_85 : i32
      %add3A_88 = arith.constant 2 : i32
      %add3A_89 = arith.addi %add3A_87, %add3A_88 : i32
      %add3A_90 = arith.constant 3 : i32
      %add3A_91 = arith.addi %add3A_89, %add3A_90 : i32
      %lt3A_92 = arith.constant 160 : i32
      %lt3A_93 = arith.cmpi slt, %add3A_91, %lt3A_92 : i32
      %convert_element_type3A_94 = arith.extui %lt3A_93 : i1 to i32
      %cond3A_95 = arith.constant 0 : i32
      %cond3A_96 = arith.cmpi ne, %convert_element_type3A_94, %cond3A_95 : i32
      scf.if %cond3A_96 {
        %add3A_130 = arith.constant 3 : i32
        %add3A_131 = arith.addi %add3A_89, %add3A_130 : i32
        %mul3A_132 = arith.constant 64 : i32
        %mul3A_133 = arith.muli %add3A_131, %mul3A_132 : i32
        %dma_start3A_134 = tpu.memref_slice %arg7[%mul3A_133] : memref<10240xi32, #tpu.memory_space<vmem>> -> memref<64xi32, #tpu.memory_space<vmem>>
        %dma_start3A_135 = arith.constant 0 : i32
        %dma_start3A_136 = arith.constant 0 : i32
        %dma_start3A_137 = tpu.memref_slice %arg2[%dma_start3A_135, %dma_start3A_136] : memref<10000x128xf32, #tpu.memory_space<hbm>> -> memref<10000x128xf32, #tpu.memory_space<hbm>>
        tpu.enqueue_indirect_dma source(%dma_start3A_137 : memref<10000x128xf32, #tpu.memory_space<hbm>>) target(%arg10 : memref<64x128xf32, #tpu.memory_space<vmem>>) offsets(%dma_start3A_134 : memref<64xi32, #tpu.memory_space<vmem>>) semaphore(%arg15 : memref<!tpu.dma_semaphore, #tpu.memory_space<semaphore_mem>>)
      } else {
      }
      %mul3A_97 = arith.constant 64 : i32
      %mul3A_98 = arith.muli %add3A_89, %mul3A_97 : i32
      %dma_wait3A_99 = tpu.memref_slice %arg7[%mul3A_98] : memref<10240xi32, #tpu.memory_space<vmem>> -> memref<64xi32, #tpu.memory_space<vmem>>
      %dma_wait3A_100 = arith.constant 0 : i32
      %dma_wait3A_101 = arith.constant 0 : i32
      %dma_wait3A_102 = tpu.memref_slice %arg2[%dma_wait3A_100, %dma_wait3A_101] : memref<10000x128xf32, #tpu.memory_space<hbm>> -> memref<10000x128xf32, #tpu.memory_space<hbm>>
      tpu.wait_indirect_dma semaphore(%arg16 : memref<!tpu.dma_semaphore, #tpu.memory_space<semaphore_mem>>) src(%dma_wait3A_102 : memref<10000x128xf32, #tpu.memory_space<hbm>>) dst(%arg11 : memref<64x128xf32, #tpu.memory_space<vmem>>)
      %mul3A_103 = arith.constant 4 : i32
      %mul3A_104 = arith.muli %mul3A_103, %scan3A_41 : i32
      %add3A_105 = arith.constant 2 : i32
      %add3A_106 = arith.addi %mul3A_104, %add3A_105 : i32
      "tpu.region"() ({
        %run_scoped3A = tpu.sem_alloc : memref<!tpu.dma_semaphore, #tpu.memory_space<semaphore_mem>>
        %dma_start3A_130 = arith.constant 0 : i32
        %dma_start3A_131 = tpu.memref_slice %arg8[%add3A_106, %dma_start3A_130] : memref<40x64xi32, #tpu.memory_space<vmem>> -> memref<1x64xi32, #tpu.memory_space<vmem>>
        %dma_start3A_132 = tpu.memref_squeeze %dma_start3A_131 : memref<1x64xi32, #tpu.memory_space<vmem>> -> memref<64xi32, #tpu.memory_space<vmem>>
        %dma_start3A_133 = arith.constant 0 : i32
        %dma_start3A_134 = arith.constant 0 : i32
        %dma_start3A_135 = tpu.memref_slice %arg13[%dma_start3A_133, %dma_start3A_134] : memref<10240x128xf32, #tpu.memory_space<vmem_shared>> -> memref<10240x128xf32, #tpu.memory_space<vmem_shared>>
        tpu.enqueue_indirect_dma source(%arg11 : memref<64x128xf32, #tpu.memory_space<vmem>>) target(%dma_start3A_135 : memref<10240x128xf32, #tpu.memory_space<vmem_shared>>) offsets(%dma_start3A_132 : memref<64xi32, #tpu.memory_space<vmem>>) semaphore(%run_scoped3A : memref<!tpu.dma_semaphore, #tpu.memory_space<semaphore_mem>>) {add = true}
        %dma_wait3A_136 = arith.constant 0 : i32
        %dma_wait3A_137 = tpu.memref_slice %arg8[%add3A_106, %dma_wait3A_136] : memref<40x64xi32, #tpu.memory_space<vmem>> -> memref<1x64xi32, #tpu.memory_space<vmem>>
        %dma_wait3A_138 = tpu.memref_squeeze %dma_wait3A_137 : memref<1x64xi32, #tpu.memory_space<vmem>> -> memref<64xi32, #tpu.memory_space<vmem>>
        %dma_wait3A_139 = arith.constant 0 : i32
        %dma_wait3A_140 = arith.constant 0 : i32
        %dma_wait3A_141 = tpu.memref_slice %arg13[%dma_wait3A_139, %dma_wait3A_140] : memref<10240x128xf32, #tpu.memory_space<vmem_shared>> -> memref<10240x128xf32, #tpu.memory_space<vmem_shared>>
        tpu.wait_indirect_dma semaphore(%run_scoped3A : memref<!tpu.dma_semaphore, #tpu.memory_space<semaphore_mem>>) src(%arg11 : memref<64x128xf32, #tpu.memory_space<vmem>>) dst(%dma_wait3A_141 : memref<10240x128xf32, #tpu.memory_space<vmem_shared>>)
        tpu.yield
      }) : () -> ()
      %mul3A_107 = arith.constant 4 : i32
      %mul3A_108 = arith.muli %mul3A_107, %scan3A_41 : i32
      %add3A_109 = arith.constant 40 : i32
      %add3A_110 = arith.addi %add3A_109, %mul3A_108 : i32
      %add3A_111 = arith.constant 3 : i32
      %add3A_112 = arith.addi %add3A_110, %add3A_111 : i32
      %add3A_113 = arith.constant 3 : i32
      %add3A_114 = arith.addi %add3A_112, %add3A_113 : i32
      %lt3A_115 = arith.constant 160 : i32
      %lt3A_116 = arith.cmpi slt, %add3A_114, %lt3A_115 : i32
      %convert_element_type3A_117 = arith.extui %lt3A_116 : i1 to i32
      %cond3A_118 = arith.constant 0 : i32
      %cond3A_119 = arith.cmpi ne, %convert_element_type3A_117, %cond3A_118 : i32
      scf.if %cond3A_119 {
        %add3A_130 = arith.constant 3 : i32
        %add3A_131 = arith.addi %add3A_112, %add3A_130 : i32
        %mul3A_132 = arith.constant 64 : i32
        %mul3A_133 = arith.muli %add3A_131, %mul3A_132 : i32
        %dma_start3A_134 = tpu.memref_slice %arg7[%mul3A_133] : memref<10240xi32, #tpu.memory_space<vmem>> -> memref<64xi32, #tpu.memory_space<vmem>>
        %dma_start3A_135 = arith.constant 0 : i32
        %dma_start3A_136 = arith.constant 0 : i32
        %dma_start3A_137 = tpu.memref_slice %arg2[%dma_start3A_135, %dma_start3A_136] : memref<10000x128xf32, #tpu.memory_space<hbm>> -> memref<10000x128xf32, #tpu.memory_space<hbm>>
        tpu.enqueue_indirect_dma source(%dma_start3A_137 : memref<10000x128xf32, #tpu.memory_space<hbm>>) target(%arg11 : memref<64x128xf32, #tpu.memory_space<vmem>>) offsets(%dma_start3A_134 : memref<64xi32, #tpu.memory_space<vmem>>) semaphore(%arg16 : memref<!tpu.dma_semaphore, #tpu.memory_space<semaphore_mem>>)
      } else {
      }
      %mul3A_120 = arith.constant 64 : i32
      %mul3A_121 = arith.muli %add3A_112, %mul3A_120 : i32
      %dma_wait3A_122 = tpu.memref_slice %arg7[%mul3A_121] : memref<10240xi32, #tpu.memory_space<vmem>> -> memref<64xi32, #tpu.memory_space<vmem>>
      %dma_wait3A_123 = arith.constant 0 : i32
      %dma_wait3A_124 = arith.constant 0 : i32
      %dma_wait3A_125 = tpu.memref_slice %arg2[%dma_wait3A_123, %dma_wait3A_124] : memref<10000x128xf32, #tpu.memory_space<hbm>> -> memref<10000x128xf32, #tpu.memory_space<hbm>>
      tpu.wait_indirect_dma semaphore(%arg17 : memref<!tpu.dma_semaphore, #tpu.memory_space<semaphore_mem>>) src(%dma_wait3A_125 : memref<10000x128xf32, #tpu.memory_space<hbm>>) dst(%arg12 : memref<64x128xf32, #tpu.memory_space<vmem>>)
      %mul3A_126 = arith.constant 4 : i32
      %mul3A_127 = arith.muli %mul3A_126, %scan3A_41 : i32
      %add3A_128 = arith.constant 3 : i32
      %add3A_129 = arith.addi %mul3A_127, %add3A_128 : i32
      "tpu.region"() ({
        %run_scoped3A = tpu.sem_alloc : memref<!tpu.dma_semaphore, #tpu.memory_space<semaphore_mem>>
        %dma_start3A_130 = arith.constant 0 : i32
        %dma_start3A_131 = tpu.memref_slice %arg8[%add3A_129, %dma_start3A_130] : memref<40x64xi32, #tpu.memory_space<vmem>> -> memref<1x64xi32, #tpu.memory_space<vmem>>
        %dma_start3A_132 = tpu.memref_squeeze %dma_start3A_131 : memref<1x64xi32, #tpu.memory_space<vmem>> -> memref<64xi32, #tpu.memory_space<vmem>>
        %dma_start3A_133 = arith.constant 0 : i32
        %dma_start3A_134 = arith.constant 0 : i32
        %dma_start3A_135 = tpu.memref_slice %arg13[%dma_start3A_133, %dma_start3A_134] : memref<10240x128xf32, #tpu.memory_space<vmem_shared>> -> memref<10240x128xf32, #tpu.memory_space<vmem_shared>>
        tpu.enqueue_indirect_dma source(%arg12 : memref<64x128xf32, #tpu.memory_space<vmem>>) target(%dma_start3A_135 : memref<10240x128xf32, #tpu.memory_space<vmem_shared>>) offsets(%dma_start3A_132 : memref<64xi32, #tpu.memory_space<vmem>>) semaphore(%run_scoped3A : memref<!tpu.dma_semaphore, #tpu.memory_space<semaphore_mem>>) {add = true}
        %dma_wait3A_136 = arith.constant 0 : i32
        %dma_wait3A_137 = tpu.memref_slice %arg8[%add3A_129, %dma_wait3A_136] : memref<40x64xi32, #tpu.memory_space<vmem>> -> memref<1x64xi32, #tpu.memory_space<vmem>>
        %dma_wait3A_138 = tpu.memref_squeeze %dma_wait3A_137 : memref<1x64xi32, #tpu.memory_space<vmem>> -> memref<64xi32, #tpu.memory_space<vmem>>
        %dma_wait3A_139 = arith.constant 0 : i32
        %dma_wait3A_140 = arith.constant 0 : i32
        %dma_wait3A_141 = tpu.memref_slice %arg13[%dma_wait3A_139, %dma_wait3A_140] : memref<10240x128xf32, #tpu.memory_space<vmem_shared>> -> memref<10240x128xf32, #tpu.memory_space<vmem_shared>>
        tpu.wait_indirect_dma semaphore(%run_scoped3A : memref<!tpu.dma_semaphore, #tpu.memory_space<semaphore_mem>>) src(%arg12 : memref<64x128xf32, #tpu.memory_space<vmem>>) dst(%dma_wait3A_141 : memref<10240x128xf32, #tpu.memory_space<vmem_shared>>)
        tpu.yield
      }) : () -> ()
    }
    %scan3A_27 = arith.constant 10 : i32
    "tpu.region"() ({
      %run_scoped3A = tpu.sem_alloc : memref<!tpu.dma_semaphore, #tpu.memory_space<semaphore_mem>>
      %dma_start3A_41 = arith.constant 80 : i32
      %dma_start3A_42 = arith.constant 0 : i32
      %dma_start3A_43 = tpu.memref_slice %arg4[%add3A, %dma_start3A_41, %dma_start3A_42] : memref<32x160x64xi32, #tpu.memory_space<hbm>> -> memref<1x40x64xi32, #tpu.memory_space<hbm>>
      %dma_start3A_44 = tpu.memref_squeeze %dma_start3A_43 : memref<1x40x64xi32, #tpu.memory_space<hbm>> -> memref<40x64xi32, #tpu.memory_space<hbm>>
      %dma_start3A_45 = arith.constant 80 : i32
      %dma_start3A_46 = arith.constant 0 : i32
      %dma_start3A_47 = tpu.memref_slice %arg4[%add3A, %dma_start3A_45, %dma_start3A_46] : memref<32x160x64xi32, #tpu.memory_space<hbm>> -> memref<1x40x64xi32, #tpu.memory_space<hbm>>
      %dma_start3A_48 = tpu.memref_squeeze %dma_start3A_47 : memref<1x40x64xi32, #tpu.memory_space<hbm>> -> memref<40x64xi32, #tpu.memory_space<hbm>>
      tpu.enqueue_dma source(%dma_start3A_48 : memref<40x64xi32, #tpu.memory_space<hbm>>) target(%arg8 : memref<40x64xi32, #tpu.memory_space<vmem>>) target_semaphore(%run_scoped3A : memref<!tpu.dma_semaphore, #tpu.memory_space<semaphore_mem>>)
      %dma_wait3A = arith.constant 80 : i32
      %dma_wait3A_49 = arith.constant 0 : i32
      %dma_wait3A_50 = tpu.memref_slice %arg4[%add3A, %dma_wait3A, %dma_wait3A_49] : memref<32x160x64xi32, #tpu.memory_space<hbm>> -> memref<1x40x64xi32, #tpu.memory_space<hbm>>
      %dma_wait3A_51 = tpu.memref_squeeze %dma_wait3A_50 : memref<1x40x64xi32, #tpu.memory_space<hbm>> -> memref<40x64xi32, #tpu.memory_space<hbm>>
      %dma_wait3A_52 = arith.constant 80 : i32
      %dma_wait3A_53 = arith.constant 0 : i32
      %dma_wait3A_54 = tpu.memref_slice %arg4[%add3A, %dma_wait3A_52, %dma_wait3A_53] : memref<32x160x64xi32, #tpu.memory_space<hbm>> -> memref<1x40x64xi32, #tpu.memory_space<hbm>>
      %dma_wait3A_55 = tpu.memref_squeeze %dma_wait3A_54 : memref<1x40x64xi32, #tpu.memory_space<hbm>> -> memref<40x64xi32, #tpu.memory_space<hbm>>
      tpu.wait_dma2 semaphore(%run_scoped3A : memref<!tpu.dma_semaphore, #tpu.memory_space<semaphore_mem>>) src(%dma_wait3A_55 : memref<40x64xi32, #tpu.memory_space<hbm>>) dst(%arg8 : memref<40x64xi32, #tpu.memory_space<vmem>>)
      tpu.yield
    }) : () -> ()
    %scan3A_28 = arith.constant 0 : i32
    %scan3A_29 = arith.constant 0 : i32
    %scan3A_30 = arith.constant 10 : i32
    %scan3A_31 = arith.addi %scan3A_29, %scan3A_30 : i32
    %scan3A_32 = arith.constant 1 : i32
    scf.for %scan3A_41 = %scan3A_29 to %scan3A_31 step %scan3A_32  : i32 {
      %mul3A_42 = arith.constant 4 : i32
      %mul3A_43 = arith.muli %mul3A_42, %scan3A_41 : i32
      %add3A_44 = arith.constant 80 : i32
      %add3A_45 = arith.addi %add3A_44, %mul3A_43 : i32
      %add3A_46 = arith.constant 0 : i32
      %add3A_47 = arith.addi %add3A_45, %add3A_46 : i32
      %add3A_48 = arith.constant 3 : i32
      %add3A_49 = arith.addi %add3A_47, %add3A_48 : i32
      %lt3A = arith.constant 160 : i32
      %lt3A_50 = arith.cmpi slt, %add3A_49, %lt3A : i32
      %convert_element_type3A = arith.extui %lt3A_50 : i1 to i32
      %cond3A = arith.constant 0 : i32
      %cond3A_51 = arith.cmpi ne, %convert_element_type3A, %cond3A : i32
      scf.if %cond3A_51 {
        %add3A_130 = arith.constant 3 : i32
        %add3A_131 = arith.addi %add3A_47, %add3A_130 : i32
        %mul3A_132 = arith.constant 64 : i32
        %mul3A_133 = arith.muli %add3A_131, %mul3A_132 : i32
        %dma_start3A_134 = tpu.memref_slice %arg7[%mul3A_133] : memref<10240xi32, #tpu.memory_space<vmem>> -> memref<64xi32, #tpu.memory_space<vmem>>
        %dma_start3A_135 = arith.constant 0 : i32
        %dma_start3A_136 = arith.constant 0 : i32
        %dma_start3A_137 = tpu.memref_slice %arg2[%dma_start3A_135, %dma_start3A_136] : memref<10000x128xf32, #tpu.memory_space<hbm>> -> memref<10000x128xf32, #tpu.memory_space<hbm>>
        tpu.enqueue_indirect_dma source(%dma_start3A_137 : memref<10000x128xf32, #tpu.memory_space<hbm>>) target(%arg12 : memref<64x128xf32, #tpu.memory_space<vmem>>) offsets(%dma_start3A_134 : memref<64xi32, #tpu.memory_space<vmem>>) semaphore(%arg17 : memref<!tpu.dma_semaphore, #tpu.memory_space<semaphore_mem>>)
      } else {
      }
      %mul3A_52 = arith.constant 64 : i32
      %mul3A_53 = arith.muli %add3A_47, %mul3A_52 : i32
      %dma_wait3A = tpu.memref_slice %arg7[%mul3A_53] : memref<10240xi32, #tpu.memory_space<vmem>> -> memref<64xi32, #tpu.memory_space<vmem>>
      %dma_wait3A_54 = arith.constant 0 : i32
      %dma_wait3A_55 = arith.constant 0 : i32
      %dma_wait3A_56 = tpu.memref_slice %arg2[%dma_wait3A_54, %dma_wait3A_55] : memref<10000x128xf32, #tpu.memory_space<hbm>> -> memref<10000x128xf32, #tpu.memory_space<hbm>>
      tpu.wait_indirect_dma semaphore(%arg14 : memref<!tpu.dma_semaphore, #tpu.memory_space<semaphore_mem>>) src(%dma_wait3A_56 : memref<10000x128xf32, #tpu.memory_space<hbm>>) dst(%arg9 : memref<64x128xf32, #tpu.memory_space<vmem>>)
      %mul3A_57 = arith.constant 4 : i32
      %mul3A_58 = arith.muli %mul3A_57, %scan3A_41 : i32
      %add3A_59 = arith.constant 0 : i32
      %add3A_60 = arith.addi %mul3A_58, %add3A_59 : i32
      "tpu.region"() ({
        %run_scoped3A = tpu.sem_alloc : memref<!tpu.dma_semaphore, #tpu.memory_space<semaphore_mem>>
        %dma_start3A_130 = arith.constant 0 : i32
        %dma_start3A_131 = tpu.memref_slice %arg8[%add3A_60, %dma_start3A_130] : memref<40x64xi32, #tpu.memory_space<vmem>> -> memref<1x64xi32, #tpu.memory_space<vmem>>
        %dma_start3A_132 = tpu.memref_squeeze %dma_start3A_131 : memref<1x64xi32, #tpu.memory_space<vmem>> -> memref<64xi32, #tpu.memory_space<vmem>>
        %dma_start3A_133 = arith.constant 0 : i32
        %dma_start3A_134 = arith.constant 0 : i32
        %dma_start3A_135 = tpu.memref_slice %arg13[%dma_start3A_133, %dma_start3A_134] : memref<10240x128xf32, #tpu.memory_space<vmem_shared>> -> memref<10240x128xf32, #tpu.memory_space<vmem_shared>>
        tpu.enqueue_indirect_dma source(%arg9 : memref<64x128xf32, #tpu.memory_space<vmem>>) target(%dma_start3A_135 : memref<10240x128xf32, #tpu.memory_space<vmem_shared>>) offsets(%dma_start3A_132 : memref<64xi32, #tpu.memory_space<vmem>>) semaphore(%run_scoped3A : memref<!tpu.dma_semaphore, #tpu.memory_space<semaphore_mem>>) {add = true}
        %dma_wait3A_136 = arith.constant 0 : i32
        %dma_wait3A_137 = tpu.memref_slice %arg8[%add3A_60, %dma_wait3A_136] : memref<40x64xi32, #tpu.memory_space<vmem>> -> memref<1x64xi32, #tpu.memory_space<vmem>>
        %dma_wait3A_138 = tpu.memref_squeeze %dma_wait3A_137 : memref<1x64xi32, #tpu.memory_space<vmem>> -> memref<64xi32, #tpu.memory_space<vmem>>
        %dma_wait3A_139 = arith.constant 0 : i32
        %dma_wait3A_140 = arith.constant 0 : i32
        %dma_wait3A_141 = tpu.memref_slice %arg13[%dma_wait3A_139, %dma_wait3A_140] : memref<10240x128xf32, #tpu.memory_space<vmem_shared>> -> memref<10240x128xf32, #tpu.memory_space<vmem_shared>>
        tpu.wait_indirect_dma semaphore(%run_scoped3A : memref<!tpu.dma_semaphore, #tpu.memory_space<semaphore_mem>>) src(%arg9 : memref<64x128xf32, #tpu.memory_space<vmem>>) dst(%dma_wait3A_141 : memref<10240x128xf32, #tpu.memory_space<vmem_shared>>)
        tpu.yield
      }) : () -> ()
      %mul3A_61 = arith.constant 4 : i32
      %mul3A_62 = arith.muli %mul3A_61, %scan3A_41 : i32
      %add3A_63 = arith.constant 80 : i32
      %add3A_64 = arith.addi %add3A_63, %mul3A_62 : i32
      %add3A_65 = arith.constant 1 : i32
      %add3A_66 = arith.addi %add3A_64, %add3A_65 : i32
      %add3A_67 = arith.constant 3 : i32
      %add3A_68 = arith.addi %add3A_66, %add3A_67 : i32
      %lt3A_69 = arith.constant 160 : i32
      %lt3A_70 = arith.cmpi slt, %add3A_68, %lt3A_69 : i32
      %convert_element_type3A_71 = arith.extui %lt3A_70 : i1 to i32
      %cond3A_72 = arith.constant 0 : i32
      %cond3A_73 = arith.cmpi ne, %convert_element_type3A_71, %cond3A_72 : i32
      scf.if %cond3A_73 {
        %add3A_130 = arith.constant 3 : i32
        %add3A_131 = arith.addi %add3A_66, %add3A_130 : i32
        %mul3A_132 = arith.constant 64 : i32
        %mul3A_133 = arith.muli %add3A_131, %mul3A_132 : i32
        %dma_start3A_134 = tpu.memref_slice %arg7[%mul3A_133] : memref<10240xi32, #tpu.memory_space<vmem>> -> memref<64xi32, #tpu.memory_space<vmem>>
        %dma_start3A_135 = arith.constant 0 : i32
        %dma_start3A_136 = arith.constant 0 : i32
        %dma_start3A_137 = tpu.memref_slice %arg2[%dma_start3A_135, %dma_start3A_136] : memref<10000x128xf32, #tpu.memory_space<hbm>> -> memref<10000x128xf32, #tpu.memory_space<hbm>>
        tpu.enqueue_indirect_dma source(%dma_start3A_137 : memref<10000x128xf32, #tpu.memory_space<hbm>>) target(%arg9 : memref<64x128xf32, #tpu.memory_space<vmem>>) offsets(%dma_start3A_134 : memref<64xi32, #tpu.memory_space<vmem>>) semaphore(%arg14 : memref<!tpu.dma_semaphore, #tpu.memory_space<semaphore_mem>>)
      } else {
      }
      %mul3A_74 = arith.constant 64 : i32
      %mul3A_75 = arith.muli %add3A_66, %mul3A_74 : i32
      %dma_wait3A_76 = tpu.memref_slice %arg7[%mul3A_75] : memref<10240xi32, #tpu.memory_space<vmem>> -> memref<64xi32, #tpu.memory_space<vmem>>
      %dma_wait3A_77 = arith.constant 0 : i32
      %dma_wait3A_78 = arith.constant 0 : i32
      %dma_wait3A_79 = tpu.memref_slice %arg2[%dma_wait3A_77, %dma_wait3A_78] : memref<10000x128xf32, #tpu.memory_space<hbm>> -> memref<10000x128xf32, #tpu.memory_space<hbm>>
      tpu.wait_indirect_dma semaphore(%arg15 : memref<!tpu.dma_semaphore, #tpu.memory_space<semaphore_mem>>) src(%dma_wait3A_79 : memref<10000x128xf32, #tpu.memory_space<hbm>>) dst(%arg10 : memref<64x128xf32, #tpu.memory_space<vmem>>)
      %mul3A_80 = arith.constant 4 : i32
      %mul3A_81 = arith.muli %mul3A_80, %scan3A_41 : i32
      %add3A_82 = arith.constant 1 : i32
      %add3A_83 = arith.addi %mul3A_81, %add3A_82 : i32
      "tpu.region"() ({
        %run_scoped3A = tpu.sem_alloc : memref<!tpu.dma_semaphore, #tpu.memory_space<semaphore_mem>>
        %dma_start3A_130 = arith.constant 0 : i32
        %dma_start3A_131 = tpu.memref_slice %arg8[%add3A_83, %dma_start3A_130] : memref<40x64xi32, #tpu.memory_space<vmem>> -> memref<1x64xi32, #tpu.memory_space<vmem>>
        %dma_start3A_132 = tpu.memref_squeeze %dma_start3A_131 : memref<1x64xi32, #tpu.memory_space<vmem>> -> memref<64xi32, #tpu.memory_space<vmem>>
        %dma_start3A_133 = arith.constant 0 : i32
        %dma_start3A_134 = arith.constant 0 : i32
        %dma_start3A_135 = tpu.memref_slice %arg13[%dma_start3A_133, %dma_start3A_134] : memref<10240x128xf32, #tpu.memory_space<vmem_shared>> -> memref<10240x128xf32, #tpu.memory_space<vmem_shared>>
        tpu.enqueue_indirect_dma source(%arg10 : memref<64x128xf32, #tpu.memory_space<vmem>>) target(%dma_start3A_135 : memref<10240x128xf32, #tpu.memory_space<vmem_shared>>) offsets(%dma_start3A_132 : memref<64xi32, #tpu.memory_space<vmem>>) semaphore(%run_scoped3A : memref<!tpu.dma_semaphore, #tpu.memory_space<semaphore_mem>>) {add = true}
        %dma_wait3A_136 = arith.constant 0 : i32
        %dma_wait3A_137 = tpu.memref_slice %arg8[%add3A_83, %dma_wait3A_136] : memref<40x64xi32, #tpu.memory_space<vmem>> -> memref<1x64xi32, #tpu.memory_space<vmem>>
        %dma_wait3A_138 = tpu.memref_squeeze %dma_wait3A_137 : memref<1x64xi32, #tpu.memory_space<vmem>> -> memref<64xi32, #tpu.memory_space<vmem>>
        %dma_wait3A_139 = arith.constant 0 : i32
        %dma_wait3A_140 = arith.constant 0 : i32
        %dma_wait3A_141 = tpu.memref_slice %arg13[%dma_wait3A_139, %dma_wait3A_140] : memref<10240x128xf32, #tpu.memory_space<vmem_shared>> -> memref<10240x128xf32, #tpu.memory_space<vmem_shared>>
        tpu.wait_indirect_dma semaphore(%run_scoped3A : memref<!tpu.dma_semaphore, #tpu.memory_space<semaphore_mem>>) src(%arg10 : memref<64x128xf32, #tpu.memory_space<vmem>>) dst(%dma_wait3A_141 : memref<10240x128xf32, #tpu.memory_space<vmem_shared>>)
        tpu.yield
      }) : () -> ()
      %mul3A_84 = arith.constant 4 : i32
      %mul3A_85 = arith.muli %mul3A_84, %scan3A_41 : i32
      %add3A_86 = arith.constant 80 : i32
      %add3A_87 = arith.addi %add3A_86, %mul3A_85 : i32
      %add3A_88 = arith.constant 2 : i32
      %add3A_89 = arith.addi %add3A_87, %add3A_88 : i32
      %add3A_90 = arith.constant 3 : i32
      %add3A_91 = arith.addi %add3A_89, %add3A_90 : i32
      %lt3A_92 = arith.constant 160 : i32
      %lt3A_93 = arith.cmpi slt, %add3A_91, %lt3A_92 : i32
      %convert_element_type3A_94 = arith.extui %lt3A_93 : i1 to i32
      %cond3A_95 = arith.constant 0 : i32
      %cond3A_96 = arith.cmpi ne, %convert_element_type3A_94, %cond3A_95 : i32
      scf.if %cond3A_96 {
        %add3A_130 = arith.constant 3 : i32
        %add3A_131 = arith.addi %add3A_89, %add3A_130 : i32
        %mul3A_132 = arith.constant 64 : i32
        %mul3A_133 = arith.muli %add3A_131, %mul3A_132 : i32
        %dma_start3A_134 = tpu.memref_slice %arg7[%mul3A_133] : memref<10240xi32, #tpu.memory_space<vmem>> -> memref<64xi32, #tpu.memory_space<vmem>>
        %dma_start3A_135 = arith.constant 0 : i32
        %dma_start3A_136 = arith.constant 0 : i32
        %dma_start3A_137 = tpu.memref_slice %arg2[%dma_start3A_135, %dma_start3A_136] : memref<10000x128xf32, #tpu.memory_space<hbm>> -> memref<10000x128xf32, #tpu.memory_space<hbm>>
        tpu.enqueue_indirect_dma source(%dma_start3A_137 : memref<10000x128xf32, #tpu.memory_space<hbm>>) target(%arg10 : memref<64x128xf32, #tpu.memory_space<vmem>>) offsets(%dma_start3A_134 : memref<64xi32, #tpu.memory_space<vmem>>) semaphore(%arg15 : memref<!tpu.dma_semaphore, #tpu.memory_space<semaphore_mem>>)
      } else {
      }
      %mul3A_97 = arith.constant 64 : i32
      %mul3A_98 = arith.muli %add3A_89, %mul3A_97 : i32
      %dma_wait3A_99 = tpu.memref_slice %arg7[%mul3A_98] : memref<10240xi32, #tpu.memory_space<vmem>> -> memref<64xi32, #tpu.memory_space<vmem>>
      %dma_wait3A_100 = arith.constant 0 : i32
      %dma_wait3A_101 = arith.constant 0 : i32
      %dma_wait3A_102 = tpu.memref_slice %arg2[%dma_wait3A_100, %dma_wait3A_101] : memref<10000x128xf32, #tpu.memory_space<hbm>> -> memref<10000x128xf32, #tpu.memory_space<hbm>>
      tpu.wait_indirect_dma semaphore(%arg16 : memref<!tpu.dma_semaphore, #tpu.memory_space<semaphore_mem>>) src(%dma_wait3A_102 : memref<10000x128xf32, #tpu.memory_space<hbm>>) dst(%arg11 : memref<64x128xf32, #tpu.memory_space<vmem>>)
      %mul3A_103 = arith.constant 4 : i32
      %mul3A_104 = arith.muli %mul3A_103, %scan3A_41 : i32
      %add3A_105 = arith.constant 2 : i32
      %add3A_106 = arith.addi %mul3A_104, %add3A_105 : i32
      "tpu.region"() ({
        %run_scoped3A = tpu.sem_alloc : memref<!tpu.dma_semaphore, #tpu.memory_space<semaphore_mem>>
        %dma_start3A_130 = arith.constant 0 : i32
        %dma_start3A_131 = tpu.memref_slice %arg8[%add3A_106, %dma_start3A_130] : memref<40x64xi32, #tpu.memory_space<vmem>> -> memref<1x64xi32, #tpu.memory_space<vmem>>
        %dma_start3A_132 = tpu.memref_squeeze %dma_start3A_131 : memref<1x64xi32, #tpu.memory_space<vmem>> -> memref<64xi32, #tpu.memory_space<vmem>>
        %dma_start3A_133 = arith.constant 0 : i32
        %dma_start3A_134 = arith.constant 0 : i32
        %dma_start3A_135 = tpu.memref_slice %arg13[%dma_start3A_133, %dma_start3A_134] : memref<10240x128xf32, #tpu.memory_space<vmem_shared>> -> memref<10240x128xf32, #tpu.memory_space<vmem_shared>>
        tpu.enqueue_indirect_dma source(%arg11 : memref<64x128xf32, #tpu.memory_space<vmem>>) target(%dma_start3A_135 : memref<10240x128xf32, #tpu.memory_space<vmem_shared>>) offsets(%dma_start3A_132 : memref<64xi32, #tpu.memory_space<vmem>>) semaphore(%run_scoped3A : memref<!tpu.dma_semaphore, #tpu.memory_space<semaphore_mem>>) {add = true}
        %dma_wait3A_136 = arith.constant 0 : i32
        %dma_wait3A_137 = tpu.memref_slice %arg8[%add3A_106, %dma_wait3A_136] : memref<40x64xi32, #tpu.memory_space<vmem>> -> memref<1x64xi32, #tpu.memory_space<vmem>>
        %dma_wait3A_138 = tpu.memref_squeeze %dma_wait3A_137 : memref<1x64xi32, #tpu.memory_space<vmem>> -> memref<64xi32, #tpu.memory_space<vmem>>
        %dma_wait3A_139 = arith.constant 0 : i32
        %dma_wait3A_140 = arith.constant 0 : i32
        %dma_wait3A_141 = tpu.memref_slice %arg13[%dma_wait3A_139, %dma_wait3A_140] : memref<10240x128xf32, #tpu.memory_space<vmem_shared>> -> memref<10240x128xf32, #tpu.memory_space<vmem_shared>>
        tpu.wait_indirect_dma semaphore(%run_scoped3A : memref<!tpu.dma_semaphore, #tpu.memory_space<semaphore_mem>>) src(%arg11 : memref<64x128xf32, #tpu.memory_space<vmem>>) dst(%dma_wait3A_141 : memref<10240x128xf32, #tpu.memory_space<vmem_shared>>)
        tpu.yield
      }) : () -> ()
      %mul3A_107 = arith.constant 4 : i32
      %mul3A_108 = arith.muli %mul3A_107, %scan3A_41 : i32
      %add3A_109 = arith.constant 80 : i32
      %add3A_110 = arith.addi %add3A_109, %mul3A_108 : i32
      %add3A_111 = arith.constant 3 : i32
      %add3A_112 = arith.addi %add3A_110, %add3A_111 : i32
      %add3A_113 = arith.constant 3 : i32
      %add3A_114 = arith.addi %add3A_112, %add3A_113 : i32
      %lt3A_115 = arith.constant 160 : i32
      %lt3A_116 = arith.cmpi slt, %add3A_114, %lt3A_115 : i32
      %convert_element_type3A_117 = arith.extui %lt3A_116 : i1 to i32
      %cond3A_118 = arith.constant 0 : i32
      %cond3A_119 = arith.cmpi ne, %convert_element_type3A_117, %cond3A_118 : i32
      scf.if %cond3A_119 {
        %add3A_130 = arith.constant 3 : i32
        %add3A_131 = arith.addi %add3A_112, %add3A_130 : i32
        %mul3A_132 = arith.constant 64 : i32
        %mul3A_133 = arith.muli %add3A_131, %mul3A_132 : i32
        %dma_start3A_134 = tpu.memref_slice %arg7[%mul3A_133] : memref<10240xi32, #tpu.memory_space<vmem>> -> memref<64xi32, #tpu.memory_space<vmem>>
        %dma_start3A_135 = arith.constant 0 : i32
        %dma_start3A_136 = arith.constant 0 : i32
        %dma_start3A_137 = tpu.memref_slice %arg2[%dma_start3A_135, %dma_start3A_136] : memref<10000x128xf32, #tpu.memory_space<hbm>> -> memref<10000x128xf32, #tpu.memory_space<hbm>>
        tpu.enqueue_indirect_dma source(%dma_start3A_137 : memref<10000x128xf32, #tpu.memory_space<hbm>>) target(%arg11 : memref<64x128xf32, #tpu.memory_space<vmem>>) offsets(%dma_start3A_134 : memref<64xi32, #tpu.memory_space<vmem>>) semaphore(%arg16 : memref<!tpu.dma_semaphore, #tpu.memory_space<semaphore_mem>>)
      } else {
      }
      %mul3A_120 = arith.constant 64 : i32
      %mul3A_121 = arith.muli %add3A_112, %mul3A_120 : i32
      %dma_wait3A_122 = tpu.memref_slice %arg7[%mul3A_121] : memref<10240xi32, #tpu.memory_space<vmem>> -> memref<64xi32, #tpu.memory_space<vmem>>
      %dma_wait3A_123 = arith.constant 0 : i32
      %dma_wait3A_124 = arith.constant 0 : i32
      %dma_wait3A_125 = tpu.memref_slice %arg2[%dma_wait3A_123, %dma_wait3A_124] : memref<10000x128xf32, #tpu.memory_space<hbm>> -> memref<10000x128xf32, #tpu.memory_space<hbm>>
      tpu.wait_indirect_dma semaphore(%arg17 : memref<!tpu.dma_semaphore, #tpu.memory_space<semaphore_mem>>) src(%dma_wait3A_125 : memref<10000x128xf32, #tpu.memory_space<hbm>>) dst(%arg12 : memref<64x128xf32, #tpu.memory_space<vmem>>)
      %mul3A_126 = arith.constant 4 : i32
      %mul3A_127 = arith.muli %mul3A_126, %scan3A_41 : i32
      %add3A_128 = arith.constant 3 : i32
      %add3A_129 = arith.addi %mul3A_127, %add3A_128 : i32
      "tpu.region"() ({
        %run_scoped3A = tpu.sem_alloc : memref<!tpu.dma_semaphore, #tpu.memory_space<semaphore_mem>>
        %dma_start3A_130 = arith.constant 0 : i32
        %dma_start3A_131 = tpu.memref_slice %arg8[%add3A_129, %dma_start3A_130] : memref<40x64xi32, #tpu.memory_space<vmem>> -> memref<1x64xi32, #tpu.memory_space<vmem>>
        %dma_start3A_132 = tpu.memref_squeeze %dma_start3A_131 : memref<1x64xi32, #tpu.memory_space<vmem>> -> memref<64xi32, #tpu.memory_space<vmem>>
        %dma_start3A_133 = arith.constant 0 : i32
        %dma_start3A_134 = arith.constant 0 : i32
        %dma_start3A_135 = tpu.memref_slice %arg13[%dma_start3A_133, %dma_start3A_134] : memref<10240x128xf32, #tpu.memory_space<vmem_shared>> -> memref<10240x128xf32, #tpu.memory_space<vmem_shared>>
        tpu.enqueue_indirect_dma source(%arg12 : memref<64x128xf32, #tpu.memory_space<vmem>>) target(%dma_start3A_135 : memref<10240x128xf32, #tpu.memory_space<vmem_shared>>) offsets(%dma_start3A_132 : memref<64xi32, #tpu.memory_space<vmem>>) semaphore(%run_scoped3A : memref<!tpu.dma_semaphore, #tpu.memory_space<semaphore_mem>>) {add = true}
        %dma_wait3A_136 = arith.constant 0 : i32
        %dma_wait3A_137 = tpu.memref_slice %arg8[%add3A_129, %dma_wait3A_136] : memref<40x64xi32, #tpu.memory_space<vmem>> -> memref<1x64xi32, #tpu.memory_space<vmem>>
        %dma_wait3A_138 = tpu.memref_squeeze %dma_wait3A_137 : memref<1x64xi32, #tpu.memory_space<vmem>> -> memref<64xi32, #tpu.memory_space<vmem>>
        %dma_wait3A_139 = arith.constant 0 : i32
        %dma_wait3A_140 = arith.constant 0 : i32
        %dma_wait3A_141 = tpu.memref_slice %arg13[%dma_wait3A_139, %dma_wait3A_140] : memref<10240x128xf32, #tpu.memory_space<vmem_shared>> -> memref<10240x128xf32, #tpu.memory_space<vmem_shared>>
        tpu.wait_indirect_dma semaphore(%run_scoped3A : memref<!tpu.dma_semaphore, #tpu.memory_space<semaphore_mem>>) src(%arg12 : memref<64x128xf32, #tpu.memory_space<vmem>>) dst(%dma_wait3A_141 : memref<10240x128xf32, #tpu.memory_space<vmem_shared>>)
        tpu.yield
      }) : () -> ()
    }
    %scan3A_33 = arith.constant 10 : i32
    "tpu.region"() ({
      %run_scoped3A = tpu.sem_alloc : memref<!tpu.dma_semaphore, #tpu.memory_space<semaphore_mem>>
      %dma_start3A_41 = arith.constant 120 : i32
      %dma_start3A_42 = arith.constant 0 : i32
      %dma_start3A_43 = tpu.memref_slice %arg4[%add3A, %dma_start3A_41, %dma_start3A_42] : memref<32x160x64xi32, #tpu.memory_space<hbm>> -> memref<1x40x64xi32, #tpu.memory_space<hbm>>
      %dma_start3A_44 = tpu.memref_squeeze %dma_start3A_43 : memref<1x40x64xi32, #tpu.memory_space<hbm>> -> memref<40x64xi32, #tpu.memory_space<hbm>>
      %dma_start3A_45 = arith.constant 120 : i32
      %dma_start3A_46 = arith.constant 0 : i32
      %dma_start3A_47 = tpu.memref_slice %arg4[%add3A, %dma_start3A_45, %dma_start3A_46] : memref<32x160x64xi32, #tpu.memory_space<hbm>> -> memref<1x40x64xi32, #tpu.memory_space<hbm>>
      %dma_start3A_48 = tpu.memref_squeeze %dma_start3A_47 : memref<1x40x64xi32, #tpu.memory_space<hbm>> -> memref<40x64xi32, #tpu.memory_space<hbm>>
      tpu.enqueue_dma source(%dma_start3A_48 : memref<40x64xi32, #tpu.memory_space<hbm>>) target(%arg8 : memref<40x64xi32, #tpu.memory_space<vmem>>) target_semaphore(%run_scoped3A : memref<!tpu.dma_semaphore, #tpu.memory_space<semaphore_mem>>)
      %dma_wait3A = arith.constant 120 : i32
      %dma_wait3A_49 = arith.constant 0 : i32
      %dma_wait3A_50 = tpu.memref_slice %arg4[%add3A, %dma_wait3A, %dma_wait3A_49] : memref<32x160x64xi32, #tpu.memory_space<hbm>> -> memref<1x40x64xi32, #tpu.memory_space<hbm>>
      %dma_wait3A_51 = tpu.memref_squeeze %dma_wait3A_50 : memref<1x40x64xi32, #tpu.memory_space<hbm>> -> memref<40x64xi32, #tpu.memory_space<hbm>>
      %dma_wait3A_52 = arith.constant 120 : i32
      %dma_wait3A_53 = arith.constant 0 : i32
      %dma_wait3A_54 = tpu.memref_slice %arg4[%add3A, %dma_wait3A_52, %dma_wait3A_53] : memref<32x160x64xi32, #tpu.memory_space<hbm>> -> memref<1x40x64xi32, #tpu.memory_space<hbm>>
      %dma_wait3A_55 = tpu.memref_squeeze %dma_wait3A_54 : memref<1x40x64xi32, #tpu.memory_space<hbm>> -> memref<40x64xi32, #tpu.memory_space<hbm>>
      tpu.wait_dma2 semaphore(%run_scoped3A : memref<!tpu.dma_semaphore, #tpu.memory_space<semaphore_mem>>) src(%dma_wait3A_55 : memref<40x64xi32, #tpu.memory_space<hbm>>) dst(%arg8 : memref<40x64xi32, #tpu.memory_space<vmem>>)
      tpu.yield
    }) : () -> ()
    %scan3A_34 = arith.constant 0 : i32
    %scan3A_35 = arith.constant 0 : i32
    %scan3A_36 = arith.constant 10 : i32
    %scan3A_37 = arith.addi %scan3A_35, %scan3A_36 : i32
    %scan3A_38 = arith.constant 1 : i32
    scf.for %scan3A_41 = %scan3A_35 to %scan3A_37 step %scan3A_38  : i32 {
      %mul3A_42 = arith.constant 4 : i32
      %mul3A_43 = arith.muli %mul3A_42, %scan3A_41 : i32
      %add3A_44 = arith.constant 120 : i32
      %add3A_45 = arith.addi %add3A_44, %mul3A_43 : i32
      %add3A_46 = arith.constant 0 : i32
      %add3A_47 = arith.addi %add3A_45, %add3A_46 : i32
      %add3A_48 = arith.constant 3 : i32
      %add3A_49 = arith.addi %add3A_47, %add3A_48 : i32
      %lt3A = arith.constant 160 : i32
      %lt3A_50 = arith.cmpi slt, %add3A_49, %lt3A : i32
      %convert_element_type3A = arith.extui %lt3A_50 : i1 to i32
      %cond3A = arith.constant 0 : i32
      %cond3A_51 = arith.cmpi ne, %convert_element_type3A, %cond3A : i32
      scf.if %cond3A_51 {
        %add3A_130 = arith.constant 3 : i32
        %add3A_131 = arith.addi %add3A_47, %add3A_130 : i32
        %mul3A_132 = arith.constant 64 : i32
        %mul3A_133 = arith.muli %add3A_131, %mul3A_132 : i32
        %dma_start3A_134 = tpu.memref_slice %arg7[%mul3A_133] : memref<10240xi32, #tpu.memory_space<vmem>> -> memref<64xi32, #tpu.memory_space<vmem>>
        %dma_start3A_135 = arith.constant 0 : i32
        %dma_start3A_136 = arith.constant 0 : i32
        %dma_start3A_137 = tpu.memref_slice %arg2[%dma_start3A_135, %dma_start3A_136] : memref<10000x128xf32, #tpu.memory_space<hbm>> -> memref<10000x128xf32, #tpu.memory_space<hbm>>
        tpu.enqueue_indirect_dma source(%dma_start3A_137 : memref<10000x128xf32, #tpu.memory_space<hbm>>) target(%arg12 : memref<64x128xf32, #tpu.memory_space<vmem>>) offsets(%dma_start3A_134 : memref<64xi32, #tpu.memory_space<vmem>>) semaphore(%arg17 : memref<!tpu.dma_semaphore, #tpu.memory_space<semaphore_mem>>)
      } else {
      }
      %mul3A_52 = arith.constant 64 : i32
      %mul3A_53 = arith.muli %add3A_47, %mul3A_52 : i32
      %dma_wait3A = tpu.memref_slice %arg7[%mul3A_53] : memref<10240xi32, #tpu.memory_space<vmem>> -> memref<64xi32, #tpu.memory_space<vmem>>
      %dma_wait3A_54 = arith.constant 0 : i32
      %dma_wait3A_55 = arith.constant 0 : i32
      %dma_wait3A_56 = tpu.memref_slice %arg2[%dma_wait3A_54, %dma_wait3A_55] : memref<10000x128xf32, #tpu.memory_space<hbm>> -> memref<10000x128xf32, #tpu.memory_space<hbm>>
      tpu.wait_indirect_dma semaphore(%arg14 : memref<!tpu.dma_semaphore, #tpu.memory_space<semaphore_mem>>) src(%dma_wait3A_56 : memref<10000x128xf32, #tpu.memory_space<hbm>>) dst(%arg9 : memref<64x128xf32, #tpu.memory_space<vmem>>)
      %mul3A_57 = arith.constant 4 : i32
      %mul3A_58 = arith.muli %mul3A_57, %scan3A_41 : i32
      %add3A_59 = arith.constant 0 : i32
      %add3A_60 = arith.addi %mul3A_58, %add3A_59 : i32
      "tpu.region"() ({
        %run_scoped3A = tpu.sem_alloc : memref<!tpu.dma_semaphore, #tpu.memory_space<semaphore_mem>>
        %dma_start3A_130 = arith.constant 0 : i32
        %dma_start3A_131 = tpu.memref_slice %arg8[%add3A_60, %dma_start3A_130] : memref<40x64xi32, #tpu.memory_space<vmem>> -> memref<1x64xi32, #tpu.memory_space<vmem>>
        %dma_start3A_132 = tpu.memref_squeeze %dma_start3A_131 : memref<1x64xi32, #tpu.memory_space<vmem>> -> memref<64xi32, #tpu.memory_space<vmem>>
        %dma_start3A_133 = arith.constant 0 : i32
        %dma_start3A_134 = arith.constant 0 : i32
        %dma_start3A_135 = tpu.memref_slice %arg13[%dma_start3A_133, %dma_start3A_134] : memref<10240x128xf32, #tpu.memory_space<vmem_shared>> -> memref<10240x128xf32, #tpu.memory_space<vmem_shared>>
        tpu.enqueue_indirect_dma source(%arg9 : memref<64x128xf32, #tpu.memory_space<vmem>>) target(%dma_start3A_135 : memref<10240x128xf32, #tpu.memory_space<vmem_shared>>) offsets(%dma_start3A_132 : memref<64xi32, #tpu.memory_space<vmem>>) semaphore(%run_scoped3A : memref<!tpu.dma_semaphore, #tpu.memory_space<semaphore_mem>>) {add = true}
        %dma_wait3A_136 = arith.constant 0 : i32
        %dma_wait3A_137 = tpu.memref_slice %arg8[%add3A_60, %dma_wait3A_136] : memref<40x64xi32, #tpu.memory_space<vmem>> -> memref<1x64xi32, #tpu.memory_space<vmem>>
        %dma_wait3A_138 = tpu.memref_squeeze %dma_wait3A_137 : memref<1x64xi32, #tpu.memory_space<vmem>> -> memref<64xi32, #tpu.memory_space<vmem>>
        %dma_wait3A_139 = arith.constant 0 : i32
        %dma_wait3A_140 = arith.constant 0 : i32
        %dma_wait3A_141 = tpu.memref_slice %arg13[%dma_wait3A_139, %dma_wait3A_140] : memref<10240x128xf32, #tpu.memory_space<vmem_shared>> -> memref<10240x128xf32, #tpu.memory_space<vmem_shared>>
        tpu.wait_indirect_dma semaphore(%run_scoped3A : memref<!tpu.dma_semaphore, #tpu.memory_space<semaphore_mem>>) src(%arg9 : memref<64x128xf32, #tpu.memory_space<vmem>>) dst(%dma_wait3A_141 : memref<10240x128xf32, #tpu.memory_space<vmem_shared>>)
        tpu.yield
      }) : () -> ()
      %mul3A_61 = arith.constant 4 : i32
      %mul3A_62 = arith.muli %mul3A_61, %scan3A_41 : i32
      %add3A_63 = arith.constant 120 : i32
      %add3A_64 = arith.addi %add3A_63, %mul3A_62 : i32
      %add3A_65 = arith.constant 1 : i32
      %add3A_66 = arith.addi %add3A_64, %add3A_65 : i32
      %add3A_67 = arith.constant 3 : i32
      %add3A_68 = arith.addi %add3A_66, %add3A_67 : i32
      %lt3A_69 = arith.constant 160 : i32
      %lt3A_70 = arith.cmpi slt, %add3A_68, %lt3A_69 : i32
      %convert_element_type3A_71 = arith.extui %lt3A_70 : i1 to i32
      %cond3A_72 = arith.constant 0 : i32
      %cond3A_73 = arith.cmpi ne, %convert_element_type3A_71, %cond3A_72 : i32
      scf.if %cond3A_73 {
        %add3A_130 = arith.constant 3 : i32
        %add3A_131 = arith.addi %add3A_66, %add3A_130 : i32
        %mul3A_132 = arith.constant 64 : i32
        %mul3A_133 = arith.muli %add3A_131, %mul3A_132 : i32
        %dma_start3A_134 = tpu.memref_slice %arg7[%mul3A_133] : memref<10240xi32, #tpu.memory_space<vmem>> -> memref<64xi32, #tpu.memory_space<vmem>>
        %dma_start3A_135 = arith.constant 0 : i32
        %dma_start3A_136 = arith.constant 0 : i32
        %dma_start3A_137 = tpu.memref_slice %arg2[%dma_start3A_135, %dma_start3A_136] : memref<10000x128xf32, #tpu.memory_space<hbm>> -> memref<10000x128xf32, #tpu.memory_space<hbm>>
        tpu.enqueue_indirect_dma source(%dma_start3A_137 : memref<10000x128xf32, #tpu.memory_space<hbm>>) target(%arg9 : memref<64x128xf32, #tpu.memory_space<vmem>>) offsets(%dma_start3A_134 : memref<64xi32, #tpu.memory_space<vmem>>) semaphore(%arg14 : memref<!tpu.dma_semaphore, #tpu.memory_space<semaphore_mem>>)
      } else {
      }
      %mul3A_74 = arith.constant 64 : i32
      %mul3A_75 = arith.muli %add3A_66, %mul3A_74 : i32
      %dma_wait3A_76 = tpu.memref_slice %arg7[%mul3A_75] : memref<10240xi32, #tpu.memory_space<vmem>> -> memref<64xi32, #tpu.memory_space<vmem>>
      %dma_wait3A_77 = arith.constant 0 : i32
      %dma_wait3A_78 = arith.constant 0 : i32
      %dma_wait3A_79 = tpu.memref_slice %arg2[%dma_wait3A_77, %dma_wait3A_78] : memref<10000x128xf32, #tpu.memory_space<hbm>> -> memref<10000x128xf32, #tpu.memory_space<hbm>>
      tpu.wait_indirect_dma semaphore(%arg15 : memref<!tpu.dma_semaphore, #tpu.memory_space<semaphore_mem>>) src(%dma_wait3A_79 : memref<10000x128xf32, #tpu.memory_space<hbm>>) dst(%arg10 : memref<64x128xf32, #tpu.memory_space<vmem>>)
      %mul3A_80 = arith.constant 4 : i32
      %mul3A_81 = arith.muli %mul3A_80, %scan3A_41 : i32
      %add3A_82 = arith.constant 1 : i32
      %add3A_83 = arith.addi %mul3A_81, %add3A_82 : i32
      "tpu.region"() ({
        %run_scoped3A = tpu.sem_alloc : memref<!tpu.dma_semaphore, #tpu.memory_space<semaphore_mem>>
        %dma_start3A_130 = arith.constant 0 : i32
        %dma_start3A_131 = tpu.memref_slice %arg8[%add3A_83, %dma_start3A_130] : memref<40x64xi32, #tpu.memory_space<vmem>> -> memref<1x64xi32, #tpu.memory_space<vmem>>
        %dma_start3A_132 = tpu.memref_squeeze %dma_start3A_131 : memref<1x64xi32, #tpu.memory_space<vmem>> -> memref<64xi32, #tpu.memory_space<vmem>>
        %dma_start3A_133 = arith.constant 0 : i32
        %dma_start3A_134 = arith.constant 0 : i32
        %dma_start3A_135 = tpu.memref_slice %arg13[%dma_start3A_133, %dma_start3A_134] : memref<10240x128xf32, #tpu.memory_space<vmem_shared>> -> memref<10240x128xf32, #tpu.memory_space<vmem_shared>>
        tpu.enqueue_indirect_dma source(%arg10 : memref<64x128xf32, #tpu.memory_space<vmem>>) target(%dma_start3A_135 : memref<10240x128xf32, #tpu.memory_space<vmem_shared>>) offsets(%dma_start3A_132 : memref<64xi32, #tpu.memory_space<vmem>>) semaphore(%run_scoped3A : memref<!tpu.dma_semaphore, #tpu.memory_space<semaphore_mem>>) {add = true}
        %dma_wait3A_136 = arith.constant 0 : i32
        %dma_wait3A_137 = tpu.memref_slice %arg8[%add3A_83, %dma_wait3A_136] : memref<40x64xi32, #tpu.memory_space<vmem>> -> memref<1x64xi32, #tpu.memory_space<vmem>>
        %dma_wait3A_138 = tpu.memref_squeeze %dma_wait3A_137 : memref<1x64xi32, #tpu.memory_space<vmem>> -> memref<64xi32, #tpu.memory_space<vmem>>
        %dma_wait3A_139 = arith.constant 0 : i32
        %dma_wait3A_140 = arith.constant 0 : i32
        %dma_wait3A_141 = tpu.memref_slice %arg13[%dma_wait3A_139, %dma_wait3A_140] : memref<10240x128xf32, #tpu.memory_space<vmem_shared>> -> memref<10240x128xf32, #tpu.memory_space<vmem_shared>>
        tpu.wait_indirect_dma semaphore(%run_scoped3A : memref<!tpu.dma_semaphore, #tpu.memory_space<semaphore_mem>>) src(%arg10 : memref<64x128xf32, #tpu.memory_space<vmem>>) dst(%dma_wait3A_141 : memref<10240x128xf32, #tpu.memory_space<vmem_shared>>)
        tpu.yield
      }) : () -> ()
      %mul3A_84 = arith.constant 4 : i32
      %mul3A_85 = arith.muli %mul3A_84, %scan3A_41 : i32
      %add3A_86 = arith.constant 120 : i32
      %add3A_87 = arith.addi %add3A_86, %mul3A_85 : i32
      %add3A_88 = arith.constant 2 : i32
      %add3A_89 = arith.addi %add3A_87, %add3A_88 : i32
      %add3A_90 = arith.constant 3 : i32
      %add3A_91 = arith.addi %add3A_89, %add3A_90 : i32
      %lt3A_92 = arith.constant 160 : i32
      %lt3A_93 = arith.cmpi slt, %add3A_91, %lt3A_92 : i32
      %convert_element_type3A_94 = arith.extui %lt3A_93 : i1 to i32
      %cond3A_95 = arith.constant 0 : i32
      %cond3A_96 = arith.cmpi ne, %convert_element_type3A_94, %cond3A_95 : i32
      scf.if %cond3A_96 {
        %add3A_130 = arith.constant 3 : i32
        %add3A_131 = arith.addi %add3A_89, %add3A_130 : i32
        %mul3A_132 = arith.constant 64 : i32
        %mul3A_133 = arith.muli %add3A_131, %mul3A_132 : i32
        %dma_start3A_134 = tpu.memref_slice %arg7[%mul3A_133] : memref<10240xi32, #tpu.memory_space<vmem>> -> memref<64xi32, #tpu.memory_space<vmem>>
        %dma_start3A_135 = arith.constant 0 : i32
        %dma_start3A_136 = arith.constant 0 : i32
        %dma_start3A_137 = tpu.memref_slice %arg2[%dma_start3A_135, %dma_start3A_136] : memref<10000x128xf32, #tpu.memory_space<hbm>> -> memref<10000x128xf32, #tpu.memory_space<hbm>>
        tpu.enqueue_indirect_dma source(%dma_start3A_137 : memref<10000x128xf32, #tpu.memory_space<hbm>>) target(%arg10 : memref<64x128xf32, #tpu.memory_space<vmem>>) offsets(%dma_start3A_134 : memref<64xi32, #tpu.memory_space<vmem>>) semaphore(%arg15 : memref<!tpu.dma_semaphore, #tpu.memory_space<semaphore_mem>>)
      } else {
      }
      %mul3A_97 = arith.constant 64 : i32
      %mul3A_98 = arith.muli %add3A_89, %mul3A_97 : i32
      %dma_wait3A_99 = tpu.memref_slice %arg7[%mul3A_98] : memref<10240xi32, #tpu.memory_space<vmem>> -> memref<64xi32, #tpu.memory_space<vmem>>
      %dma_wait3A_100 = arith.constant 0 : i32
      %dma_wait3A_101 = arith.constant 0 : i32
      %dma_wait3A_102 = tpu.memref_slice %arg2[%dma_wait3A_100, %dma_wait3A_101] : memref<10000x128xf32, #tpu.memory_space<hbm>> -> memref<10000x128xf32, #tpu.memory_space<hbm>>
      tpu.wait_indirect_dma semaphore(%arg16 : memref<!tpu.dma_semaphore, #tpu.memory_space<semaphore_mem>>) src(%dma_wait3A_102 : memref<10000x128xf32, #tpu.memory_space<hbm>>) dst(%arg11 : memref<64x128xf32, #tpu.memory_space<vmem>>)
      %mul3A_103 = arith.constant 4 : i32
      %mul3A_104 = arith.muli %mul3A_103, %scan3A_41 : i32
      %add3A_105 = arith.constant 2 : i32
      %add3A_106 = arith.addi %mul3A_104, %add3A_105 : i32
      "tpu.region"() ({
        %run_scoped3A = tpu.sem_alloc : memref<!tpu.dma_semaphore, #tpu.memory_space<semaphore_mem>>
        %dma_start3A_130 = arith.constant 0 : i32
        %dma_start3A_131 = tpu.memref_slice %arg8[%add3A_106, %dma_start3A_130] : memref<40x64xi32, #tpu.memory_space<vmem>> -> memref<1x64xi32, #tpu.memory_space<vmem>>
        %dma_start3A_132 = tpu.memref_squeeze %dma_start3A_131 : memref<1x64xi32, #tpu.memory_space<vmem>> -> memref<64xi32, #tpu.memory_space<vmem>>
        %dma_start3A_133 = arith.constant 0 : i32
        %dma_start3A_134 = arith.constant 0 : i32
        %dma_start3A_135 = tpu.memref_slice %arg13[%dma_start3A_133, %dma_start3A_134] : memref<10240x128xf32, #tpu.memory_space<vmem_shared>> -> memref<10240x128xf32, #tpu.memory_space<vmem_shared>>
        tpu.enqueue_indirect_dma source(%arg11 : memref<64x128xf32, #tpu.memory_space<vmem>>) target(%dma_start3A_135 : memref<10240x128xf32, #tpu.memory_space<vmem_shared>>) offsets(%dma_start3A_132 : memref<64xi32, #tpu.memory_space<vmem>>) semaphore(%run_scoped3A : memref<!tpu.dma_semaphore, #tpu.memory_space<semaphore_mem>>) {add = true}
        %dma_wait3A_136 = arith.constant 0 : i32
        %dma_wait3A_137 = tpu.memref_slice %arg8[%add3A_106, %dma_wait3A_136] : memref<40x64xi32, #tpu.memory_space<vmem>> -> memref<1x64xi32, #tpu.memory_space<vmem>>
        %dma_wait3A_138 = tpu.memref_squeeze %dma_wait3A_137 : memref<1x64xi32, #tpu.memory_space<vmem>> -> memref<64xi32, #tpu.memory_space<vmem>>
        %dma_wait3A_139 = arith.constant 0 : i32
        %dma_wait3A_140 = arith.constant 0 : i32
        %dma_wait3A_141 = tpu.memref_slice %arg13[%dma_wait3A_139, %dma_wait3A_140] : memref<10240x128xf32, #tpu.memory_space<vmem_shared>> -> memref<10240x128xf32, #tpu.memory_space<vmem_shared>>
        tpu.wait_indirect_dma semaphore(%run_scoped3A : memref<!tpu.dma_semaphore, #tpu.memory_space<semaphore_mem>>) src(%arg11 : memref<64x128xf32, #tpu.memory_space<vmem>>) dst(%dma_wait3A_141 : memref<10240x128xf32, #tpu.memory_space<vmem_shared>>)
        tpu.yield
      }) : () -> ()
      %mul3A_107 = arith.constant 4 : i32
      %mul3A_108 = arith.muli %mul3A_107, %scan3A_41 : i32
      %add3A_109 = arith.constant 120 : i32
      %add3A_110 = arith.addi %add3A_109, %mul3A_108 : i32
      %add3A_111 = arith.constant 3 : i32
      %add3A_112 = arith.addi %add3A_110, %add3A_111 : i32
      %add3A_113 = arith.constant 3 : i32
      %add3A_114 = arith.addi %add3A_112, %add3A_113 : i32
      %lt3A_115 = arith.constant 160 : i32
      %lt3A_116 = arith.cmpi slt, %add3A_114, %lt3A_115 : i32
      %convert_element_type3A_117 = arith.extui %lt3A_116 : i1 to i32
      %cond3A_118 = arith.constant 0 : i32
      %cond3A_119 = arith.cmpi ne, %convert_element_type3A_117, %cond3A_118 : i32
      scf.if %cond3A_119 {
        %add3A_130 = arith.constant 3 : i32
        %add3A_131 = arith.addi %add3A_112, %add3A_130 : i32
        %mul3A_132 = arith.constant 64 : i32
        %mul3A_133 = arith.muli %add3A_131, %mul3A_132 : i32
        %dma_start3A_134 = tpu.memref_slice %arg7[%mul3A_133] : memref<10240xi32, #tpu.memory_space<vmem>> -> memref<64xi32, #tpu.memory_space<vmem>>
        %dma_start3A_135 = arith.constant 0 : i32
        %dma_start3A_136 = arith.constant 0 : i32
        %dma_start3A_137 = tpu.memref_slice %arg2[%dma_start3A_135, %dma_start3A_136] : memref<10000x128xf32, #tpu.memory_space<hbm>> -> memref<10000x128xf32, #tpu.memory_space<hbm>>
        tpu.enqueue_indirect_dma source(%dma_start3A_137 : memref<10000x128xf32, #tpu.memory_space<hbm>>) target(%arg11 : memref<64x128xf32, #tpu.memory_space<vmem>>) offsets(%dma_start3A_134 : memref<64xi32, #tpu.memory_space<vmem>>) semaphore(%arg16 : memref<!tpu.dma_semaphore, #tpu.memory_space<semaphore_mem>>)
      } else {
      }
      %mul3A_120 = arith.constant 64 : i32
      %mul3A_121 = arith.muli %add3A_112, %mul3A_120 : i32
      %dma_wait3A_122 = tpu.memref_slice %arg7[%mul3A_121] : memref<10240xi32, #tpu.memory_space<vmem>> -> memref<64xi32, #tpu.memory_space<vmem>>
      %dma_wait3A_123 = arith.constant 0 : i32
      %dma_wait3A_124 = arith.constant 0 : i32
      %dma_wait3A_125 = tpu.memref_slice %arg2[%dma_wait3A_123, %dma_wait3A_124] : memref<10000x128xf32, #tpu.memory_space<hbm>> -> memref<10000x128xf32, #tpu.memory_space<hbm>>
      tpu.wait_indirect_dma semaphore(%arg17 : memref<!tpu.dma_semaphore, #tpu.memory_space<semaphore_mem>>) src(%dma_wait3A_125 : memref<10000x128xf32, #tpu.memory_space<hbm>>) dst(%arg12 : memref<64x128xf32, #tpu.memory_space<vmem>>)
      %mul3A_126 = arith.constant 4 : i32
      %mul3A_127 = arith.muli %mul3A_126, %scan3A_41 : i32
      %add3A_128 = arith.constant 3 : i32
      %add3A_129 = arith.addi %mul3A_127, %add3A_128 : i32
      "tpu.region"() ({
        %run_scoped3A = tpu.sem_alloc : memref<!tpu.dma_semaphore, #tpu.memory_space<semaphore_mem>>
        %dma_start3A_130 = arith.constant 0 : i32
        %dma_start3A_131 = tpu.memref_slice %arg8[%add3A_129, %dma_start3A_130] : memref<40x64xi32, #tpu.memory_space<vmem>> -> memref<1x64xi32, #tpu.memory_space<vmem>>
        %dma_start3A_132 = tpu.memref_squeeze %dma_start3A_131 : memref<1x64xi32, #tpu.memory_space<vmem>> -> memref<64xi32, #tpu.memory_space<vmem>>
        %dma_start3A_133 = arith.constant 0 : i32
        %dma_start3A_134 = arith.constant 0 : i32
        %dma_start3A_135 = tpu.memref_slice %arg13[%dma_start3A_133, %dma_start3A_134] : memref<10240x128xf32, #tpu.memory_space<vmem_shared>> -> memref<10240x128xf32, #tpu.memory_space<vmem_shared>>
        tpu.enqueue_indirect_dma source(%arg12 : memref<64x128xf32, #tpu.memory_space<vmem>>) target(%dma_start3A_135 : memref<10240x128xf32, #tpu.memory_space<vmem_shared>>) offsets(%dma_start3A_132 : memref<64xi32, #tpu.memory_space<vmem>>) semaphore(%run_scoped3A : memref<!tpu.dma_semaphore, #tpu.memory_space<semaphore_mem>>) {add = true}
        %dma_wait3A_136 = arith.constant 0 : i32
        %dma_wait3A_137 = tpu.memref_slice %arg8[%add3A_129, %dma_wait3A_136] : memref<40x64xi32, #tpu.memory_space<vmem>> -> memref<1x64xi32, #tpu.memory_space<vmem>>
        %dma_wait3A_138 = tpu.memref_squeeze %dma_wait3A_137 : memref<1x64xi32, #tpu.memory_space<vmem>> -> memref<64xi32, #tpu.memory_space<vmem>>
        %dma_wait3A_139 = arith.constant 0 : i32
        %dma_wait3A_140 = arith.constant 0 : i32
        %dma_wait3A_141 = tpu.memref_slice %arg13[%dma_wait3A_139, %dma_wait3A_140] : memref<10240x128xf32, #tpu.memory_space<vmem_shared>> -> memref<10240x128xf32, #tpu.memory_space<vmem_shared>>
        tpu.wait_indirect_dma semaphore(%run_scoped3A : memref<!tpu.dma_semaphore, #tpu.memory_space<semaphore_mem>>) src(%arg12 : memref<64x128xf32, #tpu.memory_space<vmem>>) dst(%dma_wait3A_141 : memref<10240x128xf32, #tpu.memory_space<vmem_shared>>)
        tpu.yield
      }) : () -> ()
    }
    %scan3A_39 = arith.constant 10 : i32
    %barrier3A_40 = arith.constant 0 : index
    tpu.barrier barrier_id(%barrier3A_40)
    "tpu.region"() ({
      %run_scoped3A = tpu.sem_alloc : memref<!tpu.dma_semaphore, #tpu.memory_space<semaphore_mem>>
      %dma_start3A_41 = arith.constant 0 : i32
      %dma_start3A_42 = tpu.memref_slice %arg6[%arg0, %mul3A_16, %dma_start3A_41] : memref<2x10240x128xf32, #tpu.memory_space<hbm>> -> memref<1x640x128xf32, #tpu.memory_space<hbm>>
      %dma_start3A_43 = tpu.memref_squeeze %dma_start3A_42 : memref<1x640x128xf32, #tpu.memory_space<hbm>> -> memref<640x128xf32, #tpu.memory_space<hbm>>
      %dma_start3A_44 = arith.constant 0 : i32
      %dma_start3A_45 = tpu.memref_slice %arg13[%mul3A_16, %dma_start3A_44] : memref<10240x128xf32, #tpu.memory_space<vmem_shared>> -> memref<640x128xf32, #tpu.memory_space<vmem_shared>>
      tpu.enqueue_dma source(%dma_start3A_45 : memref<640x128xf32, #tpu.memory_space<vmem_shared>>) target(%dma_start3A_43 : memref<640x128xf32, #tpu.memory_space<hbm>>) target_semaphore(%run_scoped3A : memref<!tpu.dma_semaphore, #tpu.memory_space<semaphore_mem>>)
      %dma_wait3A = arith.constant 0 : i32
      %dma_wait3A_46 = tpu.memref_slice %arg6[%arg0, %mul3A_16, %dma_wait3A] : memref<2x10240x128xf32, #tpu.memory_space<hbm>> -> memref<1x640x128xf32, #tpu.memory_space<hbm>>
      %dma_wait3A_47 = tpu.memref_squeeze %dma_wait3A_46 : memref<1x640x128xf32, #tpu.memory_space<hbm>> -> memref<640x128xf32, #tpu.memory_space<hbm>>
      %dma_wait3A_48 = arith.constant 0 : i32
      %dma_wait3A_49 = tpu.memref_slice %arg13[%mul3A_16, %dma_wait3A_48] : memref<10240x128xf32, #tpu.memory_space<vmem_shared>> -> memref<640x128xf32, #tpu.memory_space<vmem_shared>>
      tpu.wait_dma2 semaphore(%run_scoped3A : memref<!tpu.dma_semaphore, #tpu.memory_space<semaphore_mem>>) src(%dma_wait3A_49 : memref<640x128xf32, #tpu.memory_space<vmem_shared>>) dst(%dma_wait3A_47 : memref<640x128xf32, #tpu.memory_space<hbm>>)
      tpu.yield
    }) : () -> ()
    return
  }
}

#map = affine_map<(d0, d1) -> (0, 0)>
#map1 = affine_map<(d0, d1) -> (0, 0, 0)>
module attributes {stable_mosaic.version = 14 : i64} {
  func.func @seg(%arg0: i32, %arg1: i32, %arg2: memref<10000x128xf32, #tpu.memory_space<hbm>>, %arg3: memref<32x10240xi32, #tpu.memory_space<hbm>>, %arg4: memref<32x160x64xi32, #tpu.memory_space<hbm>>, %arg5: memref<10240x128xf32, #tpu.memory_space<hbm>>, %arg6: memref<2x10240x128xf32, #tpu.memory_space<hbm>>, %arg7: memref<10240xi32, #tpu.memory_space<vmem>>, %arg8: memref<40x64xi32, #tpu.memory_space<vmem>>, %arg9: memref<64x128xf32, #tpu.memory_space<vmem>>, %arg10: memref<64x128xf32, #tpu.memory_space<vmem>>, %arg11: memref<64x128xf32, #tpu.memory_space<vmem>>, %arg12: memref<64x128xf32, #tpu.memory_space<vmem>>, %arg13: memref<10240x128xf32, #tpu.memory_space<vmem_shared>>, %arg14: memref<!tpu.dma_semaphore, #tpu.memory_space<semaphore_mem>>, %arg15: memref<!tpu.dma_semaphore, #tpu.memory_space<semaphore_mem>>, %arg16: memref<!tpu.dma_semaphore, #tpu.memory_space<semaphore_mem>>, %arg17: memref<!tpu.dma_semaphore, #tpu.memory_space<semaphore_mem>>) attributes {dimension_semantics = [#tpu.dimension_semantics<core_parallel>, #tpu.dimension_semantics<subcore_parallel>], iteration_bounds = array<i64: 2, 16>, scalar_prefetch = 0 : i64, scratch_operands = 11 : i64, tpu.core_type = #tpu.core_type<sc_vector_subcore>, window_params = [{transform_indices = #map}, {transform_indices = #map}, {transform_indices = #map1}, {transform_indices = #map}, {transform_indices = #map1}]} {
    %mul3A = arith.constant 2 : i32
    %mul3A_0 = arith.muli %arg1, %mul3A : i32
    %add3A = arith.addi %mul3A_0, %arg0 : i32
    "tpu.region"() ({
      %run_scoped3A = tpu.sem_alloc : memref<!tpu.dma_semaphore, #tpu.memory_space<semaphore_mem>>
      %dma_start3A_41 = arith.constant 0 : i32
      %dma_start3A_42 = tpu.memref_slice %arg3[%add3A, %dma_start3A_41] : memref<32x10240xi32, #tpu.memory_space<hbm>> -> memref<1x10240xi32, #tpu.memory_space<hbm>>
      %dma_start3A_43 = tpu.memref_squeeze %dma_start3A_42 : memref<1x10240xi32, #tpu.memory_space<hbm>> -> memref<10240xi32, #tpu.memory_space<hbm>>
      %dma_start3A_44 = arith.constant 0 : i32
      %dma_start3A_45 = tpu.memref_slice %arg3[%add3A, %dma_start3A_44] : memref<32x10240xi32, #tpu.memory_space<hbm>> -> memref<1x10240xi32, #tpu.memory_space<hbm>>
      %dma_start3A_46 = tpu.memref_squeeze %dma_start3A_45 : memref<1x10240xi32, #tpu.memory_space<hbm>> -> memref<10240xi32, #tpu.memory_space<hbm>>
      tpu.enqueue_dma source(%dma_start3A_46 : memref<10240xi32, #tpu.memory_space<hbm>>) target(%arg7 : memref<10240xi32, #tpu.memory_space<vmem>>) target_semaphore(%run_scoped3A : memref<!tpu.dma_semaphore, #tpu.memory_space<semaphore_mem>>)
      %dma_wait3A = arith.constant 0 : i32
      %dma_wait3A_47 = tpu.memref_slice %arg3[%add3A, %dma_wait3A] : memref<32x10240xi32, #tpu.memory_space<hbm>> -> memref<1x10240xi32, #tpu.memory_space<hbm>>
      %dma_wait3A_48 = tpu.memref_squeeze %dma_wait3A_47 : memref<1x10240xi32, #tpu.memory_space<hbm>> -> memref<10240xi32, #tpu.memory_space<hbm>>
      %dma_wait3A_49 = arith.constant 0 : i32
      %dma_wait3A_50 = tpu.memref_slice %arg3[%add3A, %dma_wait3A_49] : memref<32x10240xi32, #tpu.memory_space<hbm>> -> memref<1x10240xi32, #tpu.memory_space<hbm>>
      %dma_wait3A_51 = tpu.memref_squeeze %dma_wait3A_50 : memref<1x10240xi32, #tpu.memory_space<hbm>> -> memref<10240xi32, #tpu.memory_space<hbm>>
      tpu.wait_dma2 semaphore(%run_scoped3A : memref<!tpu.dma_semaphore, #tpu.memory_space<semaphore_mem>>) src(%dma_wait3A_51 : memref<10240xi32, #tpu.memory_space<hbm>>) dst(%arg7 : memref<10240xi32, #tpu.memory_space<vmem>>)
      tpu.yield
    }) : () -> ()
    %dma_start3A = arith.constant 0 : i32
    %dma_start3A_1 = tpu.memref_slice %arg7[%dma_start3A] : memref<10240xi32, #tpu.memory_space<vmem>> -> memref<64xi32, #tpu.memory_space<vmem>>
    %dma_start3A_2 = arith.constant 0 : i32
    %dma_start3A_3 = arith.constant 0 : i32
    %dma_start3A_4 = tpu.memref_slice %arg2[%dma_start3A_2, %dma_start3A_3] : memref<10000x128xf32, #tpu.memory_space<hbm>> -> memref<10000x128xf32, #tpu.memory_space<hbm>>
    tpu.enqueue_indirect_dma source(%dma_start3A_4 : memref<10000x128xf32, #tpu.memory_space<hbm>>) target(%arg9 : memref<64x128xf32, #tpu.memory_space<vmem>>) offsets(%dma_start3A_1 : memref<64xi32, #tpu.memory_space<vmem>>) semaphore(%arg14 : memref<!tpu.dma_semaphore, #tpu.memory_space<semaphore_mem>>)
    %dma_start3A_5 = arith.constant 64 : i32
    %dma_start3A_6 = tpu.memref_slice %arg7[%dma_start3A_5] : memref<10240xi32, #tpu.memory_space<vmem>> -> memref<64xi32, #tpu.memory_space<vmem>>
    %dma_start3A_7 = arith.constant 0 : i32
    %dma_start3A_8 = arith.constant 0 : i32
    %dma_start3A_9 = tpu.memref_slice %arg2[%dma_start3A_7, %dma_start3A_8] : memref<10000x128xf32, #tpu.memory_space<hbm>> -> memref<10000x128xf32, #tpu.memory_space<hbm>>
    tpu.enqueue_indirect_dma source(%dma_start3A_9 : memref<10000x128xf32, #tpu.memory_space<hbm>>) target(%arg10 : memref<64x128xf32, #tpu.memory_space<vmem>>) offsets(%dma_start3A_6 : memref<64xi32, #tpu.memory_space<vmem>>) semaphore(%arg15 : memref<!tpu.dma_semaphore, #tpu.memory_space<semaphore_mem>>)
    %dma_start3A_10 = arith.constant 128 : i32
    %dma_start3A_11 = tpu.memref_slice %arg7[%dma_start3A_10] : memref<10240xi32, #tpu.memory_space<vmem>> -> memref<64xi32, #tpu.memory_space<vmem>>
    %dma_start3A_12 = arith.constant 0 : i32
    %dma_start3A_13 = arith.constant 0 : i32
    %dma_start3A_14 = tpu.memref_slice %arg2[%dma_start3A_12, %dma_start3A_13] : memref<10000x128xf32, #tpu.memory_space<hbm>> -> memref<10000x128xf32, #tpu.memory_space<hbm>>
    tpu.enqueue_indirect_dma source(%dma_start3A_14 : memref<10000x128xf32, #tpu.memory_space<hbm>>) target(%arg11 : memref<64x128xf32, #tpu.memory_space<vmem>>) offsets(%dma_start3A_11 : memref<64xi32, #tpu.memory_space<vmem>>) semaphore(%arg16 : memref<!tpu.dma_semaphore, #tpu.memory_space<semaphore_mem>>)
    %mul3A_15 = arith.constant 640 : i32
    %mul3A_16 = arith.muli %arg1, %mul3A_15 : i32
    "tpu.region"() ({
      %run_scoped3A = tpu.sem_alloc : memref<!tpu.dma_semaphore, #tpu.memory_space<semaphore_mem>>
      %dma_start3A_41 = arith.constant 0 : i32
      %dma_start3A_42 = tpu.memref_slice %arg13[%mul3A_16, %dma_start3A_41] : memref<10240x128xf32, #tpu.memory_space<vmem_shared>> -> memref<640x128xf32, #tpu.memory_space<vmem_shared>>
      %dma_start3A_43 = arith.constant 0 : i32
      %dma_start3A_44 = tpu.memref_slice %arg5[%mul3A_16, %dma_start3A_43] : memref<10240x128xf32, #tpu.memory_space<hbm>> -> memref<640x128xf32, #tpu.memory_space<hbm>>
      tpu.enqueue_dma source(%dma_start3A_44 : memref<640x128xf32, #tpu.memory_space<hbm>>) target(%dma_start3A_42 : memref<640x128xf32, #tpu.memory_space<vmem_shared>>) target_semaphore(%run_scoped3A : memref<!tpu.dma_semaphore, #tpu.memory_space<semaphore_mem>>)
      %dma_wait3A = arith.constant 0 : i32
      %dma_wait3A_45 = tpu.memref_slice %arg13[%mul3A_16, %dma_wait3A] : memref<10240x128xf32, #tpu.memory_space<vmem_shared>> -> memref<640x128xf32, #tpu.memory_space<vmem_shared>>
      %dma_wait3A_46 = arith.constant 0 : i32
      %dma_wait3A_47 = tpu.memref_slice %arg5[%mul3A_16, %dma_wait3A_46] : memref<10240x128xf32, #tpu.memory_space<hbm>> -> memref<640x128xf32, #tpu.memory_space<hbm>>
      tpu.wait_dma2 semaphore(%run_scoped3A : memref<!tpu.dma_semaphore, #tpu.memory_space<semaphore_mem>>) src(%dma_wait3A_47 : memref<640x128xf32, #tpu.memory_space<hbm>>) dst(%dma_wait3A_45 : memref<640x128xf32, #tpu.memory_space<vmem_shared>>)
      tpu.yield
    }) : () -> ()
    %barrier3A = arith.constant 0 : index
    tpu.barrier barrier_id(%barrier3A)
    "tpu.region"() ({
      %run_scoped3A = tpu.sem_alloc : memref<!tpu.dma_semaphore, #tpu.memory_space<semaphore_mem>>
      %dma_start3A_41 = arith.constant 0 : i32
      %dma_start3A_42 = arith.constant 0 : i32
      %dma_start3A_43 = tpu.memref_slice %arg4[%add3A, %dma_start3A_41, %dma_start3A_42] : memref<32x160x64xi32, #tpu.memory_space<hbm>> -> memref<1x40x64xi32, #tpu.memory_space<hbm>>
      %dma_start3A_44 = tpu.memref_squeeze %dma_start3A_43 : memref<1x40x64xi32, #tpu.memory_space<hbm>> -> memref<40x64xi32, #tpu.memory_space<hbm>>
      %dma_start3A_45 = arith.constant 0 : i32
      %dma_start3A_46 = arith.constant 0 : i32
      %dma_start3A_47 = tpu.memref_slice %arg4[%add3A, %dma_start3A_45, %dma_start3A_46] : memref<32x160x64xi32, #tpu.memory_space<hbm>> -> memref<1x40x64xi32, #tpu.memory_space<hbm>>
      %dma_start3A_48 = tpu.memref_squeeze %dma_start3A_47 : memref<1x40x64xi32, #tpu.memory_space<hbm>> -> memref<40x64xi32, #tpu.memory_space<hbm>>
      tpu.enqueue_dma source(%dma_start3A_48 : memref<40x64xi32, #tpu.memory_space<hbm>>) target(%arg8 : memref<40x64xi32, #tpu.memory_space<vmem>>) target_semaphore(%run_scoped3A : memref<!tpu.dma_semaphore, #tpu.memory_space<semaphore_mem>>)
      %dma_wait3A = arith.constant 0 : i32
      %dma_wait3A_49 = arith.constant 0 : i32
      %dma_wait3A_50 = tpu.memref_slice %arg4[%add3A, %dma_wait3A, %dma_wait3A_49] : memref<32x160x64xi32, #tpu.memory_space<hbm>> -> memref<1x40x64xi32, #tpu.memory_space<hbm>>
      %dma_wait3A_51 = tpu.memref_squeeze %dma_wait3A_50 : memref<1x40x64xi32, #tpu.memory_space<hbm>> -> memref<40x64xi32, #tpu.memory_space<hbm>>
      %dma_wait3A_52 = arith.constant 0 : i32
      %dma_wait3A_53 = arith.constant 0 : i32
      %dma_wait3A_54 = tpu.memref_slice %arg4[%add3A, %dma_wait3A_52, %dma_wait3A_53] : memref<32x160x64xi32, #tpu.memory_space<hbm>> -> memref<1x40x64xi32, #tpu.memory_space<hbm>>
      %dma_wait3A_55 = tpu.memref_squeeze %dma_wait3A_54 : memref<1x40x64xi32, #tpu.memory_space<hbm>> -> memref<40x64xi32, #tpu.memory_space<hbm>>
      tpu.wait_dma2 semaphore(%run_scoped3A : memref<!tpu.dma_semaphore, #tpu.memory_space<semaphore_mem>>) src(%dma_wait3A_55 : memref<40x64xi32, #tpu.memory_space<hbm>>) dst(%arg8 : memref<40x64xi32, #tpu.memory_space<vmem>>)
      tpu.yield
    }) : () -> ()
    %scan3A = arith.constant 0 : i32
    %scan3A_17 = arith.constant 0 : i32
    %scan3A_18 = arith.constant 10 : i32
    %scan3A_19 = arith.addi %scan3A_17, %scan3A_18 : i32
    %scan3A_20 = arith.constant 1 : i32
    scf.for %scan3A_41 = %scan3A_17 to %scan3A_19 step %scan3A_20  : i32 {
      %mul3A_42 = arith.constant 4 : i32
      %mul3A_43 = arith.muli %mul3A_42, %scan3A_41 : i32
      %add3A_44 = arith.constant 0 : i32
      %add3A_45 = arith.addi %add3A_44, %mul3A_43 : i32
      %add3A_46 = arith.constant 0 : i32
      %add3A_47 = arith.addi %add3A_45, %add3A_46 : i32
      %add3A_48 = arith.constant 3 : i32
      %add3A_49 = arith.addi %add3A_47, %add3A_48 : i32
      %lt3A = arith.constant 160 : i32
      %lt3A_50 = arith.cmpi slt, %add3A_49, %lt3A : i32
      %convert_element_type3A = arith.extui %lt3A_50 : i1 to i32
      %cond3A = arith.constant 0 : i32
      %cond3A_51 = arith.cmpi ne, %convert_element_type3A, %cond3A : i32
      scf.if %cond3A_51 {
        %add3A_130 = arith.constant 3 : i32
        %add3A_131 = arith.addi %add3A_47, %add3A_130 : i32
        %mul3A_132 = arith.constant 64 : i32
        %mul3A_133 = arith.muli %add3A_131, %mul3A_132 : i32
        %dma_start3A_134 = tpu.memref_slice %arg7[%mul3A_133] : memref<10240xi32, #tpu.memory_space<vmem>> -> memref<64xi32, #tpu.memory_space<vmem>>
        %dma_start3A_135 = arith.constant 0 : i32
        %dma_start3A_136 = arith.constant 0 : i32
        %dma_start3A_137 = tpu.memref_slice %arg2[%dma_start3A_135, %dma_start3A_136] : memref<10000x128xf32, #tpu.memory_space<hbm>> -> memref<10000x128xf32, #tpu.memory_space<hbm>>
        tpu.enqueue_indirect_dma source(%dma_start3A_137 : memref<10000x128xf32, #tpu.memory_space<hbm>>) target(%arg12 : memref<64x128xf32, #tpu.memory_space<vmem>>) offsets(%dma_start3A_134 : memref<64xi32, #tpu.memory_space<vmem>>) semaphore(%arg17 : memref<!tpu.dma_semaphore, #tpu.memory_space<semaphore_mem>>)
      } else {
      }
      %mul3A_52 = arith.constant 64 : i32
      %mul3A_53 = arith.muli %add3A_47, %mul3A_52 : i32
      %dma_wait3A = tpu.memref_slice %arg7[%mul3A_53] : memref<10240xi32, #tpu.memory_space<vmem>> -> memref<64xi32, #tpu.memory_space<vmem>>
      %dma_wait3A_54 = arith.constant 0 : i32
      %dma_wait3A_55 = arith.constant 0 : i32
      %dma_wait3A_56 = tpu.memref_slice %arg2[%dma_wait3A_54, %dma_wait3A_55] : memref<10000x128xf32, #tpu.memory_space<hbm>> -> memref<10000x128xf32, #tpu.memory_space<hbm>>
      tpu.wait_indirect_dma semaphore(%arg14 : memref<!tpu.dma_semaphore, #tpu.memory_space<semaphore_mem>>) src(%dma_wait3A_56 : memref<10000x128xf32, #tpu.memory_space<hbm>>) dst(%arg9 : memref<64x128xf32, #tpu.memory_space<vmem>>)
      %mul3A_57 = arith.constant 4 : i32
      %mul3A_58 = arith.muli %mul3A_57, %scan3A_41 : i32
      %add3A_59 = arith.constant 0 : i32
      %add3A_60 = arith.addi %mul3A_58, %add3A_59 : i32
      "tpu.region"() ({
        %run_scoped3A = tpu.sem_alloc : memref<!tpu.dma_semaphore, #tpu.memory_space<semaphore_mem>>
        %dma_start3A_130 = arith.constant 0 : i32
        %dma_start3A_131 = tpu.memref_slice %arg8[%add3A_60, %dma_start3A_130] : memref<40x64xi32, #tpu.memory_space<vmem>> -> memref<1x64xi32, #tpu.memory_space<vmem>>
        %dma_start3A_132 = tpu.memref_squeeze %dma_start3A_131 : memref<1x64xi32, #tpu.memory_space<vmem>> -> memref<64xi32, #tpu.memory_space<vmem>>
        %dma_start3A_133 = arith.constant 0 : i32
        %dma_start3A_134 = arith.constant 0 : i32
        %dma_start3A_135 = tpu.memref_slice %arg13[%dma_start3A_133, %dma_start3A_134] : memref<10240x128xf32, #tpu.memory_space<vmem_shared>> -> memref<10240x128xf32, #tpu.memory_space<vmem_shared>>
        tpu.enqueue_indirect_dma source(%arg9 : memref<64x128xf32, #tpu.memory_space<vmem>>) target(%dma_start3A_135 : memref<10240x128xf32, #tpu.memory_space<vmem_shared>>) offsets(%dma_start3A_132 : memref<64xi32, #tpu.memory_space<vmem>>) semaphore(%run_scoped3A : memref<!tpu.dma_semaphore, #tpu.memory_space<semaphore_mem>>) {add = true}
        %dma_wait3A_136 = arith.constant 0 : i32
        %dma_wait3A_137 = tpu.memref_slice %arg8[%add3A_60, %dma_wait3A_136] : memref<40x64xi32, #tpu.memory_space<vmem>> -> memref<1x64xi32, #tpu.memory_space<vmem>>
        %dma_wait3A_138 = tpu.memref_squeeze %dma_wait3A_137 : memref<1x64xi32, #tpu.memory_space<vmem>> -> memref<64xi32, #tpu.memory_space<vmem>>
        %dma_wait3A_139 = arith.constant 0 : i32
        %dma_wait3A_140 = arith.constant 0 : i32
        %dma_wait3A_141 = tpu.memref_slice %arg13[%dma_wait3A_139, %dma_wait3A_140] : memref<10240x128xf32, #tpu.memory_space<vmem_shared>> -> memref<10240x128xf32, #tpu.memory_space<vmem_shared>>
        tpu.wait_indirect_dma semaphore(%run_scoped3A : memref<!tpu.dma_semaphore, #tpu.memory_space<semaphore_mem>>) src(%arg9 : memref<64x128xf32, #tpu.memory_space<vmem>>) dst(%dma_wait3A_141 : memref<10240x128xf32, #tpu.memory_space<vmem_shared>>)
        tpu.yield
      }) : () -> ()
      %mul3A_61 = arith.constant 4 : i32
      %mul3A_62 = arith.muli %mul3A_61, %scan3A_41 : i32
      %add3A_63 = arith.constant 0 : i32
      %add3A_64 = arith.addi %add3A_63, %mul3A_62 : i32
      %add3A_65 = arith.constant 1 : i32
      %add3A_66 = arith.addi %add3A_64, %add3A_65 : i32
      %add3A_67 = arith.constant 3 : i32
      %add3A_68 = arith.addi %add3A_66, %add3A_67 : i32
      %lt3A_69 = arith.constant 160 : i32
      %lt3A_70 = arith.cmpi slt, %add3A_68, %lt3A_69 : i32
      %convert_element_type3A_71 = arith.extui %lt3A_70 : i1 to i32
      %cond3A_72 = arith.constant 0 : i32
      %cond3A_73 = arith.cmpi ne, %convert_element_type3A_71, %cond3A_72 : i32
      scf.if %cond3A_73 {
        %add3A_130 = arith.constant 3 : i32
        %add3A_131 = arith.addi %add3A_66, %add3A_130 : i32
        %mul3A_132 = arith.constant 64 : i32
        %mul3A_133 = arith.muli %add3A_131, %mul3A_132 : i32
        %dma_start3A_134 = tpu.memref_slice %arg7[%mul3A_133] : memref<10240xi32, #tpu.memory_space<vmem>> -> memref<64xi32, #tpu.memory_space<vmem>>
        %dma_start3A_135 = arith.constant 0 : i32
        %dma_start3A_136 = arith.constant 0 : i32
        %dma_start3A_137 = tpu.memref_slice %arg2[%dma_start3A_135, %dma_start3A_136] : memref<10000x128xf32, #tpu.memory_space<hbm>> -> memref<10000x128xf32, #tpu.memory_space<hbm>>
        tpu.enqueue_indirect_dma source(%dma_start3A_137 : memref<10000x128xf32, #tpu.memory_space<hbm>>) target(%arg9 : memref<64x128xf32, #tpu.memory_space<vmem>>) offsets(%dma_start3A_134 : memref<64xi32, #tpu.memory_space<vmem>>) semaphore(%arg14 : memref<!tpu.dma_semaphore, #tpu.memory_space<semaphore_mem>>)
      } else {
      }
      %mul3A_74 = arith.constant 64 : i32
      %mul3A_75 = arith.muli %add3A_66, %mul3A_74 : i32
      %dma_wait3A_76 = tpu.memref_slice %arg7[%mul3A_75] : memref<10240xi32, #tpu.memory_space<vmem>> -> memref<64xi32, #tpu.memory_space<vmem>>
      %dma_wait3A_77 = arith.constant 0 : i32
      %dma_wait3A_78 = arith.constant 0 : i32
      %dma_wait3A_79 = tpu.memref_slice %arg2[%dma_wait3A_77, %dma_wait3A_78] : memref<10000x128xf32, #tpu.memory_space<hbm>> -> memref<10000x128xf32, #tpu.memory_space<hbm>>
      tpu.wait_indirect_dma semaphore(%arg15 : memref<!tpu.dma_semaphore, #tpu.memory_space<semaphore_mem>>) src(%dma_wait3A_79 : memref<10000x128xf32, #tpu.memory_space<hbm>>) dst(%arg10 : memref<64x128xf32, #tpu.memory_space<vmem>>)
      %mul3A_80 = arith.constant 4 : i32
      %mul3A_81 = arith.muli %mul3A_80, %scan3A_41 : i32
      %add3A_82 = arith.constant 1 : i32
      %add3A_83 = arith.addi %mul3A_81, %add3A_82 : i32
      "tpu.region"() ({
        %run_scoped3A = tpu.sem_alloc : memref<!tpu.dma_semaphore, #tpu.memory_space<semaphore_mem>>
        %dma_start3A_130 = arith.constant 0 : i32
        %dma_start3A_131 = tpu.memref_slice %arg8[%add3A_83, %dma_start3A_130] : memref<40x64xi32, #tpu.memory_space<vmem>> -> memref<1x64xi32, #tpu.memory_space<vmem>>
        %dma_start3A_132 = tpu.memref_squeeze %dma_start3A_131 : memref<1x64xi32, #tpu.memory_space<vmem>> -> memref<64xi32, #tpu.memory_space<vmem>>
        %dma_start3A_133 = arith.constant 0 : i32
        %dma_start3A_134 = arith.constant 0 : i32
        %dma_start3A_135 = tpu.memref_slice %arg13[%dma_start3A_133, %dma_start3A_134] : memref<10240x128xf32, #tpu.memory_space<vmem_shared>> -> memref<10240x128xf32, #tpu.memory_space<vmem_shared>>
        tpu.enqueue_indirect_dma source(%arg10 : memref<64x128xf32, #tpu.memory_space<vmem>>) target(%dma_start3A_135 : memref<10240x128xf32, #tpu.memory_space<vmem_shared>>) offsets(%dma_start3A_132 : memref<64xi32, #tpu.memory_space<vmem>>) semaphore(%run_scoped3A : memref<!tpu.dma_semaphore, #tpu.memory_space<semaphore_mem>>) {add = true}
        %dma_wait3A_136 = arith.constant 0 : i32
        %dma_wait3A_137 = tpu.memref_slice %arg8[%add3A_83, %dma_wait3A_136] : memref<40x64xi32, #tpu.memory_space<vmem>> -> memref<1x64xi32, #tpu.memory_space<vmem>>
        %dma_wait3A_138 = tpu.memref_squeeze %dma_wait3A_137 : memref<1x64xi32, #tpu.memory_space<vmem>> -> memref<64xi32, #tpu.memory_space<vmem>>
        %dma_wait3A_139 = arith.constant 0 : i32
        %dma_wait3A_140 = arith.constant 0 : i32
        %dma_wait3A_141 = tpu.memref_slice %arg13[%dma_wait3A_139, %dma_wait3A_140] : memref<10240x128xf32, #tpu.memory_space<vmem_shared>> -> memref<10240x128xf32, #tpu.memory_space<vmem_shared>>
        tpu.wait_indirect_dma semaphore(%run_scoped3A : memref<!tpu.dma_semaphore, #tpu.memory_space<semaphore_mem>>) src(%arg10 : memref<64x128xf32, #tpu.memory_space<vmem>>) dst(%dma_wait3A_141 : memref<10240x128xf32, #tpu.memory_space<vmem_shared>>)
        tpu.yield
      }) : () -> ()
      %mul3A_84 = arith.constant 4 : i32
      %mul3A_85 = arith.muli %mul3A_84, %scan3A_41 : i32
      %add3A_86 = arith.constant 0 : i32
      %add3A_87 = arith.addi %add3A_86, %mul3A_85 : i32
      %add3A_88 = arith.constant 2 : i32
      %add3A_89 = arith.addi %add3A_87, %add3A_88 : i32
      %add3A_90 = arith.constant 3 : i32
      %add3A_91 = arith.addi %add3A_89, %add3A_90 : i32
      %lt3A_92 = arith.constant 160 : i32
      %lt3A_93 = arith.cmpi slt, %add3A_91, %lt3A_92 : i32
      %convert_element_type3A_94 = arith.extui %lt3A_93 : i1 to i32
      %cond3A_95 = arith.constant 0 : i32
      %cond3A_96 = arith.cmpi ne, %convert_element_type3A_94, %cond3A_95 : i32
      scf.if %cond3A_96 {
        %add3A_130 = arith.constant 3 : i32
        %add3A_131 = arith.addi %add3A_89, %add3A_130 : i32
        %mul3A_132 = arith.constant 64 : i32
        %mul3A_133 = arith.muli %add3A_131, %mul3A_132 : i32
        %dma_start3A_134 = tpu.memref_slice %arg7[%mul3A_133] : memref<10240xi32, #tpu.memory_space<vmem>> -> memref<64xi32, #tpu.memory_space<vmem>>
        %dma_start3A_135 = arith.constant 0 : i32
        %dma_start3A_136 = arith.constant 0 : i32
        %dma_start3A_137 = tpu.memref_slice %arg2[%dma_start3A_135, %dma_start3A_136] : memref<10000x128xf32, #tpu.memory_space<hbm>> -> memref<10000x128xf32, #tpu.memory_space<hbm>>
        tpu.enqueue_indirect_dma source(%dma_start3A_137 : memref<10000x128xf32, #tpu.memory_space<hbm>>) target(%arg10 : memref<64x128xf32, #tpu.memory_space<vmem>>) offsets(%dma_start3A_134 : memref<64xi32, #tpu.memory_space<vmem>>) semaphore(%arg15 : memref<!tpu.dma_semaphore, #tpu.memory_space<semaphore_mem>>)
      } else {
      }
      %mul3A_97 = arith.constant 64 : i32
      %mul3A_98 = arith.muli %add3A_89, %mul3A_97 : i32
      %dma_wait3A_99 = tpu.memref_slice %arg7[%mul3A_98] : memref<10240xi32, #tpu.memory_space<vmem>> -> memref<64xi32, #tpu.memory_space<vmem>>
      %dma_wait3A_100 = arith.constant 0 : i32
      %dma_wait3A_101 = arith.constant 0 : i32
      %dma_wait3A_102 = tpu.memref_slice %arg2[%dma_wait3A_100, %dma_wait3A_101] : memref<10000x128xf32, #tpu.memory_space<hbm>> -> memref<10000x128xf32, #tpu.memory_space<hbm>>
      tpu.wait_indirect_dma semaphore(%arg16 : memref<!tpu.dma_semaphore, #tpu.memory_space<semaphore_mem>>) src(%dma_wait3A_102 : memref<10000x128xf32, #tpu.memory_space<hbm>>) dst(%arg11 : memref<64x128xf32, #tpu.memory_space<vmem>>)
      %mul3A_103 = arith.constant 4 : i32
      %mul3A_104 = arith.muli %mul3A_103, %scan3A_41 : i32
      %add3A_105 = arith.constant 2 : i32
      %add3A_106 = arith.addi %mul3A_104, %add3A_105 : i32
      "tpu.region"() ({
        %run_scoped3A = tpu.sem_alloc : memref<!tpu.dma_semaphore, #tpu.memory_space<semaphore_mem>>
        %dma_start3A_130 = arith.constant 0 : i32
        %dma_start3A_131 = tpu.memref_slice %arg8[%add3A_106, %dma_start3A_130] : memref<40x64xi32, #tpu.memory_space<vmem>> -> memref<1x64xi32, #tpu.memory_space<vmem>>
        %dma_start3A_132 = tpu.memref_squeeze %dma_start3A_131 : memref<1x64xi32, #tpu.memory_space<vmem>> -> memref<64xi32, #tpu.memory_space<vmem>>
        %dma_start3A_133 = arith.constant 0 : i32
        %dma_start3A_134 = arith.constant 0 : i32
        %dma_start3A_135 = tpu.memref_slice %arg13[%dma_start3A_133, %dma_start3A_134] : memref<10240x128xf32, #tpu.memory_space<vmem_shared>> -> memref<10240x128xf32, #tpu.memory_space<vmem_shared>>
        tpu.enqueue_indirect_dma source(%arg11 : memref<64x128xf32, #tpu.memory_space<vmem>>) target(%dma_start3A_135 : memref<10240x128xf32, #tpu.memory_space<vmem_shared>>) offsets(%dma_start3A_132 : memref<64xi32, #tpu.memory_space<vmem>>) semaphore(%run_scoped3A : memref<!tpu.dma_semaphore, #tpu.memory_space<semaphore_mem>>) {add = true}
        %dma_wait3A_136 = arith.constant 0 : i32
        %dma_wait3A_137 = tpu.memref_slice %arg8[%add3A_106, %dma_wait3A_136] : memref<40x64xi32, #tpu.memory_space<vmem>> -> memref<1x64xi32, #tpu.memory_space<vmem>>
        %dma_wait3A_138 = tpu.memref_squeeze %dma_wait3A_137 : memref<1x64xi32, #tpu.memory_space<vmem>> -> memref<64xi32, #tpu.memory_space<vmem>>
        %dma_wait3A_139 = arith.constant 0 : i32
        %dma_wait3A_140 = arith.constant 0 : i32
        %dma_wait3A_141 = tpu.memref_slice %arg13[%dma_wait3A_139, %dma_wait3A_140] : memref<10240x128xf32, #tpu.memory_space<vmem_shared>> -> memref<10240x128xf32, #tpu.memory_space<vmem_shared>>
        tpu.wait_indirect_dma semaphore(%run_scoped3A : memref<!tpu.dma_semaphore, #tpu.memory_space<semaphore_mem>>) src(%arg11 : memref<64x128xf32, #tpu.memory_space<vmem>>) dst(%dma_wait3A_141 : memref<10240x128xf32, #tpu.memory_space<vmem_shared>>)
        tpu.yield
      }) : () -> ()
      %mul3A_107 = arith.constant 4 : i32
      %mul3A_108 = arith.muli %mul3A_107, %scan3A_41 : i32
      %add3A_109 = arith.constant 0 : i32
      %add3A_110 = arith.addi %add3A_109, %mul3A_108 : i32
      %add3A_111 = arith.constant 3 : i32
      %add3A_112 = arith.addi %add3A_110, %add3A_111 : i32
      %add3A_113 = arith.constant 3 : i32
      %add3A_114 = arith.addi %add3A_112, %add3A_113 : i32
      %lt3A_115 = arith.constant 160 : i32
      %lt3A_116 = arith.cmpi slt, %add3A_114, %lt3A_115 : i32
      %convert_element_type3A_117 = arith.extui %lt3A_116 : i1 to i32
      %cond3A_118 = arith.constant 0 : i32
      %cond3A_119 = arith.cmpi ne, %convert_element_type3A_117, %cond3A_118 : i32
      scf.if %cond3A_119 {
        %add3A_130 = arith.constant 3 : i32
        %add3A_131 = arith.addi %add3A_112, %add3A_130 : i32
        %mul3A_132 = arith.constant 64 : i32
        %mul3A_133 = arith.muli %add3A_131, %mul3A_132 : i32
        %dma_start3A_134 = tpu.memref_slice %arg7[%mul3A_133] : memref<10240xi32, #tpu.memory_space<vmem>> -> memref<64xi32, #tpu.memory_space<vmem>>
        %dma_start3A_135 = arith.constant 0 : i32
        %dma_start3A_136 = arith.constant 0 : i32
        %dma_start3A_137 = tpu.memref_slice %arg2[%dma_start3A_135, %dma_start3A_136] : memref<10000x128xf32, #tpu.memory_space<hbm>> -> memref<10000x128xf32, #tpu.memory_space<hbm>>
        tpu.enqueue_indirect_dma source(%dma_start3A_137 : memref<10000x128xf32, #tpu.memory_space<hbm>>) target(%arg11 : memref<64x128xf32, #tpu.memory_space<vmem>>) offsets(%dma_start3A_134 : memref<64xi32, #tpu.memory_space<vmem>>) semaphore(%arg16 : memref<!tpu.dma_semaphore, #tpu.memory_space<semaphore_mem>>)
      } else {
      }
      %mul3A_120 = arith.constant 64 : i32
      %mul3A_121 = arith.muli %add3A_112, %mul3A_120 : i32
      %dma_wait3A_122 = tpu.memref_slice %arg7[%mul3A_121] : memref<10240xi32, #tpu.memory_space<vmem>> -> memref<64xi32, #tpu.memory_space<vmem>>
      %dma_wait3A_123 = arith.constant 0 : i32
      %dma_wait3A_124 = arith.constant 0 : i32
      %dma_wait3A_125 = tpu.memref_slice %arg2[%dma_wait3A_123, %dma_wait3A_124] : memref<10000x128xf32, #tpu.memory_space<hbm>> -> memref<10000x128xf32, #tpu.memory_space<hbm>>
      tpu.wait_indirect_dma semaphore(%arg17 : memref<!tpu.dma_semaphore, #tpu.memory_space<semaphore_mem>>) src(%dma_wait3A_125 : memref<10000x128xf32, #tpu.memory_space<hbm>>) dst(%arg12 : memref<64x128xf32, #tpu.memory_space<vmem>>)
      %mul3A_126 = arith.constant 4 : i32
      %mul3A_127 = arith.muli %mul3A_126, %scan3A_41 : i32
      %add3A_128 = arith.constant 3 : i32
      %add3A_129 = arith.addi %mul3A_127, %add3A_128 : i32
      "tpu.region"() ({
        %run_scoped3A = tpu.sem_alloc : memref<!tpu.dma_semaphore, #tpu.memory_space<semaphore_mem>>
        %dma_start3A_130 = arith.constant 0 : i32
        %dma_start3A_131 = tpu.memref_slice %arg8[%add3A_129, %dma_start3A_130] : memref<40x64xi32, #tpu.memory_space<vmem>> -> memref<1x64xi32, #tpu.memory_space<vmem>>
        %dma_start3A_132 = tpu.memref_squeeze %dma_start3A_131 : memref<1x64xi32, #tpu.memory_space<vmem>> -> memref<64xi32, #tpu.memory_space<vmem>>
        %dma_start3A_133 = arith.constant 0 : i32
        %dma_start3A_134 = arith.constant 0 : i32
        %dma_start3A_135 = tpu.memref_slice %arg13[%dma_start3A_133, %dma_start3A_134] : memref<10240x128xf32, #tpu.memory_space<vmem_shared>> -> memref<10240x128xf32, #tpu.memory_space<vmem_shared>>
        tpu.enqueue_indirect_dma source(%arg12 : memref<64x128xf32, #tpu.memory_space<vmem>>) target(%dma_start3A_135 : memref<10240x128xf32, #tpu.memory_space<vmem_shared>>) offsets(%dma_start3A_132 : memref<64xi32, #tpu.memory_space<vmem>>) semaphore(%run_scoped3A : memref<!tpu.dma_semaphore, #tpu.memory_space<semaphore_mem>>) {add = true}
        %dma_wait3A_136 = arith.constant 0 : i32
        %dma_wait3A_137 = tpu.memref_slice %arg8[%add3A_129, %dma_wait3A_136] : memref<40x64xi32, #tpu.memory_space<vmem>> -> memref<1x64xi32, #tpu.memory_space<vmem>>
        %dma_wait3A_138 = tpu.memref_squeeze %dma_wait3A_137 : memref<1x64xi32, #tpu.memory_space<vmem>> -> memref<64xi32, #tpu.memory_space<vmem>>
        %dma_wait3A_139 = arith.constant 0 : i32
        %dma_wait3A_140 = arith.constant 0 : i32
        %dma_wait3A_141 = tpu.memref_slice %arg13[%dma_wait3A_139, %dma_wait3A_140] : memref<10240x128xf32, #tpu.memory_space<vmem_shared>> -> memref<10240x128xf32, #tpu.memory_space<vmem_shared>>
        tpu.wait_indirect_dma semaphore(%run_scoped3A : memref<!tpu.dma_semaphore, #tpu.memory_space<semaphore_mem>>) src(%arg12 : memref<64x128xf32, #tpu.memory_space<vmem>>) dst(%dma_wait3A_141 : memref<10240x128xf32, #tpu.memory_space<vmem_shared>>)
        tpu.yield
      }) : () -> ()
    }
    %scan3A_21 = arith.constant 10 : i32
    "tpu.region"() ({
      %run_scoped3A = tpu.sem_alloc : memref<!tpu.dma_semaphore, #tpu.memory_space<semaphore_mem>>
      %dma_start3A_41 = arith.constant 40 : i32
      %dma_start3A_42 = arith.constant 0 : i32
      %dma_start3A_43 = tpu.memref_slice %arg4[%add3A, %dma_start3A_41, %dma_start3A_42] : memref<32x160x64xi32, #tpu.memory_space<hbm>> -> memref<1x40x64xi32, #tpu.memory_space<hbm>>
      %dma_start3A_44 = tpu.memref_squeeze %dma_start3A_43 : memref<1x40x64xi32, #tpu.memory_space<hbm>> -> memref<40x64xi32, #tpu.memory_space<hbm>>
      %dma_start3A_45 = arith.constant 40 : i32
      %dma_start3A_46 = arith.constant 0 : i32
      %dma_start3A_47 = tpu.memref_slice %arg4[%add3A, %dma_start3A_45, %dma_start3A_46] : memref<32x160x64xi32, #tpu.memory_space<hbm>> -> memref<1x40x64xi32, #tpu.memory_space<hbm>>
      %dma_start3A_48 = tpu.memref_squeeze %dma_start3A_47 : memref<1x40x64xi32, #tpu.memory_space<hbm>> -> memref<40x64xi32, #tpu.memory_space<hbm>>
      tpu.enqueue_dma source(%dma_start3A_48 : memref<40x64xi32, #tpu.memory_space<hbm>>) target(%arg8 : memref<40x64xi32, #tpu.memory_space<vmem>>) target_semaphore(%run_scoped3A : memref<!tpu.dma_semaphore, #tpu.memory_space<semaphore_mem>>)
      %dma_wait3A = arith.constant 40 : i32
      %dma_wait3A_49 = arith.constant 0 : i32
      %dma_wait3A_50 = tpu.memref_slice %arg4[%add3A, %dma_wait3A, %dma_wait3A_49] : memref<32x160x64xi32, #tpu.memory_space<hbm>> -> memref<1x40x64xi32, #tpu.memory_space<hbm>>
      %dma_wait3A_51 = tpu.memref_squeeze %dma_wait3A_50 : memref<1x40x64xi32, #tpu.memory_space<hbm>> -> memref<40x64xi32, #tpu.memory_space<hbm>>
      %dma_wait3A_52 = arith.constant 40 : i32
      %dma_wait3A_53 = arith.constant 0 : i32
      %dma_wait3A_54 = tpu.memref_slice %arg4[%add3A, %dma_wait3A_52, %dma_wait3A_53] : memref<32x160x64xi32, #tpu.memory_space<hbm>> -> memref<1x40x64xi32, #tpu.memory_space<hbm>>
      %dma_wait3A_55 = tpu.memref_squeeze %dma_wait3A_54 : memref<1x40x64xi32, #tpu.memory_space<hbm>> -> memref<40x64xi32, #tpu.memory_space<hbm>>
      tpu.wait_dma2 semaphore(%run_scoped3A : memref<!tpu.dma_semaphore, #tpu.memory_space<semaphore_mem>>) src(%dma_wait3A_55 : memref<40x64xi32, #tpu.memory_space<hbm>>) dst(%arg8 : memref<40x64xi32, #tpu.memory_space<vmem>>)
      tpu.yield
    }) : () -> ()
    %scan3A_22 = arith.constant 0 : i32
    %scan3A_23 = arith.constant 0 : i32
    %scan3A_24 = arith.constant 10 : i32
    %scan3A_25 = arith.addi %scan3A_23, %scan3A_24 : i32
    %scan3A_26 = arith.constant 1 : i32
    scf.for %scan3A_41 = %scan3A_23 to %scan3A_25 step %scan3A_26  : i32 {
      %mul3A_42 = arith.constant 4 : i32
      %mul3A_43 = arith.muli %mul3A_42, %scan3A_41 : i32
      %add3A_44 = arith.constant 40 : i32
      %add3A_45 = arith.addi %add3A_44, %mul3A_43 : i32
      %add3A_46 = arith.constant 0 : i32
      %add3A_47 = arith.addi %add3A_45, %add3A_46 : i32
      %add3A_48 = arith.constant 3 : i32
      %add3A_49 = arith.addi %add3A_47, %add3A_48 : i32
      %lt3A = arith.constant 160 : i32
      %lt3A_50 = arith.cmpi slt, %add3A_49, %lt3A : i32
      %convert_element_type3A = arith.extui %lt3A_50 : i1 to i32
      %cond3A = arith.constant 0 : i32
      %cond3A_51 = arith.cmpi ne, %convert_element_type3A, %cond3A : i32
      scf.if %cond3A_51 {
        %add3A_130 = arith.constant 3 : i32
        %add3A_131 = arith.addi %add3A_47, %add3A_130 : i32
        %mul3A_132 = arith.constant 64 : i32
        %mul3A_133 = arith.muli %add3A_131, %mul3A_132 : i32
        %dma_start3A_134 = tpu.memref_slice %arg7[%mul3A_133] : memref<10240xi32, #tpu.memory_space<vmem>> -> memref<64xi32, #tpu.memory_space<vmem>>
        %dma_start3A_135 = arith.constant 0 : i32
        %dma_start3A_136 = arith.constant 0 : i32
        %dma_start3A_137 = tpu.memref_slice %arg2[%dma_start3A_135, %dma_start3A_136] : memref<10000x128xf32, #tpu.memory_space<hbm>> -> memref<10000x128xf32, #tpu.memory_space<hbm>>
        tpu.enqueue_indirect_dma source(%dma_start3A_137 : memref<10000x128xf32, #tpu.memory_space<hbm>>) target(%arg12 : memref<64x128xf32, #tpu.memory_space<vmem>>) offsets(%dma_start3A_134 : memref<64xi32, #tpu.memory_space<vmem>>) semaphore(%arg17 : memref<!tpu.dma_semaphore, #tpu.memory_space<semaphore_mem>>)
      } else {
      }
      %mul3A_52 = arith.constant 64 : i32
      %mul3A_53 = arith.muli %add3A_47, %mul3A_52 : i32
      %dma_wait3A = tpu.memref_slice %arg7[%mul3A_53] : memref<10240xi32, #tpu.memory_space<vmem>> -> memref<64xi32, #tpu.memory_space<vmem>>
      %dma_wait3A_54 = arith.constant 0 : i32
      %dma_wait3A_55 = arith.constant 0 : i32
      %dma_wait3A_56 = tpu.memref_slice %arg2[%dma_wait3A_54, %dma_wait3A_55] : memref<10000x128xf32, #tpu.memory_space<hbm>> -> memref<10000x128xf32, #tpu.memory_space<hbm>>
      tpu.wait_indirect_dma semaphore(%arg14 : memref<!tpu.dma_semaphore, #tpu.memory_space<semaphore_mem>>) src(%dma_wait3A_56 : memref<10000x128xf32, #tpu.memory_space<hbm>>) dst(%arg9 : memref<64x128xf32, #tpu.memory_space<vmem>>)
      %mul3A_57 = arith.constant 4 : i32
      %mul3A_58 = arith.muli %mul3A_57, %scan3A_41 : i32
      %add3A_59 = arith.constant 0 : i32
      %add3A_60 = arith.addi %mul3A_58, %add3A_59 : i32
      "tpu.region"() ({
        %run_scoped3A = tpu.sem_alloc : memref<!tpu.dma_semaphore, #tpu.memory_space<semaphore_mem>>
        %dma_start3A_130 = arith.constant 0 : i32
        %dma_start3A_131 = tpu.memref_slice %arg8[%add3A_60, %dma_start3A_130] : memref<40x64xi32, #tpu.memory_space<vmem>> -> memref<1x64xi32, #tpu.memory_space<vmem>>
        %dma_start3A_132 = tpu.memref_squeeze %dma_start3A_131 : memref<1x64xi32, #tpu.memory_space<vmem>> -> memref<64xi32, #tpu.memory_space<vmem>>
        %dma_start3A_133 = arith.constant 0 : i32
        %dma_start3A_134 = arith.constant 0 : i32
        %dma_start3A_135 = tpu.memref_slice %arg13[%dma_start3A_133, %dma_start3A_134] : memref<10240x128xf32, #tpu.memory_space<vmem_shared>> -> memref<10240x128xf32, #tpu.memory_space<vmem_shared>>
        tpu.enqueue_indirect_dma source(%arg9 : memref<64x128xf32, #tpu.memory_space<vmem>>) target(%dma_start3A_135 : memref<10240x128xf32, #tpu.memory_space<vmem_shared>>) offsets(%dma_start3A_132 : memref<64xi32, #tpu.memory_space<vmem>>) semaphore(%run_scoped3A : memref<!tpu.dma_semaphore, #tpu.memory_space<semaphore_mem>>) {add = true}
        %dma_wait3A_136 = arith.constant 0 : i32
        %dma_wait3A_137 = tpu.memref_slice %arg8[%add3A_60, %dma_wait3A_136] : memref<40x64xi32, #tpu.memory_space<vmem>> -> memref<1x64xi32, #tpu.memory_space<vmem>>
        %dma_wait3A_138 = tpu.memref_squeeze %dma_wait3A_137 : memref<1x64xi32, #tpu.memory_space<vmem>> -> memref<64xi32, #tpu.memory_space<vmem>>
        %dma_wait3A_139 = arith.constant 0 : i32
        %dma_wait3A_140 = arith.constant 0 : i32
        %dma_wait3A_141 = tpu.memref_slice %arg13[%dma_wait3A_139, %dma_wait3A_140] : memref<10240x128xf32, #tpu.memory_space<vmem_shared>> -> memref<10240x128xf32, #tpu.memory_space<vmem_shared>>
        tpu.wait_indirect_dma semaphore(%run_scoped3A : memref<!tpu.dma_semaphore, #tpu.memory_space<semaphore_mem>>) src(%arg9 : memref<64x128xf32, #tpu.memory_space<vmem>>) dst(%dma_wait3A_141 : memref<10240x128xf32, #tpu.memory_space<vmem_shared>>)
        tpu.yield
      }) : () -> ()
      %mul3A_61 = arith.constant 4 : i32
      %mul3A_62 = arith.muli %mul3A_61, %scan3A_41 : i32
      %add3A_63 = arith.constant 40 : i32
      %add3A_64 = arith.addi %add3A_63, %mul3A_62 : i32
      %add3A_65 = arith.constant 1 : i32
      %add3A_66 = arith.addi %add3A_64, %add3A_65 : i32
      %add3A_67 = arith.constant 3 : i32
      %add3A_68 = arith.addi %add3A_66, %add3A_67 : i32
      %lt3A_69 = arith.constant 160 : i32
      %lt3A_70 = arith.cmpi slt, %add3A_68, %lt3A_69 : i32
      %convert_element_type3A_71 = arith.extui %lt3A_70 : i1 to i32
      %cond3A_72 = arith.constant 0 : i32
      %cond3A_73 = arith.cmpi ne, %convert_element_type3A_71, %cond3A_72 : i32
      scf.if %cond3A_73 {
        %add3A_130 = arith.constant 3 : i32
        %add3A_131 = arith.addi %add3A_66, %add3A_130 : i32
        %mul3A_132 = arith.constant 64 : i32
        %mul3A_133 = arith.muli %add3A_131, %mul3A_132 : i32
        %dma_start3A_134 = tpu.memref_slice %arg7[%mul3A_133] : memref<10240xi32, #tpu.memory_space<vmem>> -> memref<64xi32, #tpu.memory_space<vmem>>
        %dma_start3A_135 = arith.constant 0 : i32
        %dma_start3A_136 = arith.constant 0 : i32
        %dma_start3A_137 = tpu.memref_slice %arg2[%dma_start3A_135, %dma_start3A_136] : memref<10000x128xf32, #tpu.memory_space<hbm>> -> memref<10000x128xf32, #tpu.memory_space<hbm>>
        tpu.enqueue_indirect_dma source(%dma_start3A_137 : memref<10000x128xf32, #tpu.memory_space<hbm>>) target(%arg9 : memref<64x128xf32, #tpu.memory_space<vmem>>) offsets(%dma_start3A_134 : memref<64xi32, #tpu.memory_space<vmem>>) semaphore(%arg14 : memref<!tpu.dma_semaphore, #tpu.memory_space<semaphore_mem>>)
      } else {
      }
      %mul3A_74 = arith.constant 64 : i32
      %mul3A_75 = arith.muli %add3A_66, %mul3A_74 : i32
      %dma_wait3A_76 = tpu.memref_slice %arg7[%mul3A_75] : memref<10240xi32, #tpu.memory_space<vmem>> -> memref<64xi32, #tpu.memory_space<vmem>>
      %dma_wait3A_77 = arith.constant 0 : i32
      %dma_wait3A_78 = arith.constant 0 : i32
      %dma_wait3A_79 = tpu.memref_slice %arg2[%dma_wait3A_77, %dma_wait3A_78] : memref<10000x128xf32, #tpu.memory_space<hbm>> -> memref<10000x128xf32, #tpu.memory_space<hbm>>
      tpu.wait_indirect_dma semaphore(%arg15 : memref<!tpu.dma_semaphore, #tpu.memory_space<semaphore_mem>>) src(%dma_wait3A_79 : memref<10000x128xf32, #tpu.memory_space<hbm>>) dst(%arg10 : memref<64x128xf32, #tpu.memory_space<vmem>>)
      %mul3A_80 = arith.constant 4 : i32
      %mul3A_81 = arith.muli %mul3A_80, %scan3A_41 : i32
      %add3A_82 = arith.constant 1 : i32
      %add3A_83 = arith.addi %mul3A_81, %add3A_82 : i32
      "tpu.region"() ({
        %run_scoped3A = tpu.sem_alloc : memref<!tpu.dma_semaphore, #tpu.memory_space<semaphore_mem>>
        %dma_start3A_130 = arith.constant 0 : i32
        %dma_start3A_131 = tpu.memref_slice %arg8[%add3A_83, %dma_start3A_130] : memref<40x64xi32, #tpu.memory_space<vmem>> -> memref<1x64xi32, #tpu.memory_space<vmem>>
        %dma_start3A_132 = tpu.memref_squeeze %dma_start3A_131 : memref<1x64xi32, #tpu.memory_space<vmem>> -> memref<64xi32, #tpu.memory_space<vmem>>
        %dma_start3A_133 = arith.constant 0 : i32
        %dma_start3A_134 = arith.constant 0 : i32
        %dma_start3A_135 = tpu.memref_slice %arg13[%dma_start3A_133, %dma_start3A_134] : memref<10240x128xf32, #tpu.memory_space<vmem_shared>> -> memref<10240x128xf32, #tpu.memory_space<vmem_shared>>
        tpu.enqueue_indirect_dma source(%arg10 : memref<64x128xf32, #tpu.memory_space<vmem>>) target(%dma_start3A_135 : memref<10240x128xf32, #tpu.memory_space<vmem_shared>>) offsets(%dma_start3A_132 : memref<64xi32, #tpu.memory_space<vmem>>) semaphore(%run_scoped3A : memref<!tpu.dma_semaphore, #tpu.memory_space<semaphore_mem>>) {add = true}
        %dma_wait3A_136 = arith.constant 0 : i32
        %dma_wait3A_137 = tpu.memref_slice %arg8[%add3A_83, %dma_wait3A_136] : memref<40x64xi32, #tpu.memory_space<vmem>> -> memref<1x64xi32, #tpu.memory_space<vmem>>
        %dma_wait3A_138 = tpu.memref_squeeze %dma_wait3A_137 : memref<1x64xi32, #tpu.memory_space<vmem>> -> memref<64xi32, #tpu.memory_space<vmem>>
        %dma_wait3A_139 = arith.constant 0 : i32
        %dma_wait3A_140 = arith.constant 0 : i32
        %dma_wait3A_141 = tpu.memref_slice %arg13[%dma_wait3A_139, %dma_wait3A_140] : memref<10240x128xf32, #tpu.memory_space<vmem_shared>> -> memref<10240x128xf32, #tpu.memory_space<vmem_shared>>
        tpu.wait_indirect_dma semaphore(%run_scoped3A : memref<!tpu.dma_semaphore, #tpu.memory_space<semaphore_mem>>) src(%arg10 : memref<64x128xf32, #tpu.memory_space<vmem>>) dst(%dma_wait3A_141 : memref<10240x128xf32, #tpu.memory_space<vmem_shared>>)
        tpu.yield
      }) : () -> ()
      %mul3A_84 = arith.constant 4 : i32
      %mul3A_85 = arith.muli %mul3A_84, %scan3A_41 : i32
      %add3A_86 = arith.constant 40 : i32
      %add3A_87 = arith.addi %add3A_86, %mul3A_85 : i32
      %add3A_88 = arith.constant 2 : i32
      %add3A_89 = arith.addi %add3A_87, %add3A_88 : i32
      %add3A_90 = arith.constant 3 : i32
      %add3A_91 = arith.addi %add3A_89, %add3A_90 : i32
      %lt3A_92 = arith.constant 160 : i32
      %lt3A_93 = arith.cmpi slt, %add3A_91, %lt3A_92 : i32
      %convert_element_type3A_94 = arith.extui %lt3A_93 : i1 to i32
      %cond3A_95 = arith.constant 0 : i32
      %cond3A_96 = arith.cmpi ne, %convert_element_type3A_94, %cond3A_95 : i32
      scf.if %cond3A_96 {
        %add3A_130 = arith.constant 3 : i32
        %add3A_131 = arith.addi %add3A_89, %add3A_130 : i32
        %mul3A_132 = arith.constant 64 : i32
        %mul3A_133 = arith.muli %add3A_131, %mul3A_132 : i32
        %dma_start3A_134 = tpu.memref_slice %arg7[%mul3A_133] : memref<10240xi32, #tpu.memory_space<vmem>> -> memref<64xi32, #tpu.memory_space<vmem>>
        %dma_start3A_135 = arith.constant 0 : i32
        %dma_start3A_136 = arith.constant 0 : i32
        %dma_start3A_137 = tpu.memref_slice %arg2[%dma_start3A_135, %dma_start3A_136] : memref<10000x128xf32, #tpu.memory_space<hbm>> -> memref<10000x128xf32, #tpu.memory_space<hbm>>
        tpu.enqueue_indirect_dma source(%dma_start3A_137 : memref<10000x128xf32, #tpu.memory_space<hbm>>) target(%arg10 : memref<64x128xf32, #tpu.memory_space<vmem>>) offsets(%dma_start3A_134 : memref<64xi32, #tpu.memory_space<vmem>>) semaphore(%arg15 : memref<!tpu.dma_semaphore, #tpu.memory_space<semaphore_mem>>)
      } else {
      }
      %mul3A_97 = arith.constant 64 : i32
      %mul3A_98 = arith.muli %add3A_89, %mul3A_97 : i32
      %dma_wait3A_99 = tpu.memref_slice %arg7[%mul3A_98] : memref<10240xi32, #tpu.memory_space<vmem>> -> memref<64xi32, #tpu.memory_space<vmem>>
      %dma_wait3A_100 = arith.constant 0 : i32
      %dma_wait3A_101 = arith.constant 0 : i32
      %dma_wait3A_102 = tpu.memref_slice %arg2[%dma_wait3A_100, %dma_wait3A_101] : memref<10000x128xf32, #tpu.memory_space<hbm>> -> memref<10000x128xf32, #tpu.memory_space<hbm>>
      tpu.wait_indirect_dma semaphore(%arg16 : memref<!tpu.dma_semaphore, #tpu.memory_space<semaphore_mem>>) src(%dma_wait3A_102 : memref<10000x128xf32, #tpu.memory_space<hbm>>) dst(%arg11 : memref<64x128xf32, #tpu.memory_space<vmem>>)
      %mul3A_103 = arith.constant 4 : i32
      %mul3A_104 = arith.muli %mul3A_103, %scan3A_41 : i32
      %add3A_105 = arith.constant 2 : i32
      %add3A_106 = arith.addi %mul3A_104, %add3A_105 : i32
      "tpu.region"() ({
        %run_scoped3A = tpu.sem_alloc : memref<!tpu.dma_semaphore, #tpu.memory_space<semaphore_mem>>
        %dma_start3A_130 = arith.constant 0 : i32
        %dma_start3A_131 = tpu.memref_slice %arg8[%add3A_106, %dma_start3A_130] : memref<40x64xi32, #tpu.memory_space<vmem>> -> memref<1x64xi32, #tpu.memory_space<vmem>>
        %dma_start3A_132 = tpu.memref_squeeze %dma_start3A_131 : memref<1x64xi32, #tpu.memory_space<vmem>> -> memref<64xi32, #tpu.memory_space<vmem>>
        %dma_start3A_133 = arith.constant 0 : i32
        %dma_start3A_134 = arith.constant 0 : i32
        %dma_start3A_135 = tpu.memref_slice %arg13[%dma_start3A_133, %dma_start3A_134] : memref<10240x128xf32, #tpu.memory_space<vmem_shared>> -> memref<10240x128xf32, #tpu.memory_space<vmem_shared>>
        tpu.enqueue_indirect_dma source(%arg11 : memref<64x128xf32, #tpu.memory_space<vmem>>) target(%dma_start3A_135 : memref<10240x128xf32, #tpu.memory_space<vmem_shared>>) offsets(%dma_start3A_132 : memref<64xi32, #tpu.memory_space<vmem>>) semaphore(%run_scoped3A : memref<!tpu.dma_semaphore, #tpu.memory_space<semaphore_mem>>) {add = true}
        %dma_wait3A_136 = arith.constant 0 : i32
        %dma_wait3A_137 = tpu.memref_slice %arg8[%add3A_106, %dma_wait3A_136] : memref<40x64xi32, #tpu.memory_space<vmem>> -> memref<1x64xi32, #tpu.memory_space<vmem>>
        %dma_wait3A_138 = tpu.memref_squeeze %dma_wait3A_137 : memref<1x64xi32, #tpu.memory_space<vmem>> -> memref<64xi32, #tpu.memory_space<vmem>>
        %dma_wait3A_139 = arith.constant 0 : i32
        %dma_wait3A_140 = arith.constant 0 : i32
        %dma_wait3A_141 = tpu.memref_slice %arg13[%dma_wait3A_139, %dma_wait3A_140] : memref<10240x128xf32, #tpu.memory_space<vmem_shared>> -> memref<10240x128xf32, #tpu.memory_space<vmem_shared>>
        tpu.wait_indirect_dma semaphore(%run_scoped3A : memref<!tpu.dma_semaphore, #tpu.memory_space<semaphore_mem>>) src(%arg11 : memref<64x128xf32, #tpu.memory_space<vmem>>) dst(%dma_wait3A_141 : memref<10240x128xf32, #tpu.memory_space<vmem_shared>>)
        tpu.yield
      }) : () -> ()
      %mul3A_107 = arith.constant 4 : i32
      %mul3A_108 = arith.muli %mul3A_107, %scan3A_41 : i32
      %add3A_109 = arith.constant 40 : i32
      %add3A_110 = arith.addi %add3A_109, %mul3A_108 : i32
      %add3A_111 = arith.constant 3 : i32
      %add3A_112 = arith.addi %add3A_110, %add3A_111 : i32
      %add3A_113 = arith.constant 3 : i32
      %add3A_114 = arith.addi %add3A_112, %add3A_113 : i32
      %lt3A_115 = arith.constant 160 : i32
      %lt3A_116 = arith.cmpi slt, %add3A_114, %lt3A_115 : i32
      %convert_element_type3A_117 = arith.extui %lt3A_116 : i1 to i32
      %cond3A_118 = arith.constant 0 : i32
      %cond3A_119 = arith.cmpi ne, %convert_element_type3A_117, %cond3A_118 : i32
      scf.if %cond3A_119 {
        %add3A_130 = arith.constant 3 : i32
        %add3A_131 = arith.addi %add3A_112, %add3A_130 : i32
        %mul3A_132 = arith.constant 64 : i32
        %mul3A_133 = arith.muli %add3A_131, %mul3A_132 : i32
        %dma_start3A_134 = tpu.memref_slice %arg7[%mul3A_133] : memref<10240xi32, #tpu.memory_space<vmem>> -> memref<64xi32, #tpu.memory_space<vmem>>
        %dma_start3A_135 = arith.constant 0 : i32
        %dma_start3A_136 = arith.constant 0 : i32
        %dma_start3A_137 = tpu.memref_slice %arg2[%dma_start3A_135, %dma_start3A_136] : memref<10000x128xf32, #tpu.memory_space<hbm>> -> memref<10000x128xf32, #tpu.memory_space<hbm>>
        tpu.enqueue_indirect_dma source(%dma_start3A_137 : memref<10000x128xf32, #tpu.memory_space<hbm>>) target(%arg11 : memref<64x128xf32, #tpu.memory_space<vmem>>) offsets(%dma_start3A_134 : memref<64xi32, #tpu.memory_space<vmem>>) semaphore(%arg16 : memref<!tpu.dma_semaphore, #tpu.memory_space<semaphore_mem>>)
      } else {
      }
      %mul3A_120 = arith.constant 64 : i32
      %mul3A_121 = arith.muli %add3A_112, %mul3A_120 : i32
      %dma_wait3A_122 = tpu.memref_slice %arg7[%mul3A_121] : memref<10240xi32, #tpu.memory_space<vmem>> -> memref<64xi32, #tpu.memory_space<vmem>>
      %dma_wait3A_123 = arith.constant 0 : i32
      %dma_wait3A_124 = arith.constant 0 : i32
      %dma_wait3A_125 = tpu.memref_slice %arg2[%dma_wait3A_123, %dma_wait3A_124] : memref<10000x128xf32, #tpu.memory_space<hbm>> -> memref<10000x128xf32, #tpu.memory_space<hbm>>
      tpu.wait_indirect_dma semaphore(%arg17 : memref<!tpu.dma_semaphore, #tpu.memory_space<semaphore_mem>>) src(%dma_wait3A_125 : memref<10000x128xf32, #tpu.memory_space<hbm>>) dst(%arg12 : memref<64x128xf32, #tpu.memory_space<vmem>>)
      %mul3A_126 = arith.constant 4 : i32
      %mul3A_127 = arith.muli %mul3A_126, %scan3A_41 : i32
      %add3A_128 = arith.constant 3 : i32
      %add3A_129 = arith.addi %mul3A_127, %add3A_128 : i32
      "tpu.region"() ({
        %run_scoped3A = tpu.sem_alloc : memref<!tpu.dma_semaphore, #tpu.memory_space<semaphore_mem>>
        %dma_start3A_130 = arith.constant 0 : i32
        %dma_start3A_131 = tpu.memref_slice %arg8[%add3A_129, %dma_start3A_130] : memref<40x64xi32, #tpu.memory_space<vmem>> -> memref<1x64xi32, #tpu.memory_space<vmem>>
        %dma_start3A_132 = tpu.memref_squeeze %dma_start3A_131 : memref<1x64xi32, #tpu.memory_space<vmem>> -> memref<64xi32, #tpu.memory_space<vmem>>
        %dma_start3A_133 = arith.constant 0 : i32
        %dma_start3A_134 = arith.constant 0 : i32
        %dma_start3A_135 = tpu.memref_slice %arg13[%dma_start3A_133, %dma_start3A_134] : memref<10240x128xf32, #tpu.memory_space<vmem_shared>> -> memref<10240x128xf32, #tpu.memory_space<vmem_shared>>
        tpu.enqueue_indirect_dma source(%arg12 : memref<64x128xf32, #tpu.memory_space<vmem>>) target(%dma_start3A_135 : memref<10240x128xf32, #tpu.memory_space<vmem_shared>>) offsets(%dma_start3A_132 : memref<64xi32, #tpu.memory_space<vmem>>) semaphore(%run_scoped3A : memref<!tpu.dma_semaphore, #tpu.memory_space<semaphore_mem>>) {add = true}
        %dma_wait3A_136 = arith.constant 0 : i32
        %dma_wait3A_137 = tpu.memref_slice %arg8[%add3A_129, %dma_wait3A_136] : memref<40x64xi32, #tpu.memory_space<vmem>> -> memref<1x64xi32, #tpu.memory_space<vmem>>
        %dma_wait3A_138 = tpu.memref_squeeze %dma_wait3A_137 : memref<1x64xi32, #tpu.memory_space<vmem>> -> memref<64xi32, #tpu.memory_space<vmem>>
        %dma_wait3A_139 = arith.constant 0 : i32
        %dma_wait3A_140 = arith.constant 0 : i32
        %dma_wait3A_141 = tpu.memref_slice %arg13[%dma_wait3A_139, %dma_wait3A_140] : memref<10240x128xf32, #tpu.memory_space<vmem_shared>> -> memref<10240x128xf32, #tpu.memory_space<vmem_shared>>
        tpu.wait_indirect_dma semaphore(%run_scoped3A : memref<!tpu.dma_semaphore, #tpu.memory_space<semaphore_mem>>) src(%arg12 : memref<64x128xf32, #tpu.memory_space<vmem>>) dst(%dma_wait3A_141 : memref<10240x128xf32, #tpu.memory_space<vmem_shared>>)
        tpu.yield
      }) : () -> ()
    }
    %scan3A_27 = arith.constant 10 : i32
    "tpu.region"() ({
      %run_scoped3A = tpu.sem_alloc : memref<!tpu.dma_semaphore, #tpu.memory_space<semaphore_mem>>
      %dma_start3A_41 = arith.constant 80 : i32
      %dma_start3A_42 = arith.constant 0 : i32
      %dma_start3A_43 = tpu.memref_slice %arg4[%add3A, %dma_start3A_41, %dma_start3A_42] : memref<32x160x64xi32, #tpu.memory_space<hbm>> -> memref<1x40x64xi32, #tpu.memory_space<hbm>>
      %dma_start3A_44 = tpu.memref_squeeze %dma_start3A_43 : memref<1x40x64xi32, #tpu.memory_space<hbm>> -> memref<40x64xi32, #tpu.memory_space<hbm>>
      %dma_start3A_45 = arith.constant 80 : i32
      %dma_start3A_46 = arith.constant 0 : i32
      %dma_start3A_47 = tpu.memref_slice %arg4[%add3A, %dma_start3A_45, %dma_start3A_46] : memref<32x160x64xi32, #tpu.memory_space<hbm>> -> memref<1x40x64xi32, #tpu.memory_space<hbm>>
      %dma_start3A_48 = tpu.memref_squeeze %dma_start3A_47 : memref<1x40x64xi32, #tpu.memory_space<hbm>> -> memref<40x64xi32, #tpu.memory_space<hbm>>
      tpu.enqueue_dma source(%dma_start3A_48 : memref<40x64xi32, #tpu.memory_space<hbm>>) target(%arg8 : memref<40x64xi32, #tpu.memory_space<vmem>>) target_semaphore(%run_scoped3A : memref<!tpu.dma_semaphore, #tpu.memory_space<semaphore_mem>>)
      %dma_wait3A = arith.constant 80 : i32
      %dma_wait3A_49 = arith.constant 0 : i32
      %dma_wait3A_50 = tpu.memref_slice %arg4[%add3A, %dma_wait3A, %dma_wait3A_49] : memref<32x160x64xi32, #tpu.memory_space<hbm>> -> memref<1x40x64xi32, #tpu.memory_space<hbm>>
      %dma_wait3A_51 = tpu.memref_squeeze %dma_wait3A_50 : memref<1x40x64xi32, #tpu.memory_space<hbm>> -> memref<40x64xi32, #tpu.memory_space<hbm>>
      %dma_wait3A_52 = arith.constant 80 : i32
      %dma_wait3A_53 = arith.constant 0 : i32
      %dma_wait3A_54 = tpu.memref_slice %arg4[%add3A, %dma_wait3A_52, %dma_wait3A_53] : memref<32x160x64xi32, #tpu.memory_space<hbm>> -> memref<1x40x64xi32, #tpu.memory_space<hbm>>
      %dma_wait3A_55 = tpu.memref_squeeze %dma_wait3A_54 : memref<1x40x64xi32, #tpu.memory_space<hbm>> -> memref<40x64xi32, #tpu.memory_space<hbm>>
      tpu.wait_dma2 semaphore(%run_scoped3A : memref<!tpu.dma_semaphore, #tpu.memory_space<semaphore_mem>>) src(%dma_wait3A_55 : memref<40x64xi32, #tpu.memory_space<hbm>>) dst(%arg8 : memref<40x64xi32, #tpu.memory_space<vmem>>)
      tpu.yield
    }) : () -> ()
    %scan3A_28 = arith.constant 0 : i32
    %scan3A_29 = arith.constant 0 : i32
    %scan3A_30 = arith.constant 10 : i32
    %scan3A_31 = arith.addi %scan3A_29, %scan3A_30 : i32
    %scan3A_32 = arith.constant 1 : i32
    scf.for %scan3A_41 = %scan3A_29 to %scan3A_31 step %scan3A_32  : i32 {
      %mul3A_42 = arith.constant 4 : i32
      %mul3A_43 = arith.muli %mul3A_42, %scan3A_41 : i32
      %add3A_44 = arith.constant 80 : i32
      %add3A_45 = arith.addi %add3A_44, %mul3A_43 : i32
      %add3A_46 = arith.constant 0 : i32
      %add3A_47 = arith.addi %add3A_45, %add3A_46 : i32
      %add3A_48 = arith.constant 3 : i32
      %add3A_49 = arith.addi %add3A_47, %add3A_48 : i32
      %lt3A = arith.constant 160 : i32
      %lt3A_50 = arith.cmpi slt, %add3A_49, %lt3A : i32
      %convert_element_type3A = arith.extui %lt3A_50 : i1 to i32
      %cond3A = arith.constant 0 : i32
      %cond3A_51 = arith.cmpi ne, %convert_element_type3A, %cond3A : i32
      scf.if %cond3A_51 {
        %add3A_130 = arith.constant 3 : i32
        %add3A_131 = arith.addi %add3A_47, %add3A_130 : i32
        %mul3A_132 = arith.constant 64 : i32
        %mul3A_133 = arith.muli %add3A_131, %mul3A_132 : i32
        %dma_start3A_134 = tpu.memref_slice %arg7[%mul3A_133] : memref<10240xi32, #tpu.memory_space<vmem>> -> memref<64xi32, #tpu.memory_space<vmem>>
        %dma_start3A_135 = arith.constant 0 : i32
        %dma_start3A_136 = arith.constant 0 : i32
        %dma_start3A_137 = tpu.memref_slice %arg2[%dma_start3A_135, %dma_start3A_136] : memref<10000x128xf32, #tpu.memory_space<hbm>> -> memref<10000x128xf32, #tpu.memory_space<hbm>>
        tpu.enqueue_indirect_dma source(%dma_start3A_137 : memref<10000x128xf32, #tpu.memory_space<hbm>>) target(%arg12 : memref<64x128xf32, #tpu.memory_space<vmem>>) offsets(%dma_start3A_134 : memref<64xi32, #tpu.memory_space<vmem>>) semaphore(%arg17 : memref<!tpu.dma_semaphore, #tpu.memory_space<semaphore_mem>>)
      } else {
      }
      %mul3A_52 = arith.constant 64 : i32
      %mul3A_53 = arith.muli %add3A_47, %mul3A_52 : i32
      %dma_wait3A = tpu.memref_slice %arg7[%mul3A_53] : memref<10240xi32, #tpu.memory_space<vmem>> -> memref<64xi32, #tpu.memory_space<vmem>>
      %dma_wait3A_54 = arith.constant 0 : i32
      %dma_wait3A_55 = arith.constant 0 : i32
      %dma_wait3A_56 = tpu.memref_slice %arg2[%dma_wait3A_54, %dma_wait3A_55] : memref<10000x128xf32, #tpu.memory_space<hbm>> -> memref<10000x128xf32, #tpu.memory_space<hbm>>
      tpu.wait_indirect_dma semaphore(%arg14 : memref<!tpu.dma_semaphore, #tpu.memory_space<semaphore_mem>>) src(%dma_wait3A_56 : memref<10000x128xf32, #tpu.memory_space<hbm>>) dst(%arg9 : memref<64x128xf32, #tpu.memory_space<vmem>>)
      %mul3A_57 = arith.constant 4 : i32
      %mul3A_58 = arith.muli %mul3A_57, %scan3A_41 : i32
      %add3A_59 = arith.constant 0 : i32
      %add3A_60 = arith.addi %mul3A_58, %add3A_59 : i32
      "tpu.region"() ({
        %run_scoped3A = tpu.sem_alloc : memref<!tpu.dma_semaphore, #tpu.memory_space<semaphore_mem>>
        %dma_start3A_130 = arith.constant 0 : i32
        %dma_start3A_131 = tpu.memref_slice %arg8[%add3A_60, %dma_start3A_130] : memref<40x64xi32, #tpu.memory_space<vmem>> -> memref<1x64xi32, #tpu.memory_space<vmem>>
        %dma_start3A_132 = tpu.memref_squeeze %dma_start3A_131 : memref<1x64xi32, #tpu.memory_space<vmem>> -> memref<64xi32, #tpu.memory_space<vmem>>
        %dma_start3A_133 = arith.constant 0 : i32
        %dma_start3A_134 = arith.constant 0 : i32
        %dma_start3A_135 = tpu.memref_slice %arg13[%dma_start3A_133, %dma_start3A_134] : memref<10240x128xf32, #tpu.memory_space<vmem_shared>> -> memref<10240x128xf32, #tpu.memory_space<vmem_shared>>
        tpu.enqueue_indirect_dma source(%arg9 : memref<64x128xf32, #tpu.memory_space<vmem>>) target(%dma_start3A_135 : memref<10240x128xf32, #tpu.memory_space<vmem_shared>>) offsets(%dma_start3A_132 : memref<64xi32, #tpu.memory_space<vmem>>) semaphore(%run_scoped3A : memref<!tpu.dma_semaphore, #tpu.memory_space<semaphore_mem>>) {add = true}
        %dma_wait3A_136 = arith.constant 0 : i32
        %dma_wait3A_137 = tpu.memref_slice %arg8[%add3A_60, %dma_wait3A_136] : memref<40x64xi32, #tpu.memory_space<vmem>> -> memref<1x64xi32, #tpu.memory_space<vmem>>
        %dma_wait3A_138 = tpu.memref_squeeze %dma_wait3A_137 : memref<1x64xi32, #tpu.memory_space<vmem>> -> memref<64xi32, #tpu.memory_space<vmem>>
        %dma_wait3A_139 = arith.constant 0 : i32
        %dma_wait3A_140 = arith.constant 0 : i32
        %dma_wait3A_141 = tpu.memref_slice %arg13[%dma_wait3A_139, %dma_wait3A_140] : memref<10240x128xf32, #tpu.memory_space<vmem_shared>> -> memref<10240x128xf32, #tpu.memory_space<vmem_shared>>
        tpu.wait_indirect_dma semaphore(%run_scoped3A : memref<!tpu.dma_semaphore, #tpu.memory_space<semaphore_mem>>) src(%arg9 : memref<64x128xf32, #tpu.memory_space<vmem>>) dst(%dma_wait3A_141 : memref<10240x128xf32, #tpu.memory_space<vmem_shared>>)
        tpu.yield
      }) : () -> ()
      %mul3A_61 = arith.constant 4 : i32
      %mul3A_62 = arith.muli %mul3A_61, %scan3A_41 : i32
      %add3A_63 = arith.constant 80 : i32
      %add3A_64 = arith.addi %add3A_63, %mul3A_62 : i32
      %add3A_65 = arith.constant 1 : i32
      %add3A_66 = arith.addi %add3A_64, %add3A_65 : i32
      %add3A_67 = arith.constant 3 : i32
      %add3A_68 = arith.addi %add3A_66, %add3A_67 : i32
      %lt3A_69 = arith.constant 160 : i32
      %lt3A_70 = arith.cmpi slt, %add3A_68, %lt3A_69 : i32
      %convert_element_type3A_71 = arith.extui %lt3A_70 : i1 to i32
      %cond3A_72 = arith.constant 0 : i32
      %cond3A_73 = arith.cmpi ne, %convert_element_type3A_71, %cond3A_72 : i32
      scf.if %cond3A_73 {
        %add3A_130 = arith.constant 3 : i32
        %add3A_131 = arith.addi %add3A_66, %add3A_130 : i32
        %mul3A_132 = arith.constant 64 : i32
        %mul3A_133 = arith.muli %add3A_131, %mul3A_132 : i32
        %dma_start3A_134 = tpu.memref_slice %arg7[%mul3A_133] : memref<10240xi32, #tpu.memory_space<vmem>> -> memref<64xi32, #tpu.memory_space<vmem>>
        %dma_start3A_135 = arith.constant 0 : i32
        %dma_start3A_136 = arith.constant 0 : i32
        %dma_start3A_137 = tpu.memref_slice %arg2[%dma_start3A_135, %dma_start3A_136] : memref<10000x128xf32, #tpu.memory_space<hbm>> -> memref<10000x128xf32, #tpu.memory_space<hbm>>
        tpu.enqueue_indirect_dma source(%dma_start3A_137 : memref<10000x128xf32, #tpu.memory_space<hbm>>) target(%arg9 : memref<64x128xf32, #tpu.memory_space<vmem>>) offsets(%dma_start3A_134 : memref<64xi32, #tpu.memory_space<vmem>>) semaphore(%arg14 : memref<!tpu.dma_semaphore, #tpu.memory_space<semaphore_mem>>)
      } else {
      }
      %mul3A_74 = arith.constant 64 : i32
      %mul3A_75 = arith.muli %add3A_66, %mul3A_74 : i32
      %dma_wait3A_76 = tpu.memref_slice %arg7[%mul3A_75] : memref<10240xi32, #tpu.memory_space<vmem>> -> memref<64xi32, #tpu.memory_space<vmem>>
      %dma_wait3A_77 = arith.constant 0 : i32
      %dma_wait3A_78 = arith.constant 0 : i32
      %dma_wait3A_79 = tpu.memref_slice %arg2[%dma_wait3A_77, %dma_wait3A_78] : memref<10000x128xf32, #tpu.memory_space<hbm>> -> memref<10000x128xf32, #tpu.memory_space<hbm>>
      tpu.wait_indirect_dma semaphore(%arg15 : memref<!tpu.dma_semaphore, #tpu.memory_space<semaphore_mem>>) src(%dma_wait3A_79 : memref<10000x128xf32, #tpu.memory_space<hbm>>) dst(%arg10 : memref<64x128xf32, #tpu.memory_space<vmem>>)
      %mul3A_80 = arith.constant 4 : i32
      %mul3A_81 = arith.muli %mul3A_80, %scan3A_41 : i32
      %add3A_82 = arith.constant 1 : i32
      %add3A_83 = arith.addi %mul3A_81, %add3A_82 : i32
      "tpu.region"() ({
        %run_scoped3A = tpu.sem_alloc : memref<!tpu.dma_semaphore, #tpu.memory_space<semaphore_mem>>
        %dma_start3A_130 = arith.constant 0 : i32
        %dma_start3A_131 = tpu.memref_slice %arg8[%add3A_83, %dma_start3A_130] : memref<40x64xi32, #tpu.memory_space<vmem>> -> memref<1x64xi32, #tpu.memory_space<vmem>>
        %dma_start3A_132 = tpu.memref_squeeze %dma_start3A_131 : memref<1x64xi32, #tpu.memory_space<vmem>> -> memref<64xi32, #tpu.memory_space<vmem>>
        %dma_start3A_133 = arith.constant 0 : i32
        %dma_start3A_134 = arith.constant 0 : i32
        %dma_start3A_135 = tpu.memref_slice %arg13[%dma_start3A_133, %dma_start3A_134] : memref<10240x128xf32, #tpu.memory_space<vmem_shared>> -> memref<10240x128xf32, #tpu.memory_space<vmem_shared>>
        tpu.enqueue_indirect_dma source(%arg10 : memref<64x128xf32, #tpu.memory_space<vmem>>) target(%dma_start3A_135 : memref<10240x128xf32, #tpu.memory_space<vmem_shared>>) offsets(%dma_start3A_132 : memref<64xi32, #tpu.memory_space<vmem>>) semaphore(%run_scoped3A : memref<!tpu.dma_semaphore, #tpu.memory_space<semaphore_mem>>) {add = true}
        %dma_wait3A_136 = arith.constant 0 : i32
        %dma_wait3A_137 = tpu.memref_slice %arg8[%add3A_83, %dma_wait3A_136] : memref<40x64xi32, #tpu.memory_space<vmem>> -> memref<1x64xi32, #tpu.memory_space<vmem>>
        %dma_wait3A_138 = tpu.memref_squeeze %dma_wait3A_137 : memref<1x64xi32, #tpu.memory_space<vmem>> -> memref<64xi32, #tpu.memory_space<vmem>>
        %dma_wait3A_139 = arith.constant 0 : i32
        %dma_wait3A_140 = arith.constant 0 : i32
        %dma_wait3A_141 = tpu.memref_slice %arg13[%dma_wait3A_139, %dma_wait3A_140] : memref<10240x128xf32, #tpu.memory_space<vmem_shared>> -> memref<10240x128xf32, #tpu.memory_space<vmem_shared>>
        tpu.wait_indirect_dma semaphore(%run_scoped3A : memref<!tpu.dma_semaphore, #tpu.memory_space<semaphore_mem>>) src(%arg10 : memref<64x128xf32, #tpu.memory_space<vmem>>) dst(%dma_wait3A_141 : memref<10240x128xf32, #tpu.memory_space<vmem_shared>>)
        tpu.yield
      }) : () -> ()
      %mul3A_84 = arith.constant 4 : i32
      %mul3A_85 = arith.muli %mul3A_84, %scan3A_41 : i32
      %add3A_86 = arith.constant 80 : i32
      %add3A_87 = arith.addi %add3A_86, %mul3A_85 : i32
      %add3A_88 = arith.constant 2 : i32
      %add3A_89 = arith.addi %add3A_87, %add3A_88 : i32
      %add3A_90 = arith.constant 3 : i32
      %add3A_91 = arith.addi %add3A_89, %add3A_90 : i32
      %lt3A_92 = arith.constant 160 : i32
      %lt3A_93 = arith.cmpi slt, %add3A_91, %lt3A_92 : i32
      %convert_element_type3A_94 = arith.extui %lt3A_93 : i1 to i32
      %cond3A_95 = arith.constant 0 : i32
      %cond3A_96 = arith.cmpi ne, %convert_element_type3A_94, %cond3A_95 : i32
      scf.if %cond3A_96 {
        %add3A_130 = arith.constant 3 : i32
        %add3A_131 = arith.addi %add3A_89, %add3A_130 : i32
        %mul3A_132 = arith.constant 64 : i32
        %mul3A_133 = arith.muli %add3A_131, %mul3A_132 : i32
        %dma_start3A_134 = tpu.memref_slice %arg7[%mul3A_133] : memref<10240xi32, #tpu.memory_space<vmem>> -> memref<64xi32, #tpu.memory_space<vmem>>
        %dma_start3A_135 = arith.constant 0 : i32
        %dma_start3A_136 = arith.constant 0 : i32
        %dma_start3A_137 = tpu.memref_slice %arg2[%dma_start3A_135, %dma_start3A_136] : memref<10000x128xf32, #tpu.memory_space<hbm>> -> memref<10000x128xf32, #tpu.memory_space<hbm>>
        tpu.enqueue_indirect_dma source(%dma_start3A_137 : memref<10000x128xf32, #tpu.memory_space<hbm>>) target(%arg10 : memref<64x128xf32, #tpu.memory_space<vmem>>) offsets(%dma_start3A_134 : memref<64xi32, #tpu.memory_space<vmem>>) semaphore(%arg15 : memref<!tpu.dma_semaphore, #tpu.memory_space<semaphore_mem>>)
      } else {
      }
      %mul3A_97 = arith.constant 64 : i32
      %mul3A_98 = arith.muli %add3A_89, %mul3A_97 : i32
      %dma_wait3A_99 = tpu.memref_slice %arg7[%mul3A_98] : memref<10240xi32, #tpu.memory_space<vmem>> -> memref<64xi32, #tpu.memory_space<vmem>>
      %dma_wait3A_100 = arith.constant 0 : i32
      %dma_wait3A_101 = arith.constant 0 : i32
      %dma_wait3A_102 = tpu.memref_slice %arg2[%dma_wait3A_100, %dma_wait3A_101] : memref<10000x128xf32, #tpu.memory_space<hbm>> -> memref<10000x128xf32, #tpu.memory_space<hbm>>
      tpu.wait_indirect_dma semaphore(%arg16 : memref<!tpu.dma_semaphore, #tpu.memory_space<semaphore_mem>>) src(%dma_wait3A_102 : memref<10000x128xf32, #tpu.memory_space<hbm>>) dst(%arg11 : memref<64x128xf32, #tpu.memory_space<vmem>>)
      %mul3A_103 = arith.constant 4 : i32
      %mul3A_104 = arith.muli %mul3A_103, %scan3A_41 : i32
      %add3A_105 = arith.constant 2 : i32
      %add3A_106 = arith.addi %mul3A_104, %add3A_105 : i32
      "tpu.region"() ({
        %run_scoped3A = tpu.sem_alloc : memref<!tpu.dma_semaphore, #tpu.memory_space<semaphore_mem>>
        %dma_start3A_130 = arith.constant 0 : i32
        %dma_start3A_131 = tpu.memref_slice %arg8[%add3A_106, %dma_start3A_130] : memref<40x64xi32, #tpu.memory_space<vmem>> -> memref<1x64xi32, #tpu.memory_space<vmem>>
        %dma_start3A_132 = tpu.memref_squeeze %dma_start3A_131 : memref<1x64xi32, #tpu.memory_space<vmem>> -> memref<64xi32, #tpu.memory_space<vmem>>
        %dma_start3A_133 = arith.constant 0 : i32
        %dma_start3A_134 = arith.constant 0 : i32
        %dma_start3A_135 = tpu.memref_slice %arg13[%dma_start3A_133, %dma_start3A_134] : memref<10240x128xf32, #tpu.memory_space<vmem_shared>> -> memref<10240x128xf32, #tpu.memory_space<vmem_shared>>
        tpu.enqueue_indirect_dma source(%arg11 : memref<64x128xf32, #tpu.memory_space<vmem>>) target(%dma_start3A_135 : memref<10240x128xf32, #tpu.memory_space<vmem_shared>>) offsets(%dma_start3A_132 : memref<64xi32, #tpu.memory_space<vmem>>) semaphore(%run_scoped3A : memref<!tpu.dma_semaphore, #tpu.memory_space<semaphore_mem>>) {add = true}
        %dma_wait3A_136 = arith.constant 0 : i32
        %dma_wait3A_137 = tpu.memref_slice %arg8[%add3A_106, %dma_wait3A_136] : memref<40x64xi32, #tpu.memory_space<vmem>> -> memref<1x64xi32, #tpu.memory_space<vmem>>
        %dma_wait3A_138 = tpu.memref_squeeze %dma_wait3A_137 : memref<1x64xi32, #tpu.memory_space<vmem>> -> memref<64xi32, #tpu.memory_space<vmem>>
        %dma_wait3A_139 = arith.constant 0 : i32
        %dma_wait3A_140 = arith.constant 0 : i32
        %dma_wait3A_141 = tpu.memref_slice %arg13[%dma_wait3A_139, %dma_wait3A_140] : memref<10240x128xf32, #tpu.memory_space<vmem_shared>> -> memref<10240x128xf32, #tpu.memory_space<vmem_shared>>
        tpu.wait_indirect_dma semaphore(%run_scoped3A : memref<!tpu.dma_semaphore, #tpu.memory_space<semaphore_mem>>) src(%arg11 : memref<64x128xf32, #tpu.memory_space<vmem>>) dst(%dma_wait3A_141 : memref<10240x128xf32, #tpu.memory_space<vmem_shared>>)
        tpu.yield
      }) : () -> ()
      %mul3A_107 = arith.constant 4 : i32
      %mul3A_108 = arith.muli %mul3A_107, %scan3A_41 : i32
      %add3A_109 = arith.constant 80 : i32
      %add3A_110 = arith.addi %add3A_109, %mul3A_108 : i32
      %add3A_111 = arith.constant 3 : i32
      %add3A_112 = arith.addi %add3A_110, %add3A_111 : i32
      %add3A_113 = arith.constant 3 : i32
      %add3A_114 = arith.addi %add3A_112, %add3A_113 : i32
      %lt3A_115 = arith.constant 160 : i32
      %lt3A_116 = arith.cmpi slt, %add3A_114, %lt3A_115 : i32
      %convert_element_type3A_117 = arith.extui %lt3A_116 : i1 to i32
      %cond3A_118 = arith.constant 0 : i32
      %cond3A_119 = arith.cmpi ne, %convert_element_type3A_117, %cond3A_118 : i32
      scf.if %cond3A_119 {
        %add3A_130 = arith.constant 3 : i32
        %add3A_131 = arith.addi %add3A_112, %add3A_130 : i32
        %mul3A_132 = arith.constant 64 : i32
        %mul3A_133 = arith.muli %add3A_131, %mul3A_132 : i32
        %dma_start3A_134 = tpu.memref_slice %arg7[%mul3A_133] : memref<10240xi32, #tpu.memory_space<vmem>> -> memref<64xi32, #tpu.memory_space<vmem>>
        %dma_start3A_135 = arith.constant 0 : i32
        %dma_start3A_136 = arith.constant 0 : i32
        %dma_start3A_137 = tpu.memref_slice %arg2[%dma_start3A_135, %dma_start3A_136] : memref<10000x128xf32, #tpu.memory_space<hbm>> -> memref<10000x128xf32, #tpu.memory_space<hbm>>
        tpu.enqueue_indirect_dma source(%dma_start3A_137 : memref<10000x128xf32, #tpu.memory_space<hbm>>) target(%arg11 : memref<64x128xf32, #tpu.memory_space<vmem>>) offsets(%dma_start3A_134 : memref<64xi32, #tpu.memory_space<vmem>>) semaphore(%arg16 : memref<!tpu.dma_semaphore, #tpu.memory_space<semaphore_mem>>)
      } else {
      }
      %mul3A_120 = arith.constant 64 : i32
      %mul3A_121 = arith.muli %add3A_112, %mul3A_120 : i32
      %dma_wait3A_122 = tpu.memref_slice %arg7[%mul3A_121] : memref<10240xi32, #tpu.memory_space<vmem>> -> memref<64xi32, #tpu.memory_space<vmem>>
      %dma_wait3A_123 = arith.constant 0 : i32
      %dma_wait3A_124 = arith.constant 0 : i32
      %dma_wait3A_125 = tpu.memref_slice %arg2[%dma_wait3A_123, %dma_wait3A_124] : memref<10000x128xf32, #tpu.memory_space<hbm>> -> memref<10000x128xf32, #tpu.memory_space<hbm>>
      tpu.wait_indirect_dma semaphore(%arg17 : memref<!tpu.dma_semaphore, #tpu.memory_space<semaphore_mem>>) src(%dma_wait3A_125 : memref<10000x128xf32, #tpu.memory_space<hbm>>) dst(%arg12 : memref<64x128xf32, #tpu.memory_space<vmem>>)
      %mul3A_126 = arith.constant 4 : i32
      %mul3A_127 = arith.muli %mul3A_126, %scan3A_41 : i32
      %add3A_128 = arith.constant 3 : i32
      %add3A_129 = arith.addi %mul3A_127, %add3A_128 : i32
      "tpu.region"() ({
        %run_scoped3A = tpu.sem_alloc : memref<!tpu.dma_semaphore, #tpu.memory_space<semaphore_mem>>
        %dma_start3A_130 = arith.constant 0 : i32
        %dma_start3A_131 = tpu.memref_slice %arg8[%add3A_129, %dma_start3A_130] : memref<40x64xi32, #tpu.memory_space<vmem>> -> memref<1x64xi32, #tpu.memory_space<vmem>>
        %dma_start3A_132 = tpu.memref_squeeze %dma_start3A_131 : memref<1x64xi32, #tpu.memory_space<vmem>> -> memref<64xi32, #tpu.memory_space<vmem>>
        %dma_start3A_133 = arith.constant 0 : i32
        %dma_start3A_134 = arith.constant 0 : i32
        %dma_start3A_135 = tpu.memref_slice %arg13[%dma_start3A_133, %dma_start3A_134] : memref<10240x128xf32, #tpu.memory_space<vmem_shared>> -> memref<10240x128xf32, #tpu.memory_space<vmem_shared>>
        tpu.enqueue_indirect_dma source(%arg12 : memref<64x128xf32, #tpu.memory_space<vmem>>) target(%dma_start3A_135 : memref<10240x128xf32, #tpu.memory_space<vmem_shared>>) offsets(%dma_start3A_132 : memref<64xi32, #tpu.memory_space<vmem>>) semaphore(%run_scoped3A : memref<!tpu.dma_semaphore, #tpu.memory_space<semaphore_mem>>) {add = true}
        %dma_wait3A_136 = arith.constant 0 : i32
        %dma_wait3A_137 = tpu.memref_slice %arg8[%add3A_129, %dma_wait3A_136] : memref<40x64xi32, #tpu.memory_space<vmem>> -> memref<1x64xi32, #tpu.memory_space<vmem>>
        %dma_wait3A_138 = tpu.memref_squeeze %dma_wait3A_137 : memref<1x64xi32, #tpu.memory_space<vmem>> -> memref<64xi32, #tpu.memory_space<vmem>>
        %dma_wait3A_139 = arith.constant 0 : i32
        %dma_wait3A_140 = arith.constant 0 : i32
        %dma_wait3A_141 = tpu.memref_slice %arg13[%dma_wait3A_139, %dma_wait3A_140] : memref<10240x128xf32, #tpu.memory_space<vmem_shared>> -> memref<10240x128xf32, #tpu.memory_space<vmem_shared>>
        tpu.wait_indirect_dma semaphore(%run_scoped3A : memref<!tpu.dma_semaphore, #tpu.memory_space<semaphore_mem>>) src(%arg12 : memref<64x128xf32, #tpu.memory_space<vmem>>) dst(%dma_wait3A_141 : memref<10240x128xf32, #tpu.memory_space<vmem_shared>>)
        tpu.yield
      }) : () -> ()
    }
    %scan3A_33 = arith.constant 10 : i32
    "tpu.region"() ({
      %run_scoped3A = tpu.sem_alloc : memref<!tpu.dma_semaphore, #tpu.memory_space<semaphore_mem>>
      %dma_start3A_41 = arith.constant 120 : i32
      %dma_start3A_42 = arith.constant 0 : i32
      %dma_start3A_43 = tpu.memref_slice %arg4[%add3A, %dma_start3A_41, %dma_start3A_42] : memref<32x160x64xi32, #tpu.memory_space<hbm>> -> memref<1x40x64xi32, #tpu.memory_space<hbm>>
      %dma_start3A_44 = tpu.memref_squeeze %dma_start3A_43 : memref<1x40x64xi32, #tpu.memory_space<hbm>> -> memref<40x64xi32, #tpu.memory_space<hbm>>
      %dma_start3A_45 = arith.constant 120 : i32
      %dma_start3A_46 = arith.constant 0 : i32
      %dma_start3A_47 = tpu.memref_slice %arg4[%add3A, %dma_start3A_45, %dma_start3A_46] : memref<32x160x64xi32, #tpu.memory_space<hbm>> -> memref<1x40x64xi32, #tpu.memory_space<hbm>>
      %dma_start3A_48 = tpu.memref_squeeze %dma_start3A_47 : memref<1x40x64xi32, #tpu.memory_space<hbm>> -> memref<40x64xi32, #tpu.memory_space<hbm>>
      tpu.enqueue_dma source(%dma_start3A_48 : memref<40x64xi32, #tpu.memory_space<hbm>>) target(%arg8 : memref<40x64xi32, #tpu.memory_space<vmem>>) target_semaphore(%run_scoped3A : memref<!tpu.dma_semaphore, #tpu.memory_space<semaphore_mem>>)
      %dma_wait3A = arith.constant 120 : i32
      %dma_wait3A_49 = arith.constant 0 : i32
      %dma_wait3A_50 = tpu.memref_slice %arg4[%add3A, %dma_wait3A, %dma_wait3A_49] : memref<32x160x64xi32, #tpu.memory_space<hbm>> -> memref<1x40x64xi32, #tpu.memory_space<hbm>>
      %dma_wait3A_51 = tpu.memref_squeeze %dma_wait3A_50 : memref<1x40x64xi32, #tpu.memory_space<hbm>> -> memref<40x64xi32, #tpu.memory_space<hbm>>
      %dma_wait3A_52 = arith.constant 120 : i32
      %dma_wait3A_53 = arith.constant 0 : i32
      %dma_wait3A_54 = tpu.memref_slice %arg4[%add3A, %dma_wait3A_52, %dma_wait3A_53] : memref<32x160x64xi32, #tpu.memory_space<hbm>> -> memref<1x40x64xi32, #tpu.memory_space<hbm>>
      %dma_wait3A_55 = tpu.memref_squeeze %dma_wait3A_54 : memref<1x40x64xi32, #tpu.memory_space<hbm>> -> memref<40x64xi32, #tpu.memory_space<hbm>>
      tpu.wait_dma2 semaphore(%run_scoped3A : memref<!tpu.dma_semaphore, #tpu.memory_space<semaphore_mem>>) src(%dma_wait3A_55 : memref<40x64xi32, #tpu.memory_space<hbm>>) dst(%arg8 : memref<40x64xi32, #tpu.memory_space<vmem>>)
      tpu.yield
    }) : () -> ()
    %scan3A_34 = arith.constant 0 : i32
    %scan3A_35 = arith.constant 0 : i32
    %scan3A_36 = arith.constant 10 : i32
    %scan3A_37 = arith.addi %scan3A_35, %scan3A_36 : i32
    %scan3A_38 = arith.constant 1 : i32
    scf.for %scan3A_41 = %scan3A_35 to %scan3A_37 step %scan3A_38  : i32 {
      %mul3A_42 = arith.constant 4 : i32
      %mul3A_43 = arith.muli %mul3A_42, %scan3A_41 : i32
      %add3A_44 = arith.constant 120 : i32
      %add3A_45 = arith.addi %add3A_44, %mul3A_43 : i32
      %add3A_46 = arith.constant 0 : i32
      %add3A_47 = arith.addi %add3A_45, %add3A_46 : i32
      %add3A_48 = arith.constant 3 : i32
      %add3A_49 = arith.addi %add3A_47, %add3A_48 : i32
      %lt3A = arith.constant 160 : i32
      %lt3A_50 = arith.cmpi slt, %add3A_49, %lt3A : i32
      %convert_element_type3A = arith.extui %lt3A_50 : i1 to i32
      %cond3A = arith.constant 0 : i32
      %cond3A_51 = arith.cmpi ne, %convert_element_type3A, %cond3A : i32
      scf.if %cond3A_51 {
        %add3A_130 = arith.constant 3 : i32
        %add3A_131 = arith.addi %add3A_47, %add3A_130 : i32
        %mul3A_132 = arith.constant 64 : i32
        %mul3A_133 = arith.muli %add3A_131, %mul3A_132 : i32
        %dma_start3A_134 = tpu.memref_slice %arg7[%mul3A_133] : memref<10240xi32, #tpu.memory_space<vmem>> -> memref<64xi32, #tpu.memory_space<vmem>>
        %dma_start3A_135 = arith.constant 0 : i32
        %dma_start3A_136 = arith.constant 0 : i32
        %dma_start3A_137 = tpu.memref_slice %arg2[%dma_start3A_135, %dma_start3A_136] : memref<10000x128xf32, #tpu.memory_space<hbm>> -> memref<10000x128xf32, #tpu.memory_space<hbm>>
        tpu.enqueue_indirect_dma source(%dma_start3A_137 : memref<10000x128xf32, #tpu.memory_space<hbm>>) target(%arg12 : memref<64x128xf32, #tpu.memory_space<vmem>>) offsets(%dma_start3A_134 : memref<64xi32, #tpu.memory_space<vmem>>) semaphore(%arg17 : memref<!tpu.dma_semaphore, #tpu.memory_space<semaphore_mem>>)
      } else {
      }
      %mul3A_52 = arith.constant 64 : i32
      %mul3A_53 = arith.muli %add3A_47, %mul3A_52 : i32
      %dma_wait3A = tpu.memref_slice %arg7[%mul3A_53] : memref<10240xi32, #tpu.memory_space<vmem>> -> memref<64xi32, #tpu.memory_space<vmem>>
      %dma_wait3A_54 = arith.constant 0 : i32
      %dma_wait3A_55 = arith.constant 0 : i32
      %dma_wait3A_56 = tpu.memref_slice %arg2[%dma_wait3A_54, %dma_wait3A_55] : memref<10000x128xf32, #tpu.memory_space<hbm>> -> memref<10000x128xf32, #tpu.memory_space<hbm>>
      tpu.wait_indirect_dma semaphore(%arg14 : memref<!tpu.dma_semaphore, #tpu.memory_space<semaphore_mem>>) src(%dma_wait3A_56 : memref<10000x128xf32, #tpu.memory_space<hbm>>) dst(%arg9 : memref<64x128xf32, #tpu.memory_space<vmem>>)
      %mul3A_57 = arith.constant 4 : i32
      %mul3A_58 = arith.muli %mul3A_57, %scan3A_41 : i32
      %add3A_59 = arith.constant 0 : i32
      %add3A_60 = arith.addi %mul3A_58, %add3A_59 : i32
      "tpu.region"() ({
        %run_scoped3A = tpu.sem_alloc : memref<!tpu.dma_semaphore, #tpu.memory_space<semaphore_mem>>
        %dma_start3A_130 = arith.constant 0 : i32
        %dma_start3A_131 = tpu.memref_slice %arg8[%add3A_60, %dma_start3A_130] : memref<40x64xi32, #tpu.memory_space<vmem>> -> memref<1x64xi32, #tpu.memory_space<vmem>>
        %dma_start3A_132 = tpu.memref_squeeze %dma_start3A_131 : memref<1x64xi32, #tpu.memory_space<vmem>> -> memref<64xi32, #tpu.memory_space<vmem>>
        %dma_start3A_133 = arith.constant 0 : i32
        %dma_start3A_134 = arith.constant 0 : i32
        %dma_start3A_135 = tpu.memref_slice %arg13[%dma_start3A_133, %dma_start3A_134] : memref<10240x128xf32, #tpu.memory_space<vmem_shared>> -> memref<10240x128xf32, #tpu.memory_space<vmem_shared>>
        tpu.enqueue_indirect_dma source(%arg9 : memref<64x128xf32, #tpu.memory_space<vmem>>) target(%dma_start3A_135 : memref<10240x128xf32, #tpu.memory_space<vmem_shared>>) offsets(%dma_start3A_132 : memref<64xi32, #tpu.memory_space<vmem>>) semaphore(%run_scoped3A : memref<!tpu.dma_semaphore, #tpu.memory_space<semaphore_mem>>) {add = true}
        %dma_wait3A_136 = arith.constant 0 : i32
        %dma_wait3A_137 = tpu.memref_slice %arg8[%add3A_60, %dma_wait3A_136] : memref<40x64xi32, #tpu.memory_space<vmem>> -> memref<1x64xi32, #tpu.memory_space<vmem>>
        %dma_wait3A_138 = tpu.memref_squeeze %dma_wait3A_137 : memref<1x64xi32, #tpu.memory_space<vmem>> -> memref<64xi32, #tpu.memory_space<vmem>>
        %dma_wait3A_139 = arith.constant 0 : i32
        %dma_wait3A_140 = arith.constant 0 : i32
        %dma_wait3A_141 = tpu.memref_slice %arg13[%dma_wait3A_139, %dma_wait3A_140] : memref<10240x128xf32, #tpu.memory_space<vmem_shared>> -> memref<10240x128xf32, #tpu.memory_space<vmem_shared>>
        tpu.wait_indirect_dma semaphore(%run_scoped3A : memref<!tpu.dma_semaphore, #tpu.memory_space<semaphore_mem>>) src(%arg9 : memref<64x128xf32, #tpu.memory_space<vmem>>) dst(%dma_wait3A_141 : memref<10240x128xf32, #tpu.memory_space<vmem_shared>>)
        tpu.yield
      }) : () -> ()
      %mul3A_61 = arith.constant 4 : i32
      %mul3A_62 = arith.muli %mul3A_61, %scan3A_41 : i32
      %add3A_63 = arith.constant 120 : i32
      %add3A_64 = arith.addi %add3A_63, %mul3A_62 : i32
      %add3A_65 = arith.constant 1 : i32
      %add3A_66 = arith.addi %add3A_64, %add3A_65 : i32
      %add3A_67 = arith.constant 3 : i32
      %add3A_68 = arith.addi %add3A_66, %add3A_67 : i32
      %lt3A_69 = arith.constant 160 : i32
      %lt3A_70 = arith.cmpi slt, %add3A_68, %lt3A_69 : i32
      %convert_element_type3A_71 = arith.extui %lt3A_70 : i1 to i32
      %cond3A_72 = arith.constant 0 : i32
      %cond3A_73 = arith.cmpi ne, %convert_element_type3A_71, %cond3A_72 : i32
      scf.if %cond3A_73 {
        %add3A_130 = arith.constant 3 : i32
        %add3A_131 = arith.addi %add3A_66, %add3A_130 : i32
        %mul3A_132 = arith.constant 64 : i32
        %mul3A_133 = arith.muli %add3A_131, %mul3A_132 : i32
        %dma_start3A_134 = tpu.memref_slice %arg7[%mul3A_133] : memref<10240xi32, #tpu.memory_space<vmem>> -> memref<64xi32, #tpu.memory_space<vmem>>
        %dma_start3A_135 = arith.constant 0 : i32
        %dma_start3A_136 = arith.constant 0 : i32
        %dma_start3A_137 = tpu.memref_slice %arg2[%dma_start3A_135, %dma_start3A_136] : memref<10000x128xf32, #tpu.memory_space<hbm>> -> memref<10000x128xf32, #tpu.memory_space<hbm>>
        tpu.enqueue_indirect_dma source(%dma_start3A_137 : memref<10000x128xf32, #tpu.memory_space<hbm>>) target(%arg9 : memref<64x128xf32, #tpu.memory_space<vmem>>) offsets(%dma_start3A_134 : memref<64xi32, #tpu.memory_space<vmem>>) semaphore(%arg14 : memref<!tpu.dma_semaphore, #tpu.memory_space<semaphore_mem>>)
      } else {
      }
      %mul3A_74 = arith.constant 64 : i32
      %mul3A_75 = arith.muli %add3A_66, %mul3A_74 : i32
      %dma_wait3A_76 = tpu.memref_slice %arg7[%mul3A_75] : memref<10240xi32, #tpu.memory_space<vmem>> -> memref<64xi32, #tpu.memory_space<vmem>>
      %dma_wait3A_77 = arith.constant 0 : i32
      %dma_wait3A_78 = arith.constant 0 : i32
      %dma_wait3A_79 = tpu.memref_slice %arg2[%dma_wait3A_77, %dma_wait3A_78] : memref<10000x128xf32, #tpu.memory_space<hbm>> -> memref<10000x128xf32, #tpu.memory_space<hbm>>
      tpu.wait_indirect_dma semaphore(%arg15 : memref<!tpu.dma_semaphore, #tpu.memory_space<semaphore_mem>>) src(%dma_wait3A_79 : memref<10000x128xf32, #tpu.memory_space<hbm>>) dst(%arg10 : memref<64x128xf32, #tpu.memory_space<vmem>>)
      %mul3A_80 = arith.constant 4 : i32
      %mul3A_81 = arith.muli %mul3A_80, %scan3A_41 : i32
      %add3A_82 = arith.constant 1 : i32
      %add3A_83 = arith.addi %mul3A_81, %add3A_82 : i32
      "tpu.region"() ({
        %run_scoped3A = tpu.sem_alloc : memref<!tpu.dma_semaphore, #tpu.memory_space<semaphore_mem>>
        %dma_start3A_130 = arith.constant 0 : i32
        %dma_start3A_131 = tpu.memref_slice %arg8[%add3A_83, %dma_start3A_130] : memref<40x64xi32, #tpu.memory_space<vmem>> -> memref<1x64xi32, #tpu.memory_space<vmem>>
        %dma_start3A_132 = tpu.memref_squeeze %dma_start3A_131 : memref<1x64xi32, #tpu.memory_space<vmem>> -> memref<64xi32, #tpu.memory_space<vmem>>
        %dma_start3A_133 = arith.constant 0 : i32
        %dma_start3A_134 = arith.constant 0 : i32
        %dma_start3A_135 = tpu.memref_slice %arg13[%dma_start3A_133, %dma_start3A_134] : memref<10240x128xf32, #tpu.memory_space<vmem_shared>> -> memref<10240x128xf32, #tpu.memory_space<vmem_shared>>
        tpu.enqueue_indirect_dma source(%arg10 : memref<64x128xf32, #tpu.memory_space<vmem>>) target(%dma_start3A_135 : memref<10240x128xf32, #tpu.memory_space<vmem_shared>>) offsets(%dma_start3A_132 : memref<64xi32, #tpu.memory_space<vmem>>) semaphore(%run_scoped3A : memref<!tpu.dma_semaphore, #tpu.memory_space<semaphore_mem>>) {add = true}
        %dma_wait3A_136 = arith.constant 0 : i32
        %dma_wait3A_137 = tpu.memref_slice %arg8[%add3A_83, %dma_wait3A_136] : memref<40x64xi32, #tpu.memory_space<vmem>> -> memref<1x64xi32, #tpu.memory_space<vmem>>
        %dma_wait3A_138 = tpu.memref_squeeze %dma_wait3A_137 : memref<1x64xi32, #tpu.memory_space<vmem>> -> memref<64xi32, #tpu.memory_space<vmem>>
        %dma_wait3A_139 = arith.constant 0 : i32
        %dma_wait3A_140 = arith.constant 0 : i32
        %dma_wait3A_141 = tpu.memref_slice %arg13[%dma_wait3A_139, %dma_wait3A_140] : memref<10240x128xf32, #tpu.memory_space<vmem_shared>> -> memref<10240x128xf32, #tpu.memory_space<vmem_shared>>
        tpu.wait_indirect_dma semaphore(%run_scoped3A : memref<!tpu.dma_semaphore, #tpu.memory_space<semaphore_mem>>) src(%arg10 : memref<64x128xf32, #tpu.memory_space<vmem>>) dst(%dma_wait3A_141 : memref<10240x128xf32, #tpu.memory_space<vmem_shared>>)
        tpu.yield
      }) : () -> ()
      %mul3A_84 = arith.constant 4 : i32
      %mul3A_85 = arith.muli %mul3A_84, %scan3A_41 : i32
      %add3A_86 = arith.constant 120 : i32
      %add3A_87 = arith.addi %add3A_86, %mul3A_85 : i32
      %add3A_88 = arith.constant 2 : i32
      %add3A_89 = arith.addi %add3A_87, %add3A_88 : i32
      %add3A_90 = arith.constant 3 : i32
      %add3A_91 = arith.addi %add3A_89, %add3A_90 : i32
      %lt3A_92 = arith.constant 160 : i32
      %lt3A_93 = arith.cmpi slt, %add3A_91, %lt3A_92 : i32
      %convert_element_type3A_94 = arith.extui %lt3A_93 : i1 to i32
      %cond3A_95 = arith.constant 0 : i32
      %cond3A_96 = arith.cmpi ne, %convert_element_type3A_94, %cond3A_95 : i32
      scf.if %cond3A_96 {
        %add3A_130 = arith.constant 3 : i32
        %add3A_131 = arith.addi %add3A_89, %add3A_130 : i32
        %mul3A_132 = arith.constant 64 : i32
        %mul3A_133 = arith.muli %add3A_131, %mul3A_132 : i32
        %dma_start3A_134 = tpu.memref_slice %arg7[%mul3A_133] : memref<10240xi32, #tpu.memory_space<vmem>> -> memref<64xi32, #tpu.memory_space<vmem>>
        %dma_start3A_135 = arith.constant 0 : i32
        %dma_start3A_136 = arith.constant 0 : i32
        %dma_start3A_137 = tpu.memref_slice %arg2[%dma_start3A_135, %dma_start3A_136] : memref<10000x128xf32, #tpu.memory_space<hbm>> -> memref<10000x128xf32, #tpu.memory_space<hbm>>
        tpu.enqueue_indirect_dma source(%dma_start3A_137 : memref<10000x128xf32, #tpu.memory_space<hbm>>) target(%arg10 : memref<64x128xf32, #tpu.memory_space<vmem>>) offsets(%dma_start3A_134 : memref<64xi32, #tpu.memory_space<vmem>>) semaphore(%arg15 : memref<!tpu.dma_semaphore, #tpu.memory_space<semaphore_mem>>)
      } else {
      }
      %mul3A_97 = arith.constant 64 : i32
      %mul3A_98 = arith.muli %add3A_89, %mul3A_97 : i32
      %dma_wait3A_99 = tpu.memref_slice %arg7[%mul3A_98] : memref<10240xi32, #tpu.memory_space<vmem>> -> memref<64xi32, #tpu.memory_space<vmem>>
      %dma_wait3A_100 = arith.constant 0 : i32
      %dma_wait3A_101 = arith.constant 0 : i32
      %dma_wait3A_102 = tpu.memref_slice %arg2[%dma_wait3A_100, %dma_wait3A_101] : memref<10000x128xf32, #tpu.memory_space<hbm>> -> memref<10000x128xf32, #tpu.memory_space<hbm>>
      tpu.wait_indirect_dma semaphore(%arg16 : memref<!tpu.dma_semaphore, #tpu.memory_space<semaphore_mem>>) src(%dma_wait3A_102 : memref<10000x128xf32, #tpu.memory_space<hbm>>) dst(%arg11 : memref<64x128xf32, #tpu.memory_space<vmem>>)
      %mul3A_103 = arith.constant 4 : i32
      %mul3A_104 = arith.muli %mul3A_103, %scan3A_41 : i32
      %add3A_105 = arith.constant 2 : i32
      %add3A_106 = arith.addi %mul3A_104, %add3A_105 : i32
      "tpu.region"() ({
        %run_scoped3A = tpu.sem_alloc : memref<!tpu.dma_semaphore, #tpu.memory_space<semaphore_mem>>
        %dma_start3A_130 = arith.constant 0 : i32
        %dma_start3A_131 = tpu.memref_slice %arg8[%add3A_106, %dma_start3A_130] : memref<40x64xi32, #tpu.memory_space<vmem>> -> memref<1x64xi32, #tpu.memory_space<vmem>>
        %dma_start3A_132 = tpu.memref_squeeze %dma_start3A_131 : memref<1x64xi32, #tpu.memory_space<vmem>> -> memref<64xi32, #tpu.memory_space<vmem>>
        %dma_start3A_133 = arith.constant 0 : i32
        %dma_start3A_134 = arith.constant 0 : i32
        %dma_start3A_135 = tpu.memref_slice %arg13[%dma_start3A_133, %dma_start3A_134] : memref<10240x128xf32, #tpu.memory_space<vmem_shared>> -> memref<10240x128xf32, #tpu.memory_space<vmem_shared>>
        tpu.enqueue_indirect_dma source(%arg11 : memref<64x128xf32, #tpu.memory_space<vmem>>) target(%dma_start3A_135 : memref<10240x128xf32, #tpu.memory_space<vmem_shared>>) offsets(%dma_start3A_132 : memref<64xi32, #tpu.memory_space<vmem>>) semaphore(%run_scoped3A : memref<!tpu.dma_semaphore, #tpu.memory_space<semaphore_mem>>) {add = true}
        %dma_wait3A_136 = arith.constant 0 : i32
        %dma_wait3A_137 = tpu.memref_slice %arg8[%add3A_106, %dma_wait3A_136] : memref<40x64xi32, #tpu.memory_space<vmem>> -> memref<1x64xi32, #tpu.memory_space<vmem>>
        %dma_wait3A_138 = tpu.memref_squeeze %dma_wait3A_137 : memref<1x64xi32, #tpu.memory_space<vmem>> -> memref<64xi32, #tpu.memory_space<vmem>>
        %dma_wait3A_139 = arith.constant 0 : i32
        %dma_wait3A_140 = arith.constant 0 : i32
        %dma_wait3A_141 = tpu.memref_slice %arg13[%dma_wait3A_139, %dma_wait3A_140] : memref<10240x128xf32, #tpu.memory_space<vmem_shared>> -> memref<10240x128xf32, #tpu.memory_space<vmem_shared>>
        tpu.wait_indirect_dma semaphore(%run_scoped3A : memref<!tpu.dma_semaphore, #tpu.memory_space<semaphore_mem>>) src(%arg11 : memref<64x128xf32, #tpu.memory_space<vmem>>) dst(%dma_wait3A_141 : memref<10240x128xf32, #tpu.memory_space<vmem_shared>>)
        tpu.yield
      }) : () -> ()
      %mul3A_107 = arith.constant 4 : i32
      %mul3A_108 = arith.muli %mul3A_107, %scan3A_41 : i32
      %add3A_109 = arith.constant 120 : i32
      %add3A_110 = arith.addi %add3A_109, %mul3A_108 : i32
      %add3A_111 = arith.constant 3 : i32
      %add3A_112 = arith.addi %add3A_110, %add3A_111 : i32
      %add3A_113 = arith.constant 3 : i32
      %add3A_114 = arith.addi %add3A_112, %add3A_113 : i32
      %lt3A_115 = arith.constant 160 : i32
      %lt3A_116 = arith.cmpi slt, %add3A_114, %lt3A_115 : i32
      %convert_element_type3A_117 = arith.extui %lt3A_116 : i1 to i32
      %cond3A_118 = arith.constant 0 : i32
      %cond3A_119 = arith.cmpi ne, %convert_element_type3A_117, %cond3A_118 : i32
      scf.if %cond3A_119 {
        %add3A_130 = arith.constant 3 : i32
        %add3A_131 = arith.addi %add3A_112, %add3A_130 : i32
        %mul3A_132 = arith.constant 64 : i32
        %mul3A_133 = arith.muli %add3A_131, %mul3A_132 : i32
        %dma_start3A_134 = tpu.memref_slice %arg7[%mul3A_133] : memref<10240xi32, #tpu.memory_space<vmem>> -> memref<64xi32, #tpu.memory_space<vmem>>
        %dma_start3A_135 = arith.constant 0 : i32
        %dma_start3A_136 = arith.constant 0 : i32
        %dma_start3A_137 = tpu.memref_slice %arg2[%dma_start3A_135, %dma_start3A_136] : memref<10000x128xf32, #tpu.memory_space<hbm>> -> memref<10000x128xf32, #tpu.memory_space<hbm>>
        tpu.enqueue_indirect_dma source(%dma_start3A_137 : memref<10000x128xf32, #tpu.memory_space<hbm>>) target(%arg11 : memref<64x128xf32, #tpu.memory_space<vmem>>) offsets(%dma_start3A_134 : memref<64xi32, #tpu.memory_space<vmem>>) semaphore(%arg16 : memref<!tpu.dma_semaphore, #tpu.memory_space<semaphore_mem>>)
      } else {
      }
      %mul3A_120 = arith.constant 64 : i32
      %mul3A_121 = arith.muli %add3A_112, %mul3A_120 : i32
      %dma_wait3A_122 = tpu.memref_slice %arg7[%mul3A_121] : memref<10240xi32, #tpu.memory_space<vmem>> -> memref<64xi32, #tpu.memory_space<vmem>>
      %dma_wait3A_123 = arith.constant 0 : i32
      %dma_wait3A_124 = arith.constant 0 : i32
      %dma_wait3A_125 = tpu.memref_slice %arg2[%dma_wait3A_123, %dma_wait3A_124] : memref<10000x128xf32, #tpu.memory_space<hbm>> -> memref<10000x128xf32, #tpu.memory_space<hbm>>
      tpu.wait_indirect_dma semaphore(%arg17 : memref<!tpu.dma_semaphore, #tpu.memory_space<semaphore_mem>>) src(%dma_wait3A_125 : memref<10000x128xf32, #tpu.memory_space<hbm>>) dst(%arg12 : memref<64x128xf32, #tpu.memory_space<vmem>>)
      %mul3A_126 = arith.constant 4 : i32
      %mul3A_127 = arith.muli %mul3A_126, %scan3A_41 : i32
      %add3A_128 = arith.constant 3 : i32
      %add3A_129 = arith.addi %mul3A_127, %add3A_128 : i32
      "tpu.region"() ({
        %run_scoped3A = tpu.sem_alloc : memref<!tpu.dma_semaphore, #tpu.memory_space<semaphore_mem>>
        %dma_start3A_130 = arith.constant 0 : i32
        %dma_start3A_131 = tpu.memref_slice %arg8[%add3A_129, %dma_start3A_130] : memref<40x64xi32, #tpu.memory_space<vmem>> -> memref<1x64xi32, #tpu.memory_space<vmem>>
        %dma_start3A_132 = tpu.memref_squeeze %dma_start3A_131 : memref<1x64xi32, #tpu.memory_space<vmem>> -> memref<64xi32, #tpu.memory_space<vmem>>
        %dma_start3A_133 = arith.constant 0 : i32
        %dma_start3A_134 = arith.constant 0 : i32
        %dma_start3A_135 = tpu.memref_slice %arg13[%dma_start3A_133, %dma_start3A_134] : memref<10240x128xf32, #tpu.memory_space<vmem_shared>> -> memref<10240x128xf32, #tpu.memory_space<vmem_shared>>
        tpu.enqueue_indirect_dma source(%arg12 : memref<64x128xf32, #tpu.memory_space<vmem>>) target(%dma_start3A_135 : memref<10240x128xf32, #tpu.memory_space<vmem_shared>>) offsets(%dma_start3A_132 : memref<64xi32, #tpu.memory_space<vmem>>) semaphore(%run_scoped3A : memref<!tpu.dma_semaphore, #tpu.memory_space<semaphore_mem>>) {add = true}
        %dma_wait3A_136 = arith.constant 0 : i32
        %dma_wait3A_137 = tpu.memref_slice %arg8[%add3A_129, %dma_wait3A_136] : memref<40x64xi32, #tpu.memory_space<vmem>> -> memref<1x64xi32, #tpu.memory_space<vmem>>
        %dma_wait3A_138 = tpu.memref_squeeze %dma_wait3A_137 : memref<1x64xi32, #tpu.memory_space<vmem>> -> memref<64xi32, #tpu.memory_space<vmem>>
        %dma_wait3A_139 = arith.constant 0 : i32
        %dma_wait3A_140 = arith.constant 0 : i32
        %dma_wait3A_141 = tpu.memref_slice %arg13[%dma_wait3A_139, %dma_wait3A_140] : memref<10240x128xf32, #tpu.memory_space<vmem_shared>> -> memref<10240x128xf32, #tpu.memory_space<vmem_shared>>
        tpu.wait_indirect_dma semaphore(%run_scoped3A : memref<!tpu.dma_semaphore, #tpu.memory_space<semaphore_mem>>) src(%arg12 : memref<64x128xf32, #tpu.memory_space<vmem>>) dst(%dma_wait3A_141 : memref<10240x128xf32, #tpu.memory_space<vmem_shared>>)
        tpu.yield
      }) : () -> ()
    }
    %scan3A_39 = arith.constant 10 : i32
    %barrier3A_40 = arith.constant 0 : index
    tpu.barrier barrier_id(%barrier3A_40)
    "tpu.region"() ({
      %run_scoped3A = tpu.sem_alloc : memref<!tpu.dma_semaphore, #tpu.memory_space<semaphore_mem>>
      %dma_start3A_41 = arith.constant 0 : i32
      %dma_start3A_42 = tpu.memref_slice %arg6[%arg0, %mul3A_16, %dma_start3A_41] : memref<2x10240x128xf32, #tpu.memory_space<hbm>> -> memref<1x640x128xf32, #tpu.memory_space<hbm>>
      %dma_start3A_43 = tpu.memref_squeeze %dma_start3A_42 : memref<1x640x128xf32, #tpu.memory_space<hbm>> -> memref<640x128xf32, #tpu.memory_space<hbm>>
      %dma_start3A_44 = arith.constant 0 : i32
      %dma_start3A_45 = tpu.memref_slice %arg13[%mul3A_16, %dma_start3A_44] : memref<10240x128xf32, #tpu.memory_space<vmem_shared>> -> memref<640x128xf32, #tpu.memory_space<vmem_shared>>
      tpu.enqueue_dma source(%dma_start3A_45 : memref<640x128xf32, #tpu.memory_space<vmem_shared>>) target(%dma_start3A_43 : memref<640x128xf32, #tpu.memory_space<hbm>>) target_semaphore(%run_scoped3A : memref<!tpu.dma_semaphore, #tpu.memory_space<semaphore_mem>>)
      %dma_wait3A = arith.constant 0 : i32
      %dma_wait3A_46 = tpu.memref_slice %arg6[%arg0, %mul3A_16, %dma_wait3A] : memref<2x10240x128xf32, #tpu.memory_space<hbm>> -> memref<1x640x128xf32, #tpu.memory_space<hbm>>
      %dma_wait3A_47 = tpu.memref_squeeze %dma_wait3A_46 : memref<1x640x128xf32, #tpu.memory_space<hbm>> -> memref<640x128xf32, #tpu.memory_space<hbm>>
      %dma_wait3A_48 = arith.constant 0 : i32
      %dma_wait3A_49 = tpu.memref_slice %arg13[%mul3A_16, %dma_wait3A_48] : memref<10240x128xf32, #tpu.memory_space<vmem_shared>> -> memref<640x128xf32, #tpu.memory_space<vmem_shared>>
      tpu.wait_dma2 semaphore(%run_scoped3A : memref<!tpu.dma_semaphore, #tpu.memory_space<semaphore_mem>>) src(%dma_wait3A_49 : memref<640x128xf32, #tpu.memory_space<vmem_shared>>) dst(%dma_wait3A_47 : memref<640x128xf32, #tpu.memory_space<hbm>>)
      tpu.yield
    }) : () -> ()
    return
  }
}

module attributes {stable_mosaic.version = 14 : i64} {
  func.func @_proj_body(%arg0: i32, %arg1: memref<2000x128xf32, #tpu.memory_space<vmem>>, %arg2: memref<128x128xf32, #tpu.memory_space<vmem>>, %arg3: memref<2000x128xf32, #tpu.memory_space<vmem>>) attributes {dimension_semantics = [#tpu.dimension_semantics<arbitrary>], iteration_bounds = array<i64: 5>, scalar_prefetch = 0 : i64, scratch_operands = 0 : i64, tpu.core_type = #tpu.core_type<tc>, window_params = [{transform_indices = @transform_0, window_bounds = array<i64: 2000, 128>}, {pipeline_mode = #tpu.pipeline_mode<synchronous>, transform_indices = @transform_1, window_bounds = array<i64: 128, 128>}, {transform_indices = @transform_2, window_bounds = array<i64: 2000, 128>}]} {
    %get3A = arith.constant 0 : index
    %get3A_0 = arith.constant 0 : index
    %get3A_1 = vector.load %arg1[%get3A, %get3A_0] : memref<2000x128xf32, #tpu.memory_space<vmem>>, vector<2000x128xf32>
    %get3A_2 = arith.constant 0 : index
    %get3A_3 = arith.constant 0 : index
    %get3A_4 = vector.load %arg2[%get3A_2, %get3A_3] : memref<128x128xf32, #tpu.memory_space<vmem>>, vector<128x128xf32>
    %dot_general3A = arith.constant dense<0.000000e+00> : vector<2000x128xf32>
    %dot_general3A_5 = tpu.matmul %get3A_1, %get3A_4, %dot_general3A {dimension_numbers = #tpu.dot_dimension_numbers<[1], [0], [0], [1], [0, 0, 1, 1], [], []>, transpose_lhs_hint = false} : vector<2000x128xf32>, vector<128x128xf32>, vector<2000x128xf32> -> vector<2000x128xf32>
    %swap3A = arith.constant 0 : index
    %swap3A_6 = arith.constant 0 : index
    %swap3A_7 = vector.load %arg3[%swap3A, %swap3A_6] : memref<2000x128xf32, #tpu.memory_space<vmem>>, vector<2000x128xf32>
    tpu.vector_store %arg3[%swap3A, %swap3A_6], %dot_general3A_5 {strides = array<i32>} : memref<2000x128xf32, #tpu.memory_space<vmem>>, vector<2000x128xf32>,
    return
  }
  func.func @transform_0(%arg0: i32) -> (i32, i32) {
    %c0_i32 = arith.constant 0 : i32
    %c0_i32_0 = arith.constant 0 : i32
    return %arg0, %c0_i32 : i32, i32
  }
  func.func @transform_1(%arg0: i32) -> (i32, i32) {
    %c0_i32 = arith.constant 0 : i32
    %c0_i32_0 = arith.constant 0 : i32
    %c0_i32_1 = arith.constant 0 : i32
    return %c0_i32, %c0_i32_0 : i32, i32
  }
  func.func @transform_2(%arg0: i32) -> (i32, i32) {
    %c0_i32 = arith.constant 0 : i32
    %c0_i32_0 = arith.constant 0 : i32
    return %arg0, %c0_i32 : i32, i32
  }
}

module attributes {stable_mosaic.version = 14 : i64} {
  func.func @_gru_proj_body(%arg0: i32, %arg1: memref<1x2000x128xf32, #tpu.memory_space<vmem>>, %arg2: memref<1x2000x128xf32, #tpu.memory_space<vmem>>, %arg3: memref<2000x128xf32, #tpu.memory_space<vmem>>, %arg4: memref<128x384xf32, #tpu.memory_space<vmem>>, %arg5: memref<128x384xf32, #tpu.memory_space<vmem>>, %arg6: memref<1x384xf32, #tpu.memory_space<vmem>>, %arg7: memref<1x384xf32, #tpu.memory_space<vmem>>, %arg8: memref<128x128xf32, #tpu.memory_space<vmem>>, %arg9: memref<2000x128xf32, #tpu.memory_space<vmem>>, %arg10: memref<2000x128xf32, #tpu.memory_space<vmem>>) attributes {dimension_semantics = [#tpu.dimension_semantics<arbitrary>], iteration_bounds = array<i64: 5>, scalar_prefetch = 0 : i64, scratch_operands = 0 : i64, tpu.core_type = #tpu.core_type<tc>, window_params = [{transform_indices = @transform_0, window_bounds = array<i64: 1, 2000, 128>}, {transform_indices = @transform_1, window_bounds = array<i64: 1, 2000, 128>}, {transform_indices = @transform_2, window_bounds = array<i64: 2000, 128>}, {pipeline_mode = #tpu.pipeline_mode<synchronous>, transform_indices = @transform_3, window_bounds = array<i64: 128, 384>}, {pipeline_mode = #tpu.pipeline_mode<synchronous>, transform_indices = @transform_4, window_bounds = array<i64: 128, 384>}, {pipeline_mode = #tpu.pipeline_mode<synchronous>, transform_indices = @transform_5, window_bounds = array<i64: 1, 384>}, {pipeline_mode = #tpu.pipeline_mode<synchronous>, transform_indices = @transform_6, window_bounds = array<i64: 1, 384>}, {pipeline_mode = #tpu.pipeline_mode<synchronous>, transform_indices = @transform_7, window_bounds = array<i64: 128, 128>}, {transform_indices = @transform_8, window_bounds = array<i64: 2000, 128>}, {transform_indices = @transform_9, window_bounds = array<i64: 2000, 128>}]} {
    %get3A = arith.constant 0 : index
    %get3A_0 = arith.constant 0 : index
    %get3A_1 = arith.constant 0 : index
    %get3A_2 = vector.load %arg1[%get3A, %get3A_0, %get3A_1] : memref<1x2000x128xf32, #tpu.memory_space<vmem>>, vector<1x2000x128xf32>
    %get3A_3 = vector.shape_cast %get3A_2 : vector<1x2000x128xf32> to vector<2000x128xf32>
    %get3A_4 = arith.constant 0 : index
    %get3A_5 = arith.constant 0 : index
    %get3A_6 = arith.constant 0 : index
    %get3A_7 = vector.load %arg2[%get3A_4, %get3A_5, %get3A_6] : memref<1x2000x128xf32, #tpu.memory_space<vmem>>, vector<1x2000x128xf32>
    %get3A_8 = vector.shape_cast %get3A_7 : vector<1x2000x128xf32> to vector<2000x128xf32>
    %add3A = arith.addf %get3A_3, %get3A_8 : vector<2000x128xf32>
    %get3A_9 = arith.constant 0 : index
    %get3A_10 = arith.constant 0 : index
    %get3A_11 = vector.load %arg4[%get3A_9, %get3A_10] : memref<128x384xf32, #tpu.memory_space<vmem>>, vector<128x384xf32>
    %dot_general3A = arith.constant dense<0.000000e+00> : vector<2000x384xf32>
    %dot_general3A_12 = tpu.matmul %add3A, %get3A_11, %dot_general3A {dimension_numbers = #tpu.dot_dimension_numbers<[1], [0], [0], [1], [0, 0, 1, 1], [], []>, transpose_lhs_hint = false} : vector<2000x128xf32>, vector<128x384xf32>, vector<2000x384xf32> -> vector<2000x384xf32>
    %get3A_13 = arith.constant 0 : index
    %get3A_14 = arith.constant 0 : index
    %get3A_15 = vector.load %arg6[%get3A_13, %get3A_14] : memref<1x384xf32, #tpu.memory_space<vmem>>, vector<1x384xf32>
    %add3A_16 = vector.broadcast %get3A_15 : vector<1x384xf32> to vector<2000x384xf32>
    %add3A_17 = arith.addf %dot_general3A_12, %add3A_16 : vector<2000x384xf32>
    %get3A_18 = arith.constant 0 : index
    %get3A_19 = arith.constant 0 : index
    %get3A_20 = vector.load %arg3[%get3A_18, %get3A_19] : memref<2000x128xf32, #tpu.memory_space<vmem>>, vector<2000x128xf32>
    %get3A_21 = arith.constant 0 : index
    %get3A_22 = arith.constant 0 : index
    %get3A_23 = vector.load %arg5[%get3A_21, %get3A_22] : memref<128x384xf32, #tpu.memory_space<vmem>>, vector<128x384xf32>
    %dot_general3A_24 = arith.constant dense<0.000000e+00> : vector<2000x384xf32>
    %dot_general3A_25 = tpu.matmul %get3A_20, %get3A_23, %dot_general3A_24 {dimension_numbers = #tpu.dot_dimension_numbers<[1], [0], [0], [1], [0, 0, 1, 1], [], []>, transpose_lhs_hint = false} : vector<2000x128xf32>, vector<128x384xf32>, vector<2000x384xf32> -> vector<2000x384xf32>
    %get3A_26 = arith.constant 0 : index
    %get3A_27 = arith.constant 0 : index
    %get3A_28 = vector.load %arg7[%get3A_26, %get3A_27] : memref<1x384xf32, #tpu.memory_space<vmem>>, vector<1x384xf32>
    %add3A_29 = vector.broadcast %get3A_28 : vector<1x384xf32> to vector<2000x384xf32>
    %add3A_30 = arith.addf %dot_general3A_25, %add3A_29 : vector<2000x384xf32>
    %slice3A = vector.extract_strided_slice %add3A_17 {offsets = [0, 0], sizes = [2000, 128], strides = [1, 1]} : vector<2000x384xf32> to vector<2000x128xf32>
    %slice3A_31 = vector.extract_strided_slice %add3A_30 {offsets = [0, 0], sizes = [2000, 128], strides = [1, 1]} : vector<2000x384xf32> to vector<2000x128xf32>
    %add3A_32 = arith.addf %slice3A, %slice3A_31 : vector<2000x128xf32>
    %logistic3A = arith.negf %add3A_32 : vector<2000x128xf32>
    %logistic3A_33 = math.exp %logistic3A : vector<2000x128xf32>
    %logistic3A_34 = arith.constant 1.000000e+00 : f32
    %logistic3A_35 = vector.broadcast %logistic3A_34 : f32 to vector<2000x128xf32>
    %logistic3A_36 = arith.addf %logistic3A_35, %logistic3A_33 : vector<2000x128xf32>
    %logistic3A_37 = arith.divf %logistic3A_35, %logistic3A_36 : vector<2000x128xf32>
    %slice3A_38 = vector.extract_strided_slice %add3A_17 {offsets = [0, 128], sizes = [2000, 128], strides = [1, 1]} : vector<2000x384xf32> to vector<2000x128xf32>
    %slice3A_39 = vector.extract_strided_slice %add3A_30 {offsets = [0, 128], sizes = [2000, 128], strides = [1, 1]} : vector<2000x384xf32> to vector<2000x128xf32>
    %add3A_40 = arith.addf %slice3A_38, %slice3A_39 : vector<2000x128xf32>
    %logistic3A_41 = arith.negf %add3A_40 : vector<2000x128xf32>
    %logistic3A_42 = math.exp %logistic3A_41 : vector<2000x128xf32>
    %logistic3A_43 = arith.constant 1.000000e+00 : f32
    %logistic3A_44 = vector.broadcast %logistic3A_43 : f32 to vector<2000x128xf32>
    %logistic3A_45 = arith.addf %logistic3A_44, %logistic3A_42 : vector<2000x128xf32>
    %logistic3A_46 = arith.divf %logistic3A_44, %logistic3A_45 : vector<2000x128xf32>
    %slice3A_47 = vector.extract_strided_slice %add3A_17 {offsets = [0, 256], sizes = [2000, 128], strides = [1, 1]} : vector<2000x384xf32> to vector<2000x128xf32>
    %slice3A_48 = vector.extract_strided_slice %add3A_30 {offsets = [0, 256], sizes = [2000, 128], strides = [1, 1]} : vector<2000x384xf32> to vector<2000x128xf32>
    %mul3A = arith.mulf %logistic3A_37, %slice3A_48 : vector<2000x128xf32>
    %add3A_49 = arith.addf %slice3A_47, %mul3A : vector<2000x128xf32>
    %tanh3A = math.tanh %add3A_49 : vector<2000x128xf32>
    %sub3A = arith.constant 1.000000e+00 : f32
    %sub3A_50 = vector.broadcast %sub3A : f32 to vector<2000x128xf32>
    %sub3A_51 = arith.subf %sub3A_50, %logistic3A_46 : vector<2000x128xf32>
    %mul3A_52 = arith.mulf %sub3A_51, %tanh3A : vector<2000x128xf32>
    %get3A_53 = arith.constant 0 : index
    %get3A_54 = arith.constant 0 : index
    %get3A_55 = vector.load %arg3[%get3A_53, %get3A_54] : memref<2000x128xf32, #tpu.memory_space<vmem>>, vector<2000x128xf32>
    %mul3A_56 = arith.mulf %logistic3A_46, %get3A_55 : vector<2000x128xf32>
    %add3A_57 = arith.addf %mul3A_52, %mul3A_56 : vector<2000x128xf32>
    %swap3A = arith.constant 0 : index
    %swap3A_58 = arith.constant 0 : index
    %swap3A_59 = vector.load %arg9[%swap3A, %swap3A_58] : memref<2000x128xf32, #tpu.memory_space<vmem>>, vector<2000x128xf32>
    tpu.vector_store %arg9[%swap3A, %swap3A_58], %add3A_57 {strides = array<i32>} : memref<2000x128xf32, #tpu.memory_space<vmem>>, vector<2000x128xf32>,
    %get3A_60 = arith.constant 0 : index
    %get3A_61 = arith.constant 0 : index
    %get3A_62 = vector.load %arg8[%get3A_60, %get3A_61] : memref<128x128xf32, #tpu.memory_space<vmem>>, vector<128x128xf32>
    %dot_general3A_63 = arith.constant dense<0.000000e+00> : vector<2000x128xf32>
    %dot_general3A_64 = tpu.matmul %add3A_57, %get3A_62, %dot_general3A_63 {dimension_numbers = #tpu.dot_dimension_numbers<[1], [0], [0], [1], [0, 0, 1, 1], [], []>, transpose_lhs_hint = false} : vector<2000x128xf32>, vector<128x128xf32>, vector<2000x128xf32> -> vector<2000x128xf32>
    %swap3A_65 = arith.constant 0 : index
    %swap3A_66 = arith.constant 0 : index
    %swap3A_67 = vector.load %arg10[%swap3A_65, %swap3A_66] : memref<2000x128xf32, #tpu.memory_space<vmem>>, vector<2000x128xf32>
    tpu.vector_store %arg10[%swap3A_65, %swap3A_66], %dot_general3A_64 {strides = array<i32>} : memref<2000x128xf32, #tpu.memory_space<vmem>>, vector<2000x128xf32>,
    return
  }
  func.func @transform_0(%arg0: i32) -> (i32, i32, i32) {
    %c0_i32 = arith.constant 0 : i32
    %c0_i32_0 = arith.constant 0 : i32
    %c0_i32_1 = arith.constant 0 : i32
    return %c0_i32, %arg0, %c0_i32_0 : i32, i32, i32
  }
  func.func @transform_1(%arg0: i32) -> (i32, i32, i32) {
    %c1_i32 = arith.constant 1 : i32
    %c0_i32 = arith.constant 0 : i32
    %c0_i32_0 = arith.constant 0 : i32
    return %c1_i32, %arg0, %c0_i32 : i32, i32, i32
  }
  func.func @transform_2(%arg0: i32) -> (i32, i32) {
    %c0_i32 = arith.constant 0 : i32
    %c0_i32_0 = arith.constant 0 : i32
    return %arg0, %c0_i32 : i32, i32
  }
  func.func @transform_3(%arg0: i32) -> (i32, i32) {
    %c0_i32 = arith.constant 0 : i32
    %c0_i32_0 = arith.constant 0 : i32
    %c0_i32_1 = arith.constant 0 : i32
    return %c0_i32, %c0_i32_0 : i32, i32
  }
  func.func @transform_4(%arg0: i32) -> (i32, i32) {
    %c0_i32 = arith.constant 0 : i32
    %c0_i32_0 = arith.constant 0 : i32
    %c0_i32_1 = arith.constant 0 : i32
    return %c0_i32, %c0_i32_0 : i32, i32
  }
  func.func @transform_5(%arg0: i32) -> (i32, i32) {
    %c0_i32 = arith.constant 0 : i32
    %c0_i32_0 = arith.constant 0 : i32
    %c0_i32_1 = arith.constant 0 : i32
    return %c0_i32, %c0_i32_0 : i32, i32
  }
  func.func @transform_6(%arg0: i32) -> (i32, i32) {
    %c0_i32 = arith.constant 0 : i32
    %c0_i32_0 = arith.constant 0 : i32
    %c0_i32_1 = arith.constant 0 : i32
    return %c0_i32, %c0_i32_0 : i32, i32
  }
  func.func @transform_7(%arg0: i32) -> (i32, i32) {
    %c0_i32 = arith.constant 0 : i32
    %c0_i32_0 = arith.constant 0 : i32
    %c0_i32_1 = arith.constant 0 : i32
    return %c0_i32, %c0_i32_0 : i32, i32
  }
  func.func @transform_8(%arg0: i32) -> (i32, i32) {
    %c0_i32 = arith.constant 0 : i32
    %c0_i32_0 = arith.constant 0 : i32
    return %arg0, %c0_i32 : i32, i32
  }
  func.func @transform_9(%arg0: i32) -> (i32, i32) {
    %c0_i32 = arith.constant 0 : i32
    %c0_i32_0 = arith.constant 0 : i32
    return %arg0, %c0_i32 : i32, i32
  }
}

module attributes {stable_mosaic.version = 14 : i64} {
  func.func @_gru_last_body(%arg0: i32, %arg1: memref<1x2000x128xf32, #tpu.memory_space<vmem>>, %arg2: memref<1x2000x128xf32, #tpu.memory_space<vmem>>, %arg3: memref<2000x128xf32, #tpu.memory_space<vmem>>, %arg4: memref<128x384xf32, #tpu.memory_space<vmem>>, %arg5: memref<128x384xf32, #tpu.memory_space<vmem>>, %arg6: memref<1x384xf32, #tpu.memory_space<vmem>>, %arg7: memref<1x384xf32, #tpu.memory_space<vmem>>, %arg8: memref<2000x128xf32, #tpu.memory_space<vmem>>) attributes {dimension_semantics = [#tpu.dimension_semantics<arbitrary>], iteration_bounds = array<i64: 5>, scalar_prefetch = 0 : i64, scratch_operands = 0 : i64, tpu.core_type = #tpu.core_type<tc>, window_params = [{transform_indices = @transform_0, window_bounds = array<i64: 1, 2000, 128>}, {transform_indices = @transform_1, window_bounds = array<i64: 1, 2000, 128>}, {transform_indices = @transform_2, window_bounds = array<i64: 2000, 128>}, {pipeline_mode = #tpu.pipeline_mode<synchronous>, transform_indices = @transform_3, window_bounds = array<i64: 128, 384>}, {pipeline_mode = #tpu.pipeline_mode<synchronous>, transform_indices = @transform_4, window_bounds = array<i64: 128, 384>}, {pipeline_mode = #tpu.pipeline_mode<synchronous>, transform_indices = @transform_5, window_bounds = array<i64: 1, 384>}, {pipeline_mode = #tpu.pipeline_mode<synchronous>, transform_indices = @transform_6, window_bounds = array<i64: 1, 384>}, {transform_indices = @transform_7, window_bounds = array<i64: 2000, 128>}]} {
    %get3A = arith.constant 0 : index
    %get3A_0 = arith.constant 0 : index
    %get3A_1 = arith.constant 0 : index
    %get3A_2 = vector.load %arg1[%get3A, %get3A_0, %get3A_1] : memref<1x2000x128xf32, #tpu.memory_space<vmem>>, vector<1x2000x128xf32>
    %get3A_3 = vector.shape_cast %get3A_2 : vector<1x2000x128xf32> to vector<2000x128xf32>
    %get3A_4 = arith.constant 0 : index
    %get3A_5 = arith.constant 0 : index
    %get3A_6 = arith.constant 0 : index
    %get3A_7 = vector.load %arg2[%get3A_4, %get3A_5, %get3A_6] : memref<1x2000x128xf32, #tpu.memory_space<vmem>>, vector<1x2000x128xf32>
    %get3A_8 = vector.shape_cast %get3A_7 : vector<1x2000x128xf32> to vector<2000x128xf32>
    %add3A = arith.addf %get3A_3, %get3A_8 : vector<2000x128xf32>
    %get3A_9 = arith.constant 0 : index
    %get3A_10 = arith.constant 0 : index
    %get3A_11 = vector.load %arg4[%get3A_9, %get3A_10] : memref<128x384xf32, #tpu.memory_space<vmem>>, vector<128x384xf32>
    %dot_general3A = arith.constant dense<0.000000e+00> : vector<2000x384xf32>
    %dot_general3A_12 = tpu.matmul %add3A, %get3A_11, %dot_general3A {dimension_numbers = #tpu.dot_dimension_numbers<[1], [0], [0], [1], [0, 0, 1, 1], [], []>, transpose_lhs_hint = false} : vector<2000x128xf32>, vector<128x384xf32>, vector<2000x384xf32> -> vector<2000x384xf32>
    %get3A_13 = arith.constant 0 : index
    %get3A_14 = arith.constant 0 : index
    %get3A_15 = vector.load %arg6[%get3A_13, %get3A_14] : memref<1x384xf32, #tpu.memory_space<vmem>>, vector<1x384xf32>
    %add3A_16 = vector.broadcast %get3A_15 : vector<1x384xf32> to vector<2000x384xf32>
    %add3A_17 = arith.addf %dot_general3A_12, %add3A_16 : vector<2000x384xf32>
    %get3A_18 = arith.constant 0 : index
    %get3A_19 = arith.constant 0 : index
    %get3A_20 = vector.load %arg3[%get3A_18, %get3A_19] : memref<2000x128xf32, #tpu.memory_space<vmem>>, vector<2000x128xf32>
    %get3A_21 = arith.constant 0 : index
    %get3A_22 = arith.constant 0 : index
    %get3A_23 = vector.load %arg5[%get3A_21, %get3A_22] : memref<128x384xf32, #tpu.memory_space<vmem>>, vector<128x384xf32>
    %dot_general3A_24 = arith.constant dense<0.000000e+00> : vector<2000x384xf32>
    %dot_general3A_25 = tpu.matmul %get3A_20, %get3A_23, %dot_general3A_24 {dimension_numbers = #tpu.dot_dimension_numbers<[1], [0], [0], [1], [0, 0, 1, 1], [], []>, transpose_lhs_hint = false} : vector<2000x128xf32>, vector<128x384xf32>, vector<2000x384xf32> -> vector<2000x384xf32>
    %get3A_26 = arith.constant 0 : index
    %get3A_27 = arith.constant 0 : index
    %get3A_28 = vector.load %arg7[%get3A_26, %get3A_27] : memref<1x384xf32, #tpu.memory_space<vmem>>, vector<1x384xf32>
    %add3A_29 = vector.broadcast %get3A_28 : vector<1x384xf32> to vector<2000x384xf32>
    %add3A_30 = arith.addf %dot_general3A_25, %add3A_29 : vector<2000x384xf32>
    %slice3A = vector.extract_strided_slice %add3A_17 {offsets = [0, 0], sizes = [2000, 128], strides = [1, 1]} : vector<2000x384xf32> to vector<2000x128xf32>
    %slice3A_31 = vector.extract_strided_slice %add3A_30 {offsets = [0, 0], sizes = [2000, 128], strides = [1, 1]} : vector<2000x384xf32> to vector<2000x128xf32>
    %add3A_32 = arith.addf %slice3A, %slice3A_31 : vector<2000x128xf32>
    %logistic3A = arith.negf %add3A_32 : vector<2000x128xf32>
    %logistic3A_33 = math.exp %logistic3A : vector<2000x128xf32>
    %logistic3A_34 = arith.constant 1.000000e+00 : f32
    %logistic3A_35 = vector.broadcast %logistic3A_34 : f32 to vector<2000x128xf32>
    %logistic3A_36 = arith.addf %logistic3A_35, %logistic3A_33 : vector<2000x128xf32>
    %logistic3A_37 = arith.divf %logistic3A_35, %logistic3A_36 : vector<2000x128xf32>
    %slice3A_38 = vector.extract_strided_slice %add3A_17 {offsets = [0, 128], sizes = [2000, 128], strides = [1, 1]} : vector<2000x384xf32> to vector<2000x128xf32>
    %slice3A_39 = vector.extract_strided_slice %add3A_30 {offsets = [0, 128], sizes = [2000, 128], strides = [1, 1]} : vector<2000x384xf32> to vector<2000x128xf32>
    %add3A_40 = arith.addf %slice3A_38, %slice3A_39 : vector<2000x128xf32>
    %logistic3A_41 = arith.negf %add3A_40 : vector<2000x128xf32>
    %logistic3A_42 = math.exp %logistic3A_41 : vector<2000x128xf32>
    %logistic3A_43 = arith.constant 1.000000e+00 : f32
    %logistic3A_44 = vector.broadcast %logistic3A_43 : f32 to vector<2000x128xf32>
    %logistic3A_45 = arith.addf %logistic3A_44, %logistic3A_42 : vector<2000x128xf32>
    %logistic3A_46 = arith.divf %logistic3A_44, %logistic3A_45 : vector<2000x128xf32>
    %slice3A_47 = vector.extract_strided_slice %add3A_17 {offsets = [0, 256], sizes = [2000, 128], strides = [1, 1]} : vector<2000x384xf32> to vector<2000x128xf32>
    %slice3A_48 = vector.extract_strided_slice %add3A_30 {offsets = [0, 256], sizes = [2000, 128], strides = [1, 1]} : vector<2000x384xf32> to vector<2000x128xf32>
    %mul3A = arith.mulf %logistic3A_37, %slice3A_48 : vector<2000x128xf32>
    %add3A_49 = arith.addf %slice3A_47, %mul3A : vector<2000x128xf32>
    %tanh3A = math.tanh %add3A_49 : vector<2000x128xf32>
    %sub3A = arith.constant 1.000000e+00 : f32
    %sub3A_50 = vector.broadcast %sub3A : f32 to vector<2000x128xf32>
    %sub3A_51 = arith.subf %sub3A_50, %logistic3A_46 : vector<2000x128xf32>
    %mul3A_52 = arith.mulf %sub3A_51, %tanh3A : vector<2000x128xf32>
    %get3A_53 = arith.constant 0 : index
    %get3A_54 = arith.constant 0 : index
    %get3A_55 = vector.load %arg3[%get3A_53, %get3A_54] : memref<2000x128xf32, #tpu.memory_space<vmem>>, vector<2000x128xf32>
    %mul3A_56 = arith.mulf %logistic3A_46, %get3A_55 : vector<2000x128xf32>
    %add3A_57 = arith.addf %mul3A_52, %mul3A_56 : vector<2000x128xf32>
    %swap3A = arith.constant 0 : index
    %swap3A_58 = arith.constant 0 : index
    %swap3A_59 = vector.load %arg8[%swap3A, %swap3A_58] : memref<2000x128xf32, #tpu.memory_space<vmem>>, vector<2000x128xf32>
    tpu.vector_store %arg8[%swap3A, %swap3A_58], %add3A_57 {strides = array<i32>} : memref<2000x128xf32, #tpu.memory_space<vmem>>, vector<2000x128xf32>,
    return
  }
  func.func @transform_0(%arg0: i32) -> (i32, i32, i32) {
    %c0_i32 = arith.constant 0 : i32
    %c0_i32_0 = arith.constant 0 : i32
    %c0_i32_1 = arith.constant 0 : i32
    return %c0_i32, %arg0, %c0_i32_0 : i32, i32, i32
  }
  func.func @transform_1(%arg0: i32) -> (i32, i32, i32) {
    %c1_i32 = arith.constant 1 : i32
    %c0_i32 = arith.constant 0 : i32
    %c0_i32_0 = arith.constant 0 : i32
    return %c1_i32, %arg0, %c0_i32 : i32, i32, i32
  }
  func.func @transform_2(%arg0: i32) -> (i32, i32) {
    %c0_i32 = arith.constant 0 : i32
    %c0_i32_0 = arith.constant 0 : i32
    return %arg0, %c0_i32 : i32, i32
  }
  func.func @transform_3(%arg0: i32) -> (i32, i32) {
    %c0_i32 = arith.constant 0 : i32
    %c0_i32_0 = arith.constant 0 : i32
    %c0_i32_1 = arith.constant 0 : i32
    return %c0_i32, %c0_i32_0 : i32, i32
  }
  func.func @transform_4(%arg0: i32) -> (i32, i32) {
    %c0_i32 = arith.constant 0 : i32
    %c0_i32_0 = arith.constant 0 : i32
    %c0_i32_1 = arith.constant 0 : i32
    return %c0_i32, %c0_i32_0 : i32, i32
  }
  func.func @transform_5(%arg0: i32) -> (i32, i32) {
    %c0_i32 = arith.constant 0 : i32
    %c0_i32_0 = arith.constant 0 : i32
    %c0_i32_1 = arith.constant 0 : i32
    return %c0_i32, %c0_i32_0 : i32, i32
  }
  func.func @transform_6(%arg0: i32) -> (i32, i32) {
    %c0_i32 = arith.constant 0 : i32
    %c0_i32_0 = arith.constant 0 : i32
    %c0_i32_1 = arith.constant 0 : i32
    return %c0_i32, %c0_i32_0 : i32, i32
  }
  func.func @transform_7(%arg0: i32) -> (i32, i32) {
    %c0_i32 = arith.constant 0 : i32
    %c0_i32_0 = arith.constant 0 : i32
    return %arg0, %c0_i32 : i32, i32
  }
}

</mosaic_0001>

<sc_bundles>
// kernel: kernel.12.cloned.1.call-start
scs
__scs_entry_jumppad:
0x0: {  	(pc) =	sbr.rel $0x88, $3  }
0x1: {  	(tag) =	ssettag $0x0;
	lr =	simm.s32 $0x1  }
0x2: {  	[smem:$0x3F9A] =	sst lr;
	_ =	strace $0xD0000000  }
0x3: {  	_ = 	snop  }
0x4: {  	_ = 	snop  }
0x5: {  	_ = 	snop  }
0x6: {  	_ = 	snop  }
0x7: {  	_ = 	snop  }
__scs_overlays_trampoline_lowered:
0x8: {  	[smem:$0x3FA9] =	sst s0  }
0x9: {  	[smem:$0x3FAA] =	sst s1  }
0xa: {  	[smem:$0x3FAB] =	sst s2  }
0xb: {  	[smem:$0x3FAC] =	sst s3  }
0xc: {  	[smem:$0x3FAD] =	sst s4  }
0xd: {  	[smem:$0x3FAE] =	sst s5  }
0xe: {  	[smem:$0x3FAF] =	sst s6  }
0xf: {  	[smem:$0x3FB0] =	sst s7  }
0x10: {  	[smem:$0x3FB1] =	sst s8  }
0x11: {  	[smem:$0x3FB2] =	sst s9;
	s0 =	simm.s32 @!p0 $0x0  }
0x12: {  	s1 =	sld [smem:$0x3F98];
	s0 =	simm.s32 @p0 $0x1  }
0x13: {  	[smem:$0x3FB3] =	sst s0;
	s0 =	simm.s32 @!p1 $0x0  }
0x14: {  	s2 =	sld [smem:$0x3F97];
	s0 =	simm.s32 @p1 $0x1  }
0x15: {  	[smem:$0x3FB4] =	sst s0;
	s0 =	simm.s32 @!p2 $0x0  }
0x16: {  	s3 =	sld [smem:$0x3FDB];
	s0 =	simm.s32 @p2 $0x1  }
0x17: {  	s4 =	simm.s32 $0x1BF5;
	[smem:$0x3FB6] =	sst s0  }
0x18: {  	s0 =	sld [smem:$0x3F99];
	_ =	swait.ge [sflag:s4], $0x0  }
0x19: {  	s7 =	sld [smem:$0x3F9A]  }
0x1a: {  	s8 =	sadd.s32 $0xFFFFE003, lr  }
0x1b: {  	s9 =	sadd.s32 $0xFFFFFEF7, lr;
	s5 =	simm.s32 $0xFFFFFFFF;
	p2 =	slt.u32 s8, $0xFFFFF086  }
0x1c: {  	p1 =	slt.u32 s9, $0xF7A;
	s5 =	simm.s32 @!p2 $0x0  }
0x1d: {  	s5 =	simm.s32 @p1 $0x1;
	p0 =	seq.s32 s7, s2  }
0x1e: {  	s7 =	smul.u32 @!p0 $0xF7A, s2;
	p2 =	seq.s32 @!p0 s5, $0x0  }
0x1f: {  	s9 =	smul.u32 $0xF7A, s1;
	s8 =	simm.s32 @!p0 $0x1BF5;
	p2 =	por !p2, p0  }
0x20: {  	[sflag:s8] =	ssyncset.s32 @!p0 $0xFFFFF086;
	s6 =	sadd.s32 @!p0 s3, s7;
	s7 =	simm.s32 @!p0 $0x108  }
0x21: {  	s3 =	sadd.s32 s3, s9;
	s6 =	sadd.s32 @!p0 $0x88, s6;
	s7 =	simm.s32 @p2 $0x1082  }
0x22: {  	[simem:s7], [sflag:s8] =	dma.local @!p0 [hbm:s6], $0xF7A  }
0x23: {  	s9 =	sor.u32 $0xD0000000, s2;
	s6 =	simm.s32 $0x108;
	_ =	swait.ge @!p0 [sflag:s8], $0x0  }
0x24: {  	s3 =	sadd.s32 $0x88, s3;
	s6 =	simm.s32 @!p1 $0x1082;
	[sflag:s4] =	ssyncset.s32 $0xFFFFF086  }
0x25: {  	[simem:s6], [sflag:s4] =	dma.local [hbm:s3], $0xF7A  }
0x26: {  	[smem:$0x3F9A] =	sst s1;
	(tag) =	ssettag s2;
	_ =	strace s9  }
0x27: {  	s1 =	sld [smem:$0x3FAA]  }
0x28: {  	s2 =	sld [smem:$0x3FAB]  }
0x29: {  	s4 =	sld [smem:$0x3FAD]  }
0x2a: {  	p0 =	seq.s32 s5, $0x0;
	s5 =	sld [smem:$0x3FAE]  }
0x2b: {  	s6 =	sld [smem:$0x3FAF]  }
0x2c: {  	s7 =	sld [smem:$0x3FB0]  }
0x2d: {  	s3 =	simm.s32 $0x108;
	s8 =	sld [smem:$0x3FB1]  }
0x2e: {  	s3 =	simm.s32 @!p0 $0x1082;
	s9 =	sld [smem:$0x3FB2]  }
0x2f: {  	lr =	sadd.s32 s0, s3;
	s0 =	sld [smem:$0x3FA9]  }
0x30: {  	s3 =	sld [smem:$0x3FAC]  }
0x31: {  	[smem:$0x3FB5] =	sst s10  }
0x32: {  	s10 =	sld [smem:$0x3FB3];
	_ =	sdelay $0x3  }
0x33: {  	p0 =	seq.s32 s10, $0x1;
	s10 =	sld [smem:$0x3FB5];
	_ =	sdelay $0x3  }
0x34: {  	[smem:$0x3FB5] =	sst s10  }
0x35: {  	s10 =	sld [smem:$0x3FB4];
	_ =	sdelay $0x3  }
0x36: {  	p1 =	seq.s32 s10, $0x1;
	s10 =	sld [smem:$0x3FB5];
	_ =	sdelay $0x3  }
0x37: {  	[smem:$0x3FB5] =	sst s10  }
0x38: {  	s10 =	sld [smem:$0x3FB6]  }
0x39: {  	_ = 	snop;
	(pc) =	sbr.ind lr, $3  }
0x3a: {  	_ = 	snop  }
0x3b: {  	_ = 	snop  }
0x3c: {  	p2 =	seq.s32 s10, $0x1;
	s10 =	sld [smem:$0x3FB5]  }
0x3d: {  	_ =	shalt  }
0x3e: {  	_ =	shalt  }
0x3f: {  	_ =	shalt  }
0x40: {  	_ =	shalt  }
0x41: {  	_ =	shalt  }
0x42: {  	_ =	shalt  }
0x43: {  	_ =	shalt  }
0x44: {  	_ =	shalt  }
0x45: {  	_ =	shalt  }
0x46: {  	_ =	shalt  }
0x47: {  	_ =	shalt  }
0x48: {  	_ =	shalt  }
0x49: {  	_ =	shalt  }
0x4a: {  	_ =	shalt  }
0x4b: {  	_ =	shalt  }
0x4c: {  	_ =	shalt  }
0x4d: {  	_ =	shalt  }
0x4e: {  	_ =	shalt  }
0x4f: {  	_ =	shalt  }
0x50: {  	_ =	shalt  }
0x51: {  	_ =	shalt  }
0x52: {  	_ =	shalt  }
0x53: {  	_ =	shalt  }
0x54: {  	_ =	shalt  }
0x55: {  	_ =	shalt  }
0x56: {  	_ =	shalt  }
0x57: {  	_ =	shalt  }
0x58: {  	_ =	shalt  }
0x59: {  	_ =	shalt  }
0x5a: {  	_ =	shalt  }
0x5b: {  	_ =	shalt  }
0x5c: {  	_ =	shalt  }
0x5d: {  	_ =	shalt  }
0x5e: {  	_ =	shalt  }
0x5f: {  	_ =	shalt  }
0x60: {  	_ =	shalt  }
0x61: {  	_ =	shalt  }
0x62: {  	_ =	shalt  }
0x63: {  	_ =	shalt  }
0x64: {  	_ =	shalt  }
0x65: {  	_ =	shalt  }
0x66: {  	_ =	shalt  }
0x67: {  	_ =	shalt  }
0x68: {  	_ =	shalt  }
0x69: {  	_ =	shalt  }
0x6a: {  	_ =	shalt  }
0x6b: {  	_ =	shalt  }
0x6c: {  	_ =	shalt  }
0x6d: {  	_ =	shalt  }
0x6e: {  	_ =	shalt  }
0x6f: {  	_ =	shalt  }
0x70: {  	_ =	shalt  }
0x71: {  	_ =	shalt  }
0x72: {  	_ =	shalt  }
0x73: {  	_ =	shalt  }
0x74: {  	_ =	shalt  }
0x75: {  	_ =	shalt  }
0x76: {  	_ =	shalt  }
0x77: {  	_ =	shalt  }
0x78: {  	_ =	shalt  }
0x79: {  	_ =	shalt  }
0x7a: {  	_ =	shalt  }
0x7b: {  	_ =	shalt  }
0x7c: {  	_ =	shalt  }
0x7d: {  	_ =	shalt  }
0x7e: {  	_ =	shalt  }
0x7f: {  	_ =	shalt  }
0x80: {  	_ =	shalt  }
0x81: {  	_ =	shalt  }
0x82: {  	_ =	shalt  }
0x83: {  	_ =	shalt  }
0x84: {  	_ =	shalt  }
0x85: {  	_ =	shalt  }
0x86: {  	_ =	shalt  }
0x87: {  	_ =	shalt  }
.Lfunc_end0:
.L_simem_size_0:
called_computation.1_lowered:
.L_overlay_start_0:
0x88: {  	s2 =	sld [smem:$0x3FD9]  }
0x89: {  	s3 =	sld [smem:$0x3FFE];
	_ =	sdelay $0x1  }
0x8a: {  	s1 =	srdreg.scid  }
0x8b: {  	s0 =	sand.u32 $0x1, s1  }
0x8c: {  	s17 =	sshll.u32 s0, $0xA;
	s2 =	sadd.s32 s3, s2  }
0x8d: {  	s2 =	sadd.s32 s2, s17  }
0x8e: {  	[smem:$0x3FC1] =	sst s2  }
0x8f: {  	_ = 	snop  }
0x90: {  	s2 =	sld [smem:$0x3FD0];
	(tm) =	ssettm $0x1  }
0x91: {  	s18 =	sld [smem:$0x3FFB];
	_ =	sdelay $0x3  }
0x92: {  	_ =	strace s18  }
0x93: {  	s3 =	sld [smem:$0x3FFC];
	_ =	sdelay $0x3  }
0x94: {  	_ =	strace s3  }
0x95: {  	s3 =	sld [smem:$0x3FFD];
	_ =	sdelay $0x3  }
0x96: {  	_ =	strace s3  }
0x97: {  	_ =	strace $0x8FFFFFFF  }
0x98: {  	s19 =	sld [smem:$0x3FDB];
	_ =	sdelay $0x1  }
0x99: {  	s4 =	simm.s32 $_scs_section_size  }
0x9a: {  	s5 =	simm.s32 $_size__tile_overlayer_lowered;
	s6 =	simm.s32 $_tile_overlayer_lowered  }
0x9b: {  	s22 =	simm.s32 $0x1BFF;
	s21 =	sshll.u32 s6, $0x1;
	s3 =	sadd.s32 s4, s19  }
0x9c: {  	s7 =	simm.s32 $0x0;
	s20 =	sshll.u32 s5, $0x1;
	s5 =	sadd.s32 s21, s3  }
0x9d: {  	[timem:s7], [sflag:s22] =	dma.local [hbm:s5], s20  }
0x9e: {  	_ =	swait.ge [sflag:s22], s20  }
0x9f: {  	s4 =	ssub.s32 $0x0, s20;
	[sflag:s22] =	ssyncset.done $0x0  }
0xa0: {  	[sflag:s22] =	ssyncadd.s32 s4;
	_ =	sdelay $0x1  }
0xa1: {  	s23 =	simm.s32 $0x1B8B  }
0xa2: {  	_ =	swait.ge [sflag:s23], $0x1  }
0xa3: {  	[sflag:s23] =	ssyncset.done $0x0  }
0xa4: {  	s25 =	simm.s32 $0x1B8E;
	s24 =	sld [smem:$0x3FFE];
	[sflag:s23] =	ssyncadd.s32 $0xFFFFFFFF  }
0xa5: {  	s26 =	simm.s32 $execute0_lowered;
	[smem:$0x3FD2] =	sst s25  }
0xa6: {  	s5 =	sshll.u32 s26, $0x1;
	_ =	strace $0x80000049;
	[dreg:$0x1] =	wrdreg $0xFFFFFFFF  }
0xa7: {  	s28 =	simm.s32 $_size_execute0_lowered;
	s3 =	sadd.s32 s3, s5;
	[dreg:$0x0] =	wrdreg $0x0  }
0xa8: {  	s5 =	sshll.u32 s28, $0x1;
	[dreg:$0x2] =	wrdreg s3  }
0xa9: {  	[dreg:$0x3] =	wrdreg s5  }
0xaa: {  	[dreg:$0x4] =	wrdreg $0xC0  }
0xab: {  	_ =	task [dreg:s7], $0x5FFFF  }
0xac: {  	[dreg:$0x1] =	wrdreg $0xFFFFFFFF  }
0xad: {  	[dreg:$0x0] =	wrdreg $0x60  }
0xae: {  	[dreg:$0x2] =	wrdreg s2  }
0xaf: {  	[dreg:$0x3] =	wrdreg s24  }
0xb0: {  	[dreg:$0x4] =	wrdreg $0xBC000  }
0xb1: {  	[dreg:$0x5] =	wrdreg $0x9  }
0xb2: {  	_ =	task.clear_ibuf [dreg:s7], $0x6FFFF;
	_ =	strace $0x90000049  }
0xb3: {  	s29 =	simm.s32 $0x9;
	_ =	strace $0x8000004B  }
0xb4: {  	_ =	swait.ge [sflag:s29], $0x1  }
0xb5: {  	[sflag:s29] =	ssyncadd.s32 $0xFFFFFFFF  }
0xb6: {  	_ =	strace $0x9000004B  }
0xb7: {  	_ =	sfence  }
0xb8: {  	s30 =	sld [smem:$0x0];
	_ =	sdelay $0x2  }
0xb9: {  	s31 =	sshll.u32 s1, $0xD;
	s1 =	sshrl.u32 s1, $0x2  }
0xba: {  	s3 =	sand.u32 $0x4000, s31;
	s1 =	sadd.s32 s1, s30  }
0xbb: {  	s0 =	sor.u32 s3, s0;
	s1 =	sshll.u32 s1, $0x11  }
0xbc: {  	s0 =	sor.u32 s1, s0  }
0xbd: {  	s0 =	sadd.s32 $0x8F2B, s0  }
0xbe: {  	[sflag:s0] =	ssyncadd.remote.s32 $0x1  }
0xbf: {  	_ =	sfence.sel $0xFFFF  }
0xc0: {  	[dreg:$0x0] =	wrdreg $0xFFFFFFFF;
	(pc) =	sbr.abs _section_cstart, $3  }
0xc1: {  	[dreg:$0x1] =	wrdreg $0xFFFFFFFF  }
0xc2: {  	_ =	task.clear_ibuf [dreg:s7], $0x2FFFF;
	_ =	strace $0x9FFFFFFF  }
0xc3: {  	(tm) =	ssettm $0x7FFFFFFF  }
tec
execute0_lowered:
.L_overlay_start_1:
0x0: {  	(tag) =	ssettag $0x1  }
0x1: {  	s0 =	srdreg.scid;
	s1 =	rddreg [dreg:$0x0]  }
0x2: {  	s19 =	stileid.u32;
	s5 =	rddreg [dreg:$0x1]  }
0x3: {  	s3 =	rddreg [dreg:$0x2];
	s13 =	simm.s32 $0x80;
	s15 =	simm.s32 $0x5  }
0x4: {  	s16 =	simm.s32 $0x40;
	s17 =	simm.s32 $0x3C00;
	s18 =	simm.s32 $0x5C00  }
0x5: {  	s22 =	simm.s32 $0x2800;
	s23 =	simm.s32 $0x9C00;
	s28 =	simm.s32 $0x4  }
0x6: {  	s0 =	sand.u32 $0x1, s0;
	s2 =	sshll.u32 s19, $0x1;
	s25 =	smul.u32 $0x14000, s19  }
0x7: {  	s4 =	sshrl.u32 s19, $0x2;
	s26 =	smul.u32 $0x50000, s19;
	s31 =	sshll.u32 s19, $0x6  }
0x8: {  	s19 =	simm.s32 $0x7C00;
	s2 =	sor.u32 s0, s2;
	s6 =	smul.u32 $0x14000, s4  }
0x9: {  	s4 =	simm.s32 $0x0;
	s8 =	smul.u32 $0x140000, s0;
	s0 =	ssub.s32 $0x2, s0  }
0xa: {  	s20 =	sor.u32 $0x1C05, s31;
	s24 =	sshll.u32 s2, $0x7;
	s2 =	smul.u32 $0x5000, s2  }
0xb: {  	[smem:$0x7FF] =	sst s4;
	s9 =	sshrl.u32 s25, $0x3;
	s29 =	sshrl.u32 s0, $0x1  }
0xc: {  	s30 =	sshrl.u32 s26, $0x2;
	s26 =	simm.s32 $0x3;
	s7 =	sand.u32 $0x380, s24  }
0xd: {  	_ =	strace $0x8000004A;
	s9 =	sadd.s32 s9, s5;
	s0 =	ssub.s32 s0, s29  }
0xe: {  	s14 =	sadd.s32 s30, s3;
	s24 =	simm.s32 $0x1;
	s6 =	sor.u32 s6, s7  }
0xf: {  	s2 =	sshrl.u32 s2, $0x3;
	s7 =	sadd.s32 s25, s8;
	s12 =	smax.u32 s0, $0x1  }
0x10: {  	s21 =	sshrl.u32 s14, $0x3;
	s25 =	simm.s32 $0x2;
	s14 =	simm.s32 $0x0  }
0x11: {  	s6 =	sshrl.u32 s6, $0x3;
	s2 =	sadd.s32 s2, s5;
	s7 =	sshrl.u32 s7, $0x3  }
0x12: {  	s6 =	sadd.s32 s6, s5;
	s11 =	sadd.s32 s7, s5;
	s7 =	sadd.s32 $0xC800, s2  }
0x13: {  	s8 =	sadd.s32 $0xCA80, s2;
	s10 =	sadd.s32 $0xCF80, s2;
	s5 =	sadd.s32 $0x2800, s6  }
0x14: {  	s6 =	sadd.s32 $0x20800, s9;
	s9 =	sadd.s32 $0xCD00, s2;
	s11 =	sadd.s32 $0x48800, s11  }
.LBB2_1:
0x15: {  	s0 =	simm.s32 $0x400  }
0x16: {  	[tilespmem:s4], [sflag:$0x5] =	stream.strided.gather [hbm4b:s5+s13], $0x2800, s0, s13, $0x38;
	[tilespmem:$0x1FC00] =	vst v63  }
0x17: {  	_ =	swait.ge [sflag:s15], $0x2800  }
0x18: {  	[sflag:s15] =	ssyncset.done $0x0  }
0x19: {  	[sflag:s15] =	ssyncadd.s32 $0xFFFFD800  }
0x1a: {  	[tilespmem:s17], [sflag:$0x1] =	stream.indirect.gather [hbm4b:s1+s16], $0x80, s4, s16, $0xb8;
	[tilespmem:$0x1FC00] =	vst v63  }
0x1b: {  	_ = 	snop  }
0x1c: {  	[tilespmem:s18], [sflag:$0x2] =	stream.indirect.gather [hbm4b:s1+s16], $0x80, s16, s16, $0xb8;
	[tilespmem:$0x1FC00] =	vst v63  }
0x1d: {  	_ = 	snop  }
0x1e: {  	[tilespmem:s19], [sflag:$0x3] =	stream.indirect.gather [hbm4b:s1+s16], $0x80, s13, s16, $0xb8;
	[tilespmem:$0x1FC00] =	vst v63  }
0x1f: {  	[spmem:s21], [sflag:s20] =	dma.local [hbm:s6], $0x2800  }
0x20: {  	_ =	swait.ge [sflag:s15], $0x2800  }
0x21: {  	[sflag:s15] =	ssyncset.done $0x0  }
0x22: {  	[sflag:s15] =	ssyncadd.s32 $0xFFFFD800  }
0x23: {  	[bflag:$0x0] =	sbarrier.arrive $0xFFFF  }
0x24: {  	[tilespmem:s22], [sflag:$0x5] =	stream.linear.gather [hbm4b:s7+s4], $0x1400, $0x38;
	[tilespmem:$0x1FC00] =	vst v63  }
0x25: {  	_ =	swait.ge [sflag:s15], $0x1400  }
0x26: {  	[sflag:s15] =	ssyncset.done $0x0  }
0x27: {  	s29 =	simm.s32 $0xC0;
	[sflag:s15] =	ssyncadd.s32 $0xFFFFEC00  }
0x28: {  	[tilespmem:s23], [sflag:$0x4] =	stream.indirect.gather [hbm4b:s1+s16], $0x80, s29, s16, $0xb8;
	[tilespmem:$0x1FC00] =	vst v63  }
0x29: {  	_ =	swait.ge [sflag:s24], $0x2000  }
0x2a: {  	[sflag:s24] =	ssyncset.done $0x0  }
0x2b: {  	s30 =	simm.s32 $0x2800;
	[sflag:s24] =	ssyncadd.s32 $0xFFFFE000  }
0x2c: {  	[spmem:s3] =	stream.indirect.scatter.add.f32 [tilespmem:s17], [sflag:$0x5], $0x80, s30, s16, $0xb8;
	[tilespmem:$0x1FC00] =	vst v63  }
0x2d: {  	_ =	swait.ge [sflag:s15], $0x2000  }
0x2e: {  	[sflag:s15] =	ssyncset.done $0x0  }
0x2f: {  	s30 =	simm.s32 $0x100;
	[sflag:s15] =	ssyncadd.s32 $0xFFFFE000  }
0x30: {  	[tilespmem:s17], [sflag:$0x1] =	stream.indirect.gather [hbm4b:s1+s16], $0x80, s30, s16, $0xb8;
	[tilespmem:$0x1FC00] =	vst v63  }
0x31: {  	_ =	swait.ge [sflag:s25], $0x2000  }
0x32: {  	[sflag:s25] =	ssyncset.done $0x0  }
0x33: {  	s30 =	simm.s32 $0x2880;
	[sflag:s25] =	ssyncadd.s32 $0xFFFFE000  }
0x34: {  	[spmem:s3] =	stream.indirect.scatter.add.f32 [tilespmem:s18], [sflag:$0x5], $0x80, s30, s16, $0xb8;
	[tilespmem:$0x1FC00] =	vst v63  }
0x35: {  	_ =	swait.ge [sflag:s15], $0x2000  }
0x36: {  	[sflag:s15] =	ssyncset.done $0x0  }
0x37: {  	s30 =	simm.s32 $0x140;
	[sflag:s15] =	ssyncadd.s32 $0xFFFFE000  }
0x38: {  	[tilespmem:s18], [sflag:$0x2] =	stream.indirect.gather [hbm4b:s1+s16], $0x80, s30, s16, $0xb8;
	[tilespmem:$0x1FC00] =	vst v63  }
0x39: {  	_ =	swait.ge [sflag:s26], $0x2000  }
0x3a: {  	[sflag:s26] =	ssyncset.done $0x0  }
0x3b: {  	s30 =	simm.s32 $0x2900;
	[sflag:s26] =	ssyncadd.s32 $0xFFFFE000  }
0x3c: {  	[spmem:s3] =	stream.indirect.scatter.add.f32 [tilespmem:s19], [sflag:$0x5], $0x80, s30, s16, $0xb8;
	[tilespmem:$0x1FC00] =	vst v63  }
0x3d: {  	_ =	swait.ge [sflag:s15], $0x2000  }
0x3e: {  	[sflag:s15] =	ssyncset.done $0x0  }
0x3f: {  	s30 =	simm.s32 $0x180;
	[sflag:s15] =	ssyncadd.s32 $0xFFFFE000  }
0x40: {  	[tilespmem:s19], [sflag:$0x3] =	stream.indirect.gather [hbm4b:s1+s16], $0x80, s30, s16, $0xb8;
	[tilespmem:$0x1FC00] =	vst v63  }
0x41: {  	_ =	swait.ge [sflag:s28], $0x2000  }
0x42: {  	[sflag:s28] =	ssyncset.done $0x0  }
0x43: {  	s30 =	simm.s32 $0x2980;
	[sflag:s28] =	ssyncadd.s32 $0xFFFFE000  }
0x44: {  	[spmem:s3] =	stream.indirect.scatter.add.f32 [tilespmem:s23], [sflag:$0x5], $0x80, s30, s16, $0xb8;
	[tilespmem:$0x1FC00] =	vst v63  }
0x45: {  	_ =	swait.ge [sflag:s15], $0x2000  }
0x46: {  	s30 =	simm.s32 $0x800;
	[sflag:s15] =	ssyncset.done $0x0  }
.LBB2_2:
0x47: {  	p0 =	sne.s32 s30, $0x4800;
	[sflag:s15] =	ssyncadd.s32 $0xFFFFE000;
	s29 =	sadd.s32 $0x100, s29  }
0x48: {  	[tilespmem:s23], [sflag:$0x4] =	stream.indirect.gather [hbm4b:s1+s16], $0x80, s29, s16, $0xb8;
	[tilespmem:$0x1FC00] =	vst v63  }
0x49: {  	s31 =	smov.u32 s30;
	s30 =	sadd.s32 $0x800, s30;
	_ =	swait.ge [sflag:s24], $0x2000  }
0x4a: {  	s31 =	sshra.s32 s31, $0x2;
	[sflag:s24] =	ssyncset.done $0x0  }
0x4b: {  	s2 =	sadd.s32 $0x2800, s31;
	[sflag:s24] =	ssyncadd.s32 $0xFFFFE000  }
0x4c: {  	[spmem:s3] =	stream.indirect.scatter.add.f32 [tilespmem:s17], [sflag:$0x5], $0x80, s2, s16, $0xb8;
	[tilespmem:$0x1FC00] =	vst v63  }
0x4d: {  	_ =	swait.ge [sflag:s15], $0x2000  }
0x4e: {  	[sflag:s15] =	ssyncset.done $0x0  }
0x4f: {  	s2 =	sadd.s32 $0x40, s29;
	[sflag:s15] =	ssyncadd.s32 $0xFFFFE000  }
0x50: {  	[tilespmem:s17], [sflag:$0x1] =	stream.indirect.gather [hbm4b:s1+s16], $0x80, s2, s16, $0xb8;
	[tilespmem:$0x1FC00] =	vst v63  }
0x51: {  	_ =	swait.ge [sflag:s25], $0x2000  }
0x52: {  	[sflag:s25] =	ssyncset.done $0x0  }
0x53: {  	s2 =	sadd.s32 $0x2880, s31;
	[sflag:s25] =	ssyncadd.s32 $0xFFFFE000  }
0x54: {  	[spmem:s3] =	stream.indirect.scatter.add.f32 [tilespmem:s18], [sflag:$0x5], $0x80, s2, s16, $0xb8;
	[tilespmem:$0x1FC00] =	vst v63  }
0x55: {  	_ =	swait.ge [sflag:s15], $0x2000  }
0x56: {  	[sflag:s15] =	ssyncset.done $0x0  }
0x57: {  	s2 =	sadd.s32 $0x80, s29;
	[sflag:s15] =	ssyncadd.s32 $0xFFFFE000  }
0x58: {  	[tilespmem:s18], [sflag:$0x2] =	stream.indirect.gather [hbm4b:s1+s16], $0x80, s2, s16, $0xb8;
	[tilespmem:$0x1FC00] =	vst v63  }
0x59: {  	_ =	swait.ge [sflag:s26], $0x2000  }
0x5a: {  	[sflag:s26] =	ssyncset.done $0x0  }
0x5b: {  	s2 =	sadd.s32 $0x2900, s31;
	[sflag:s26] =	ssyncadd.s32 $0xFFFFE000  }
0x5c: {  	[spmem:s3] =	stream.indirect.scatter.add.f32 [tilespmem:s19], [sflag:$0x5], $0x80, s2, s16, $0xb8;
	[tilespmem:$0x1FC00] =	vst v63  }
0x5d: {  	_ =	swait.ge [sflag:s15], $0x2000  }
0x5e: {  	[sflag:s15] =	ssyncset.done $0x0  }
0x5f: {  	s2 =	sadd.s32 $0xC0, s29;
	[sflag:s15] =	ssyncadd.s32 $0xFFFFE000  }
0x60: {  	[tilespmem:s19], [sflag:$0x3] =	stream.indirect.gather [hbm4b:s1+s16], $0x80, s2, s16, $0xb8;
	[tilespmem:$0x1FC00] =	vst v63  }
0x61: {  	_ =	swait.ge [sflag:s28], $0x2000  }
.Ltmp0:
0x62: {  	[sflag:s28] =	ssyncset.done $0x0;
	(pc) =	sbr.rel @p0 .LBB2_2-.Ltmp0, $4  }
0x63: {  	s2 =	sadd.s32 $0x2980, s31;
	[sflag:s28] =	ssyncadd.s32 $0xFFFFE000  }
0x64: {  	[spmem:s3] =	stream.indirect.scatter.add.f32 [tilespmem:s23], [sflag:$0x5], $0x80, s2, s16, $0xb8;
	[tilespmem:$0x1FC00] =	vst v63  }
0x65: {  	_ =	swait.ge [sflag:s15], $0x2000  }
0x66: {  	[sflag:s15] =	ssyncset.done $0x0  }
0x67: {  	[sflag:s15] =	ssyncadd.s32 $0xFFFFE000;
	s2 =	simm.s32 $0x0  }
0x68: {  	[tilespmem:s22], [sflag:$0x5] =	stream.linear.gather [hbm4b:s8+s2], $0x1400, $0x38;
	[tilespmem:$0x1FC00] =	vst v63  }
0x69: {  	_ =	swait.ge [sflag:s15], $0x1400  }
0x6a: {  	[sflag:s15] =	ssyncset.done $0x0  }
0x6b: {  	s0 =	simm.s32 $0xAC0;
	[sflag:s15] =	ssyncadd.s32 $0xFFFFEC00  }
0x6c: {  	[tilespmem:s23], [sflag:$0x4] =	stream.indirect.gather [hbm4b:s1+s16], $0x80, s0, s16, $0xb8;
	[tilespmem:$0x1FC00] =	vst v63  }
0x6d: {  	_ =	swait.ge [sflag:s24], $0x2000  }
0x6e: {  	[sflag:s24] =	ssyncset.done $0x0  }
0x6f: {  	s0 =	simm.s32 $0x2800;
	[sflag:s24] =	ssyncadd.s32 $0xFFFFE000  }
0x70: {  	[spmem:s3] =	stream.indirect.scatter.add.f32 [tilespmem:s17], [sflag:$0x5], $0x80, s0, s16, $0xb8;
	[tilespmem:$0x1FC00] =	vst v63  }
0x71: {  	_ =	swait.ge [sflag:s15], $0x2000  }
0x72: {  	[sflag:s15] =	ssyncset.done $0x0  }
0x73: {  	s0 =	simm.s32 $0xB00;
	[sflag:s15] =	ssyncadd.s32 $0xFFFFE000  }
0x74: {  	[tilespmem:s17], [sflag:$0x1] =	stream.indirect.gather [hbm4b:s1+s16], $0x80, s0, s16, $0xb8;
	[tilespmem:$0x1FC00] =	vst v63  }
0x75: {  	_ =	swait.ge [sflag:s25], $0x2000  }
0x76: {  	[sflag:s25] =	ssyncset.done $0x0  }
0x77: {  	s0 =	simm.s32 $0x2880;
	[sflag:s25] =	ssyncadd.s32 $0xFFFFE000  }
0x78: {  	[spmem:s3] =	stream.indirect.scatter.add.f32 [tilespmem:s18], [sflag:$0x5], $0x80, s0, s16, $0xb8;
	[tilespmem:$0x1FC00] =	vst v63  }
0x79: {  	_ =	swait.ge [sflag:s15], $0x2000  }
0x7a: {  	[sflag:s15] =	ssyncset.done $0x0  }
0x7b: {  	s0 =	simm.s32 $0xB40;
	[sflag:s15] =	ssyncadd.s32 $0xFFFFE000  }
0x7c: {  	[tilespmem:s18], [sflag:$0x2] =	stream.indirect.gather [hbm4b:s1+s16], $0x80, s0, s16, $0xb8;
	[tilespmem:$0x1FC00] =	vst v63  }
0x7d: {  	_ =	swait.ge [sflag:s26], $0x2000  }
0x7e: {  	[sflag:s26] =	ssyncset.done $0x0  }
0x7f: {  	s0 =	simm.s32 $0x2900;
	[sflag:s26] =	ssyncadd.s32 $0xFFFFE000  }
0x80: {  	[spmem:s3] =	stream.indirect.scatter.add.f32 [tilespmem:s19], [sflag:$0x5], $0x80, s0, s16, $0xb8;
	[tilespmem:$0x1FC00] =	vst v63  }
0x81: {  	_ =	swait.ge [sflag:s15], $0x2000  }
0x82: {  	[sflag:s15] =	ssyncset.done $0x0  }
0x83: {  	s0 =	simm.s32 $0xB80;
	[sflag:s15] =	ssyncadd.s32 $0xFFFFE000  }
0x84: {  	[tilespmem:s19], [sflag:$0x3] =	stream.indirect.gather [hbm4b:s1+s16], $0x80, s0, s16, $0xb8;
	[tilespmem:$0x1FC00] =	vst v63  }
0x85: {  	_ =	swait.ge [sflag:s28], $0x2000  }
0x86: {  	[sflag:s28] =	ssyncset.done $0x0  }
0x87: {  	s0 =	simm.s32 $0x2980;
	[sflag:s28] =	ssyncadd.s32 $0xFFFFE000  }
0x88: {  	[spmem:s3] =	stream.indirect.scatter.add.f32 [tilespmem:s23], [sflag:$0x5], $0x80, s0, s16, $0xb8;
	[tilespmem:$0x1FC00] =	vst v63  }
0x89: {  	s30 =	simm.s32 $0x800;
	_ =	swait.ge [sflag:s15], $0x2000  }
0x8a: {  	s31 =	simm.s32 $0x1000;
	s29 =	simm.s32 $0xC80;
	[sflag:s15] =	ssyncset.done $0x0  }
.LBB2_4:
0x8b: {  	p0 =	sne.s32 s31, $0x4800;
	s2 =	sadd.s32 $0xFFFFFF40, s29;
	[sflag:s15] =	ssyncadd.s32 $0xFFFFE000  }
0x8c: {  	[tilespmem:s23], [sflag:$0x4] =	stream.indirect.gather [hbm4b:s1+s16], $0x80, s2, s16, $0xb8;
	[tilespmem:$0x1FC00] =	vst v63  }
0x8d: {  	s2 =	smov.u32 s31;
	s31 =	sadd.s32 $0x800, s31;
	_ =	swait.ge [sflag:s24], $0x2000  }
0x8e: {  	s0 =	sshra.s32 s30, $0x2;
	s30 =	smov.u32 s2;
	[sflag:s24] =	ssyncset.done $0x0  }
0x8f: {  	s2 =	sadd.s32 $0x2800, s0;
	[sflag:s24] =	ssyncadd.s32 $0xFFFFE000  }
0x90: {  	[spmem:s3] =	stream.indirect.scatter.add.f32 [tilespmem:s17], [sflag:$0x5], $0x80, s2, s16, $0xb8;
	[tilespmem:$0x1FC00] =	vst v63  }
0x91: {  	_ =	swait.ge [sflag:s15], $0x2000  }
0x92: {  	[sflag:s15] =	ssyncset.done $0x0  }
0x93: {  	s2 =	sadd.s32 $0xFFFFFF80, s29;
	[sflag:s15] =	ssyncadd.s32 $0xFFFFE000  }
0x94: {  	[tilespmem:s17], [sflag:$0x1] =	stream.indirect.gather [hbm4b:s1+s16], $0x80, s2, s16, $0xb8;
	[tilespmem:$0x1FC00] =	vst v63  }
0x95: {  	_ =	swait.ge [sflag:s25], $0x2000  }
0x96: {  	[sflag:s25] =	ssyncset.done $0x0  }
0x97: {  	s2 =	sadd.s32 $0x2880, s0;
	[sflag:s25] =	ssyncadd.s32 $0xFFFFE000  }
0x98: {  	[spmem:s3] =	stream.indirect.scatter.add.f32 [tilespmem:s18], [sflag:$0x5], $0x80, s2, s16, $0xb8;
	[tilespmem:$0x1FC00] =	vst v63  }
0x99: {  	_ =	swait.ge [sflag:s15], $0x2000  }
0x9a: {  	[sflag:s15] =	ssyncset.done $0x0  }
0x9b: {  	s2 =	sadd.s32 $0xFFFFFFC0, s29;
	[sflag:s15] =	ssyncadd.s32 $0xFFFFE000  }
0x9c: {  	[tilespmem:s18], [sflag:$0x2] =	stream.indirect.gather [hbm4b:s1+s16], $0x80, s2, s16, $0xb8;
	[tilespmem:$0x1FC00] =	vst v63  }
0x9d: {  	_ =	swait.ge [sflag:s26], $0x2000  }
0x9e: {  	[sflag:s26] =	ssyncset.done $0x0  }
0x9f: {  	s2 =	sadd.s32 $0x2900, s0;
	[sflag:s26] =	ssyncadd.s32 $0xFFFFE000  }
0xa0: {  	[spmem:s3] =	stream.indirect.scatter.add.f32 [tilespmem:s19], [sflag:$0x5], $0x80, s2, s16, $0xb8;
	[tilespmem:$0x1FC00] =	vst v63  }
0xa1: {  	_ =	swait.ge [sflag:s15], $0x2000  }
0xa2: {  	[sflag:s15] =	ssyncset.done $0x0  }
0xa3: {  	[sflag:s15] =	ssyncadd.s32 $0xFFFFE000  }
0xa4: {  	[tilespmem:s19], [sflag:$0x3] =	stream.indirect.gather [hbm4b:s1+s16], $0x80, s29, s16, $0xb8;
	[tilespmem:$0x1FC00] =	vst v63  }
0xa5: {  	_ =	swait.ge [sflag:s28], $0x2000  }
.Ltmp1:
0xa6: {  	[sflag:s28] =	ssyncset.done $0x0;
	(pc) =	sbr.rel @p0 .LBB2_4-.Ltmp1, $4  }
0xa7: {  	s0 =	sadd.s32 $0x2980, s0;
	[sflag:s28] =	ssyncadd.s32 $0xFFFFE000  }
0xa8: {  	[spmem:s3] =	stream.indirect.scatter.add.f32 [tilespmem:s23], [sflag:$0x5], $0x80, s0, s16, $0xb8;
	[tilespmem:$0x1FC00] =	vst v63  }
0xa9: {  	_ =	swait.ge [sflag:s15], $0x2000  }
0xaa: {  	s29 =	sadd.s32 $0x100, s29;
	[sflag:s15] =	ssyncset.done $0x0  }
0xab: {  	s0 =	sadd.s32 $0xFFFFFF40, s29;
	[sflag:s15] =	ssyncadd.s32 $0xFFFFE000  }
0xac: {  	[tilespmem:s23], [sflag:$0x4] =	stream.indirect.gather [hbm4b:s1+s16], $0x80, s0, s16, $0xb8;
	[tilespmem:$0x1FC00] =	vst v63  }
0xad: {  	_ =	swait.ge [sflag:s24], $0x2000  }
0xae: {  	s0 =	sshra.s32 s30, $0x2;
	[sflag:s24] =	ssyncset.done $0x0  }
0xaf: {  	s2 =	sadd.s32 $0x2800, s0;
	[sflag:s24] =	ssyncadd.s32 $0xFFFFE000  }
0xb0: {  	[spmem:s3] =	stream.indirect.scatter.add.f32 [tilespmem:s17], [sflag:$0x5], $0x80, s2, s16, $0xb8;
	[tilespmem:$0x1FC00] =	vst v63  }
0xb1: {  	_ =	swait.ge [sflag:s15], $0x2000  }
0xb2: {  	[sflag:s15] =	ssyncset.done $0x0  }
0xb3: {  	s2 =	sadd.s32 $0xFFFFFF80, s29;
	[sflag:s15] =	ssyncadd.s32 $0xFFFFE000  }
0xb4: {  	[tilespmem:s17], [sflag:$0x1] =	stream.indirect.gather [hbm4b:s1+s16], $0x80, s2, s16, $0xb8;
	[tilespmem:$0x1FC00] =	vst v63  }
0xb5: {  	_ =	swait.ge [sflag:s25], $0x2000  }
0xb6: {  	[sflag:s25] =	ssyncset.done $0x0  }
0xb7: {  	s2 =	sadd.s32 $0x2880, s0;
	[sflag:s25] =	ssyncadd.s32 $0xFFFFE000  }
0xb8: {  	[spmem:s3] =	stream.indirect.scatter.add.f32 [tilespmem:s18], [sflag:$0x5], $0x80, s2, s16, $0xb8;
	[tilespmem:$0x1FC00] =	vst v63  }
0xb9: {  	_ =	swait.ge [sflag:s15], $0x2000  }
0xba: {  	[sflag:s15] =	ssyncset.done $0x0  }
0xbb: {  	s2 =	sadd.s32 $0xFFFFFFC0, s29;
	[sflag:s15] =	ssyncadd.s32 $0xFFFFE000  }
0xbc: {  	[tilespmem:s18], [sflag:$0x2] =	stream.indirect.gather [hbm4b:s1+s16], $0x80, s2, s16, $0xb8;
	[tilespmem:$0x1FC00] =	vst v63  }
0xbd: {  	_ =	swait.ge [sflag:s26], $0x2000  }
0xbe: {  	[sflag:s26] =	ssyncset.done $0x0  }
0xbf: {  	s2 =	sadd.s32 $0x2900, s0;
	[sflag:s26] =	ssyncadd.s32 $0xFFFFE000  }
0xc0: {  	[spmem:s3] =	stream.indirect.scatter.add.f32 [tilespmem:s19], [sflag:$0x5], $0x80, s2, s16, $0xb8;
	[tilespmem:$0x1FC00] =	vst v63  }
0xc1: {  	_ =	swait.ge [sflag:s15], $0x2000  }
0xc2: {  	[sflag:s15] =	ssyncset.done $0x0  }
0xc3: {  	[sflag:s15] =	ssyncadd.s32 $0xFFFFE000  }
0xc4: {  	[tilespmem:s19], [sflag:$0x3] =	stream.indirect.gather [hbm4b:s1+s16], $0x80, s29, s16, $0xb8;
	[tilespmem:$0x1FC00] =	vst v63  }
0xc5: {  	_ =	swait.ge [sflag:s28], $0x2000  }
0xc6: {  	[sflag:s28] =	ssyncset.done $0x0  }
0xc7: {  	s0 =	sadd.s32 $0x2980, s0;
	[sflag:s28] =	ssyncadd.s32 $0xFFFFE000  }
0xc8: {  	[spmem:s3] =	stream.indirect.scatter.add.f32 [tilespmem:s23], [sflag:$0x5], $0x80, s0, s16, $0xb8;
	[tilespmem:$0x1FC00] =	vst v63  }
0xc9: {  	_ =	swait.ge [sflag:s15], $0x2000  }
0xca: {  	[sflag:s15] =	ssyncset.done $0x0  }
0xcb: {  	s2 =	simm.s32 $0x0;
	[sflag:s15] =	ssyncadd.s32 $0xFFFFE000  }
0xcc: {  	[tilespmem:s22], [sflag:$0x5] =	stream.linear.gather [hbm4b:s9+s2], $0x1400, $0x38;
	[tilespmem:$0x1FC00] =	vst v63  }
0xcd: {  	_ =	swait.ge [sflag:s15], $0x1400  }
0xce: {  	[sflag:s15] =	ssyncset.done $0x0  }
0xcf: {  	s2 =	simm.s32 $0x14C0;
	[sflag:s15] =	ssyncadd.s32 $0xFFFFEC00  }
0xd0: {  	[tilespmem:s23], [sflag:$0x4] =	stream.indirect.gather [hbm4b:s1+s16], $0x80, s2, s16, $0xb8;
	[tilespmem:$0x1FC00] =	vst v63  }
0xd1: {  	_ =	swait.ge [sflag:s24], $0x2000  }
0xd2: {  	[sflag:s24] =	ssyncset.done $0x0  }
0xd3: {  	s2 =	simm.s32 $0x2800;
	[sflag:s24] =	ssyncadd.s32 $0xFFFFE000  }
0xd4: {  	[spmem:s3] =	stream.indirect.scatter.add.f32 [tilespmem:s17], [sflag:$0x5], $0x80, s2, s16, $0xb8;
	[tilespmem:$0x1FC00] =	vst v63  }
0xd5: {  	_ =	swait.ge [sflag:s15], $0x2000  }
0xd6: {  	[sflag:s15] =	ssyncset.done $0x0  }
0xd7: {  	s2 =	simm.s32 $0x1500;
	[sflag:s15] =	ssyncadd.s32 $0xFFFFE000  }
0xd8: {  	[tilespmem:s17], [sflag:$0x1] =	stream.indirect.gather [hbm4b:s1+s16], $0x80, s2, s16, $0xb8;
	[tilespmem:$0x1FC00] =	vst v63  }
0xd9: {  	_ =	swait.ge [sflag:s25], $0x2000  }
0xda: {  	[sflag:s25] =	ssyncset.done $0x0  }
0xdb: {  	s2 =	simm.s32 $0x2880;
	[sflag:s25] =	ssyncadd.s32 $0xFFFFE000  }
0xdc: {  	[spmem:s3] =	stream.indirect.scatter.add.f32 [tilespmem:s18], [sflag:$0x5], $0x80, s2, s16, $0xb8;
	[tilespmem:$0x1FC00] =	vst v63  }
0xdd: {  	_ =	swait.ge [sflag:s15], $0x2000  }
0xde: {  	[sflag:s15] =	ssyncset.done $0x0  }
0xdf: {  	s2 =	simm.s32 $0x1540;
	[sflag:s15] =	ssyncadd.s32 $0xFFFFE000  }
0xe0: {  	[tilespmem:s18], [sflag:$0x2] =	stream.indirect.gather [hbm4b:s1+s16], $0x80, s2, s16, $0xb8;
	[tilespmem:$0x1FC00] =	vst v63  }
0xe1: {  	_ =	swait.ge [sflag:s26], $0x2000  }
0xe2: {  	[sflag:s26] =	ssyncset.done $0x0  }
0xe3: {  	s2 =	simm.s32 $0x2900;
	[sflag:s26] =	ssyncadd.s32 $0xFFFFE000  }
0xe4: {  	[spmem:s3] =	stream.indirect.scatter.add.f32 [tilespmem:s19], [sflag:$0x5], $0x80, s2, s16, $0xb8;
	[tilespmem:$0x1FC00] =	vst v63  }
0xe5: {  	_ =	swait.ge [sflag:s15], $0x2000  }
0xe6: {  	[sflag:s15] =	ssyncset.done $0x0  }
0xe7: {  	s2 =	simm.s32 $0x1580;
	[sflag:s15] =	ssyncadd.s32 $0xFFFFE000  }
0xe8: {  	[tilespmem:s19], [sflag:$0x3] =	stream.indirect.gather [hbm4b:s1+s16], $0x80, s2, s16, $0xb8;
	[tilespmem:$0x1FC00] =	vst v63  }
0xe9: {  	_ =	swait.ge [sflag:s28], $0x2000  }
0xea: {  	[sflag:s28] =	ssyncset.done $0x0  }
0xeb: {  	s2 =	simm.s32 $0x2980;
	[sflag:s28] =	ssyncadd.s32 $0xFFFFE000  }
0xec: {  	[spmem:s3] =	stream.indirect.scatter.add.f32 [tilespmem:s23], [sflag:$0x5], $0x80, s2, s16, $0xb8;
	[tilespmem:$0x1FC00] =	vst v63  }
0xed: {  	s31 =	simm.s32 $0x1000;
	_ =	swait.ge [sflag:s15], $0x2000  }
0xee: {  	s30 =	simm.s32 $0x800;
	s29 =	simm.s32 $0x1680;
	[sflag:s15] =	ssyncset.done $0x0  }
.LBB2_6:
0xef: {  	p0 =	sne.s32 s31, $0x4800;
	s0 =	sadd.s32 $0xFFFFFF40, s29;
	[sflag:s15] =	ssyncadd.s32 $0xFFFFE000  }
0xf0: {  	[tilespmem:s23], [sflag:$0x4] =	stream.indirect.gather [hbm4b:s1+s16], $0x80, s0, s16, $0xb8;
	[tilespmem:$0x1FC00] =	vst v63  }
0xf1: {  	s0 =	smov.u32 s31;
	s31 =	sadd.s32 $0x800, s31;
	_ =	swait.ge [sflag:s24], $0x2000  }
0xf2: {  	s2 =	sshra.s32 s30, $0x2;
	s30 =	smov.u32 s0;
	[sflag:s24] =	ssyncset.done $0x0  }
0xf3: {  	s0 =	sadd.s32 $0x2800, s2;
	[sflag:s24] =	ssyncadd.s32 $0xFFFFE000  }
0xf4: {  	[spmem:s3] =	stream.indirect.scatter.add.f32 [tilespmem:s17], [sflag:$0x5], $0x80, s0, s16, $0xb8;
	[tilespmem:$0x1FC00] =	vst v63  }
0xf5: {  	_ =	swait.ge [sflag:s15], $0x2000  }
0xf6: {  	[sflag:s15] =	ssyncset.done $0x0  }
0xf7: {  	s0 =	sadd.s32 $0xFFFFFF80, s29;
	[sflag:s15] =	ssyncadd.s32 $0xFFFFE000  }
0xf8: {  	[tilespmem:s17], [sflag:$0x1] =	stream.indirect.gather [hbm4b:s1+s16], $0x80, s0, s16, $0xb8;
	[tilespmem:$0x1FC00] =	vst v63  }
0xf9: {  	_ =	swait.ge [sflag:s25], $0x2000  }
0xfa: {  	[sflag:s25] =	ssyncset.done $0x0  }
0xfb: {  	s0 =	sadd.s32 $0x2880, s2;
	[sflag:s25] =	ssyncadd.s32 $0xFFFFE000  }
0xfc: {  	[spmem:s3] =	stream.indirect.scatter.add.f32 [tilespmem:s18], [sflag:$0x5], $0x80, s0, s16, $0xb8;
	[tilespmem:$0x1FC00] =	vst v63  }
0xfd: {  	_ =	swait.ge [sflag:s15], $0x2000  }
0xfe: {  	[sflag:s15] =	ssyncset.done $0x0  }
0xff: {  	s0 =	sadd.s32 $0xFFFFFFC0, s29;
	[sflag:s15] =	ssyncadd.s32 $0xFFFFE000  }
0x100: {  	[tilespmem:s18], [sflag:$0x2] =	stream.indirect.gather [hbm4b:s1+s16], $0x80, s0, s16, $0xb8;
	[tilespmem:$0x1FC00] =	vst v63  }
0x101: {  	_ =	swait.ge [sflag:s26], $0x2000  }
0x102: {  	[sflag:s26] =	ssyncset.done $0x0  }
0x103: {  	s0 =	sadd.s32 $0x2900, s2;
	[sflag:s26] =	ssyncadd.s32 $0xFFFFE000  }
0x104: {  	[spmem:s3] =	stream.indirect.scatter.add.f32 [tilespmem:s19], [sflag:$0x5], $0x80, s0, s16, $0xb8;
	[tilespmem:$0x1FC00] =	vst v63  }
0x105: {  	_ =	swait.ge [sflag:s15], $0x2000  }
0x106: {  	[sflag:s15] =	ssyncset.done $0x0  }
0x107: {  	[sflag:s15] =	ssyncadd.s32 $0xFFFFE000  }
0x108: {  	[tilespmem:s19], [sflag:$0x3] =	stream.indirect.gather [hbm4b:s1+s16], $0x80, s29, s16, $0xb8;
	[tilespmem:$0x1FC00] =	vst v63  }
0x109: {  	_ =	swait.ge [sflag:s28], $0x2000  }
.Ltmp2:
0x10a: {  	[sflag:s28] =	ssyncset.done $0x0;
	(pc) =	sbr.rel @p0 .LBB2_6-.Ltmp2, $4  }
0x10b: {  	s0 =	sadd.s32 $0x2980, s2;
	[sflag:s28] =	ssyncadd.s32 $0xFFFFE000  }
0x10c: {  	[spmem:s3] =	stream.indirect.scatter.add.f32 [tilespmem:s23], [sflag:$0x5], $0x80, s0, s16, $0xb8;
	[tilespmem:$0x1FC00] =	vst v63  }
0x10d: {  	_ =	swait.ge [sflag:s15], $0x2000  }
0x10e: {  	s29 =	sadd.s32 $0x100, s29;
	[sflag:s15] =	ssyncset.done $0x0  }
0x10f: {  	s0 =	sadd.s32 $0xFFFFFF40, s29;
	[sflag:s15] =	ssyncadd.s32 $0xFFFFE000  }
0x110: {  	[tilespmem:s23], [sflag:$0x4] =	stream.indirect.gather [hbm4b:s1+s16], $0x80, s0, s16, $0xb8;
	[tilespmem:$0x1FC00] =	vst v63  }
0x111: {  	_ =	swait.ge [sflag:s24], $0x2000  }
0x112: {  	s0 =	sshra.s32 s30, $0x2;
	[sflag:s24] =	ssyncset.done $0x0  }
0x113: {  	s2 =	sadd.s32 $0x2800, s0;
	[sflag:s24] =	ssyncadd.s32 $0xFFFFE000  }
0x114: {  	[spmem:s3] =	stream.indirect.scatter.add.f32 [tilespmem:s17], [sflag:$0x5], $0x80, s2, s16, $0xb8;
	[tilespmem:$0x1FC00] =	vst v63  }
0x115: {  	_ =	swait.ge [sflag:s15], $0x2000  }
0x116: {  	[sflag:s15] =	ssyncset.done $0x0  }
0x117: {  	s2 =	sadd.s32 $0xFFFFFF80, s29;
	[sflag:s15] =	ssyncadd.s32 $0xFFFFE000  }
0x118: {  	[tilespmem:s17], [sflag:$0x1] =	stream.indirect.gather [hbm4b:s1+s16], $0x80, s2, s16, $0xb8;
	[tilespmem:$0x1FC00] =	vst v63  }
0x119: {  	_ =	swait.ge [sflag:s25], $0x2000  }
0x11a: {  	[sflag:s25] =	ssyncset.done $0x0  }
0x11b: {  	s2 =	sadd.s32 $0x2880, s0;
	[sflag:s25] =	ssyncadd.s32 $0xFFFFE000  }
0x11c: {  	[spmem:s3] =	stream.indirect.scatter.add.f32 [tilespmem:s18], [sflag:$0x5], $0x80, s2, s16, $0xb8;
	[tilespmem:$0x1FC00] =	vst v63  }
0x11d: {  	_ =	swait.ge [sflag:s15], $0x2000  }
0x11e: {  	[sflag:s15] =	ssyncset.done $0x0  }
0x11f: {  	s2 =	sadd.s32 $0xFFFFFFC0, s29;
	[sflag:s15] =	ssyncadd.s32 $0xFFFFE000  }
0x120: {  	[tilespmem:s18], [sflag:$0x2] =	stream.indirect.gather [hbm4b:s1+s16], $0x80, s2, s16, $0xb8;
	[tilespmem:$0x1FC00] =	vst v63  }
0x121: {  	_ =	swait.ge [sflag:s26], $0x2000  }
0x122: {  	[sflag:s26] =	ssyncset.done $0x0  }
0x123: {  	s2 =	sadd.s32 $0x2900, s0;
	[sflag:s26] =	ssyncadd.s32 $0xFFFFE000  }
0x124: {  	[spmem:s3] =	stream.indirect.scatter.add.f32 [tilespmem:s19], [sflag:$0x5], $0x80, s2, s16, $0xb8;
	[tilespmem:$0x1FC00] =	vst v63  }
0x125: {  	_ =	swait.ge [sflag:s15], $0x2000  }
0x126: {  	[sflag:s15] =	ssyncset.done $0x0  }
0x127: {  	[sflag:s15] =	ssyncadd.s32 $0xFFFFE000  }
0x128: {  	[tilespmem:s19], [sflag:$0x3] =	stream.indirect.gather [hbm4b:s1+s16], $0x80, s29, s16, $0xb8;
	[tilespmem:$0x1FC00] =	vst v63  }
0x129: {  	_ =	swait.ge [sflag:s28], $0x2000  }
0x12a: {  	[sflag:s28] =	ssyncset.done $0x0  }
0x12b: {  	s0 =	sadd.s32 $0x2980, s0;
	[sflag:s28] =	ssyncadd.s32 $0xFFFFE000  }
0x12c: {  	[spmem:s3] =	stream.indirect.scatter.add.f32 [tilespmem:s23], [sflag:$0x5], $0x80, s0, s16, $0xb8;
	[tilespmem:$0x1FC00] =	vst v63  }
0x12d: {  	_ =	swait.ge [sflag:s15], $0x2000  }
0x12e: {  	[sflag:s15] =	ssyncset.done $0x0  }
0x12f: {  	s2 =	simm.s32 $0x0;
	[sflag:s15] =	ssyncadd.s32 $0xFFFFE000  }
0x130: {  	[tilespmem:s22], [sflag:$0x5] =	stream.linear.gather [hbm4b:s10+s2], $0x1400, $0x38;
	[tilespmem:$0x1FC00] =	vst v63  }
0x131: {  	_ =	swait.ge [sflag:s15], $0x1400  }
0x132: {  	[sflag:s15] =	ssyncset.done $0x0  }
0x133: {  	s2 =	simm.s32 $0x1EC0;
	[sflag:s15] =	ssyncadd.s32 $0xFFFFEC00  }
0x134: {  	[tilespmem:s23], [sflag:$0x4] =	stream.indirect.gather [hbm4b:s1+s16], $0x80, s2, s16, $0xb8;
	[tilespmem:$0x1FC00] =	vst v63  }
0x135: {  	_ =	swait.ge [sflag:s24], $0x2000  }
0x136: {  	[sflag:s24] =	ssyncset.done $0x0  }
0x137: {  	s2 =	simm.s32 $0x2800;
	[sflag:s24] =	ssyncadd.s32 $0xFFFFE000  }
0x138: {  	[spmem:s3] =	stream.indirect.scatter.add.f32 [tilespmem:s17], [sflag:$0x5], $0x80, s2, s16, $0xb8;
	[tilespmem:$0x1FC00] =	vst v63  }
0x139: {  	_ =	swait.ge [sflag:s15], $0x2000  }
0x13a: {  	[sflag:s15] =	ssyncset.done $0x0  }
0x13b: {  	s2 =	simm.s32 $0x1F00;
	[sflag:s15] =	ssyncadd.s32 $0xFFFFE000  }
0x13c: {  	[tilespmem:s17], [sflag:$0x1] =	stream.indirect.gather [hbm4b:s1+s16], $0x80, s2, s16, $0xb8;
	[tilespmem:$0x1FC00] =	vst v63  }
0x13d: {  	_ =	swait.ge [sflag:s25], $0x2000  }
0x13e: {  	[sflag:s25] =	ssyncset.done $0x0  }
0x13f: {  	s2 =	simm.s32 $0x2880;
	[sflag:s25] =	ssyncadd.s32 $0xFFFFE000  }
0x140: {  	[spmem:s3] =	stream.indirect.scatter.add.f32 [tilespmem:s18], [sflag:$0x5], $0x80, s2, s16, $0xb8;
	[tilespmem:$0x1FC00] =	vst v63  }
0x141: {  	_ =	swait.ge [sflag:s15], $0x2000  }
0x142: {  	[sflag:s15] =	ssyncset.done $0x0  }
0x143: {  	s2 =	simm.s32 $0x1F40;
	[sflag:s15] =	ssyncadd.s32 $0xFFFFE000  }
0x144: {  	[tilespmem:s18], [sflag:$0x2] =	stream.indirect.gather [hbm4b:s1+s16], $0x80, s2, s16, $0xb8;
	[tilespmem:$0x1FC00] =	vst v63  }
0x145: {  	_ =	swait.ge [sflag:s26], $0x2000  }
0x146: {  	[sflag:s26] =	ssyncset.done $0x0  }
0x147: {  	s2 =	simm.s32 $0x2900;
	[sflag:s26] =	ssyncadd.s32 $0xFFFFE000  }
0x148: {  	[spmem:s3] =	stream.indirect.scatter.add.f32 [tilespmem:s19], [sflag:$0x5], $0x80, s2, s16, $0xb8;
	[tilespmem:$0x1FC00] =	vst v63  }
0x149: {  	_ =	swait.ge [sflag:s15], $0x2000  }
0x14a: {  	[sflag:s15] =	ssyncset.done $0x0  }
0x14b: {  	s2 =	simm.s32 $0x1F80;
	[sflag:s15] =	ssyncadd.s32 $0xFFFFE000  }
0x14c: {  	[tilespmem:s19], [sflag:$0x3] =	stream.indirect.gather [hbm4b:s1+s16], $0x80, s2, s16, $0xb8;
	[tilespmem:$0x1FC00] =	vst v63  }
0x14d: {  	_ =	swait.ge [sflag:s28], $0x2000  }
0x14e: {  	[sflag:s28] =	ssyncset.done $0x0  }
0x14f: {  	s2 =	simm.s32 $0x2980;
	[sflag:s28] =	ssyncadd.s32 $0xFFFFE000  }
0x150: {  	[spmem:s3] =	stream.indirect.scatter.add.f32 [tilespmem:s23], [sflag:$0x5], $0x80, s2, s16, $0xb8;
	[tilespmem:$0x1FC00] =	vst v63  }
0x151: {  	s31 =	simm.s32 $0x1000;
	_ =	swait.ge [sflag:s15], $0x2000  }
0x152: {  	s30 =	simm.s32 $0x800;
	s29 =	simm.s32 $0x2080;
	[sflag:s15] =	ssyncset.done $0x0  }
.LBB2_8:
0x153: {  	p0 =	sne.s32 s31, $0x4000;
	s0 =	sadd.s32 $0xFFFFFF40, s29;
	[sflag:s15] =	ssyncadd.s32 $0xFFFFE000  }
0x154: {  	[tilespmem:s23], [sflag:$0x4] =	stream.indirect.gather [hbm4b:s1+s16], $0x80, s0, s16, $0xb8;
	[tilespmem:$0x1FC00] =	vst v63  }
0x155: {  	s0 =	smov.u32 s31;
	s31 =	sadd.s32 $0x800, s31;
	_ =	swait.ge [sflag:s24], $0x2000  }
0x156: {  	s2 =	sshra.s32 s30, $0x2;
	s30 =	smov.u32 s0;
	[sflag:s24] =	ssyncset.done $0x0  }
0x157: {  	s0 =	sadd.s32 $0x2800, s2;
	[sflag:s24] =	ssyncadd.s32 $0xFFFFE000  }
0x158: {  	[spmem:s3] =	stream.indirect.scatter.add.f32 [tilespmem:s17], [sflag:$0x5], $0x80, s0, s16, $0xb8;
	[tilespmem:$0x1FC00] =	vst v63  }
0x159: {  	_ =	swait.ge [sflag:s15], $0x2000  }
0x15a: {  	[sflag:s15] =	ssyncset.done $0x0  }
0x15b: {  	s0 =	sadd.s32 $0xFFFFFF80, s29;
	[sflag:s15] =	ssyncadd.s32 $0xFFFFE000  }
0x15c: {  	[tilespmem:s17], [sflag:$0x1] =	stream.indirect.gather [hbm4b:s1+s16], $0x80, s0, s16, $0xb8;
	[tilespmem:$0x1FC00] =	vst v63  }
0x15d: {  	_ =	swait.ge [sflag:s25], $0x2000  }
0x15e: {  	[sflag:s25] =	ssyncset.done $0x0  }
0x15f: {  	s0 =	sadd.s32 $0x2880, s2;
	[sflag:s25] =	ssyncadd.s32 $0xFFFFE000  }
0x160: {  	[spmem:s3] =	stream.indirect.scatter.add.f32 [tilespmem:s18], [sflag:$0x5], $0x80, s0, s16, $0xb8;
	[tilespmem:$0x1FC00] =	vst v63  }
0x161: {  	_ =	swait.ge [sflag:s15], $0x2000  }
0x162: {  	[sflag:s15] =	ssyncset.done $0x0  }
0x163: {  	s0 =	sadd.s32 $0xFFFFFFC0, s29;
	[sflag:s15] =	ssyncadd.s32 $0xFFFFE000  }
0x164: {  	[tilespmem:s18], [sflag:$0x2] =	stream.indirect.gather [hbm4b:s1+s16], $0x80, s0, s16, $0xb8;
	[tilespmem:$0x1FC00] =	vst v63  }
0x165: {  	_ =	swait.ge [sflag:s26], $0x2000  }
0x166: {  	[sflag:s26] =	ssyncset.done $0x0  }
0x167: {  	s0 =	sadd.s32 $0x2900, s2;
	[sflag:s26] =	ssyncadd.s32 $0xFFFFE000  }
0x168: {  	[spmem:s3] =	stream.indirect.scatter.add.f32 [tilespmem:s19], [sflag:$0x5], $0x80, s0, s16, $0xb8;
	[tilespmem:$0x1FC00] =	vst v63  }
0x169: {  	_ =	swait.ge [sflag:s15], $0x2000  }
0x16a: {  	[sflag:s15] =	ssyncset.done $0x0  }
0x16b: {  	[sflag:s15] =	ssyncadd.s32 $0xFFFFE000  }
0x16c: {  	[tilespmem:s19], [sflag:$0x3] =	stream.indirect.gather [hbm4b:s1+s16], $0x80, s29, s16, $0xb8;
	[tilespmem:$0x1FC00] =	vst v63  }
0x16d: {  	_ =	swait.ge [sflag:s28], $0x2000  }
.Ltmp3:
0x16e: {  	[sflag:s28] =	ssyncset.done $0x0;
	(pc) =	sbr.rel @p0 .LBB2_8-.Ltmp3, $4  }
0x16f: {  	s0 =	sadd.s32 $0x2980, s2;
	[sflag:s28] =	ssyncadd.s32 $0xFFFFE000  }
0x170: {  	[spmem:s3] =	stream.indirect.scatter.add.f32 [tilespmem:s23], [sflag:$0x5], $0x80, s0, s16, $0xb8;
	[tilespmem:$0x1FC00] =	vst v63  }
0x171: {  	_ =	swait.ge [sflag:s15], $0x2000  }
0x172: {  	s29 =	sadd.s32 $0x100, s29;
	[sflag:s15] =	ssyncset.done $0x0  }
0x173: {  	s0 =	sadd.s32 $0xFFFFFF40, s29;
	[sflag:s15] =	ssyncadd.s32 $0xFFFFE000  }
0x174: {  	[tilespmem:s23], [sflag:$0x4] =	stream.indirect.gather [hbm4b:s1+s16], $0x80, s0, s16, $0xb8;
	[tilespmem:$0x1FC00] =	vst v63  }
0x175: {  	_ =	swait.ge [sflag:s24], $0x2000  }
0x176: {  	s0 =	sshra.s32 s30, $0x2;
	[sflag:s24] =	ssyncset.done $0x0  }
0x177: {  	s2 =	sadd.s32 $0x2800, s0;
	[sflag:s24] =	ssyncadd.s32 $0xFFFFE000  }
0x178: {  	[spmem:s3] =	stream.indirect.scatter.add.f32 [tilespmem:s17], [sflag:$0x5], $0x80, s2, s16, $0xb8;
	[tilespmem:$0x1FC00] =	vst v63  }
0x179: {  	_ =	swait.ge [sflag:s15], $0x2000  }
0x17a: {  	[sflag:s15] =	ssyncset.done $0x0  }
0x17b: {  	s31 =	sadd.s32 $0xFFFFFF80, s29;
	[sflag:s15] =	ssyncadd.s32 $0xFFFFE000  }
0x17c: {  	[tilespmem:s17], [sflag:$0x1] =	stream.indirect.gather [hbm4b:s1+s16], $0x80, s31, s16, $0xb8;
	[tilespmem:$0x1FC00] =	vst v63  }
0x17d: {  	_ =	swait.ge [sflag:s25], $0x2000  }
0x17e: {  	[sflag:s25] =	ssyncset.done $0x0  }
0x17f: {  	s30 =	sadd.s32 $0x2880, s0;
	[sflag:s25] =	ssyncadd.s32 $0xFFFFE000  }
0x180: {  	[spmem:s3] =	stream.indirect.scatter.add.f32 [tilespmem:s18], [sflag:$0x5], $0x80, s30, s16, $0xb8;
	[tilespmem:$0x1FC00] =	vst v63  }
0x181: {  	_ =	swait.ge [sflag:s15], $0x2000  }
0x182: {  	[sflag:s15] =	ssyncset.done $0x0  }
0x183: {  	s31 =	sadd.s32 $0xFFFFFFC0, s29;
	[sflag:s15] =	ssyncadd.s32 $0xFFFFE000  }
0x184: {  	[tilespmem:s18], [sflag:$0x2] =	stream.indirect.gather [hbm4b:s1+s16], $0x80, s31, s16, $0xb8;
	[tilespmem:$0x1FC00] =	vst v63  }
0x185: {  	_ =	swait.ge [sflag:s26], $0x2000  }
0x186: {  	[sflag:s26] =	ssyncset.done $0x0  }
0x187: {  	s30 =	sadd.s32 $0x2900, s0;
	[sflag:s26] =	ssyncadd.s32 $0xFFFFE000  }
0x188: {  	[spmem:s3] =	stream.indirect.scatter.add.f32 [tilespmem:s19], [sflag:$0x5], $0x80, s30, s16, $0xb8;
	[tilespmem:$0x1FC00] =	vst v63  }
0x189: {  	_ =	swait.ge [sflag:s15], $0x2000  }
0x18a: {  	[sflag:s15] =	ssyncset.done $0x0  }
0x18b: {  	[sflag:s15] =	ssyncadd.s32 $0xFFFFE000  }
0x18c: {  	[tilespmem:s19], [sflag:$0x3] =	stream.indirect.gather [hbm4b:s1+s16], $0x80, s29, s16, $0xb8;
	[tilespmem:$0x1FC00] =	vst v63  }
0x18d: {  	_ =	swait.ge [sflag:s28], $0x2000  }
0x18e: {  	[sflag:s28] =	ssyncset.done $0x0  }
0x18f: {  	s0 =	sadd.s32 $0x2980, s0;
	[sflag:s28] =	ssyncadd.s32 $0xFFFFE000  }
0x190: {  	[spmem:s3] =	stream.indirect.scatter.add.f32 [tilespmem:s23], [sflag:$0x5], $0x80, s0, s16, $0xb8;
	[tilespmem:$0x1FC00] =	vst v63  }
0x191: {  	_ =	swait.ge [sflag:s15], $0x2000  }
0x192: {  	[sflag:s15] =	ssyncset.done $0x0  }
0x193: {  	s31 =	simm.s32 $0x27C0;
	[sflag:s15] =	ssyncadd.s32 $0xFFFFE000  }
0x194: {  	[tilespmem:s23], [sflag:$0x4] =	stream.indirect.gather [hbm4b:s1+s16], $0x80, s31, s16, $0xb8;
	[tilespmem:$0x1FC00] =	vst v63  }
0x195: {  	_ =	swait.ge [sflag:s24], $0x2000  }
0x196: {  	[sflag:s24] =	ssyncset.done $0x0  }
0x197: {  	s2 =	simm.s32 $0x3A00;
	[sflag:s24] =	ssyncadd.s32 $0xFFFFE000  }
0x198: {  	[spmem:s3] =	stream.indirect.scatter.add.f32 [tilespmem:s17], [sflag:$0x5], $0x80, s2, s16, $0xb8;
	[tilespmem:$0x1FC00] =	vst v63  }
0x199: {  	_ =	swait.ge [sflag:s15], $0x2000  }
0x19a: {  	[sflag:s15] =	ssyncset.done $0x0  }
0x19b: {  	[sflag:s15] =	ssyncadd.s32 $0xFFFFE000  }
0x19c: {  	_ =	swait.ge [sflag:s25], $0x2000  }
0x19d: {  	[sflag:s25] =	ssyncset.done $0x0  }
0x19e: {  	s29 =	simm.s32 $0x3A80;
	[sflag:s25] =	ssyncadd.s32 $0xFFFFE000  }
0x19f: {  	[spmem:s3] =	stream.indirect.scatter.add.f32 [tilespmem:s18], [sflag:$0x5], $0x80, s29, s16, $0xb8;
	[tilespmem:$0x1FC00] =	vst v63  }
0x1a0: {  	_ =	swait.ge [sflag:s15], $0x2000  }
0x1a1: {  	[sflag:s15] =	ssyncset.done $0x0  }
0x1a2: {  	[sflag:s15] =	ssyncadd.s32 $0xFFFFE000  }
0x1a3: {  	_ =	swait.ge [sflag:s26], $0x2000  }
0x1a4: {  	[sflag:s26] =	ssyncset.done $0x0  }
0x1a5: {  	s30 =	simm.s32 $0x3B00;
	[sflag:s26] =	ssyncadd.s32 $0xFFFFE000  }
0x1a6: {  	[spmem:s3] =	stream.indirect.scatter.add.f32 [tilespmem:s19], [sflag:$0x5], $0x80, s30, s16, $0xb8;
	[tilespmem:$0x1FC00] =	vst v63  }
0x1a7: {  	_ =	swait.ge [sflag:s15], $0x2000  }
0x1a8: {  	[sflag:s15] =	ssyncset.done $0x0  }
0x1a9: {  	[sflag:s15] =	ssyncadd.s32 $0xFFFFE000  }
0x1aa: {  	_ =	swait.ge [sflag:s28], $0x2000  }
0x1ab: {  	[sflag:s28] =	ssyncset.done $0x0  }
0x1ac: {  	s31 =	simm.s32 $0x3B80;
	[sflag:s28] =	ssyncadd.s32 $0xFFFFE000  }
0x1ad: {  	[spmem:s3] =	stream.indirect.scatter.add.f32 [tilespmem:s23], [sflag:$0x5], $0x80, s31, s16, $0xb8;
	[tilespmem:$0x1FC00] =	vst v63  }
0x1ae: {  	_ =	swait.ge [sflag:s15], $0x2000  }
0x1af: {  	s14 =	sadd.s32 $0x1, s14;
	[sflag:s15] =	ssyncset.done $0x0  }
0x1b0: {  	p0 =	sne.s32 s14, s12;
	[sflag:s15] =	ssyncadd.s32 $0xFFFFE000  }
.Ltmp4:
0x1b1: {  	[bflag:$0x0] =	sbarrier.arrive $0xFFFF;
	(pc) =	sbr.rel @p0 .LBB2_1-.Ltmp4, $4  }
0x1b2: {  	[hbm:s11], [sflag:s20] =	dma.local [spmem:s21], $0x2800  }
0x1b3: {  	_ =	swait.ge [sflag:s15], $0x2800  }
0x1b4: {  	[sflag:s15] =	ssyncset.done $0x0  }
0x1b5: {  	[sflag:s15] =	ssyncadd.s32 $0xFFFFD800  }
0x1b6: {  	_ =	sfence.sel $0x180000  }
0x1b7: {  	[bflag:$0x0] =	sbarrier.arrive $0xFFFF  }
0x1b8: {  	_ =	strace $0x9000004A  }
0x1b9: {  	s0 =	stileid.u32;
	[bflag:$0x2] =	sbarrier.arrive $0xFFFF  }
0x1ba: {  	p0 =	sne.s32 s0, $0x0;
	s0 =	rddreg [dreg:$0x3]  }
0x1bb: {  	s0 =	sadd.s32 @!p0 $0x100000, s0  }
0x1bc: {  	[sflag:s0] =	ssyncadd.tile.s32 @!p0 $0x1;
	_ =	shalt  }
.Lfunc_end2:
_tile_overlayer_lowered:
.L_overlay_start_2:
0x1bd: {  	(tag) =	ssettag $0x2  }
0x1be: {  	s0 =	rddreg [dreg:$0x0];
	s2 =	stileid.u32  }
0x1bf: {  	s1 =	rddreg [dreg:$0x1];
	p0 =	sne.s32 s2, $0x0  }
0x1c0: {  	s3 =	rddreg [dreg:$0x2];
	[bflag:$0x3] =	sbarrier.arrive $0xFFFF;
	s2 =	simm.s32 @!p0 $0x1C05  }
0x1c1: {  	[timem:s3], [sflag:s2] =	dma.local @!p0 [hbm:s0], s1  }
0x1c2: {  	s0 =	simm.s32 @!p0 $0x5  }
0x1c3: {  	_ =	swait.ge @!p0 [sflag:s0], s1  }
0x1c4: {  	s1 =	ssub.s32 @!p0 $0x0, s1;
	[sflag:s0] =	ssyncset.done @!p0 $0x0  }
0x1c5: {  	[sflag:s0] =	ssyncadd.s32 @!p0 s1  }
0x1c6: {  	[bflag:$0x3] =	sbarrier.arrive $0xFFFF  }
0x1c7: {  	_ =	shalt  }

// kernel: kernel.15.cloned.1.call-start
scs
__scs_entry_jumppad:
0x0: {  	(pc) =	sbr.rel $0x88, $3  }
0x1: {  	(tag) =	ssettag $0x0;
	lr =	simm.s32 $0x1  }
0x2: {  	[smem:$0x3F9A] =	sst lr;
	_ =	strace $0xD0000000  }
0x3: {  	_ = 	snop  }
0x4: {  	_ = 	snop  }
0x5: {  	_ = 	snop  }
0x6: {  	_ = 	snop  }
0x7: {  	_ = 	snop  }
__scs_overlays_trampoline_lowered:
0x8: {  	[smem:$0x3FA9] =	sst s0  }
0x9: {  	[smem:$0x3FAA] =	sst s1  }
0xa: {  	[smem:$0x3FAB] =	sst s2  }
0xb: {  	[smem:$0x3FAC] =	sst s3  }
0xc: {  	[smem:$0x3FAD] =	sst s4  }
0xd: {  	[smem:$0x3FAE] =	sst s5  }
0xe: {  	[smem:$0x3FAF] =	sst s6  }
0xf: {  	[smem:$0x3FB0] =	sst s7  }
0x10: {  	[smem:$0x3FB1] =	sst s8  }
0x11: {  	[smem:$0x3FB2] =	sst s9;
	s0 =	simm.s32 @!p0 $0x0  }
0x12: {  	s1 =	sld [smem:$0x3F98];
	s0 =	simm.s32 @p0 $0x1  }
0x13: {  	[smem:$0x3FB3] =	sst s0;
	s0 =	simm.s32 @!p1 $0x0  }
0x14: {  	s2 =	sld [smem:$0x3F97];
	s0 =	simm.s32 @p1 $0x1  }
0x15: {  	[smem:$0x3FB4] =	sst s0;
	s0 =	simm.s32 @!p2 $0x0  }
0x16: {  	s3 =	sld [smem:$0x3FDB];
	s0 =	simm.s32 @p2 $0x1  }
0x17: {  	s4 =	simm.s32 $0x1BF5;
	[smem:$0x3FB6] =	sst s0  }
0x18: {  	s0 =	sld [smem:$0x3F99];
	_ =	swait.ge [sflag:s4], $0x0  }
0x19: {  	s7 =	sld [smem:$0x3F9A]  }
0x1a: {  	s8 =	sadd.s32 $0xFFFFE003, lr  }
0x1b: {  	s9 =	sadd.s32 $0xFFFFFEF7, lr;
	s5 =	simm.s32 $0xFFFFFFFF;
	p2 =	slt.u32 s8, $0xFFFFF086  }
0x1c: {  	p1 =	slt.u32 s9, $0xF7A;
	s5 =	simm.s32 @!p2 $0x0  }
0x1d: {  	s5 =	simm.s32 @p1 $0x1;
	p0 =	seq.s32 s7, s2  }
0x1e: {  	s7 =	smul.u32 @!p0 $0xF7A, s2;
	p2 =	seq.s32 @!p0 s5, $0x0  }
0x1f: {  	s9 =	smul.u32 $0xF7A, s1;
	s8 =	simm.s32 @!p0 $0x1BF5;
	p2 =	por !p2, p0  }
0x20: {  	[sflag:s8] =	ssyncset.s32 @!p0 $0xFFFFF086;
	s6 =	sadd.s32 @!p0 s3, s7;
	s7 =	simm.s32 @!p0 $0x108  }
0x21: {  	s3 =	sadd.s32 s3, s9;
	s6 =	sadd.s32 @!p0 $0x88, s6;
	s7 =	simm.s32 @p2 $0x1082  }
0x22: {  	[simem:s7], [sflag:s8] =	dma.local @!p0 [hbm:s6], $0xF7A  }
0x23: {  	s9 =	sor.u32 $0xD0000000, s2;
	s6 =	simm.s32 $0x108;
	_ =	swait.ge @!p0 [sflag:s8], $0x0  }
0x24: {  	s3 =	sadd.s32 $0x88, s3;
	s6 =	simm.s32 @!p1 $0x1082;
	[sflag:s4] =	ssyncset.s32 $0xFFFFF086  }
0x25: {  	[simem:s6], [sflag:s4] =	dma.local [hbm:s3], $0xF7A  }
0x26: {  	[smem:$0x3F9A] =	sst s1;
	(tag) =	ssettag s2;
	_ =	strace s9  }
0x27: {  	s1 =	sld [smem:$0x3FAA]  }
0x28: {  	s2 =	sld [smem:$0x3FAB]  }
0x29: {  	s4 =	sld [smem:$0x3FAD]  }
0x2a: {  	p0 =	seq.s32 s5, $0x0;
	s5 =	sld [smem:$0x3FAE]  }
0x2b: {  	s6 =	sld [smem:$0x3FAF]  }
0x2c: {  	s7 =	sld [smem:$0x3FB0]  }
0x2d: {  	s3 =	simm.s32 $0x108;
	s8 =	sld [smem:$0x3FB1]  }
0x2e: {  	s3 =	simm.s32 @!p0 $0x1082;
	s9 =	sld [smem:$0x3FB2]  }
0x2f: {  	lr =	sadd.s32 s0, s3;
	s0 =	sld [smem:$0x3FA9]  }
0x30: {  	s3 =	sld [smem:$0x3FAC]  }
0x31: {  	[smem:$0x3FB5] =	sst s10  }
0x32: {  	s10 =	sld [smem:$0x3FB3];
	_ =	sdelay $0x3  }
0x33: {  	p0 =	seq.s32 s10, $0x1;
	s10 =	sld [smem:$0x3FB5];
	_ =	sdelay $0x3  }
0x34: {  	[smem:$0x3FB5] =	sst s10  }
0x35: {  	s10 =	sld [smem:$0x3FB4];
	_ =	sdelay $0x3  }
0x36: {  	p1 =	seq.s32 s10, $0x1;
	s10 =	sld [smem:$0x3FB5];
	_ =	sdelay $0x3  }
0x37: {  	[smem:$0x3FB5] =	sst s10  }
0x38: {  	s10 =	sld [smem:$0x3FB6]  }
0x39: {  	_ = 	snop;
	(pc) =	sbr.ind lr, $3  }
0x3a: {  	_ = 	snop  }
0x3b: {  	_ = 	snop  }
0x3c: {  	p2 =	seq.s32 s10, $0x1;
	s10 =	sld [smem:$0x3FB5]  }
0x3d: {  	_ =	shalt  }
0x3e: {  	_ =	shalt  }
0x3f: {  	_ =	shalt  }
0x40: {  	_ =	shalt  }
0x41: {  	_ =	shalt  }
0x42: {  	_ =	shalt  }
0x43: {  	_ =	shalt  }
0x44: {  	_ =	shalt  }
0x45: {  	_ =	shalt  }
0x46: {  	_ =	shalt  }
0x47: {  	_ =	shalt  }
0x48: {  	_ =	shalt  }
0x49: {  	_ =	shalt  }
0x4a: {  	_ =	shalt  }
0x4b: {  	_ =	shalt  }
0x4c: {  	_ =	shalt  }
0x4d: {  	_ =	shalt  }
0x4e: {  	_ =	shalt  }
0x4f: {  	_ =	shalt  }
0x50: {  	_ =	shalt  }
0x51: {  	_ =	shalt  }
0x52: {  	_ =	shalt  }
0x53: {  	_ =	shalt  }
0x54: {  	_ =	shalt  }
0x55: {  	_ =	shalt  }
0x56: {  	_ =	shalt  }
0x57: {  	_ =	shalt  }
0x58: {  	_ =	shalt  }
0x59: {  	_ =	shalt  }
0x5a: {  	_ =	shalt  }
0x5b: {  	_ =	shalt  }
0x5c: {  	_ =	shalt  }
0x5d: {  	_ =	shalt  }
0x5e: {  	_ =	shalt  }
0x5f: {  	_ =	shalt  }
0x60: {  	_ =	shalt  }
0x61: {  	_ =	shalt  }
0x62: {  	_ =	shalt  }
0x63: {  	_ =	shalt  }
0x64: {  	_ =	shalt  }
0x65: {  	_ =	shalt  }
0x66: {  	_ =	shalt  }
0x67: {  	_ =	shalt  }
0x68: {  	_ =	shalt  }
0x69: {  	_ =	shalt  }
0x6a: {  	_ =	shalt  }
0x6b: {  	_ =	shalt  }
0x6c: {  	_ =	shalt  }
0x6d: {  	_ =	shalt  }
0x6e: {  	_ =	shalt  }
0x6f: {  	_ =	shalt  }
0x70: {  	_ =	shalt  }
0x71: {  	_ =	shalt  }
0x72: {  	_ =	shalt  }
0x73: {  	_ =	shalt  }
0x74: {  	_ =	shalt  }
0x75: {  	_ =	shalt  }
0x76: {  	_ =	shalt  }
0x77: {  	_ =	shalt  }
0x78: {  	_ =	shalt  }
0x79: {  	_ =	shalt  }
0x7a: {  	_ =	shalt  }
0x7b: {  	_ =	shalt  }
0x7c: {  	_ =	shalt  }
0x7d: {  	_ =	shalt  }
0x7e: {  	_ =	shalt  }
0x7f: {  	_ =	shalt  }
0x80: {  	_ =	shalt  }
0x81: {  	_ =	shalt  }
0x82: {  	_ =	shalt  }
0x83: {  	_ =	shalt  }
0x84: {  	_ =	shalt  }
0x85: {  	_ =	shalt  }
0x86: {  	_ =	shalt  }
0x87: {  	_ =	shalt  }
.Lfunc_end0:
.L_simem_size_0:
called_computation.2_lowered:
.L_overlay_start_0:
0x88: {  	s2 =	sld [smem:$0x3FD9]  }
0x89: {  	s3 =	sld [smem:$0x3FFE];
	_ =	sdelay $0x1  }
0x8a: {  	s1 =	srdreg.scid  }
0x8b: {  	s0 =	sand.u32 $0x1, s1  }
0x8c: {  	s17 =	sshll.u32 s0, $0xA;
	s2 =	sadd.s32 s3, s2  }
0x8d: {  	s2 =	sadd.s32 s2, s17  }
0x8e: {  	[smem:$0x3FC1] =	sst s2  }
0x8f: {  	_ = 	snop  }
0x90: {  	s2 =	sld [smem:$0x3FD0];
	(tm) =	ssettm $0x1  }
0x91: {  	s18 =	sld [smem:$0x3FFB];
	_ =	sdelay $0x3  }
0x92: {  	_ =	strace s18  }
0x93: {  	s3 =	sld [smem:$0x3FFC];
	_ =	sdelay $0x3  }
0x94: {  	_ =	strace s3  }
0x95: {  	s3 =	sld [smem:$0x3FFD];
	_ =	sdelay $0x3  }
0x96: {  	_ =	strace s3  }
0x97: {  	_ =	strace $0x8FFFFFFF  }
0x98: {  	s19 =	sld [smem:$0x3FDB];
	_ =	sdelay $0x1  }
0x99: {  	s4 =	simm.s32 $_scs_section_size  }
0x9a: {  	s5 =	simm.s32 $_size__tile_overlayer_lowered;
	s6 =	simm.s32 $_tile_overlayer_lowered  }
0x9b: {  	s22 =	simm.s32 $0x1BFF;
	s21 =	sshll.u32 s6, $0x1;
	s3 =	sadd.s32 s4, s19  }
0x9c: {  	s7 =	simm.s32 $0x0;
	s20 =	sshll.u32 s5, $0x1;
	s5 =	sadd.s32 s21, s3  }
0x9d: {  	[timem:s7], [sflag:s22] =	dma.local [hbm:s5], s20  }
0x9e: {  	_ =	swait.ge [sflag:s22], s20  }
0x9f: {  	s4 =	ssub.s32 $0x0, s20;
	[sflag:s22] =	ssyncset.done $0x0  }
0xa0: {  	[sflag:s22] =	ssyncadd.s32 s4;
	_ =	sdelay $0x1  }
0xa1: {  	s23 =	simm.s32 $0x1B8B  }
0xa2: {  	_ =	swait.ge [sflag:s23], $0x1  }
0xa3: {  	[sflag:s23] =	ssyncset.done $0x0  }
0xa4: {  	s25 =	simm.s32 $0x1B8E;
	s24 =	sld [smem:$0x3FFE];
	[sflag:s23] =	ssyncadd.s32 $0xFFFFFFFF  }
0xa5: {  	s26 =	simm.s32 $execute0_lowered;
	[smem:$0x3FD2] =	sst s25  }
0xa6: {  	s5 =	sshll.u32 s26, $0x1;
	_ =	strace $0x8000004C;
	[dreg:$0x1] =	wrdreg $0xFFFFFFFF  }
0xa7: {  	s28 =	simm.s32 $_size_execute0_lowered;
	s3 =	sadd.s32 s3, s5;
	[dreg:$0x0] =	wrdreg $0x0  }
0xa8: {  	s5 =	sshll.u32 s28, $0x1;
	[dreg:$0x2] =	wrdreg s3  }
0xa9: {  	[dreg:$0x3] =	wrdreg s5  }
0xaa: {  	[dreg:$0x4] =	wrdreg $0xC0  }
0xab: {  	_ =	task [dreg:s7], $0x5FFFF  }
0xac: {  	[dreg:$0x1] =	wrdreg $0xFFFFFFFF  }
0xad: {  	[dreg:$0x0] =	wrdreg $0x60  }
0xae: {  	[dreg:$0x2] =	wrdreg s2  }
0xaf: {  	[dreg:$0x3] =	wrdreg s24  }
0xb0: {  	[dreg:$0x4] =	wrdreg $0xBC000  }
0xb1: {  	[dreg:$0x5] =	wrdreg $0x9  }
0xb2: {  	_ =	task.clear_ibuf [dreg:s7], $0x6FFFF;
	_ =	strace $0x9000004C  }
0xb3: {  	s29 =	simm.s32 $0x9;
	_ =	strace $0x8000004E  }
0xb4: {  	_ =	swait.ge [sflag:s29], $0x1  }
0xb5: {  	[sflag:s29] =	ssyncadd.s32 $0xFFFFFFFF  }
0xb6: {  	_ =	strace $0x9000004E  }
0xb7: {  	_ =	sfence  }
0xb8: {  	s30 =	sld [smem:$0x0];
	_ =	sdelay $0x2  }
0xb9: {  	s31 =	sshll.u32 s1, $0xD;
	s1 =	sshrl.u32 s1, $0x2  }
0xba: {  	s3 =	sand.u32 $0x4000, s31;
	s1 =	sadd.s32 s1, s30  }
0xbb: {  	s0 =	sor.u32 s3, s0;
	s1 =	sshll.u32 s1, $0x11  }
0xbc: {  	s0 =	sor.u32 s1, s0  }
0xbd: {  	s0 =	sadd.s32 $0x8F2B, s0  }
0xbe: {  	[sflag:s0] =	ssyncadd.remote.s32 $0x1  }
0xbf: {  	_ =	sfence.sel $0xFFFF  }
0xc0: {  	[dreg:$0x0] =	wrdreg $0xFFFFFFFF;
	(pc) =	sbr.abs _section_cstart, $3  }
0xc1: {  	[dreg:$0x1] =	wrdreg $0xFFFFFFFF  }
0xc2: {  	_ =	task.clear_ibuf [dreg:s7], $0x2FFFF;
	_ =	strace $0x9FFFFFFF  }
0xc3: {  	(tm) =	ssettm $0x7FFFFFFF  }
tec
execute0_lowered:
.L_overlay_start_1:
0x0: {  	(tag) =	ssettag $0x1  }
0x1: {  	s0 =	srdreg.scid;
	s1 =	rddreg [dreg:$0x0]  }
0x2: {  	s19 =	stileid.u32;
	s5 =	rddreg [dreg:$0x1]  }
0x3: {  	s3 =	rddreg [dreg:$0x2];
	s13 =	simm.s32 $0x80;
	s15 =	simm.s32 $0x5  }
0x4: {  	s16 =	simm.s32 $0x40;
	s17 =	simm.s32 $0x3C00;
	s18 =	simm.s32 $0x5C00  }
0x5: {  	s22 =	simm.s32 $0x2800;
	s23 =	simm.s32 $0x9C00;
	s28 =	simm.s32 $0x4  }
0x6: {  	s0 =	sand.u32 $0x1, s0;
	s2 =	sshll.u32 s19, $0x1;
	s25 =	smul.u32 $0x14000, s19  }
0x7: {  	s4 =	sshrl.u32 s19, $0x2;
	s26 =	smul.u32 $0x50000, s19;
	s31 =	sshll.u32 s19, $0x6  }
0x8: {  	s19 =	simm.s32 $0x7C00;
	s2 =	sor.u32 s0, s2;
	s6 =	smul.u32 $0x14000, s4  }
0x9: {  	s4 =	simm.s32 $0x0;
	s8 =	smul.u32 $0x140000, s0;
	s0 =	ssub.s32 $0x2, s0  }
0xa: {  	s20 =	sor.u32 $0x1C05, s31;
	s24 =	sshll.u32 s2, $0x7;
	s2 =	smul.u32 $0x5000, s2  }
0xb: {  	[smem:$0x7FF] =	sst s4;
	s9 =	sshrl.u32 s25, $0x3;
	s29 =	sshrl.u32 s0, $0x1  }
0xc: {  	s30 =	sshrl.u32 s26, $0x2;
	s26 =	simm.s32 $0x3;
	s7 =	sand.u32 $0x380, s24  }
0xd: {  	_ =	strace $0x8000004D;
	s9 =	sadd.s32 s9, s5;
	s0 =	ssub.s32 s0, s29  }
0xe: {  	s14 =	sadd.s32 s30, s3;
	s24 =	simm.s32 $0x1;
	s6 =	sor.u32 s6, s7  }
0xf: {  	s2 =	sshrl.u32 s2, $0x3;
	s7 =	sadd.s32 s25, s8;
	s12 =	smax.u32 s0, $0x1  }
0x10: {  	s21 =	sshrl.u32 s14, $0x3;
	s25 =	simm.s32 $0x2;
	s14 =	simm.s32 $0x0  }
0x11: {  	s6 =	sshrl.u32 s6, $0x3;
	s2 =	sadd.s32 s2, s5;
	s7 =	sshrl.u32 s7, $0x3  }
0x12: {  	s6 =	sadd.s32 s6, s5;
	s11 =	sadd.s32 s7, s5;
	s7 =	sadd.s32 $0xC800, s2  }
0x13: {  	s8 =	sadd.s32 $0xCA80, s2;
	s10 =	sadd.s32 $0xCF80, s2;
	s5 =	sadd.s32 $0x2800, s6  }
0x14: {  	s6 =	sadd.s32 $0x20800, s9;
	s9 =	sadd.s32 $0xCD00, s2;
	s11 =	sadd.s32 $0x48800, s11  }
.LBB2_1:
0x15: {  	s0 =	simm.s32 $0x400  }
0x16: {  	[tilespmem:s4], [sflag:$0x5] =	stream.strided.gather [hbm4b:s5+s13], $0x2800, s0, s13, $0x38;
	[tilespmem:$0x1FC00] =	vst v63  }
0x17: {  	_ =	swait.ge [sflag:s15], $0x2800  }
0x18: {  	[sflag:s15] =	ssyncset.done $0x0  }
0x19: {  	[sflag:s15] =	ssyncadd.s32 $0xFFFFD800  }
0x1a: {  	[tilespmem:s17], [sflag:$0x1] =	stream.indirect.gather [hbm4b:s1+s16], $0x80, s4, s16, $0xb8;
	[tilespmem:$0x1FC00] =	vst v63  }
0x1b: {  	_ = 	snop  }
0x1c: {  	[tilespmem:s18], [sflag:$0x2] =	stream.indirect.gather [hbm4b:s1+s16], $0x80, s16, s16, $0xb8;
	[tilespmem:$0x1FC00] =	vst v63  }
0x1d: {  	_ = 	snop  }
0x1e: {  	[tilespmem:s19], [sflag:$0x3] =	stream.indirect.gather [hbm4b:s1+s16], $0x80, s13, s16, $0xb8;
	[tilespmem:$0x1FC00] =	vst v63  }
0x1f: {  	[spmem:s21], [sflag:s20] =	dma.local [hbm:s6], $0x2800  }
0x20: {  	_ =	swait.ge [sflag:s15], $0x2800  }
0x21: {  	[sflag:s15] =	ssyncset.done $0x0  }
0x22: {  	[sflag:s15] =	ssyncadd.s32 $0xFFFFD800  }
0x23: {  	[bflag:$0x0] =	sbarrier.arrive $0xFFFF  }
0x24: {  	[tilespmem:s22], [sflag:$0x5] =	stream.linear.gather [hbm4b:s7+s4], $0x1400, $0x38;
	[tilespmem:$0x1FC00] =	vst v63  }
0x25: {  	_ =	swait.ge [sflag:s15], $0x1400  }
0x26: {  	[sflag:s15] =	ssyncset.done $0x0  }
0x27: {  	s29 =	simm.s32 $0xC0;
	[sflag:s15] =	ssyncadd.s32 $0xFFFFEC00  }
0x28: {  	[tilespmem:s23], [sflag:$0x4] =	stream.indirect.gather [hbm4b:s1+s16], $0x80, s29, s16, $0xb8;
	[tilespmem:$0x1FC00] =	vst v63  }
0x29: {  	_ =	swait.ge [sflag:s24], $0x2000  }
0x2a: {  	[sflag:s24] =	ssyncset.done $0x0  }
0x2b: {  	s30 =	simm.s32 $0x2800;
	[sflag:s24] =	ssyncadd.s32 $0xFFFFE000  }
0x2c: {  	[spmem:s3] =	stream.indirect.scatter.add.f32 [tilespmem:s17], [sflag:$0x5], $0x80, s30, s16, $0xb8;
	[tilespmem:$0x1FC00] =	vst v63  }
0x2d: {  	_ =	swait.ge [sflag:s15], $0x2000  }
0x2e: {  	[sflag:s15] =	ssyncset.done $0x0  }
0x2f: {  	s30 =	simm.s32 $0x100;
	[sflag:s15] =	ssyncadd.s32 $0xFFFFE000  }
0x30: {  	[tilespmem:s17], [sflag:$0x1] =	stream.indirect.gather [hbm4b:s1+s16], $0x80, s30, s16, $0xb8;
	[tilespmem:$0x1FC00] =	vst v63  }
0x31: {  	_ =	swait.ge [sflag:s25], $0x2000  }
0x32: {  	[sflag:s25] =	ssyncset.done $0x0  }
0x33: {  	s30 =	simm.s32 $0x2880;
	[sflag:s25] =	ssyncadd.s32 $0xFFFFE000  }
0x34: {  	[spmem:s3] =	stream.indirect.scatter.add.f32 [tilespmem:s18], [sflag:$0x5], $0x80, s30, s16, $0xb8;
	[tilespmem:$0x1FC00] =	vst v63  }
0x35: {  	_ =	swait.ge [sflag:s15], $0x2000  }
0x36: {  	[sflag:s15] =	ssyncset.done $0x0  }
0x37: {  	s30 =	simm.s32 $0x140;
	[sflag:s15] =	ssyncadd.s32 $0xFFFFE000  }
0x38: {  	[tilespmem:s18], [sflag:$0x2] =	stream.indirect.gather [hbm4b:s1+s16], $0x80, s30, s16, $0xb8;
	[tilespmem:$0x1FC00] =	vst v63  }
0x39: {  	_ =	swait.ge [sflag:s26], $0x2000  }
0x3a: {  	[sflag:s26] =	ssyncset.done $0x0  }
0x3b: {  	s30 =	simm.s32 $0x2900;
	[sflag:s26] =	ssyncadd.s32 $0xFFFFE000  }
0x3c: {  	[spmem:s3] =	stream.indirect.scatter.add.f32 [tilespmem:s19], [sflag:$0x5], $0x80, s30, s16, $0xb8;
	[tilespmem:$0x1FC00] =	vst v63  }
0x3d: {  	_ =	swait.ge [sflag:s15], $0x2000  }
0x3e: {  	[sflag:s15] =	ssyncset.done $0x0  }
0x3f: {  	s30 =	simm.s32 $0x180;
	[sflag:s15] =	ssyncadd.s32 $0xFFFFE000  }
0x40: {  	[tilespmem:s19], [sflag:$0x3] =	stream.indirect.gather [hbm4b:s1+s16], $0x80, s30, s16, $0xb8;
	[tilespmem:$0x1FC00] =	vst v63  }
0x41: {  	_ =	swait.ge [sflag:s28], $0x2000  }
0x42: {  	[sflag:s28] =	ssyncset.done $0x0  }
0x43: {  	s30 =	simm.s32 $0x2980;
	[sflag:s28] =	ssyncadd.s32 $0xFFFFE000  }
0x44: {  	[spmem:s3] =	stream.indirect.scatter.add.f32 [tilespmem:s23], [sflag:$0x5], $0x80, s30, s16, $0xb8;
	[tilespmem:$0x1FC00] =	vst v63  }
0x45: {  	_ =	swait.ge [sflag:s15], $0x2000  }
0x46: {  	s30 =	simm.s32 $0x800;
	[sflag:s15] =	ssyncset.done $0x0  }
.LBB2_2:
0x47: {  	p0 =	sne.s32 s30, $0x4800;
	[sflag:s15] =	ssyncadd.s32 $0xFFFFE000;
	s29 =	sadd.s32 $0x100, s29  }
0x48: {  	[tilespmem:s23], [sflag:$0x4] =	stream.indirect.gather [hbm4b:s1+s16], $0x80, s29, s16, $0xb8;
	[tilespmem:$0x1FC00] =	vst v63  }
0x49: {  	s31 =	smov.u32 s30;
	s30 =	sadd.s32 $0x800, s30;
	_ =	swait.ge [sflag:s24], $0x2000  }
0x4a: {  	s31 =	sshra.s32 s31, $0x2;
	[sflag:s24] =	ssyncset.done $0x0  }
0x4b: {  	s2 =	sadd.s32 $0x2800, s31;
	[sflag:s24] =	ssyncadd.s32 $0xFFFFE000  }
0x4c: {  	[spmem:s3] =	stream.indirect.scatter.add.f32 [tilespmem:s17], [sflag:$0x5], $0x80, s2, s16, $0xb8;
	[tilespmem:$0x1FC00] =	vst v63  }
0x4d: {  	_ =	swait.ge [sflag:s15], $0x2000  }
0x4e: {  	[sflag:s15] =	ssyncset.done $0x0  }
0x4f: {  	s2 =	sadd.s32 $0x40, s29;
	[sflag:s15] =	ssyncadd.s32 $0xFFFFE000  }
0x50: {  	[tilespmem:s17], [sflag:$0x1] =	stream.indirect.gather [hbm4b:s1+s16], $0x80, s2, s16, $0xb8;
	[tilespmem:$0x1FC00] =	vst v63  }
0x51: {  	_ =	swait.ge [sflag:s25], $0x2000  }
0x52: {  	[sflag:s25] =	ssyncset.done $0x0  }
0x53: {  	s2 =	sadd.s32 $0x2880, s31;
	[sflag:s25] =	ssyncadd.s32 $0xFFFFE000  }
0x54: {  	[spmem:s3] =	stream.indirect.scatter.add.f32 [tilespmem:s18], [sflag:$0x5], $0x80, s2, s16, $0xb8;
	[tilespmem:$0x1FC00] =	vst v63  }
0x55: {  	_ =	swait.ge [sflag:s15], $0x2000  }
0x56: {  	[sflag:s15] =	ssyncset.done $0x0  }
0x57: {  	s2 =	sadd.s32 $0x80, s29;
	[sflag:s15] =	ssyncadd.s32 $0xFFFFE000  }
0x58: {  	[tilespmem:s18], [sflag:$0x2] =	stream.indirect.gather [hbm4b:s1+s16], $0x80, s2, s16, $0xb8;
	[tilespmem:$0x1FC00] =	vst v63  }
0x59: {  	_ =	swait.ge [sflag:s26], $0x2000  }
0x5a: {  	[sflag:s26] =	ssyncset.done $0x0  }
0x5b: {  	s2 =	sadd.s32 $0x2900, s31;
	[sflag:s26] =	ssyncadd.s32 $0xFFFFE000  }
0x5c: {  	[spmem:s3] =	stream.indirect.scatter.add.f32 [tilespmem:s19], [sflag:$0x5], $0x80, s2, s16, $0xb8;
	[tilespmem:$0x1FC00] =	vst v63  }
0x5d: {  	_ =	swait.ge [sflag:s15], $0x2000  }
0x5e: {  	[sflag:s15] =	ssyncset.done $0x0  }
0x5f: {  	s2 =	sadd.s32 $0xC0, s29;
	[sflag:s15] =	ssyncadd.s32 $0xFFFFE000  }
0x60: {  	[tilespmem:s19], [sflag:$0x3] =	stream.indirect.gather [hbm4b:s1+s16], $0x80, s2, s16, $0xb8;
	[tilespmem:$0x1FC00] =	vst v63  }
0x61: {  	_ =	swait.ge [sflag:s28], $0x2000  }
.Ltmp0:
0x62: {  	[sflag:s28] =	ssyncset.done $0x0;
	(pc) =	sbr.rel @p0 .LBB2_2-.Ltmp0, $4  }
0x63: {  	s2 =	sadd.s32 $0x2980, s31;
	[sflag:s28] =	ssyncadd.s32 $0xFFFFE000  }
0x64: {  	[spmem:s3] =	stream.indirect.scatter.add.f32 [tilespmem:s23], [sflag:$0x5], $0x80, s2, s16, $0xb8;
	[tilespmem:$0x1FC00] =	vst v63  }
0x65: {  	_ =	swait.ge [sflag:s15], $0x2000  }
0x66: {  	[sflag:s15] =	ssyncset.done $0x0  }
0x67: {  	[sflag:s15] =	ssyncadd.s32 $0xFFFFE000;
	s2 =	simm.s32 $0x0  }
0x68: {  	[tilespmem:s22], [sflag:$0x5] =	stream.linear.gather [hbm4b:s8+s2], $0x1400, $0x38;
	[tilespmem:$0x1FC00] =	vst v63  }
0x69: {  	_ =	swait.ge [sflag:s15], $0x1400  }
0x6a: {  	[sflag:s15] =	ssyncset.done $0x0  }
0x6b: {  	s0 =	simm.s32 $0xAC0;
	[sflag:s15] =	ssyncadd.s32 $0xFFFFEC00  }
0x6c: {  	[tilespmem:s23], [sflag:$0x4] =	stream.indirect.gather [hbm4b:s1+s16], $0x80, s0, s16, $0xb8;
	[tilespmem:$0x1FC00] =	vst v63  }
0x6d: {  	_ =	swait.ge [sflag:s24], $0x2000  }
0x6e: {  	[sflag:s24] =	ssyncset.done $0x0  }
0x6f: {  	s0 =	simm.s32 $0x2800;
	[sflag:s24] =	ssyncadd.s32 $0xFFFFE000  }
0x70: {  	[spmem:s3] =	stream.indirect.scatter.add.f32 [tilespmem:s17], [sflag:$0x5], $0x80, s0, s16, $0xb8;
	[tilespmem:$0x1FC00] =	vst v63  }
0x71: {  	_ =	swait.ge [sflag:s15], $0x2000  }
0x72: {  	[sflag:s15] =	ssyncset.done $0x0  }
0x73: {  	s0 =	simm.s32 $0xB00;
	[sflag:s15] =	ssyncadd.s32 $0xFFFFE000  }
0x74: {  	[tilespmem:s17], [sflag:$0x1] =	stream.indirect.gather [hbm4b:s1+s16], $0x80, s0, s16, $0xb8;
	[tilespmem:$0x1FC00] =	vst v63  }
0x75: {  	_ =	swait.ge [sflag:s25], $0x2000  }
0x76: {  	[sflag:s25] =	ssyncset.done $0x0  }
0x77: {  	s0 =	simm.s32 $0x2880;
	[sflag:s25] =	ssyncadd.s32 $0xFFFFE000  }
0x78: {  	[spmem:s3] =	stream.indirect.scatter.add.f32 [tilespmem:s18], [sflag:$0x5], $0x80, s0, s16, $0xb8;
	[tilespmem:$0x1FC00] =	vst v63  }
0x79: {  	_ =	swait.ge [sflag:s15], $0x2000  }
0x7a: {  	[sflag:s15] =	ssyncset.done $0x0  }
0x7b: {  	s0 =	simm.s32 $0xB40;
	[sflag:s15] =	ssyncadd.s32 $0xFFFFE000  }
0x7c: {  	[tilespmem:s18], [sflag:$0x2] =	stream.indirect.gather [hbm4b:s1+s16], $0x80, s0, s16, $0xb8;
	[tilespmem:$0x1FC00] =	vst v63  }
0x7d: {  	_ =	swait.ge [sflag:s26], $0x2000  }
0x7e: {  	[sflag:s26] =	ssyncset.done $0x0  }
0x7f: {  	s0 =	simm.s32 $0x2900;
	[sflag:s26] =	ssyncadd.s32 $0xFFFFE000  }
0x80: {  	[spmem:s3] =	stream.indirect.scatter.add.f32 [tilespmem:s19], [sflag:$0x5], $0x80, s0, s16, $0xb8;
	[tilespmem:$0x1FC00] =	vst v63  }
0x81: {  	_ =	swait.ge [sflag:s15], $0x2000  }
0x82: {  	[sflag:s15] =	ssyncset.done $0x0  }
0x83: {  	s0 =	simm.s32 $0xB80;
	[sflag:s15] =	ssyncadd.s32 $0xFFFFE000  }
0x84: {  	[tilespmem:s19], [sflag:$0x3] =	stream.indirect.gather [hbm4b:s1+s16], $0x80, s0, s16, $0xb8;
	[tilespmem:$0x1FC00] =	vst v63  }
0x85: {  	_ =	swait.ge [sflag:s28], $0x2000  }
0x86: {  	[sflag:s28] =	ssyncset.done $0x0  }
0x87: {  	s0 =	simm.s32 $0x2980;
	[sflag:s28] =	ssyncadd.s32 $0xFFFFE000  }
0x88: {  	[spmem:s3] =	stream.indirect.scatter.add.f32 [tilespmem:s23], [sflag:$0x5], $0x80, s0, s16, $0xb8;
	[tilespmem:$0x1FC00] =	vst v63  }
0x89: {  	s30 =	simm.s32 $0x800;
	_ =	swait.ge [sflag:s15], $0x2000  }
0x8a: {  	s31 =	simm.s32 $0x1000;
	s29 =	simm.s32 $0xC80;
	[sflag:s15] =	ssyncset.done $0x0  }
.LBB2_4:
0x8b: {  	p0 =	sne.s32 s31, $0x4800;
	s2 =	sadd.s32 $0xFFFFFF40, s29;
	[sflag:s15] =	ssyncadd.s32 $0xFFFFE000  }
0x8c: {  	[tilespmem:s23], [sflag:$0x4] =	stream.indirect.gather [hbm4b:s1+s16], $0x80, s2, s16, $0xb8;
	[tilespmem:$0x1FC00] =	vst v63  }
0x8d: {  	s2 =	smov.u32 s31;
	s31 =	sadd.s32 $0x800, s31;
	_ =	swait.ge [sflag:s24], $0x2000  }
0x8e: {  	s0 =	sshra.s32 s30, $0x2;
	s30 =	smov.u32 s2;
	[sflag:s24] =	ssyncset.done $0x0  }
0x8f: {  	s2 =	sadd.s32 $0x2800, s0;
	[sflag:s24] =	ssyncadd.s32 $0xFFFFE000  }
0x90: {  	[spmem:s3] =	stream.indirect.scatter.add.f32 [tilespmem:s17], [sflag:$0x5], $0x80, s2, s16, $0xb8;
	[tilespmem:$0x1FC00] =	vst v63  }
0x91: {  	_ =	swait.ge [sflag:s15], $0x2000  }
0x92: {  	[sflag:s15] =	ssyncset.done $0x0  }
0x93: {  	s2 =	sadd.s32 $0xFFFFFF80, s29;
	[sflag:s15] =	ssyncadd.s32 $0xFFFFE000  }
0x94: {  	[tilespmem:s17], [sflag:$0x1] =	stream.indirect.gather [hbm4b:s1+s16], $0x80, s2, s16, $0xb8;
	[tilespmem:$0x1FC00] =	vst v63  }
0x95: {  	_ =	swait.ge [sflag:s25], $0x2000  }
0x96: {  	[sflag:s25] =	ssyncset.done $0x0  }
0x97: {  	s2 =	sadd.s32 $0x2880, s0;
	[sflag:s25] =	ssyncadd.s32 $0xFFFFE000  }
0x98: {  	[spmem:s3] =	stream.indirect.scatter.add.f32 [tilespmem:s18], [sflag:$0x5], $0x80, s2, s16, $0xb8;
	[tilespmem:$0x1FC00] =	vst v63  }
0x99: {  	_ =	swait.ge [sflag:s15], $0x2000  }
0x9a: {  	[sflag:s15] =	ssyncset.done $0x0  }
0x9b: {  	s2 =	sadd.s32 $0xFFFFFFC0, s29;
	[sflag:s15] =	ssyncadd.s32 $0xFFFFE000  }
0x9c: {  	[tilespmem:s18], [sflag:$0x2] =	stream.indirect.gather [hbm4b:s1+s16], $0x80, s2, s16, $0xb8;
	[tilespmem:$0x1FC00] =	vst v63  }
0x9d: {  	_ =	swait.ge [sflag:s26], $0x2000  }
0x9e: {  	[sflag:s26] =	ssyncset.done $0x0  }
0x9f: {  	s2 =	sadd.s32 $0x2900, s0;
	[sflag:s26] =	ssyncadd.s32 $0xFFFFE000  }
0xa0: {  	[spmem:s3] =	stream.indirect.scatter.add.f32 [tilespmem:s19], [sflag:$0x5], $0x80, s2, s16, $0xb8;
	[tilespmem:$0x1FC00] =	vst v63  }
0xa1: {  	_ =	swait.ge [sflag:s15], $0x2000  }
0xa2: {  	[sflag:s15] =	ssyncset.done $0x0  }
0xa3: {  	[sflag:s15] =	ssyncadd.s32 $0xFFFFE000  }
0xa4: {  	[tilespmem:s19], [sflag:$0x3] =	stream.indirect.gather [hbm4b:s1+s16], $0x80, s29, s16, $0xb8;
	[tilespmem:$0x1FC00] =	vst v63  }
0xa5: {  	_ =	swait.ge [sflag:s28], $0x2000  }
.Ltmp1:
0xa6: {  	[sflag:s28] =	ssyncset.done $0x0;
	(pc) =	sbr.rel @p0 .LBB2_4-.Ltmp1, $4  }
0xa7: {  	s0 =	sadd.s32 $0x2980, s0;
	[sflag:s28] =	ssyncadd.s32 $0xFFFFE000  }
0xa8: {  	[spmem:s3] =	stream.indirect.scatter.add.f32 [tilespmem:s23], [sflag:$0x5], $0x80, s0, s16, $0xb8;
	[tilespmem:$0x1FC00] =	vst v63  }
0xa9: {  	_ =	swait.ge [sflag:s15], $0x2000  }
0xaa: {  	s29 =	sadd.s32 $0x100, s29;
	[sflag:s15] =	ssyncset.done $0x0  }
0xab: {  	s0 =	sadd.s32 $0xFFFFFF40, s29;
	[sflag:s15] =	ssyncadd.s32 $0xFFFFE000  }
0xac: {  	[tilespmem:s23], [sflag:$0x4] =	stream.indirect.gather [hbm4b:s1+s16], $0x80, s0, s16, $0xb8;
	[tilespmem:$0x1FC00] =	vst v63  }
0xad: {  	_ =	swait.ge [sflag:s24], $0x2000  }
0xae: {  	s0 =	sshra.s32 s30, $0x2;
	[sflag:s24] =	ssyncset.done $0x0  }
0xaf: {  	s2 =	sadd.s32 $0x2800, s0;
	[sflag:s24] =	ssyncadd.s32 $0xFFFFE000  }
0xb0: {  	[spmem:s3] =	stream.indirect.scatter.add.f32 [tilespmem:s17], [sflag:$0x5], $0x80, s2, s16, $0xb8;
	[tilespmem:$0x1FC00] =	vst v63  }
0xb1: {  	_ =	swait.ge [sflag:s15], $0x2000  }
0xb2: {  	[sflag:s15] =	ssyncset.done $0x0  }
0xb3: {  	s2 =	sadd.s32 $0xFFFFFF80, s29;
	[sflag:s15] =	ssyncadd.s32 $0xFFFFE000  }
0xb4: {  	[tilespmem:s17], [sflag:$0x1] =	stream.indirect.gather [hbm4b:s1+s16], $0x80, s2, s16, $0xb8;
	[tilespmem:$0x1FC00] =	vst v63  }
0xb5: {  	_ =	swait.ge [sflag:s25], $0x2000  }
0xb6: {  	[sflag:s25] =	ssyncset.done $0x0  }
0xb7: {  	s2 =	sadd.s32 $0x2880, s0;
	[sflag:s25] =	ssyncadd.s32 $0xFFFFE000  }
0xb8: {  	[spmem:s3] =	stream.indirect.scatter.add.f32 [tilespmem:s18], [sflag:$0x5], $0x80, s2, s16, $0xb8;
	[tilespmem:$0x1FC00] =	vst v63  }
0xb9: {  	_ =	swait.ge [sflag:s15], $0x2000  }
0xba: {  	[sflag:s15] =	ssyncset.done $0x0  }
0xbb: {  	s2 =	sadd.s32 $0xFFFFFFC0, s29;
	[sflag:s15] =	ssyncadd.s32 $0xFFFFE000  }
0xbc: {  	[tilespmem:s18], [sflag:$0x2] =	stream.indirect.gather [hbm4b:s1+s16], $0x80, s2, s16, $0xb8;
	[tilespmem:$0x1FC00] =	vst v63  }
0xbd: {  	_ =	swait.ge [sflag:s26], $0x2000  }
0xbe: {  	[sflag:s26] =	ssyncset.done $0x0  }
0xbf: {  	s2 =	sadd.s32 $0x2900, s0;
	[sflag:s26] =	ssyncadd.s32 $0xFFFFE000  }
0xc0: {  	[spmem:s3] =	stream.indirect.scatter.add.f32 [tilespmem:s19], [sflag:$0x5], $0x80, s2, s16, $0xb8;
	[tilespmem:$0x1FC00] =	vst v63  }
0xc1: {  	_ =	swait.ge [sflag:s15], $0x2000  }
0xc2: {  	[sflag:s15] =	ssyncset.done $0x0  }
0xc3: {  	[sflag:s15] =	ssyncadd.s32 $0xFFFFE000  }
0xc4: {  	[tilespmem:s19], [sflag:$0x3] =	stream.indirect.gather [hbm4b:s1+s16], $0x80, s29, s16, $0xb8;
	[tilespmem:$0x1FC00] =	vst v63  }
0xc5: {  	_ =	swait.ge [sflag:s28], $0x2000  }
0xc6: {  	[sflag:s28] =	ssyncset.done $0x0  }
0xc7: {  	s0 =	sadd.s32 $0x2980, s0;
	[sflag:s28] =	ssyncadd.s32 $0xFFFFE000  }
0xc8: {  	[spmem:s3] =	stream.indirect.scatter.add.f32 [tilespmem:s23], [sflag:$0x5], $0x80, s0, s16, $0xb8;
	[tilespmem:$0x1FC00] =	vst v63  }
0xc9: {  	_ =	swait.ge [sflag:s15], $0x2000  }
0xca: {  	[sflag:s15] =	ssyncset.done $0x0  }
0xcb: {  	s2 =	simm.s32 $0x0;
	[sflag:s15] =	ssyncadd.s32 $0xFFFFE000  }
0xcc: {  	[tilespmem:s22], [sflag:$0x5] =	stream.linear.gather [hbm4b:s9+s2], $0x1400, $0x38;
	[tilespmem:$0x1FC00] =	vst v63  }
0xcd: {  	_ =	swait.ge [sflag:s15], $0x1400  }
0xce: {  	[sflag:s15] =	ssyncset.done $0x0  }
0xcf: {  	s2 =	simm.s32 $0x14C0;
	[sflag:s15] =	ssyncadd.s32 $0xFFFFEC00  }
0xd0: {  	[tilespmem:s23], [sflag:$0x4] =	stream.indirect.gather [hbm4b:s1+s16], $0x80, s2, s16, $0xb8;
	[tilespmem:$0x1FC00] =	vst v63  }
0xd1: {  	_ =	swait.ge [sflag:s24], $0x2000  }
0xd2: {  	[sflag:s24] =	ssyncset.done $0x0  }
0xd3: {  	s2 =	simm.s32 $0x2800;
	[sflag:s24] =	ssyncadd.s32 $0xFFFFE000  }
0xd4: {  	[spmem:s3] =	stream.indirect.scatter.add.f32 [tilespmem:s17], [sflag:$0x5], $0x80, s2, s16, $0xb8;
	[tilespmem:$0x1FC00] =	vst v63  }
0xd5: {  	_ =	swait.ge [sflag:s15], $0x2000  }
0xd6: {  	[sflag:s15] =	ssyncset.done $0x0  }
0xd7: {  	s2 =	simm.s32 $0x1500;
	[sflag:s15] =	ssyncadd.s32 $0xFFFFE000  }
0xd8: {  	[tilespmem:s17], [sflag:$0x1] =	stream.indirect.gather [hbm4b:s1+s16], $0x80, s2, s16, $0xb8;
	[tilespmem:$0x1FC00] =	vst v63  }
0xd9: {  	_ =	swait.ge [sflag:s25], $0x2000  }
0xda: {  	[sflag:s25] =	ssyncset.done $0x0  }
0xdb: {  	s2 =	simm.s32 $0x2880;
	[sflag:s25] =	ssyncadd.s32 $0xFFFFE000  }
0xdc: {  	[spmem:s3] =	stream.indirect.scatter.add.f32 [tilespmem:s18], [sflag:$0x5], $0x80, s2, s16, $0xb8;
	[tilespmem:$0x1FC00] =	vst v63  }
0xdd: {  	_ =	swait.ge [sflag:s15], $0x2000  }
0xde: {  	[sflag:s15] =	ssyncset.done $0x0  }
0xdf: {  	s2 =	simm.s32 $0x1540;
	[sflag:s15] =	ssyncadd.s32 $0xFFFFE000  }
0xe0: {  	[tilespmem:s18], [sflag:$0x2] =	stream.indirect.gather [hbm4b:s1+s16], $0x80, s2, s16, $0xb8;
	[tilespmem:$0x1FC00] =	vst v63  }
0xe1: {  	_ =	swait.ge [sflag:s26], $0x2000  }
0xe2: {  	[sflag:s26] =	ssyncset.done $0x0  }
0xe3: {  	s2 =	simm.s32 $0x2900;
	[sflag:s26] =	ssyncadd.s32 $0xFFFFE000  }
0xe4: {  	[spmem:s3] =	stream.indirect.scatter.add.f32 [tilespmem:s19], [sflag:$0x5], $0x80, s2, s16, $0xb8;
	[tilespmem:$0x1FC00] =	vst v63  }
0xe5: {  	_ =	swait.ge [sflag:s15], $0x2000  }
0xe6: {  	[sflag:s15] =	ssyncset.done $0x0  }
0xe7: {  	s2 =	simm.s32 $0x1580;
	[sflag:s15] =	ssyncadd.s32 $0xFFFFE000  }
0xe8: {  	[tilespmem:s19], [sflag:$0x3] =	stream.indirect.gather [hbm4b:s1+s16], $0x80, s2, s16, $0xb8;
	[tilespmem:$0x1FC00] =	vst v63  }
0xe9: {  	_ =	swait.ge [sflag:s28], $0x2000  }
0xea: {  	[sflag:s28] =	ssyncset.done $0x0  }
0xeb: {  	s2 =	simm.s32 $0x2980;
	[sflag:s28] =	ssyncadd.s32 $0xFFFFE000  }
0xec: {  	[spmem:s3] =	stream.indirect.scatter.add.f32 [tilespmem:s23], [sflag:$0x5], $0x80, s2, s16, $0xb8;
	[tilespmem:$0x1FC00] =	vst v63  }
0xed: {  	s31 =	simm.s32 $0x1000;
	_ =	swait.ge [sflag:s15], $0x2000  }
0xee: {  	s30 =	simm.s32 $0x800;
	s29 =	simm.s32 $0x1680;
	[sflag:s15] =	ssyncset.done $0x0  }
.LBB2_6:
0xef: {  	p0 =	sne.s32 s31, $0x4800;
	s0 =	sadd.s32 $0xFFFFFF40, s29;
	[sflag:s15] =	ssyncadd.s32 $0xFFFFE000  }
0xf0: {  	[tilespmem:s23], [sflag:$0x4] =	stream.indirect.gather [hbm4b:s1+s16], $0x80, s0, s16, $0xb8;
	[tilespmem:$0x1FC00] =	vst v63  }
0xf1: {  	s0 =	smov.u32 s31;
	s31 =	sadd.s32 $0x800, s31;
	_ =	swait.ge [sflag:s24], $0x2000  }
0xf2: {  	s2 =	sshra.s32 s30, $0x2;
	s30 =	smov.u32 s0;
	[sflag:s24] =	ssyncset.done $0x0  }
0xf3: {  	s0 =	sadd.s32 $0x2800, s2;
	[sflag:s24] =	ssyncadd.s32 $0xFFFFE000  }
0xf4: {  	[spmem:s3] =	stream.indirect.scatter.add.f32 [tilespmem:s17], [sflag:$0x5], $0x80, s0, s16, $0xb8;
	[tilespmem:$0x1FC00] =	vst v63  }
0xf5: {  	_ =	swait.ge [sflag:s15], $0x2000  }
0xf6: {  	[sflag:s15] =	ssyncset.done $0x0  }
0xf7: {  	s0 =	sadd.s32 $0xFFFFFF80, s29;
	[sflag:s15] =	ssyncadd.s32 $0xFFFFE000  }
0xf8: {  	[tilespmem:s17], [sflag:$0x1] =	stream.indirect.gather [hbm4b:s1+s16], $0x80, s0, s16, $0xb8;
	[tilespmem:$0x1FC00] =	vst v63  }
0xf9: {  	_ =	swait.ge [sflag:s25], $0x2000  }
0xfa: {  	[sflag:s25] =	ssyncset.done $0x0  }
0xfb: {  	s0 =	sadd.s32 $0x2880, s2;
	[sflag:s25] =	ssyncadd.s32 $0xFFFFE000  }
0xfc: {  	[spmem:s3] =	stream.indirect.scatter.add.f32 [tilespmem:s18], [sflag:$0x5], $0x80, s0, s16, $0xb8;
	[tilespmem:$0x1FC00] =	vst v63  }
0xfd: {  	_ =	swait.ge [sflag:s15], $0x2000  }
0xfe: {  	[sflag:s15] =	ssyncset.done $0x0  }
0xff: {  	s0 =	sadd.s32 $0xFFFFFFC0, s29;
	[sflag:s15] =	ssyncadd.s32 $0xFFFFE000  }
0x100: {  	[tilespmem:s18], [sflag:$0x2] =	stream.indirect.gather [hbm4b:s1+s16], $0x80, s0, s16, $0xb8;
	[tilespmem:$0x1FC00] =	vst v63  }
0x101: {  	_ =	swait.ge [sflag:s26], $0x2000  }
0x102: {  	[sflag:s26] =	ssyncset.done $0x0  }
0x103: {  	s0 =	sadd.s32 $0x2900, s2;
	[sflag:s26] =	ssyncadd.s32 $0xFFFFE000  }
0x104: {  	[spmem:s3] =	stream.indirect.scatter.add.f32 [tilespmem:s19], [sflag:$0x5], $0x80, s0, s16, $0xb8;
	[tilespmem:$0x1FC00] =	vst v63  }
0x105: {  	_ =	swait.ge [sflag:s15], $0x2000  }
0x106: {  	[sflag:s15] =	ssyncset.done $0x0  }
0x107: {  	[sflag:s15] =	ssyncadd.s32 $0xFFFFE000  }
0x108: {  	[tilespmem:s19], [sflag:$0x3] =	stream.indirect.gather [hbm4b:s1+s16], $0x80, s29, s16, $0xb8;
	[tilespmem:$0x1FC00] =	vst v63  }
0x109: {  	_ =	swait.ge [sflag:s28], $0x2000  }
.Ltmp2:
0x10a: {  	[sflag:s28] =	ssyncset.done $0x0;
	(pc) =	sbr.rel @p0 .LBB2_6-.Ltmp2, $4  }
0x10b: {  	s0 =	sadd.s32 $0x2980, s2;
	[sflag:s28] =	ssyncadd.s32 $0xFFFFE000  }
0x10c: {  	[spmem:s3] =	stream.indirect.scatter.add.f32 [tilespmem:s23], [sflag:$0x5], $0x80, s0, s16, $0xb8;
	[tilespmem:$0x1FC00] =	vst v63  }
0x10d: {  	_ =	swait.ge [sflag:s15], $0x2000  }
0x10e: {  	s29 =	sadd.s32 $0x100, s29;
	[sflag:s15] =	ssyncset.done $0x0  }
0x10f: {  	s0 =	sadd.s32 $0xFFFFFF40, s29;
	[sflag:s15] =	ssyncadd.s32 $0xFFFFE000  }
0x110: {  	[tilespmem:s23], [sflag:$0x4] =	stream.indirect.gather [hbm4b:s1+s16], $0x80, s0, s16, $0xb8;
	[tilespmem:$0x1FC00] =	vst v63  }
0x111: {  	_ =	swait.ge [sflag:s24], $0x2000  }
0x112: {  	s0 =	sshra.s32 s30, $0x2;
	[sflag:s24] =	ssyncset.done $0x0  }
0x113: {  	s2 =	sadd.s32 $0x2800, s0;
	[sflag:s24] =	ssyncadd.s32 $0xFFFFE000  }
0x114: {  	[spmem:s3] =	stream.indirect.scatter.add.f32 [tilespmem:s17], [sflag:$0x5], $0x80, s2, s16, $0xb8;
	[tilespmem:$0x1FC00] =	vst v63  }
0x115: {  	_ =	swait.ge [sflag:s15], $0x2000  }
0x116: {  	[sflag:s15] =	ssyncset.done $0x0  }
0x117: {  	s2 =	sadd.s32 $0xFFFFFF80, s29;
	[sflag:s15] =	ssyncadd.s32 $0xFFFFE000  }
0x118: {  	[tilespmem:s17], [sflag:$0x1] =	stream.indirect.gather [hbm4b:s1+s16], $0x80, s2, s16, $0xb8;
	[tilespmem:$0x1FC00] =	vst v63  }
0x119: {  	_ =	swait.ge [sflag:s25], $0x2000  }
0x11a: {  	[sflag:s25] =	ssyncset.done $0x0  }
0x11b: {  	s2 =	sadd.s32 $0x2880, s0;
	[sflag:s25] =	ssyncadd.s32 $0xFFFFE000  }
0x11c: {  	[spmem:s3] =	stream.indirect.scatter.add.f32 [tilespmem:s18], [sflag:$0x5], $0x80, s2, s16, $0xb8;
	[tilespmem:$0x1FC00] =	vst v63  }
0x11d: {  	_ =	swait.ge [sflag:s15], $0x2000  }
0x11e: {  	[sflag:s15] =	ssyncset.done $0x0  }
0x11f: {  	s2 =	sadd.s32 $0xFFFFFFC0, s29;
	[sflag:s15] =	ssyncadd.s32 $0xFFFFE000  }
0x120: {  	[tilespmem:s18], [sflag:$0x2] =	stream.indirect.gather [hbm4b:s1+s16], $0x80, s2, s16, $0xb8;
	[tilespmem:$0x1FC00] =	vst v63  }
0x121: {  	_ =	swait.ge [sflag:s26], $0x2000  }
0x122: {  	[sflag:s26] =	ssyncset.done $0x0  }
0x123: {  	s2 =	sadd.s32 $0x2900, s0;
	[sflag:s26] =	ssyncadd.s32 $0xFFFFE000  }
0x124: {  	[spmem:s3] =	stream.indirect.scatter.add.f32 [tilespmem:s19], [sflag:$0x5], $0x80, s2, s16, $0xb8;
	[tilespmem:$0x1FC00] =	vst v63  }
0x125: {  	_ =	swait.ge [sflag:s15], $0x2000  }
0x126: {  	[sflag:s15] =	ssyncset.done $0x0  }
0x127: {  	[sflag:s15] =	ssyncadd.s32 $0xFFFFE000  }
0x128: {  	[tilespmem:s19], [sflag:$0x3] =	stream.indirect.gather [hbm4b:s1+s16], $0x80, s29, s16, $0xb8;
	[tilespmem:$0x1FC00] =	vst v63  }
0x129: {  	_ =	swait.ge [sflag:s28], $0x2000  }
0x12a: {  	[sflag:s28] =	ssyncset.done $0x0  }
0x12b: {  	s0 =	sadd.s32 $0x2980, s0;
	[sflag:s28] =	ssyncadd.s32 $0xFFFFE000  }
0x12c: {  	[spmem:s3] =	stream.indirect.scatter.add.f32 [tilespmem:s23], [sflag:$0x5], $0x80, s0, s16, $0xb8;
	[tilespmem:$0x1FC00] =	vst v63  }
0x12d: {  	_ =	swait.ge [sflag:s15], $0x2000  }
0x12e: {  	[sflag:s15] =	ssyncset.done $0x0  }
0x12f: {  	s2 =	simm.s32 $0x0;
	[sflag:s15] =	ssyncadd.s32 $0xFFFFE000  }
0x130: {  	[tilespmem:s22], [sflag:$0x5] =	stream.linear.gather [hbm4b:s10+s2], $0x1400, $0x38;
	[tilespmem:$0x1FC00] =	vst v63  }
0x131: {  	_ =	swait.ge [sflag:s15], $0x1400  }
0x132: {  	[sflag:s15] =	ssyncset.done $0x0  }
0x133: {  	s2 =	simm.s32 $0x1EC0;
	[sflag:s15] =	ssyncadd.s32 $0xFFFFEC00  }
0x134: {  	[tilespmem:s23], [sflag:$0x4] =	stream.indirect.gather [hbm4b:s1+s16], $0x80, s2, s16, $0xb8;
	[tilespmem:$0x1FC00] =	vst v63  }
0x135: {  	_ =	swait.ge [sflag:s24], $0x2000  }
0x136: {  	[sflag:s24] =	ssyncset.done $0x0  }
0x137: {  	s2 =	simm.s32 $0x2800;
	[sflag:s24] =	ssyncadd.s32 $0xFFFFE000  }
0x138: {  	[spmem:s3] =	stream.indirect.scatter.add.f32 [tilespmem:s17], [sflag:$0x5], $0x80, s2, s16, $0xb8;
	[tilespmem:$0x1FC00] =	vst v63  }
0x139: {  	_ =	swait.ge [sflag:s15], $0x2000  }
0x13a: {  	[sflag:s15] =	ssyncset.done $0x0  }
0x13b: {  	s2 =	simm.s32 $0x1F00;
	[sflag:s15] =	ssyncadd.s32 $0xFFFFE000  }
0x13c: {  	[tilespmem:s17], [sflag:$0x1] =	stream.indirect.gather [hbm4b:s1+s16], $0x80, s2, s16, $0xb8;
	[tilespmem:$0x1FC00] =	vst v63  }
0x13d: {  	_ =	swait.ge [sflag:s25], $0x2000  }
0x13e: {  	[sflag:s25] =	ssyncset.done $0x0  }
0x13f: {  	s2 =	simm.s32 $0x2880;
	[sflag:s25] =	ssyncadd.s32 $0xFFFFE000  }
0x140: {  	[spmem:s3] =	stream.indirect.scatter.add.f32 [tilespmem:s18], [sflag:$0x5], $0x80, s2, s16, $0xb8;
	[tilespmem:$0x1FC00] =	vst v63  }
0x141: {  	_ =	swait.ge [sflag:s15], $0x2000  }
0x142: {  	[sflag:s15] =	ssyncset.done $0x0  }
0x143: {  	s2 =	simm.s32 $0x1F40;
	[sflag:s15] =	ssyncadd.s32 $0xFFFFE000  }
0x144: {  	[tilespmem:s18], [sflag:$0x2] =	stream.indirect.gather [hbm4b:s1+s16], $0x80, s2, s16, $0xb8;
	[tilespmem:$0x1FC00] =	vst v63  }
0x145: {  	_ =	swait.ge [sflag:s26], $0x2000  }
0x146: {  	[sflag:s26] =	ssyncset.done $0x0  }
0x147: {  	s2 =	simm.s32 $0x2900;
	[sflag:s26] =	ssyncadd.s32 $0xFFFFE000  }
0x148: {  	[spmem:s3] =	stream.indirect.scatter.add.f32 [tilespmem:s19], [sflag:$0x5], $0x80, s2, s16, $0xb8;
	[tilespmem:$0x1FC00] =	vst v63  }
0x149: {  	_ =	swait.ge [sflag:s15], $0x2000  }
0x14a: {  	[sflag:s15] =	ssyncset.done $0x0  }
0x14b: {  	s2 =	simm.s32 $0x1F80;
	[sflag:s15] =	ssyncadd.s32 $0xFFFFE000  }
0x14c: {  	[tilespmem:s19], [sflag:$0x3] =	stream.indirect.gather [hbm4b:s1+s16], $0x80, s2, s16, $0xb8;
	[tilespmem:$0x1FC00] =	vst v63  }
0x14d: {  	_ =	swait.ge [sflag:s28], $0x2000  }
0x14e: {  	[sflag:s28] =	ssyncset.done $0x0  }
0x14f: {  	s2 =	simm.s32 $0x2980;
	[sflag:s28] =	ssyncadd.s32 $0xFFFFE000  }
0x150: {  	[spmem:s3] =	stream.indirect.scatter.add.f32 [tilespmem:s23], [sflag:$0x5], $0x80, s2, s16, $0xb8;
	[tilespmem:$0x1FC00] =	vst v63  }
0x151: {  	s31 =	simm.s32 $0x1000;
	_ =	swait.ge [sflag:s15], $0x2000  }
0x152: {  	s30 =	simm.s32 $0x800;
	s29 =	simm.s32 $0x2080;
	[sflag:s15] =	ssyncset.done $0x0  }
.LBB2_8:
0x153: {  	p0 =	sne.s32 s31, $0x4000;
	s0 =	sadd.s32 $0xFFFFFF40, s29;
	[sflag:s15] =	ssyncadd.s32 $0xFFFFE000  }
0x154: {  	[tilespmem:s23], [sflag:$0x4] =	stream.indirect.gather [hbm4b:s1+s16], $0x80, s0, s16, $0xb8;
	[tilespmem:$0x1FC00] =	vst v63  }
0x155: {  	s0 =	smov.u32 s31;
	s31 =	sadd.s32 $0x800, s31;
	_ =	swait.ge [sflag:s24], $0x2000  }
0x156: {  	s2 =	sshra.s32 s30, $0x2;
	s30 =	smov.u32 s0;
	[sflag:s24] =	ssyncset.done $0x0  }
0x157: {  	s0 =	sadd.s32 $0x2800, s2;
	[sflag:s24] =	ssyncadd.s32 $0xFFFFE000  }
0x158: {  	[spmem:s3] =	stream.indirect.scatter.add.f32 [tilespmem:s17], [sflag:$0x5], $0x80, s0, s16, $0xb8;
	[tilespmem:$0x1FC00] =	vst v63  }
0x159: {  	_ =	swait.ge [sflag:s15], $0x2000  }
0x15a: {  	[sflag:s15] =	ssyncset.done $0x0  }
0x15b: {  	s0 =	sadd.s32 $0xFFFFFF80, s29;
	[sflag:s15] =	ssyncadd.s32 $0xFFFFE000  }
0x15c: {  	[tilespmem:s17], [sflag:$0x1] =	stream.indirect.gather [hbm4b:s1+s16], $0x80, s0, s16, $0xb8;
	[tilespmem:$0x1FC00] =	vst v63  }
0x15d: {  	_ =	swait.ge [sflag:s25], $0x2000  }
0x15e: {  	[sflag:s25] =	ssyncset.done $0x0  }
0x15f: {  	s0 =	sadd.s32 $0x2880, s2;
	[sflag:s25] =	ssyncadd.s32 $0xFFFFE000  }
0x160: {  	[spmem:s3] =	stream.indirect.scatter.add.f32 [tilespmem:s18], [sflag:$0x5], $0x80, s0, s16, $0xb8;
	[tilespmem:$0x1FC00] =	vst v63  }
0x161: {  	_ =	swait.ge [sflag:s15], $0x2000  }
0x162: {  	[sflag:s15] =	ssyncset.done $0x0  }
0x163: {  	s0 =	sadd.s32 $0xFFFFFFC0, s29;
	[sflag:s15] =	ssyncadd.s32 $0xFFFFE000  }
0x164: {  	[tilespmem:s18], [sflag:$0x2] =	stream.indirect.gather [hbm4b:s1+s16], $0x80, s0, s16, $0xb8;
	[tilespmem:$0x1FC00] =	vst v63  }
0x165: {  	_ =	swait.ge [sflag:s26], $0x2000  }
0x166: {  	[sflag:s26] =	ssyncset.done $0x0  }
0x167: {  	s0 =	sadd.s32 $0x2900, s2;
	[sflag:s26] =	ssyncadd.s32 $0xFFFFE000  }
0x168: {  	[spmem:s3] =	stream.indirect.scatter.add.f32 [tilespmem:s19], [sflag:$0x5], $0x80, s0, s16, $0xb8;
	[tilespmem:$0x1FC00] =	vst v63  }
0x169: {  	_ =	swait.ge [sflag:s15], $0x2000  }
0x16a: {  	[sflag:s15] =	ssyncset.done $0x0  }
0x16b: {  	[sflag:s15] =	ssyncadd.s32 $0xFFFFE000  }
0x16c: {  	[tilespmem:s19], [sflag:$0x3] =	stream.indirect.gather [hbm4b:s1+s16], $0x80, s29, s16, $0xb8;
	[tilespmem:$0x1FC00] =	vst v63  }
0x16d: {  	_ =	swait.ge [sflag:s28], $0x2000  }
.Ltmp3:
0x16e: {  	[sflag:s28] =	ssyncset.done $0x0;
	(pc) =	sbr.rel @p0 .LBB2_8-.Ltmp3, $4  }
0x16f: {  	s0 =	sadd.s32 $0x2980, s2;
	[sflag:s28] =	ssyncadd.s32 $0xFFFFE000  }
0x170: {  	[spmem:s3] =	stream.indirect.scatter.add.f32 [tilespmem:s23], [sflag:$0x5], $0x80, s0, s16, $0xb8;
	[tilespmem:$0x1FC00] =	vst v63  }
0x171: {  	_ =	swait.ge [sflag:s15], $0x2000  }
0x172: {  	s29 =	sadd.s32 $0x100, s29;
	[sflag:s15] =	ssyncset.done $0x0  }
0x173: {  	s0 =	sadd.s32 $0xFFFFFF40, s29;
	[sflag:s15] =	ssyncadd.s32 $0xFFFFE000  }
0x174: {  	[tilespmem:s23], [sflag:$0x4] =	stream.indirect.gather [hbm4b:s1+s16], $0x80, s0, s16, $0xb8;
	[tilespmem:$0x1FC00] =	vst v63  }
0x175: {  	_ =	swait.ge [sflag:s24], $0x2000  }
0x176: {  	s0 =	sshra.s32 s30, $0x2;
	[sflag:s24] =	ssyncset.done $0x0  }
0x177: {  	s2 =	sadd.s32 $0x2800, s0;
	[sflag:s24] =	ssyncadd.s32 $0xFFFFE000  }
0x178: {  	[spmem:s3] =	stream.indirect.scatter.add.f32 [tilespmem:s17], [sflag:$0x5], $0x80, s2, s16, $0xb8;
	[tilespmem:$0x1FC00] =	vst v63  }
0x179: {  	_ =	swait.ge [sflag:s15], $0x2000  }
0x17a: {  	[sflag:s15] =	ssyncset.done $0x0  }
0x17b: {  	s31 =	sadd.s32 $0xFFFFFF80, s29;
	[sflag:s15] =	ssyncadd.s32 $0xFFFFE000  }
0x17c: {  	[tilespmem:s17], [sflag:$0x1] =	stream.indirect.gather [hbm4b:s1+s16], $0x80, s31, s16, $0xb8;
	[tilespmem:$0x1FC00] =	vst v63  }
0x17d: {  	_ =	swait.ge [sflag:s25], $0x2000  }
0x17e: {  	[sflag:s25] =	ssyncset.done $0x0  }
0x17f: {  	s30 =	sadd.s32 $0x2880, s0;
	[sflag:s25] =	ssyncadd.s32 $0xFFFFE000  }
0x180: {  	[spmem:s3] =	stream.indirect.scatter.add.f32 [tilespmem:s18], [sflag:$0x5], $0x80, s30, s16, $0xb8;
	[tilespmem:$0x1FC00] =	vst v63  }
0x181: {  	_ =	swait.ge [sflag:s15], $0x2000  }
0x182: {  	[sflag:s15] =	ssyncset.done $0x0  }
0x183: {  	s31 =	sadd.s32 $0xFFFFFFC0, s29;
	[sflag:s15] =	ssyncadd.s32 $0xFFFFE000  }
0x184: {  	[tilespmem:s18], [sflag:$0x2] =	stream.indirect.gather [hbm4b:s1+s16], $0x80, s31, s16, $0xb8;
	[tilespmem:$0x1FC00] =	vst v63  }
0x185: {  	_ =	swait.ge [sflag:s26], $0x2000  }
0x186: {  	[sflag:s26] =	ssyncset.done $0x0  }
0x187: {  	s30 =	sadd.s32 $0x2900, s0;
	[sflag:s26] =	ssyncadd.s32 $0xFFFFE000  }
0x188: {  	[spmem:s3] =	stream.indirect.scatter.add.f32 [tilespmem:s19], [sflag:$0x5], $0x80, s30, s16, $0xb8;
	[tilespmem:$0x1FC00] =	vst v63  }
0x189: {  	_ =	swait.ge [sflag:s15], $0x2000  }
0x18a: {  	[sflag:s15] =	ssyncset.done $0x0  }
0x18b: {  	[sflag:s15] =	ssyncadd.s32 $0xFFFFE000  }
0x18c: {  	[tilespmem:s19], [sflag:$0x3] =	stream.indirect.gather [hbm4b:s1+s16], $0x80, s29, s16, $0xb8;
	[tilespmem:$0x1FC00] =	vst v63  }
0x18d: {  	_ =	swait.ge [sflag:s28], $0x2000  }
0x18e: {  	[sflag:s28] =	ssyncset.done $0x0  }
0x18f: {  	s0 =	sadd.s32 $0x2980, s0;
	[sflag:s28] =	ssyncadd.s32 $0xFFFFE000  }
0x190: {  	[spmem:s3] =	stream.indirect.scatter.add.f32 [tilespmem:s23], [sflag:$0x5], $0x80, s0, s16, $0xb8;
	[tilespmem:$0x1FC00] =	vst v63  }
0x191: {  	_ =	swait.ge [sflag:s15], $0x2000  }
0x192: {  	[sflag:s15] =	ssyncset.done $0x0  }
0x193: {  	s31 =	simm.s32 $0x27C0;
	[sflag:s15] =	ssyncadd.s32 $0xFFFFE000  }
0x194: {  	[tilespmem:s23], [sflag:$0x4] =	stream.indirect.gather [hbm4b:s1+s16], $0x80, s31, s16, $0xb8;
	[tilespmem:$0x1FC00] =	vst v63  }
0x195: {  	_ =	swait.ge [sflag:s24], $0x2000  }
0x196: {  	[sflag:s24] =	ssyncset.done $0x0  }
0x197: {  	s2 =	simm.s32 $0x3A00;
	[sflag:s24] =	ssyncadd.s32 $0xFFFFE000  }
0x198: {  	[spmem:s3] =	stream.indirect.scatter.add.f32 [tilespmem:s17], [sflag:$0x5], $0x80, s2, s16, $0xb8;
	[tilespmem:$0x1FC00] =	vst v63  }
0x199: {  	_ =	swait.ge [sflag:s15], $0x2000  }
0x19a: {  	[sflag:s15] =	ssyncset.done $0x0  }
0x19b: {  	[sflag:s15] =	ssyncadd.s32 $0xFFFFE000  }
0x19c: {  	_ =	swait.ge [sflag:s25], $0x2000  }
0x19d: {  	[sflag:s25] =	ssyncset.done $0x0  }
0x19e: {  	s29 =	simm.s32 $0x3A80;
	[sflag:s25] =	ssyncadd.s32 $0xFFFFE000  }
0x19f: {  	[spmem:s3] =	stream.indirect.scatter.add.f32 [tilespmem:s18], [sflag:$0x5], $0x80, s29, s16, $0xb8;
	[tilespmem:$0x1FC00] =	vst v63  }
0x1a0: {  	_ =	swait.ge [sflag:s15], $0x2000  }
0x1a1: {  	[sflag:s15] =	ssyncset.done $0x0  }
0x1a2: {  	[sflag:s15] =	ssyncadd.s32 $0xFFFFE000  }
0x1a3: {  	_ =	swait.ge [sflag:s26], $0x2000  }
0x1a4: {  	[sflag:s26] =	ssyncset.done $0x0  }
0x1a5: {  	s30 =	simm.s32 $0x3B00;
	[sflag:s26] =	ssyncadd.s32 $0xFFFFE000  }
0x1a6: {  	[spmem:s3] =	stream.indirect.scatter.add.f32 [tilespmem:s19], [sflag:$0x5], $0x80, s30, s16, $0xb8;
	[tilespmem:$0x1FC00] =	vst v63  }
0x1a7: {  	_ =	swait.ge [sflag:s15], $0x2000  }
0x1a8: {  	[sflag:s15] =	ssyncset.done $0x0  }
0x1a9: {  	[sflag:s15] =	ssyncadd.s32 $0xFFFFE000  }
0x1aa: {  	_ =	swait.ge [sflag:s28], $0x2000  }
0x1ab: {  	[sflag:s28] =	ssyncset.done $0x0  }
0x1ac: {  	s31 =	simm.s32 $0x3B80;
	[sflag:s28] =	ssyncadd.s32 $0xFFFFE000  }
0x1ad: {  	[spmem:s3] =	stream.indirect.scatter.add.f32 [tilespmem:s23], [sflag:$0x5], $0x80, s31, s16, $0xb8;
	[tilespmem:$0x1FC00] =	vst v63  }
0x1ae: {  	_ =	swait.ge [sflag:s15], $0x2000  }
0x1af: {  	s14 =	sadd.s32 $0x1, s14;
	[sflag:s15] =	ssyncset.done $0x0  }
0x1b0: {  	p0 =	sne.s32 s14, s12;
	[sflag:s15] =	ssyncadd.s32 $0xFFFFE000  }
.Ltmp4:
0x1b1: {  	[bflag:$0x0] =	sbarrier.arrive $0xFFFF;
	(pc) =	sbr.rel @p0 .LBB2_1-.Ltmp4, $4  }
0x1b2: {  	[hbm:s11], [sflag:s20] =	dma.local [spmem:s21], $0x2800  }
0x1b3: {  	_ =	swait.ge [sflag:s15], $0x2800  }
0x1b4: {  	[sflag:s15] =	ssyncset.done $0x0  }
0x1b5: {  	[sflag:s15] =	ssyncadd.s32 $0xFFFFD800  }
0x1b6: {  	_ =	sfence.sel $0x180000  }
0x1b7: {  	[bflag:$0x0] =	sbarrier.arrive $0xFFFF  }
0x1b8: {  	_ =	strace $0x9000004D  }
0x1b9: {  	s0 =	stileid.u32;
	[bflag:$0x2] =	sbarrier.arrive $0xFFFF  }
0x1ba: {  	p0 =	sne.s32 s0, $0x0;
	s0 =	rddreg [dreg:$0x3]  }
0x1bb: {  	s0 =	sadd.s32 @!p0 $0x100000, s0  }
0x1bc: {  	[sflag:s0] =	ssyncadd.tile.s32 @!p0 $0x1;
	_ =	shalt  }
.Lfunc_end2:
_tile_overlayer_lowered:
.L_overlay_start_2:
0x1bd: {  	(tag) =	ssettag $0x2  }
0x1be: {  	s0 =	rddreg [dreg:$0x0];
	s2 =	stileid.u32  }
0x1bf: {  	s1 =	rddreg [dreg:$0x1];
	p0 =	sne.s32 s2, $0x0  }
0x1c0: {  	s3 =	rddreg [dreg:$0x2];
	[bflag:$0x3] =	sbarrier.arrive $0xFFFF;
	s2 =	simm.s32 @!p0 $0x1C05  }
0x1c1: {  	[timem:s3], [sflag:s2] =	dma.local @!p0 [hbm:s0], s1  }
0x1c2: {  	s0 =	simm.s32 @!p0 $0x5  }
0x1c3: {  	_ =	swait.ge @!p0 [sflag:s0], s1  }
0x1c4: {  	s1 =	ssub.s32 @!p0 $0x0, s1;
	[sflag:s0] =	ssyncset.done @!p0 $0x0  }
0x1c5: {  	[sflag:s0] =	ssyncadd.s32 @!p0 s1  }
0x1c6: {  	[bflag:$0x3] =	sbarrier.arrive $0xFFFF  }
0x1c7: {  	_ =	shalt  }

// kernel: kernel.9.cloned.1.call-start
scs
__scs_entry_jumppad:
0x0: {  	(pc) =	sbr.rel $0x88, $3  }
0x1: {  	(tag) =	ssettag $0x0;
	lr =	simm.s32 $0x1  }
0x2: {  	[smem:$0x3F9A] =	sst lr;
	_ =	strace $0xD0000000  }
0x3: {  	_ = 	snop  }
0x4: {  	_ = 	snop  }
0x5: {  	_ = 	snop  }
0x6: {  	_ = 	snop  }
0x7: {  	_ = 	snop  }
__scs_overlays_trampoline_lowered:
0x8: {  	[smem:$0x3FA9] =	sst s0  }
0x9: {  	[smem:$0x3FAA] =	sst s1  }
0xa: {  	[smem:$0x3FAB] =	sst s2  }
0xb: {  	[smem:$0x3FAC] =	sst s3  }
0xc: {  	[smem:$0x3FAD] =	sst s4  }
0xd: {  	[smem:$0x3FAE] =	sst s5  }
0xe: {  	[smem:$0x3FAF] =	sst s6  }
0xf: {  	[smem:$0x3FB0] =	sst s7  }
0x10: {  	[smem:$0x3FB1] =	sst s8  }
0x11: {  	[smem:$0x3FB2] =	sst s9;
	s0 =	simm.s32 @!p0 $0x0  }
0x12: {  	s1 =	sld [smem:$0x3F98];
	s0 =	simm.s32 @p0 $0x1  }
0x13: {  	[smem:$0x3FB3] =	sst s0;
	s0 =	simm.s32 @!p1 $0x0  }
0x14: {  	s2 =	sld [smem:$0x3F97];
	s0 =	simm.s32 @p1 $0x1  }
0x15: {  	[smem:$0x3FB4] =	sst s0;
	s0 =	simm.s32 @!p2 $0x0  }
0x16: {  	s3 =	sld [smem:$0x3FDB];
	s0 =	simm.s32 @p2 $0x1  }
0x17: {  	s4 =	simm.s32 $0x1BF5;
	[smem:$0x3FB6] =	sst s0  }
0x18: {  	s0 =	sld [smem:$0x3F99];
	_ =	swait.ge [sflag:s4], $0x0  }
0x19: {  	s7 =	sld [smem:$0x3F9A]  }
0x1a: {  	s8 =	sadd.s32 $0xFFFFE003, lr  }
0x1b: {  	s9 =	sadd.s32 $0xFFFFFEF7, lr;
	s5 =	simm.s32 $0xFFFFFFFF;
	p2 =	slt.u32 s8, $0xFFFFF086  }
0x1c: {  	p1 =	slt.u32 s9, $0xF7A;
	s5 =	simm.s32 @!p2 $0x0  }
0x1d: {  	s5 =	simm.s32 @p1 $0x1;
	p0 =	seq.s32 s7, s2  }
0x1e: {  	s7 =	smul.u32 @!p0 $0xF7A, s2;
	p2 =	seq.s32 @!p0 s5, $0x0  }
0x1f: {  	s9 =	smul.u32 $0xF7A, s1;
	s8 =	simm.s32 @!p0 $0x1BF5;
	p2 =	por !p2, p0  }
0x20: {  	[sflag:s8] =	ssyncset.s32 @!p0 $0xFFFFF086;
	s6 =	sadd.s32 @!p0 s3, s7;
	s7 =	simm.s32 @!p0 $0x108  }
0x21: {  	s3 =	sadd.s32 s3, s9;
	s6 =	sadd.s32 @!p0 $0x88, s6;
	s7 =	simm.s32 @p2 $0x1082  }
0x22: {  	[simem:s7], [sflag:s8] =	dma.local @!p0 [hbm:s6], $0xF7A  }
0x23: {  	s9 =	sor.u32 $0xD0000000, s2;
	s6 =	simm.s32 $0x108;
	_ =	swait.ge @!p0 [sflag:s8], $0x0  }
0x24: {  	s3 =	sadd.s32 $0x88, s3;
	s6 =	simm.s32 @!p1 $0x1082;
	[sflag:s4] =	ssyncset.s32 $0xFFFFF086  }
0x25: {  	[simem:s6], [sflag:s4] =	dma.local [hbm:s3], $0xF7A  }
0x26: {  	[smem:$0x3F9A] =	sst s1;
	(tag) =	ssettag s2;
	_ =	strace s9  }
0x27: {  	s1 =	sld [smem:$0x3FAA]  }
0x28: {  	s2 =	sld [smem:$0x3FAB]  }
0x29: {  	s4 =	sld [smem:$0x3FAD]  }
0x2a: {  	p0 =	seq.s32 s5, $0x0;
	s5 =	sld [smem:$0x3FAE]  }
0x2b: {  	s6 =	sld [smem:$0x3FAF]  }
0x2c: {  	s7 =	sld [smem:$0x3FB0]  }
0x2d: {  	s3 =	simm.s32 $0x108;
	s8 =	sld [smem:$0x3FB1]  }
0x2e: {  	s3 =	simm.s32 @!p0 $0x1082;
	s9 =	sld [smem:$0x3FB2]  }
0x2f: {  	lr =	sadd.s32 s0, s3;
	s0 =	sld [smem:$0x3FA9]  }
0x30: {  	s3 =	sld [smem:$0x3FAC]  }
0x31: {  	[smem:$0x3FB5] =	sst s10  }
0x32: {  	s10 =	sld [smem:$0x3FB3];
	_ =	sdelay $0x3  }
0x33: {  	p0 =	seq.s32 s10, $0x1;
	s10 =	sld [smem:$0x3FB5];
	_ =	sdelay $0x3  }
0x34: {  	[smem:$0x3FB5] =	sst s10  }
0x35: {  	s10 =	sld [smem:$0x3FB4];
	_ =	sdelay $0x3  }
0x36: {  	p1 =	seq.s32 s10, $0x1;
	s10 =	sld [smem:$0x3FB5];
	_ =	sdelay $0x3  }
0x37: {  	[smem:$0x3FB5] =	sst s10  }
0x38: {  	s10 =	sld [smem:$0x3FB6]  }
0x39: {  	_ = 	snop;
	(pc) =	sbr.ind lr, $3  }
0x3a: {  	_ = 	snop  }
0x3b: {  	_ = 	snop  }
0x3c: {  	p2 =	seq.s32 s10, $0x1;
	s10 =	sld [smem:$0x3FB5]  }
0x3d: {  	_ =	shalt  }
0x3e: {  	_ =	shalt  }
0x3f: {  	_ =	shalt  }
0x40: {  	_ =	shalt  }
0x41: {  	_ =	shalt  }
0x42: {  	_ =	shalt  }
0x43: {  	_ =	shalt  }
0x44: {  	_ =	shalt  }
0x45: {  	_ =	shalt  }
0x46: {  	_ =	shalt  }
0x47: {  	_ =	shalt  }
0x48: {  	_ =	shalt  }
0x49: {  	_ =	shalt  }
0x4a: {  	_ =	shalt  }
0x4b: {  	_ =	shalt  }
0x4c: {  	_ =	shalt  }
0x4d: {  	_ =	shalt  }
0x4e: {  	_ =	shalt  }
0x4f: {  	_ =	shalt  }
0x50: {  	_ =	shalt  }
0x51: {  	_ =	shalt  }
0x52: {  	_ =	shalt  }
0x53: {  	_ =	shalt  }
0x54: {  	_ =	shalt  }
0x55: {  	_ =	shalt  }
0x56: {  	_ =	shalt  }
0x57: {  	_ =	shalt  }
0x58: {  	_ =	shalt  }
0x59: {  	_ =	shalt  }
0x5a: {  	_ =	shalt  }
0x5b: {  	_ =	shalt  }
0x5c: {  	_ =	shalt  }
0x5d: {  	_ =	shalt  }
0x5e: {  	_ =	shalt  }
0x5f: {  	_ =	shalt  }
0x60: {  	_ =	shalt  }
0x61: {  	_ =	shalt  }
0x62: {  	_ =	shalt  }
0x63: {  	_ =	shalt  }
0x64: {  	_ =	shalt  }
0x65: {  	_ =	shalt  }
0x66: {  	_ =	shalt  }
0x67: {  	_ =	shalt  }
0x68: {  	_ =	shalt  }
0x69: {  	_ =	shalt  }
0x6a: {  	_ =	shalt  }
0x6b: {  	_ =	shalt  }
0x6c: {  	_ =	shalt  }
0x6d: {  	_ =	shalt  }
0x6e: {  	_ =	shalt  }
0x6f: {  	_ =	shalt  }
0x70: {  	_ =	shalt  }
0x71: {  	_ =	shalt  }
0x72: {  	_ =	shalt  }
0x73: {  	_ =	shalt  }
0x74: {  	_ =	shalt  }
0x75: {  	_ =	shalt  }
0x76: {  	_ =	shalt  }
0x77: {  	_ =	shalt  }
0x78: {  	_ =	shalt  }
0x79: {  	_ =	shalt  }
0x7a: {  	_ =	shalt  }
0x7b: {  	_ =	shalt  }
0x7c: {  	_ =	shalt  }
0x7d: {  	_ =	shalt  }
0x7e: {  	_ =	shalt  }
0x7f: {  	_ =	shalt  }
0x80: {  	_ =	shalt  }
0x81: {  	_ =	shalt  }
0x82: {  	_ =	shalt  }
0x83: {  	_ =	shalt  }
0x84: {  	_ =	shalt  }
0x85: {  	_ =	shalt  }
0x86: {  	_ =	shalt  }
0x87: {  	_ =	shalt  }
.Lfunc_end0:
.L_simem_size_0:
called_computation_lowered:
.L_overlay_start_0:
0x88: {  	s2 =	sld [smem:$0x3FD9]  }
0x89: {  	s3 =	sld [smem:$0x3FFE];
	_ =	sdelay $0x1  }
0x8a: {  	s1 =	srdreg.scid  }
0x8b: {  	s0 =	sand.u32 $0x1, s1  }
0x8c: {  	s17 =	sshll.u32 s0, $0xA;
	s2 =	sadd.s32 s3, s2  }
0x8d: {  	s2 =	sadd.s32 s2, s17  }
0x8e: {  	[smem:$0x3FC1] =	sst s2  }
0x8f: {  	_ = 	snop  }
0x90: {  	s2 =	sld [smem:$0x3FD0];
	(tm) =	ssettm $0x1  }
0x91: {  	s18 =	sld [smem:$0x3FFB];
	_ =	sdelay $0x3  }
0x92: {  	_ =	strace s18  }
0x93: {  	s3 =	sld [smem:$0x3FFC];
	_ =	sdelay $0x3  }
0x94: {  	_ =	strace s3  }
0x95: {  	s3 =	sld [smem:$0x3FFD];
	_ =	sdelay $0x3  }
0x96: {  	_ =	strace s3  }
0x97: {  	_ =	strace $0x8FFFFFFF  }
0x98: {  	s19 =	sld [smem:$0x3FDB];
	_ =	sdelay $0x1  }
0x99: {  	s4 =	simm.s32 $_scs_section_size  }
0x9a: {  	s5 =	simm.s32 $_size__tile_overlayer_lowered;
	s6 =	simm.s32 $_tile_overlayer_lowered  }
0x9b: {  	s22 =	simm.s32 $0x1BFF;
	s21 =	sshll.u32 s6, $0x1;
	s3 =	sadd.s32 s4, s19  }
0x9c: {  	s7 =	simm.s32 $0x0;
	s20 =	sshll.u32 s5, $0x1;
	s5 =	sadd.s32 s21, s3  }
0x9d: {  	[timem:s7], [sflag:s22] =	dma.local [hbm:s5], s20  }
0x9e: {  	_ =	swait.ge [sflag:s22], s20  }
0x9f: {  	s4 =	ssub.s32 $0x0, s20;
	[sflag:s22] =	ssyncset.done $0x0  }
0xa0: {  	[sflag:s22] =	ssyncadd.s32 s4;
	_ =	sdelay $0x1  }
0xa1: {  	s23 =	simm.s32 $0x1B8B  }
0xa2: {  	_ =	swait.ge [sflag:s23], $0x1  }
0xa3: {  	[sflag:s23] =	ssyncset.done $0x0  }
0xa4: {  	s25 =	simm.s32 $0x1B8E;
	s24 =	sld [smem:$0x3FFE];
	[sflag:s23] =	ssyncadd.s32 $0xFFFFFFFF  }
0xa5: {  	s26 =	simm.s32 $execute0_lowered;
	[smem:$0x3FD2] =	sst s25  }
0xa6: {  	s5 =	sshll.u32 s26, $0x1;
	_ =	strace $0x80000046;
	[dreg:$0x1] =	wrdreg $0xFFFFFFFF  }
0xa7: {  	s28 =	simm.s32 $_size_execute0_lowered;
	s3 =	sadd.s32 s3, s5;
	[dreg:$0x0] =	wrdreg $0x0  }
0xa8: {  	s5 =	sshll.u32 s28, $0x1;
	[dreg:$0x2] =	wrdreg s3  }
0xa9: {  	[dreg:$0x3] =	wrdreg s5  }
0xaa: {  	[dreg:$0x4] =	wrdreg $0xC0  }
0xab: {  	_ =	task [dreg:s7], $0x5FFFF  }
0xac: {  	[dreg:$0x1] =	wrdreg $0xFFFFFFFF  }
0xad: {  	[dreg:$0x0] =	wrdreg $0x60  }
0xae: {  	[dreg:$0x2] =	wrdreg s2  }
0xaf: {  	[dreg:$0x3] =	wrdreg s24  }
0xb0: {  	[dreg:$0x4] =	wrdreg $0xBC000  }
0xb1: {  	[dreg:$0x5] =	wrdreg $0x9  }
0xb2: {  	_ =	task.clear_ibuf [dreg:s7], $0x6FFFF;
	_ =	strace $0x90000046  }
0xb3: {  	s29 =	simm.s32 $0x9;
	_ =	strace $0x80000048  }
0xb4: {  	_ =	swait.ge [sflag:s29], $0x1  }
0xb5: {  	[sflag:s29] =	ssyncadd.s32 $0xFFFFFFFF  }
0xb6: {  	_ =	strace $0x90000048  }
0xb7: {  	_ =	sfence  }
0xb8: {  	s30 =	sld [smem:$0x0];
	_ =	sdelay $0x2  }
0xb9: {  	s31 =	sshll.u32 s1, $0xD;
	s1 =	sshrl.u32 s1, $0x2  }
0xba: {  	s3 =	sand.u32 $0x4000, s31;
	s1 =	sadd.s32 s1, s30  }
0xbb: {  	s0 =	sor.u32 s3, s0;
	s1 =	sshll.u32 s1, $0x11  }
0xbc: {  	s0 =	sor.u32 s1, s0  }
0xbd: {  	s0 =	sadd.s32 $0x8F2B, s0  }
0xbe: {  	[sflag:s0] =	ssyncadd.remote.s32 $0x1  }
0xbf: {  	_ =	sfence.sel $0xFFFF  }
0xc0: {  	[dreg:$0x0] =	wrdreg $0xFFFFFFFF;
	(pc) =	sbr.abs _section_cstart, $3  }
0xc1: {  	[dreg:$0x1] =	wrdreg $0xFFFFFFFF  }
0xc2: {  	_ =	task.clear_ibuf [dreg:s7], $0x2FFFF;
	_ =	strace $0x9FFFFFFF  }
0xc3: {  	(tm) =	ssettm $0x7FFFFFFF  }
tec
execute0_lowered:
.L_overlay_start_1:
0x0: {  	(tag) =	ssettag $0x1  }
0x1: {  	s0 =	srdreg.scid;
	s1 =	rddreg [dreg:$0x0]  }
0x2: {  	s19 =	stileid.u32;
	s5 =	rddreg [dreg:$0x1]  }
0x3: {  	s3 =	rddreg [dreg:$0x2];
	s13 =	simm.s32 $0x80;
	s15 =	simm.s32 $0x5  }
0x4: {  	s16 =	simm.s32 $0x40;
	s17 =	simm.s32 $0x3C00;
	s18 =	simm.s32 $0x5C00  }
0x5: {  	s22 =	simm.s32 $0x2800;
	s23 =	simm.s32 $0x9C00;
	s28 =	simm.s32 $0x4  }
0x6: {  	s0 =	sand.u32 $0x1, s0;
	s2 =	sshll.u32 s19, $0x1;
	s25 =	smul.u32 $0x14000, s19  }
0x7: {  	s4 =	sshrl.u32 s19, $0x2;
	s26 =	smul.u32 $0x50000, s19;
	s31 =	sshll.u32 s19, $0x6  }
0x8: {  	s19 =	simm.s32 $0x7C00;
	s2 =	sor.u32 s0, s2;
	s6 =	smul.u32 $0x14000, s4  }
0x9: {  	s4 =	simm.s32 $0x0;
	s8 =	smul.u32 $0x140000, s0;
	s0 =	ssub.s32 $0x2, s0  }
0xa: {  	s20 =	sor.u32 $0x1C05, s31;
	s24 =	sshll.u32 s2, $0x7;
	s2 =	smul.u32 $0x5000, s2  }
0xb: {  	[smem:$0x7FF] =	sst s4;
	s9 =	sshrl.u32 s25, $0x3;
	s29 =	sshrl.u32 s0, $0x1  }
0xc: {  	s30 =	sshrl.u32 s26, $0x2;
	s26 =	simm.s32 $0x3;
	s7 =	sand.u32 $0x380, s24  }
0xd: {  	_ =	strace $0x80000047;
	s9 =	sadd.s32 s9, s5;
	s0 =	ssub.s32 s0, s29  }
0xe: {  	s14 =	sadd.s32 s30, s3;
	s24 =	simm.s32 $0x1;
	s6 =	sor.u32 s6, s7  }
0xf: {  	s2 =	sshrl.u32 s2, $0x3;
	s7 =	sadd.s32 s25, s8;
	s12 =	smax.u32 s0, $0x1  }
0x10: {  	s21 =	sshrl.u32 s14, $0x3;
	s25 =	simm.s32 $0x2;
	s14 =	simm.s32 $0x0  }
0x11: {  	s6 =	sshrl.u32 s6, $0x3;
	s2 =	sadd.s32 s2, s5;
	s7 =	sshrl.u32 s7, $0x3  }
0x12: {  	s6 =	sadd.s32 s6, s5;
	s11 =	sadd.s32 s7, s5;
	s7 =	sadd.s32 $0xC800, s2  }
0x13: {  	s8 =	sadd.s32 $0xCA80, s2;
	s10 =	sadd.s32 $0xCF80, s2;
	s5 =	sadd.s32 $0x2800, s6  }
0x14: {  	s6 =	sadd.s32 $0x20800, s9;
	s9 =	sadd.s32 $0xCD00, s2;
	s11 =	sadd.s32 $0x48800, s11  }
.LBB2_1:
0x15: {  	s0 =	simm.s32 $0x400  }
0x16: {  	[tilespmem:s4], [sflag:$0x5] =	stream.strided.gather [hbm4b:s5+s13], $0x2800, s0, s13, $0x38;
	[tilespmem:$0x1FC00] =	vst v63  }
0x17: {  	_ =	swait.ge [sflag:s15], $0x2800  }
0x18: {  	[sflag:s15] =	ssyncset.done $0x0  }
0x19: {  	[sflag:s15] =	ssyncadd.s32 $0xFFFFD800  }
0x1a: {  	[tilespmem:s17], [sflag:$0x1] =	stream.indirect.gather [hbm4b:s1+s16], $0x80, s4, s16, $0xb8;
	[tilespmem:$0x1FC00] =	vst v63  }
0x1b: {  	_ = 	snop  }
0x1c: {  	[tilespmem:s18], [sflag:$0x2] =	stream.indirect.gather [hbm4b:s1+s16], $0x80, s16, s16, $0xb8;
	[tilespmem:$0x1FC00] =	vst v63  }
0x1d: {  	_ = 	snop  }
0x1e: {  	[tilespmem:s19], [sflag:$0x3] =	stream.indirect.gather [hbm4b:s1+s16], $0x80, s13, s16, $0xb8;
	[tilespmem:$0x1FC00] =	vst v63  }
0x1f: {  	[spmem:s21], [sflag:s20] =	dma.local [hbm:s6], $0x2800  }
0x20: {  	_ =	swait.ge [sflag:s15], $0x2800  }
0x21: {  	[sflag:s15] =	ssyncset.done $0x0  }
0x22: {  	[sflag:s15] =	ssyncadd.s32 $0xFFFFD800  }
0x23: {  	[bflag:$0x0] =	sbarrier.arrive $0xFFFF  }
0x24: {  	[tilespmem:s22], [sflag:$0x5] =	stream.linear.gather [hbm4b:s7+s4], $0x1400, $0x38;
	[tilespmem:$0x1FC00] =	vst v63  }
0x25: {  	_ =	swait.ge [sflag:s15], $0x1400  }
0x26: {  	[sflag:s15] =	ssyncset.done $0x0  }
0x27: {  	s29 =	simm.s32 $0xC0;
	[sflag:s15] =	ssyncadd.s32 $0xFFFFEC00  }
0x28: {  	[tilespmem:s23], [sflag:$0x4] =	stream.indirect.gather [hbm4b:s1+s16], $0x80, s29, s16, $0xb8;
	[tilespmem:$0x1FC00] =	vst v63  }
0x29: {  	_ =	swait.ge [sflag:s24], $0x2000  }
0x2a: {  	[sflag:s24] =	ssyncset.done $0x0  }
0x2b: {  	s30 =	simm.s32 $0x2800;
	[sflag:s24] =	ssyncadd.s32 $0xFFFFE000  }
0x2c: {  	[spmem:s3] =	stream.indirect.scatter.add.f32 [tilespmem:s17], [sflag:$0x5], $0x80, s30, s16, $0xb8;
	[tilespmem:$0x1FC00] =	vst v63  }
0x2d: {  	_ =	swait.ge [sflag:s15], $0x2000  }
0x2e: {  	[sflag:s15] =	ssyncset.done $0x0  }
0x2f: {  	s30 =	simm.s32 $0x100;
	[sflag:s15] =	ssyncadd.s32 $0xFFFFE000  }
0x30: {  	[tilespmem:s17], [sflag:$0x1] =	stream.indirect.gather [hbm4b:s1+s16], $0x80, s30, s16, $0xb8;
	[tilespmem:$0x1FC00] =	vst v63  }
0x31: {  	_ =	swait.ge [sflag:s25], $0x2000  }
0x32: {  	[sflag:s25] =	ssyncset.done $0x0  }
0x33: {  	s30 =	simm.s32 $0x2880;
	[sflag:s25] =	ssyncadd.s32 $0xFFFFE000  }
0x34: {  	[spmem:s3] =	stream.indirect.scatter.add.f32 [tilespmem:s18], [sflag:$0x5], $0x80, s30, s16, $0xb8;
	[tilespmem:$0x1FC00] =	vst v63  }
0x35: {  	_ =	swait.ge [sflag:s15], $0x2000  }
0x36: {  	[sflag:s15] =	ssyncset.done $0x0  }
0x37: {  	s30 =	simm.s32 $0x140;
	[sflag:s15] =	ssyncadd.s32 $0xFFFFE000  }
0x38: {  	[tilespmem:s18], [sflag:$0x2] =	stream.indirect.gather [hbm4b:s1+s16], $0x80, s30, s16, $0xb8;
	[tilespmem:$0x1FC00] =	vst v63  }
0x39: {  	_ =	swait.ge [sflag:s26], $0x2000  }
0x3a: {  	[sflag:s26] =	ssyncset.done $0x0  }
0x3b: {  	s30 =	simm.s32 $0x2900;
	[sflag:s26] =	ssyncadd.s32 $0xFFFFE000  }
0x3c: {  	[spmem:s3] =	stream.indirect.scatter.add.f32 [tilespmem:s19], [sflag:$0x5], $0x80, s30, s16, $0xb8;
	[tilespmem:$0x1FC00] =	vst v63  }
0x3d: {  	_ =	swait.ge [sflag:s15], $0x2000  }
0x3e: {  	[sflag:s15] =	ssyncset.done $0x0  }
0x3f: {  	s30 =	simm.s32 $0x180;
	[sflag:s15] =	ssyncadd.s32 $0xFFFFE000  }
0x40: {  	[tilespmem:s19], [sflag:$0x3] =	stream.indirect.gather [hbm4b:s1+s16], $0x80, s30, s16, $0xb8;
	[tilespmem:$0x1FC00] =	vst v63  }
0x41: {  	_ =	swait.ge [sflag:s28], $0x2000  }
0x42: {  	[sflag:s28] =	ssyncset.done $0x0  }
0x43: {  	s30 =	simm.s32 $0x2980;
	[sflag:s28] =	ssyncadd.s32 $0xFFFFE000  }
0x44: {  	[spmem:s3] =	stream.indirect.scatter.add.f32 [tilespmem:s23], [sflag:$0x5], $0x80, s30, s16, $0xb8;
	[tilespmem:$0x1FC00] =	vst v63  }
0x45: {  	_ =	swait.ge [sflag:s15], $0x2000  }
0x46: {  	s30 =	simm.s32 $0x800;
	[sflag:s15] =	ssyncset.done $0x0  }
.LBB2_2:
0x47: {  	p0 =	sne.s32 s30, $0x4800;
	[sflag:s15] =	ssyncadd.s32 $0xFFFFE000;
	s29 =	sadd.s32 $0x100, s29  }
0x48: {  	[tilespmem:s23], [sflag:$0x4] =	stream.indirect.gather [hbm4b:s1+s16], $0x80, s29, s16, $0xb8;
	[tilespmem:$0x1FC00] =	vst v63  }
0x49: {  	s31 =	smov.u32 s30;
	s30 =	sadd.s32 $0x800, s30;
	_ =	swait.ge [sflag:s24], $0x2000  }
0x4a: {  	s31 =	sshra.s32 s31, $0x2;
	[sflag:s24] =	ssyncset.done $0x0  }
0x4b: {  	s2 =	sadd.s32 $0x2800, s31;
	[sflag:s24] =	ssyncadd.s32 $0xFFFFE000  }
0x4c: {  	[spmem:s3] =	stream.indirect.scatter.add.f32 [tilespmem:s17], [sflag:$0x5], $0x80, s2, s16, $0xb8;
	[tilespmem:$0x1FC00] =	vst v63  }
0x4d: {  	_ =	swait.ge [sflag:s15], $0x2000  }
0x4e: {  	[sflag:s15] =	ssyncset.done $0x0  }
0x4f: {  	s2 =	sadd.s32 $0x40, s29;
	[sflag:s15] =	ssyncadd.s32 $0xFFFFE000  }
0x50: {  	[tilespmem:s17], [sflag:$0x1] =	stream.indirect.gather [hbm4b:s1+s16], $0x80, s2, s16, $0xb8;
	[tilespmem:$0x1FC00] =	vst v63  }
0x51: {  	_ =	swait.ge [sflag:s25], $0x2000  }
0x52: {  	[sflag:s25] =	ssyncset.done $0x0  }
0x53: {  	s2 =	sadd.s32 $0x2880, s31;
	[sflag:s25] =	ssyncadd.s32 $0xFFFFE000  }
0x54: {  	[spmem:s3] =	stream.indirect.scatter.add.f32 [tilespmem:s18], [sflag:$0x5], $0x80, s2, s16, $0xb8;
	[tilespmem:$0x1FC00] =	vst v63  }
0x55: {  	_ =	swait.ge [sflag:s15], $0x2000  }
0x56: {  	[sflag:s15] =	ssyncset.done $0x0  }
0x57: {  	s2 =	sadd.s32 $0x80, s29;
	[sflag:s15] =	ssyncadd.s32 $0xFFFFE000  }
0x58: {  	[tilespmem:s18], [sflag:$0x2] =	stream.indirect.gather [hbm4b:s1+s16], $0x80, s2, s16, $0xb8;
	[tilespmem:$0x1FC00] =	vst v63  }
0x59: {  	_ =	swait.ge [sflag:s26], $0x2000  }
0x5a: {  	[sflag:s26] =	ssyncset.done $0x0  }
0x5b: {  	s2 =	sadd.s32 $0x2900, s31;
	[sflag:s26] =	ssyncadd.s32 $0xFFFFE000  }
0x5c: {  	[spmem:s3] =	stream.indirect.scatter.add.f32 [tilespmem:s19], [sflag:$0x5], $0x80, s2, s16, $0xb8;
	[tilespmem:$0x1FC00] =	vst v63  }
0x5d: {  	_ =	swait.ge [sflag:s15], $0x2000  }
0x5e: {  	[sflag:s15] =	ssyncset.done $0x0  }
0x5f: {  	s2 =	sadd.s32 $0xC0, s29;
	[sflag:s15] =	ssyncadd.s32 $0xFFFFE000  }
0x60: {  	[tilespmem:s19], [sflag:$0x3] =	stream.indirect.gather [hbm4b:s1+s16], $0x80, s2, s16, $0xb8;
	[tilespmem:$0x1FC00] =	vst v63  }
0x61: {  	_ =	swait.ge [sflag:s28], $0x2000  }
.Ltmp0:
0x62: {  	[sflag:s28] =	ssyncset.done $0x0;
	(pc) =	sbr.rel @p0 .LBB2_2-.Ltmp0, $4  }
0x63: {  	s2 =	sadd.s32 $0x2980, s31;
	[sflag:s28] =	ssyncadd.s32 $0xFFFFE000  }
0x64: {  	[spmem:s3] =	stream.indirect.scatter.add.f32 [tilespmem:s23], [sflag:$0x5], $0x80, s2, s16, $0xb8;
	[tilespmem:$0x1FC00] =	vst v63  }
0x65: {  	_ =	swait.ge [sflag:s15], $0x2000  }
0x66: {  	[sflag:s15] =	ssyncset.done $0x0  }
0x67: {  	[sflag:s15] =	ssyncadd.s32 $0xFFFFE000;
	s2 =	simm.s32 $0x0  }
0x68: {  	[tilespmem:s22], [sflag:$0x5] =	stream.linear.gather [hbm4b:s8+s2], $0x1400, $0x38;
	[tilespmem:$0x1FC00] =	vst v63  }
0x69: {  	_ =	swait.ge [sflag:s15], $0x1400  }
0x6a: {  	[sflag:s15] =	ssyncset.done $0x0  }
0x6b: {  	s0 =	simm.s32 $0xAC0;
	[sflag:s15] =	ssyncadd.s32 $0xFFFFEC00  }
0x6c: {  	[tilespmem:s23], [sflag:$0x4] =	stream.indirect.gather [hbm4b:s1+s16], $0x80, s0, s16, $0xb8;
	[tilespmem:$0x1FC00] =	vst v63  }
0x6d: {  	_ =	swait.ge [sflag:s24], $0x2000  }
0x6e: {  	[sflag:s24] =	ssyncset.done $0x0  }
0x6f: {  	s0 =	simm.s32 $0x2800;
	[sflag:s24] =	ssyncadd.s32 $0xFFFFE000  }
0x70: {  	[spmem:s3] =	stream.indirect.scatter.add.f32 [tilespmem:s17], [sflag:$0x5], $0x80, s0, s16, $0xb8;
	[tilespmem:$0x1FC00] =	vst v63  }
0x71: {  	_ =	swait.ge [sflag:s15], $0x2000  }
0x72: {  	[sflag:s15] =	ssyncset.done $0x0  }
0x73: {  	s0 =	simm.s32 $0xB00;
	[sflag:s15] =	ssyncadd.s32 $0xFFFFE000  }
0x74: {  	[tilespmem:s17], [sflag:$0x1] =	stream.indirect.gather [hbm4b:s1+s16], $0x80, s0, s16, $0xb8;
	[tilespmem:$0x1FC00] =	vst v63  }
0x75: {  	_ =	swait.ge [sflag:s25], $0x2000  }
0x76: {  	[sflag:s25] =	ssyncset.done $0x0  }
0x77: {  	s0 =	simm.s32 $0x2880;
	[sflag:s25] =	ssyncadd.s32 $0xFFFFE000  }
0x78: {  	[spmem:s3] =	stream.indirect.scatter.add.f32 [tilespmem:s18], [sflag:$0x5], $0x80, s0, s16, $0xb8;
	[tilespmem:$0x1FC00] =	vst v63  }
0x79: {  	_ =	swait.ge [sflag:s15], $0x2000  }
0x7a: {  	[sflag:s15] =	ssyncset.done $0x0  }
0x7b: {  	s0 =	simm.s32 $0xB40;
	[sflag:s15] =	ssyncadd.s32 $0xFFFFE000  }
0x7c: {  	[tilespmem:s18], [sflag:$0x2] =	stream.indirect.gather [hbm4b:s1+s16], $0x80, s0, s16, $0xb8;
	[tilespmem:$0x1FC00] =	vst v63  }
0x7d: {  	_ =	swait.ge [sflag:s26], $0x2000  }
0x7e: {  	[sflag:s26] =	ssyncset.done $0x0  }
0x7f: {  	s0 =	simm.s32 $0x2900;
	[sflag:s26] =	ssyncadd.s32 $0xFFFFE000  }
0x80: {  	[spmem:s3] =	stream.indirect.scatter.add.f32 [tilespmem:s19], [sflag:$0x5], $0x80, s0, s16, $0xb8;
	[tilespmem:$0x1FC00] =	vst v63  }
0x81: {  	_ =	swait.ge [sflag:s15], $0x2000  }
0x82: {  	[sflag:s15] =	ssyncset.done $0x0  }
0x83: {  	s0 =	simm.s32 $0xB80;
	[sflag:s15] =	ssyncadd.s32 $0xFFFFE000  }
0x84: {  	[tilespmem:s19], [sflag:$0x3] =	stream.indirect.gather [hbm4b:s1+s16], $0x80, s0, s16, $0xb8;
	[tilespmem:$0x1FC00] =	vst v63  }
0x85: {  	_ =	swait.ge [sflag:s28], $0x2000  }
0x86: {  	[sflag:s28] =	ssyncset.done $0x0  }
0x87: {  	s0 =	simm.s32 $0x2980;
	[sflag:s28] =	ssyncadd.s32 $0xFFFFE000  }
0x88: {  	[spmem:s3] =	stream.indirect.scatter.add.f32 [tilespmem:s23], [sflag:$0x5], $0x80, s0, s16, $0xb8;
	[tilespmem:$0x1FC00] =	vst v63  }
0x89: {  	s30 =	simm.s32 $0x800;
	_ =	swait.ge [sflag:s15], $0x2000  }
0x8a: {  	s31 =	simm.s32 $0x1000;
	s29 =	simm.s32 $0xC80;
	[sflag:s15] =	ssyncset.done $0x0  }
.LBB2_4:
0x8b: {  	p0 =	sne.s32 s31, $0x4800;
	s2 =	sadd.s32 $0xFFFFFF40, s29;
	[sflag:s15] =	ssyncadd.s32 $0xFFFFE000  }
0x8c: {  	[tilespmem:s23], [sflag:$0x4] =	stream.indirect.gather [hbm4b:s1+s16], $0x80, s2, s16, $0xb8;
	[tilespmem:$0x1FC00] =	vst v63  }
0x8d: {  	s2 =	smov.u32 s31;
	s31 =	sadd.s32 $0x800, s31;
	_ =	swait.ge [sflag:s24], $0x2000  }
0x8e: {  	s0 =	sshra.s32 s30, $0x2;
	s30 =	smov.u32 s2;
	[sflag:s24] =	ssyncset.done $0x0  }
0x8f: {  	s2 =	sadd.s32 $0x2800, s0;
	[sflag:s24] =	ssyncadd.s32 $0xFFFFE000  }
0x90: {  	[spmem:s3] =	stream.indirect.scatter.add.f32 [tilespmem:s17], [sflag:$0x5], $0x80, s2, s16, $0xb8;
	[tilespmem:$0x1FC00] =	vst v63  }
0x91: {  	_ =	swait.ge [sflag:s15], $0x2000  }
0x92: {  	[sflag:s15] =	ssyncset.done $0x0  }
0x93: {  	s2 =	sadd.s32 $0xFFFFFF80, s29;
	[sflag:s15] =	ssyncadd.s32 $0xFFFFE000  }
0x94: {  	[tilespmem:s17], [sflag:$0x1] =	stream.indirect.gather [hbm4b:s1+s16], $0x80, s2, s16, $0xb8;
	[tilespmem:$0x1FC00] =	vst v63  }
0x95: {  	_ =	swait.ge [sflag:s25], $0x2000  }
0x96: {  	[sflag:s25] =	ssyncset.done $0x0  }
0x97: {  	s2 =	sadd.s32 $0x2880, s0;
	[sflag:s25] =	ssyncadd.s32 $0xFFFFE000  }
0x98: {  	[spmem:s3] =	stream.indirect.scatter.add.f32 [tilespmem:s18], [sflag:$0x5], $0x80, s2, s16, $0xb8;
	[tilespmem:$0x1FC00] =	vst v63  }
0x99: {  	_ =	swait.ge [sflag:s15], $0x2000  }
0x9a: {  	[sflag:s15] =	ssyncset.done $0x0  }
0x9b: {  	s2 =	sadd.s32 $0xFFFFFFC0, s29;
	[sflag:s15] =	ssyncadd.s32 $0xFFFFE000  }
0x9c: {  	[tilespmem:s18], [sflag:$0x2] =	stream.indirect.gather [hbm4b:s1+s16], $0x80, s2, s16, $0xb8;
	[tilespmem:$0x1FC00] =	vst v63  }
0x9d: {  	_ =	swait.ge [sflag:s26], $0x2000  }
0x9e: {  	[sflag:s26] =	ssyncset.done $0x0  }
0x9f: {  	s2 =	sadd.s32 $0x2900, s0;
	[sflag:s26] =	ssyncadd.s32 $0xFFFFE000  }
0xa0: {  	[spmem:s3] =	stream.indirect.scatter.add.f32 [tilespmem:s19], [sflag:$0x5], $0x80, s2, s16, $0xb8;
	[tilespmem:$0x1FC00] =	vst v63  }
0xa1: {  	_ =	swait.ge [sflag:s15], $0x2000  }
0xa2: {  	[sflag:s15] =	ssyncset.done $0x0  }
0xa3: {  	[sflag:s15] =	ssyncadd.s32 $0xFFFFE000  }
0xa4: {  	[tilespmem:s19], [sflag:$0x3] =	stream.indirect.gather [hbm4b:s1+s16], $0x80, s29, s16, $0xb8;
	[tilespmem:$0x1FC00] =	vst v63  }
0xa5: {  	_ =	swait.ge [sflag:s28], $0x2000  }
.Ltmp1:
0xa6: {  	[sflag:s28] =	ssyncset.done $0x0;
	(pc) =	sbr.rel @p0 .LBB2_4-.Ltmp1, $4  }
0xa7: {  	s0 =	sadd.s32 $0x2980, s0;
	[sflag:s28] =	ssyncadd.s32 $0xFFFFE000  }
0xa8: {  	[spmem:s3] =	stream.indirect.scatter.add.f32 [tilespmem:s23], [sflag:$0x5], $0x80, s0, s16, $0xb8;
	[tilespmem:$0x1FC00] =	vst v63  }
0xa9: {  	_ =	swait.ge [sflag:s15], $0x2000  }
0xaa: {  	s29 =	sadd.s32 $0x100, s29;
	[sflag:s15] =	ssyncset.done $0x0  }
0xab: {  	s0 =	sadd.s32 $0xFFFFFF40, s29;
	[sflag:s15] =	ssyncadd.s32 $0xFFFFE000  }
0xac: {  	[tilespmem:s23], [sflag:$0x4] =	stream.indirect.gather [hbm4b:s1+s16], $0x80, s0, s16, $0xb8;
	[tilespmem:$0x1FC00] =	vst v63  }
0xad: {  	_ =	swait.ge [sflag:s24], $0x2000  }
0xae: {  	s0 =	sshra.s32 s30, $0x2;
	[sflag:s24] =	ssyncset.done $0x0  }
0xaf: {  	s2 =	sadd.s32 $0x2800, s0;
	[sflag:s24] =	ssyncadd.s32 $0xFFFFE000  }
0xb0: {  	[spmem:s3] =	stream.indirect.scatter.add.f32 [tilespmem:s17], [sflag:$0x5], $0x80, s2, s16, $0xb8;
	[tilespmem:$0x1FC00] =	vst v63  }
0xb1: {  	_ =	swait.ge [sflag:s15], $0x2000  }
0xb2: {  	[sflag:s15] =	ssyncset.done $0x0  }
0xb3: {  	s2 =	sadd.s32 $0xFFFFFF80, s29;
	[sflag:s15] =	ssyncadd.s32 $0xFFFFE000  }
0xb4: {  	[tilespmem:s17], [sflag:$0x1] =	stream.indirect.gather [hbm4b:s1+s16], $0x80, s2, s16, $0xb8;
	[tilespmem:$0x1FC00] =	vst v63  }
0xb5: {  	_ =	swait.ge [sflag:s25], $0x2000  }
0xb6: {  	[sflag:s25] =	ssyncset.done $0x0  }
0xb7: {  	s2 =	sadd.s32 $0x2880, s0;
	[sflag:s25] =	ssyncadd.s32 $0xFFFFE000  }
0xb8: {  	[spmem:s3] =	stream.indirect.scatter.add.f32 [tilespmem:s18], [sflag:$0x5], $0x80, s2, s16, $0xb8;
	[tilespmem:$0x1FC00] =	vst v63  }
0xb9: {  	_ =	swait.ge [sflag:s15], $0x2000  }
0xba: {  	[sflag:s15] =	ssyncset.done $0x0  }
0xbb: {  	s2 =	sadd.s32 $0xFFFFFFC0, s29;
	[sflag:s15] =	ssyncadd.s32 $0xFFFFE000  }
0xbc: {  	[tilespmem:s18], [sflag:$0x2] =	stream.indirect.gather [hbm4b:s1+s16], $0x80, s2, s16, $0xb8;
	[tilespmem:$0x1FC00] =	vst v63  }
0xbd: {  	_ =	swait.ge [sflag:s26], $0x2000  }
0xbe: {  	[sflag:s26] =	ssyncset.done $0x0  }
0xbf: {  	s2 =	sadd.s32 $0x2900, s0;
	[sflag:s26] =	ssyncadd.s32 $0xFFFFE000  }
0xc0: {  	[spmem:s3] =	stream.indirect.scatter.add.f32 [tilespmem:s19], [sflag:$0x5], $0x80, s2, s16, $0xb8;
	[tilespmem:$0x1FC00] =	vst v63  }
0xc1: {  	_ =	swait.ge [sflag:s15], $0x2000  }
0xc2: {  	[sflag:s15] =	ssyncset.done $0x0  }
0xc3: {  	[sflag:s15] =	ssyncadd.s32 $0xFFFFE000  }
0xc4: {  	[tilespmem:s19], [sflag:$0x3] =	stream.indirect.gather [hbm4b:s1+s16], $0x80, s29, s16, $0xb8;
	[tilespmem:$0x1FC00] =	vst v63  }
0xc5: {  	_ =	swait.ge [sflag:s28], $0x2000  }
0xc6: {  	[sflag:s28] =	ssyncset.done $0x0  }
0xc7: {  	s0 =	sadd.s32 $0x2980, s0;
	[sflag:s28] =	ssyncadd.s32 $0xFFFFE000  }
0xc8: {  	[spmem:s3] =	stream.indirect.scatter.add.f32 [tilespmem:s23], [sflag:$0x5], $0x80, s0, s16, $0xb8;
	[tilespmem:$0x1FC00] =	vst v63  }
0xc9: {  	_ =	swait.ge [sflag:s15], $0x2000  }
0xca: {  	[sflag:s15] =	ssyncset.done $0x0  }
0xcb: {  	s2 =	simm.s32 $0x0;
	[sflag:s15] =	ssyncadd.s32 $0xFFFFE000  }
0xcc: {  	[tilespmem:s22], [sflag:$0x5] =	stream.linear.gather [hbm4b:s9+s2], $0x1400, $0x38;
	[tilespmem:$0x1FC00] =	vst v63  }
0xcd: {  	_ =	swait.ge [sflag:s15], $0x1400  }
0xce: {  	[sflag:s15] =	ssyncset.done $0x0  }
0xcf: {  	s2 =	simm.s32 $0x14C0;
	[sflag:s15] =	ssyncadd.s32 $0xFFFFEC00  }
0xd0: {  	[tilespmem:s23], [sflag:$0x4] =	stream.indirect.gather [hbm4b:s1+s16], $0x80, s2, s16, $0xb8;
	[tilespmem:$0x1FC00] =	vst v63  }
0xd1: {  	_ =	swait.ge [sflag:s24], $0x2000  }
0xd2: {  	[sflag:s24] =	ssyncset.done $0x0  }
0xd3: {  	s2 =	simm.s32 $0x2800;
	[sflag:s24] =	ssyncadd.s32 $0xFFFFE000  }
0xd4: {  	[spmem:s3] =	stream.indirect.scatter.add.f32 [tilespmem:s17], [sflag:$0x5], $0x80, s2, s16, $0xb8;
	[tilespmem:$0x1FC00] =	vst v63  }
0xd5: {  	_ =	swait.ge [sflag:s15], $0x2000  }
0xd6: {  	[sflag:s15] =	ssyncset.done $0x0  }
0xd7: {  	s2 =	simm.s32 $0x1500;
	[sflag:s15] =	ssyncadd.s32 $0xFFFFE000  }
0xd8: {  	[tilespmem:s17], [sflag:$0x1] =	stream.indirect.gather [hbm4b:s1+s16], $0x80, s2, s16, $0xb8;
	[tilespmem:$0x1FC00] =	vst v63  }
0xd9: {  	_ =	swait.ge [sflag:s25], $0x2000  }
0xda: {  	[sflag:s25] =	ssyncset.done $0x0  }
0xdb: {  	s2 =	simm.s32 $0x2880;
	[sflag:s25] =	ssyncadd.s32 $0xFFFFE000  }
0xdc: {  	[spmem:s3] =	stream.indirect.scatter.add.f32 [tilespmem:s18], [sflag:$0x5], $0x80, s2, s16, $0xb8;
	[tilespmem:$0x1FC00] =	vst v63  }
0xdd: {  	_ =	swait.ge [sflag:s15], $0x2000  }
0xde: {  	[sflag:s15] =	ssyncset.done $0x0  }
0xdf: {  	s2 =	simm.s32 $0x1540;
	[sflag:s15] =	ssyncadd.s32 $0xFFFFE000  }
0xe0: {  	[tilespmem:s18], [sflag:$0x2] =	stream.indirect.gather [hbm4b:s1+s16], $0x80, s2, s16, $0xb8;
	[tilespmem:$0x1FC00] =	vst v63  }
0xe1: {  	_ =	swait.ge [sflag:s26], $0x2000  }
0xe2: {  	[sflag:s26] =	ssyncset.done $0x0  }
0xe3: {  	s2 =	simm.s32 $0x2900;
	[sflag:s26] =	ssyncadd.s32 $0xFFFFE000  }
0xe4: {  	[spmem:s3] =	stream.indirect.scatter.add.f32 [tilespmem:s19], [sflag:$0x5], $0x80, s2, s16, $0xb8;
	[tilespmem:$0x1FC00] =	vst v63  }
0xe5: {  	_ =	swait.ge [sflag:s15], $0x2000  }
0xe6: {  	[sflag:s15] =	ssyncset.done $0x0  }
0xe7: {  	s2 =	simm.s32 $0x1580;
	[sflag:s15] =	ssyncadd.s32 $0xFFFFE000  }
0xe8: {  	[tilespmem:s19], [sflag:$0x3] =	stream.indirect.gather [hbm4b:s1+s16], $0x80, s2, s16, $0xb8;
	[tilespmem:$0x1FC00] =	vst v63  }
0xe9: {  	_ =	swait.ge [sflag:s28], $0x2000  }
0xea: {  	[sflag:s28] =	ssyncset.done $0x0  }
0xeb: {  	s2 =	simm.s32 $0x2980;
	[sflag:s28] =	ssyncadd.s32 $0xFFFFE000  }
0xec: {  	[spmem:s3] =	stream.indirect.scatter.add.f32 [tilespmem:s23], [sflag:$0x5], $0x80, s2, s16, $0xb8;
	[tilespmem:$0x1FC00] =	vst v63  }
0xed: {  	s31 =	simm.s32 $0x1000;
	_ =	swait.ge [sflag:s15], $0x2000  }
0xee: {  	s30 =	simm.s32 $0x800;
	s29 =	simm.s32 $0x1680;
	[sflag:s15] =	ssyncset.done $0x0  }
.LBB2_6:
0xef: {  	p0 =	sne.s32 s31, $0x4800;
	s0 =	sadd.s32 $0xFFFFFF40, s29;
	[sflag:s15] =	ssyncadd.s32 $0xFFFFE000  }
0xf0: {  	[tilespmem:s23], [sflag:$0x4] =	stream.indirect.gather [hbm4b:s1+s16], $0x80, s0, s16, $0xb8;
	[tilespmem:$0x1FC00] =	vst v63  }
0xf1: {  	s0 =	smov.u32 s31;
	s31 =	sadd.s32 $0x800, s31;
	_ =	swait.ge [sflag:s24], $0x2000  }
0xf2: {  	s2 =	sshra.s32 s30, $0x2;
	s30 =	smov.u32 s0;
	[sflag:s24] =	ssyncset.done $0x0  }
0xf3: {  	s0 =	sadd.s32 $0x2800, s2;
	[sflag:s24] =	ssyncadd.s32 $0xFFFFE000  }
0xf4: {  	[spmem:s3] =	stream.indirect.scatter.add.f32 [tilespmem:s17], [sflag:$0x5], $0x80, s0, s16, $0xb8;
	[tilespmem:$0x1FC00] =	vst v63  }
0xf5: {  	_ =	swait.ge [sflag:s15], $0x2000  }
0xf6: {  	[sflag:s15] =	ssyncset.done $0x0  }
0xf7: {  	s0 =	sadd.s32 $0xFFFFFF80, s29;
	[sflag:s15] =	ssyncadd.s32 $0xFFFFE000  }
0xf8: {  	[tilespmem:s17], [sflag:$0x1] =	stream.indirect.gather [hbm4b:s1+s16], $0x80, s0, s16, $0xb8;
	[tilespmem:$0x1FC00] =	vst v63  }
0xf9: {  	_ =	swait.ge [sflag:s25], $0x2000  }
0xfa: {  	[sflag:s25] =	ssyncset.done $0x0  }
0xfb: {  	s0 =	sadd.s32 $0x2880, s2;
	[sflag:s25] =	ssyncadd.s32 $0xFFFFE000  }
0xfc: {  	[spmem:s3] =	stream.indirect.scatter.add.f32 [tilespmem:s18], [sflag:$0x5], $0x80, s0, s16, $0xb8;
	[tilespmem:$0x1FC00] =	vst v63  }
0xfd: {  	_ =	swait.ge [sflag:s15], $0x2000  }
0xfe: {  	[sflag:s15] =	ssyncset.done $0x0  }
0xff: {  	s0 =	sadd.s32 $0xFFFFFFC0, s29;
	[sflag:s15] =	ssyncadd.s32 $0xFFFFE000  }
0x100: {  	[tilespmem:s18], [sflag:$0x2] =	stream.indirect.gather [hbm4b:s1+s16], $0x80, s0, s16, $0xb8;
	[tilespmem:$0x1FC00] =	vst v63  }
0x101: {  	_ =	swait.ge [sflag:s26], $0x2000  }
0x102: {  	[sflag:s26] =	ssyncset.done $0x0  }
0x103: {  	s0 =	sadd.s32 $0x2900, s2;
	[sflag:s26] =	ssyncadd.s32 $0xFFFFE000  }
0x104: {  	[spmem:s3] =	stream.indirect.scatter.add.f32 [tilespmem:s19], [sflag:$0x5], $0x80, s0, s16, $0xb8;
	[tilespmem:$0x1FC00] =	vst v63  }
0x105: {  	_ =	swait.ge [sflag:s15], $0x2000  }
0x106: {  	[sflag:s15] =	ssyncset.done $0x0  }
0x107: {  	[sflag:s15] =	ssyncadd.s32 $0xFFFFE000  }
0x108: {  	[tilespmem:s19], [sflag:$0x3] =	stream.indirect.gather [hbm4b:s1+s16], $0x80, s29, s16, $0xb8;
	[tilespmem:$0x1FC00] =	vst v63  }
0x109: {  	_ =	swait.ge [sflag:s28], $0x2000  }
.Ltmp2:
0x10a: {  	[sflag:s28] =	ssyncset.done $0x0;
	(pc) =	sbr.rel @p0 .LBB2_6-.Ltmp2, $4  }
0x10b: {  	s0 =	sadd.s32 $0x2980, s2;
	[sflag:s28] =	ssyncadd.s32 $0xFFFFE000  }
0x10c: {  	[spmem:s3] =	stream.indirect.scatter.add.f32 [tilespmem:s23], [sflag:$0x5], $0x80, s0, s16, $0xb8;
	[tilespmem:$0x1FC00] =	vst v63  }
0x10d: {  	_ =	swait.ge [sflag:s15], $0x2000  }
0x10e: {  	s29 =	sadd.s32 $0x100, s29;
	[sflag:s15] =	ssyncset.done $0x0  }
0x10f: {  	s0 =	sadd.s32 $0xFFFFFF40, s29;
	[sflag:s15] =	ssyncadd.s32 $0xFFFFE000  }
0x110: {  	[tilespmem:s23], [sflag:$0x4] =	stream.indirect.gather [hbm4b:s1+s16], $0x80, s0, s16, $0xb8;
	[tilespmem:$0x1FC00] =	vst v63  }
0x111: {  	_ =	swait.ge [sflag:s24], $0x2000  }
0x112: {  	s0 =	sshra.s32 s30, $0x2;
	[sflag:s24] =	ssyncset.done $0x0  }
0x113: {  	s2 =	sadd.s32 $0x2800, s0;
	[sflag:s24] =	ssyncadd.s32 $0xFFFFE000  }
0x114: {  	[spmem:s3] =	stream.indirect.scatter.add.f32 [tilespmem:s17], [sflag:$0x5], $0x80, s2, s16, $0xb8;
	[tilespmem:$0x1FC00] =	vst v63  }
0x115: {  	_ =	swait.ge [sflag:s15], $0x2000  }
0x116: {  	[sflag:s15] =	ssyncset.done $0x0  }
0x117: {  	s2 =	sadd.s32 $0xFFFFFF80, s29;
	[sflag:s15] =	ssyncadd.s32 $0xFFFFE000  }
0x118: {  	[tilespmem:s17], [sflag:$0x1] =	stream.indirect.gather [hbm4b:s1+s16], $0x80, s2, s16, $0xb8;
	[tilespmem:$0x1FC00] =	vst v63  }
0x119: {  	_ =	swait.ge [sflag:s25], $0x2000  }
0x11a: {  	[sflag:s25] =	ssyncset.done $0x0  }
0x11b: {  	s2 =	sadd.s32 $0x2880, s0;
	[sflag:s25] =	ssyncadd.s32 $0xFFFFE000  }
0x11c: {  	[spmem:s3] =	stream.indirect.scatter.add.f32 [tilespmem:s18], [sflag:$0x5], $0x80, s2, s16, $0xb8;
	[tilespmem:$0x1FC00] =	vst v63  }
0x11d: {  	_ =	swait.ge [sflag:s15], $0x2000  }
0x11e: {  	[sflag:s15] =	ssyncset.done $0x0  }
0x11f: {  	s2 =	sadd.s32 $0xFFFFFFC0, s29;
	[sflag:s15] =	ssyncadd.s32 $0xFFFFE000  }
0x120: {  	[tilespmem:s18], [sflag:$0x2] =	stream.indirect.gather [hbm4b:s1+s16], $0x80, s2, s16, $0xb8;
	[tilespmem:$0x1FC00] =	vst v63  }
0x121: {  	_ =	swait.ge [sflag:s26], $0x2000  }
0x122: {  	[sflag:s26] =	ssyncset.done $0x0  }
0x123: {  	s2 =	sadd.s32 $0x2900, s0;
	[sflag:s26] =	ssyncadd.s32 $0xFFFFE000  }
0x124: {  	[spmem:s3] =	stream.indirect.scatter.add.f32 [tilespmem:s19], [sflag:$0x5], $0x80, s2, s16, $0xb8;
	[tilespmem:$0x1FC00] =	vst v63  }
0x125: {  	_ =	swait.ge [sflag:s15], $0x2000  }
0x126: {  	[sflag:s15] =	ssyncset.done $0x0  }
0x127: {  	[sflag:s15] =	ssyncadd.s32 $0xFFFFE000  }
0x128: {  	[tilespmem:s19], [sflag:$0x3] =	stream.indirect.gather [hbm4b:s1+s16], $0x80, s29, s16, $0xb8;
	[tilespmem:$0x1FC00] =	vst v63  }
0x129: {  	_ =	swait.ge [sflag:s28], $0x2000  }
0x12a: {  	[sflag:s28] =	ssyncset.done $0x0  }
0x12b: {  	s0 =	sadd.s32 $0x2980, s0;
	[sflag:s28] =	ssyncadd.s32 $0xFFFFE000  }
0x12c: {  	[spmem:s3] =	stream.indirect.scatter.add.f32 [tilespmem:s23], [sflag:$0x5], $0x80, s0, s16, $0xb8;
	[tilespmem:$0x1FC00] =	vst v63  }
0x12d: {  	_ =	swait.ge [sflag:s15], $0x2000  }
0x12e: {  	[sflag:s15] =	ssyncset.done $0x0  }
0x12f: {  	s2 =	simm.s32 $0x0;
	[sflag:s15] =	ssyncadd.s32 $0xFFFFE000  }
0x130: {  	[tilespmem:s22], [sflag:$0x5] =	stream.linear.gather [hbm4b:s10+s2], $0x1400, $0x38;
	[tilespmem:$0x1FC00] =	vst v63  }
0x131: {  	_ =	swait.ge [sflag:s15], $0x1400  }
0x132: {  	[sflag:s15] =	ssyncset.done $0x0  }
0x133: {  	s2 =	simm.s32 $0x1EC0;
	[sflag:s15] =	ssyncadd.s32 $0xFFFFEC00  }
0x134: {  	[tilespmem:s23], [sflag:$0x4] =	stream.indirect.gather [hbm4b:s1+s16], $0x80, s2, s16, $0xb8;
	[tilespmem:$0x1FC00] =	vst v63  }
0x135: {  	_ =	swait.ge [sflag:s24], $0x2000  }
0x136: {  	[sflag:s24] =	ssyncset.done $0x0  }
0x137: {  	s2 =	simm.s32 $0x2800;
	[sflag:s24] =	ssyncadd.s32 $0xFFFFE000  }
0x138: {  	[spmem:s3] =	stream.indirect.scatter.add.f32 [tilespmem:s17], [sflag:$0x5], $0x80, s2, s16, $0xb8;
	[tilespmem:$0x1FC00] =	vst v63  }
0x139: {  	_ =	swait.ge [sflag:s15], $0x2000  }
0x13a: {  	[sflag:s15] =	ssyncset.done $0x0  }
0x13b: {  	s2 =	simm.s32 $0x1F00;
	[sflag:s15] =	ssyncadd.s32 $0xFFFFE000  }
0x13c: {  	[tilespmem:s17], [sflag:$0x1] =	stream.indirect.gather [hbm4b:s1+s16], $0x80, s2, s16, $0xb8;
	[tilespmem:$0x1FC00] =	vst v63  }
0x13d: {  	_ =	swait.ge [sflag:s25], $0x2000  }
0x13e: {  	[sflag:s25] =	ssyncset.done $0x0  }
0x13f: {  	s2 =	simm.s32 $0x2880;
	[sflag:s25] =	ssyncadd.s32 $0xFFFFE000  }
0x140: {  	[spmem:s3] =	stream.indirect.scatter.add.f32 [tilespmem:s18], [sflag:$0x5], $0x80, s2, s16, $0xb8;
	[tilespmem:$0x1FC00] =	vst v63  }
0x141: {  	_ =	swait.ge [sflag:s15], $0x2000  }
0x142: {  	[sflag:s15] =	ssyncset.done $0x0  }
0x143: {  	s2 =	simm.s32 $0x1F40;
	[sflag:s15] =	ssyncadd.s32 $0xFFFFE000  }
0x144: {  	[tilespmem:s18], [sflag:$0x2] =	stream.indirect.gather [hbm4b:s1+s16], $0x80, s2, s16, $0xb8;
	[tilespmem:$0x1FC00] =	vst v63  }
0x145: {  	_ =	swait.ge [sflag:s26], $0x2000  }
0x146: {  	[sflag:s26] =	ssyncset.done $0x0  }
0x147: {  	s2 =	simm.s32 $0x2900;
	[sflag:s26] =	ssyncadd.s32 $0xFFFFE000  }
0x148: {  	[spmem:s3] =	stream.indirect.scatter.add.f32 [tilespmem:s19], [sflag:$0x5], $0x80, s2, s16, $0xb8;
	[tilespmem:$0x1FC00] =	vst v63  }
0x149: {  	_ =	swait.ge [sflag:s15], $0x2000  }
0x14a: {  	[sflag:s15] =	ssyncset.done $0x0  }
0x14b: {  	s2 =	simm.s32 $0x1F80;
	[sflag:s15] =	ssyncadd.s32 $0xFFFFE000  }
0x14c: {  	[tilespmem:s19], [sflag:$0x3] =	stream.indirect.gather [hbm4b:s1+s16], $0x80, s2, s16, $0xb8;
	[tilespmem:$0x1FC00] =	vst v63  }
0x14d: {  	_ =	swait.ge [sflag:s28], $0x2000  }
0x14e: {  	[sflag:s28] =	ssyncset.done $0x0  }
0x14f: {  	s2 =	simm.s32 $0x2980;
	[sflag:s28] =	ssyncadd.s32 $0xFFFFE000  }
0x150: {  	[spmem:s3] =	stream.indirect.scatter.add.f32 [tilespmem:s23], [sflag:$0x5], $0x80, s2, s16, $0xb8;
	[tilespmem:$0x1FC00] =	vst v63  }
0x151: {  	s31 =	simm.s32 $0x1000;
	_ =	swait.ge [sflag:s15], $0x2000  }
0x152: {  	s30 =	simm.s32 $0x800;
	s29 =	simm.s32 $0x2080;
	[sflag:s15] =	ssyncset.done $0x0  }
.LBB2_8:
0x153: {  	p0 =	sne.s32 s31, $0x4000;
	s0 =	sadd.s32 $0xFFFFFF40, s29;
	[sflag:s15] =	ssyncadd.s32 $0xFFFFE000  }
0x154: {  	[tilespmem:s23], [sflag:$0x4] =	stream.indirect.gather [hbm4b:s1+s16], $0x80, s0, s16, $0xb8;
	[tilespmem:$0x1FC00] =	vst v63  }
0x155: {  	s0 =	smov.u32 s31;
	s31 =	sadd.s32 $0x800, s31;
	_ =	swait.ge [sflag:s24], $0x2000  }
0x156: {  	s2 =	sshra.s32 s30, $0x2;
	s30 =	smov.u32 s0;
	[sflag:s24] =	ssyncset.done $0x0  }
0x157: {  	s0 =	sadd.s32 $0x2800, s2;
	[sflag:s24] =	ssyncadd.s32 $0xFFFFE000  }
0x158: {  	[spmem:s3] =	stream.indirect.scatter.add.f32 [tilespmem:s17], [sflag:$0x5], $0x80, s0, s16, $0xb8;
	[tilespmem:$0x1FC00] =	vst v63  }
0x159: {  	_ =	swait.ge [sflag:s15], $0x2000  }
0x15a: {  	[sflag:s15] =	ssyncset.done $0x0  }
0x15b: {  	s0 =	sadd.s32 $0xFFFFFF80, s29;
	[sflag:s15] =	ssyncadd.s32 $0xFFFFE000  }
0x15c: {  	[tilespmem:s17], [sflag:$0x1] =	stream.indirect.gather [hbm4b:s1+s16], $0x80, s0, s16, $0xb8;
	[tilespmem:$0x1FC00] =	vst v63  }
0x15d: {  	_ =	swait.ge [sflag:s25], $0x2000  }
0x15e: {  	[sflag:s25] =	ssyncset.done $0x0  }
0x15f: {  	s0 =	sadd.s32 $0x2880, s2;
	[sflag:s25] =	ssyncadd.s32 $0xFFFFE000  }
0x160: {  	[spmem:s3] =	stream.indirect.scatter.add.f32 [tilespmem:s18], [sflag:$0x5], $0x80, s0, s16, $0xb8;
	[tilespmem:$0x1FC00] =	vst v63  }
0x161: {  	_ =	swait.ge [sflag:s15], $0x2000  }
0x162: {  	[sflag:s15] =	ssyncset.done $0x0  }
0x163: {  	s0 =	sadd.s32 $0xFFFFFFC0, s29;
	[sflag:s15] =	ssyncadd.s32 $0xFFFFE000  }
0x164: {  	[tilespmem:s18], [sflag:$0x2] =	stream.indirect.gather [hbm4b:s1+s16], $0x80, s0, s16, $0xb8;
	[tilespmem:$0x1FC00] =	vst v63  }
0x165: {  	_ =	swait.ge [sflag:s26], $0x2000  }
0x166: {  	[sflag:s26] =	ssyncset.done $0x0  }
0x167: {  	s0 =	sadd.s32 $0x2900, s2;
	[sflag:s26] =	ssyncadd.s32 $0xFFFFE000  }
0x168: {  	[spmem:s3] =	stream.indirect.scatter.add.f32 [tilespmem:s19], [sflag:$0x5], $0x80, s0, s16, $0xb8;
	[tilespmem:$0x1FC00] =	vst v63  }
0x169: {  	_ =	swait.ge [sflag:s15], $0x2000  }
0x16a: {  	[sflag:s15] =	ssyncset.done $0x0  }
0x16b: {  	[sflag:s15] =	ssyncadd.s32 $0xFFFFE000  }
0x16c: {  	[tilespmem:s19], [sflag:$0x3] =	stream.indirect.gather [hbm4b:s1+s16], $0x80, s29, s16, $0xb8;
	[tilespmem:$0x1FC00] =	vst v63  }
0x16d: {  	_ =	swait.ge [sflag:s28], $0x2000  }
.Ltmp3:
0x16e: {  	[sflag:s28] =	ssyncset.done $0x0;
	(pc) =	sbr.rel @p0 .LBB2_8-.Ltmp3, $4  }
0x16f: {  	s0 =	sadd.s32 $0x2980, s2;
	[sflag:s28] =	ssyncadd.s32 $0xFFFFE000  }
0x170: {  	[spmem:s3] =	stream.indirect.scatter.add.f32 [tilespmem:s23], [sflag:$0x5], $0x80, s0, s16, $0xb8;
	[tilespmem:$0x1FC00] =	vst v63  }
0x171: {  	_ =	swait.ge [sflag:s15], $0x2000  }
0x172: {  	s29 =	sadd.s32 $0x100, s29;
	[sflag:s15] =	ssyncset.done $0x0  }
0x173: {  	s0 =	sadd.s32 $0xFFFFFF40, s29;
	[sflag:s15] =	ssyncadd.s32 $0xFFFFE000  }
0x174: {  	[tilespmem:s23], [sflag:$0x4] =	stream.indirect.gather [hbm4b:s1+s16], $0x80, s0, s16, $0xb8;
	[tilespmem:$0x1FC00] =	vst v63  }
0x175: {  	_ =	swait.ge [sflag:s24], $0x2000  }
0x176: {  	s0 =	sshra.s32 s30, $0x2;
	[sflag:s24] =	ssyncset.done $0x0  }
0x177: {  	s2 =	sadd.s32 $0x2800, s0;
	[sflag:s24] =	ssyncadd.s32 $0xFFFFE000  }
0x178: {  	[spmem:s3] =	stream.indirect.scatter.add.f32 [tilespmem:s17], [sflag:$0x5], $0x80, s2, s16, $0xb8;
	[tilespmem:$0x1FC00] =	vst v63  }
0x179: {  	_ =	swait.ge [sflag:s15], $0x2000  }
0x17a: {  	[sflag:s15] =	ssyncset.done $0x0  }
0x17b: {  	s31 =	sadd.s32 $0xFFFFFF80, s29;
	[sflag:s15] =	ssyncadd.s32 $0xFFFFE000  }
0x17c: {  	[tilespmem:s17], [sflag:$0x1] =	stream.indirect.gather [hbm4b:s1+s16], $0x80, s31, s16, $0xb8;
	[tilespmem:$0x1FC00] =	vst v63  }
0x17d: {  	_ =	swait.ge [sflag:s25], $0x2000  }
0x17e: {  	[sflag:s25] =	ssyncset.done $0x0  }
0x17f: {  	s30 =	sadd.s32 $0x2880, s0;
	[sflag:s25] =	ssyncadd.s32 $0xFFFFE000  }
0x180: {  	[spmem:s3] =	stream.indirect.scatter.add.f32 [tilespmem:s18], [sflag:$0x5], $0x80, s30, s16, $0xb8;
	[tilespmem:$0x1FC00] =	vst v63  }
0x181: {  	_ =	swait.ge [sflag:s15], $0x2000  }
0x182: {  	[sflag:s15] =	ssyncset.done $0x0  }
0x183: {  	s31 =	sadd.s32 $0xFFFFFFC0, s29;
	[sflag:s15] =	ssyncadd.s32 $0xFFFFE000  }
0x184: {  	[tilespmem:s18], [sflag:$0x2] =	stream.indirect.gather [hbm4b:s1+s16], $0x80, s31, s16, $0xb8;
	[tilespmem:$0x1FC00] =	vst v63  }
0x185: {  	_ =	swait.ge [sflag:s26], $0x2000  }
0x186: {  	[sflag:s26] =	ssyncset.done $0x0  }
0x187: {  	s30 =	sadd.s32 $0x2900, s0;
	[sflag:s26] =	ssyncadd.s32 $0xFFFFE000  }
0x188: {  	[spmem:s3] =	stream.indirect.scatter.add.f32 [tilespmem:s19], [sflag:$0x5], $0x80, s30, s16, $0xb8;
	[tilespmem:$0x1FC00] =	vst v63  }
0x189: {  	_ =	swait.ge [sflag:s15], $0x2000  }
0x18a: {  	[sflag:s15] =	ssyncset.done $0x0  }
0x18b: {  	[sflag:s15] =	ssyncadd.s32 $0xFFFFE000  }
0x18c: {  	[tilespmem:s19], [sflag:$0x3] =	stream.indirect.gather [hbm4b:s1+s16], $0x80, s29, s16, $0xb8;
	[tilespmem:$0x1FC00] =	vst v63  }
0x18d: {  	_ =	swait.ge [sflag:s28], $0x2000  }
0x18e: {  	[sflag:s28] =	ssyncset.done $0x0  }
0x18f: {  	s0 =	sadd.s32 $0x2980, s0;
	[sflag:s28] =	ssyncadd.s32 $0xFFFFE000  }
0x190: {  	[spmem:s3] =	stream.indirect.scatter.add.f32 [tilespmem:s23], [sflag:$0x5], $0x80, s0, s16, $0xb8;
	[tilespmem:$0x1FC00] =	vst v63  }
0x191: {  	_ =	swait.ge [sflag:s15], $0x2000  }
0x192: {  	[sflag:s15] =	ssyncset.done $0x0  }
0x193: {  	s31 =	simm.s32 $0x27C0;
	[sflag:s15] =	ssyncadd.s32 $0xFFFFE000  }
0x194: {  	[tilespmem:s23], [sflag:$0x4] =	stream.indirect.gather [hbm4b:s1+s16], $0x80, s31, s16, $0xb8;
	[tilespmem:$0x1FC00] =	vst v63  }
0x195: {  	_ =	swait.ge [sflag:s24], $0x2000  }
0x196: {  	[sflag:s24] =	ssyncset.done $0x0  }
0x197: {  	s2 =	simm.s32 $0x3A00;
	[sflag:s24] =	ssyncadd.s32 $0xFFFFE000  }
0x198: {  	[spmem:s3] =	stream.indirect.scatter.add.f32 [tilespmem:s17], [sflag:$0x5], $0x80, s2, s16, $0xb8;
	[tilespmem:$0x1FC00] =	vst v63  }
0x199: {  	_ =	swait.ge [sflag:s15], $0x2000  }
0x19a: {  	[sflag:s15] =	ssyncset.done $0x0  }
0x19b: {  	[sflag:s15] =	ssyncadd.s32 $0xFFFFE000  }
0x19c: {  	_ =	swait.ge [sflag:s25], $0x2000  }
0x19d: {  	[sflag:s25] =	ssyncset.done $0x0  }
0x19e: {  	s29 =	simm.s32 $0x3A80;
	[sflag:s25] =	ssyncadd.s32 $0xFFFFE000  }
0x19f: {  	[spmem:s3] =	stream.indirect.scatter.add.f32 [tilespmem:s18], [sflag:$0x5], $0x80, s29, s16, $0xb8;
	[tilespmem:$0x1FC00] =	vst v63  }
0x1a0: {  	_ =	swait.ge [sflag:s15], $0x2000  }
0x1a1: {  	[sflag:s15] =	ssyncset.done $0x0  }
0x1a2: {  	[sflag:s15] =	ssyncadd.s32 $0xFFFFE000  }
0x1a3: {  	_ =	swait.ge [sflag:s26], $0x2000  }
0x1a4: {  	[sflag:s26] =	ssyncset.done $0x0  }
0x1a5: {  	s30 =	simm.s32 $0x3B00;
	[sflag:s26] =	ssyncadd.s32 $0xFFFFE000  }
0x1a6: {  	[spmem:s3] =	stream.indirect.scatter.add.f32 [tilespmem:s19], [sflag:$0x5], $0x80, s30, s16, $0xb8;
	[tilespmem:$0x1FC00] =	vst v63  }
0x1a7: {  	_ =	swait.ge [sflag:s15], $0x2000  }
0x1a8: {  	[sflag:s15] =	ssyncset.done $0x0  }
0x1a9: {  	[sflag:s15] =	ssyncadd.s32 $0xFFFFE000  }
0x1aa: {  	_ =	swait.ge [sflag:s28], $0x2000  }
0x1ab: {  	[sflag:s28] =	ssyncset.done $0x0  }
0x1ac: {  	s31 =	simm.s32 $0x3B80;
	[sflag:s28] =	ssyncadd.s32 $0xFFFFE000  }
0x1ad: {  	[spmem:s3] =	stream.indirect.scatter.add.f32 [tilespmem:s23], [sflag:$0x5], $0x80, s31, s16, $0xb8;
	[tilespmem:$0x1FC00] =	vst v63  }
0x1ae: {  	_ =	swait.ge [sflag:s15], $0x2000  }
0x1af: {  	s14 =	sadd.s32 $0x1, s14;
	[sflag:s15] =	ssyncset.done $0x0  }
0x1b0: {  	p0 =	sne.s32 s14, s12;
	[sflag:s15] =	ssyncadd.s32 $0xFFFFE000  }
.Ltmp4:
0x1b1: {  	[bflag:$0x0] =	sbarrier.arrive $0xFFFF;
	(pc) =	sbr.rel @p0 .LBB2_1-.Ltmp4, $4  }
0x1b2: {  	[hbm:s11], [sflag:s20] =	dma.local [spmem:s21], $0x2800  }
0x1b3: {  	_ =	swait.ge [sflag:s15], $0x2800  }
0x1b4: {  	[sflag:s15] =	ssyncset.done $0x0  }
0x1b5: {  	[sflag:s15] =	ssyncadd.s32 $0xFFFFD800  }
0x1b6: {  	_ =	sfence.sel $0x180000  }
0x1b7: {  	[bflag:$0x0] =	sbarrier.arrive $0xFFFF  }
0x1b8: {  	_ =	strace $0x90000047  }
0x1b9: {  	s0 =	stileid.u32;
	[bflag:$0x2] =	sbarrier.arrive $0xFFFF  }
0x1ba: {  	p0 =	sne.s32 s0, $0x0;
	s0 =	rddreg [dreg:$0x3]  }
0x1bb: {  	s0 =	sadd.s32 @!p0 $0x100000, s0  }
0x1bc: {  	[sflag:s0] =	ssyncadd.tile.s32 @!p0 $0x1;
	_ =	shalt  }
.Lfunc_end2:
_tile_overlayer_lowered:
.L_overlay_start_2:
0x1bd: {  	(tag) =	ssettag $0x2  }
0x1be: {  	s0 =	rddreg [dreg:$0x0];
	s2 =	stileid.u32  }
0x1bf: {  	s1 =	rddreg [dreg:$0x1];
	p0 =	sne.s32 s2, $0x0  }
0x1c0: {  	s3 =	rddreg [dreg:$0x2];
	[bflag:$0x3] =	sbarrier.arrive $0xFFFF;
	s2 =	simm.s32 @!p0 $0x1C05  }
0x1c1: {  	[timem:s3], [sflag:s2] =	dma.local @!p0 [hbm:s0], s1  }
0x1c2: {  	s0 =	simm.s32 @!p0 $0x5  }
0x1c3: {  	_ =	swait.ge @!p0 [sflag:s0], s1  }
0x1c4: {  	s1 =	ssub.s32 @!p0 $0x0, s1;
	[sflag:s0] =	ssyncset.done @!p0 $0x0  }
0x1c5: {  	[sflag:s0] =	ssyncadd.s32 @!p0 s1  }
0x1c6: {  	[bflag:$0x3] =	sbarrier.arrive $0xFFFF  }
0x1c7: {  	_ =	shalt  }

</sc_bundles>
